<compile_context>
chip_gen: v7x
topology: tpu7x:2x2x1
jax: 0.10.2.dev20260603
libtpu: 0.0.44.dev20260713+nightly
codegen_flags: <defaults>
</compile_context>

<pallas_src>
import jax
import jax.numpy as jnp
import numpy as np
from jax.experimental import pallas as pl
from jax.experimental.pallas import tpu as pltpu

N_RAYS = 65536
NC = 64
NS = 128
NZ = NC + NS
NF = 3 * NZ
BLK = 512
SUB = 256
BIG = 3.0e38


def _sampler_body(o_ref, d_ref, z_ref, zt_ref, wt_ref, cm_ref, bm_ref,
                  g_ref, h_ref, pts_ref, zc_ref, s_ref):
    f32 = jnp.float32
    hi = jax.lax.Precision.HIGHEST
    z = z_ref[...]
    z_t = zt_ref[...]
    w_t = wt_ref[...]

    sub64 = jax.lax.broadcasted_iota(jnp.int32, (NC, 1), 0)
    wp_t = jnp.where((sub64 >= 1) & (sub64 <= NC - 2), w_t + 1e-5, 0.0)
    cums = jnp.dot(cm_ref[...], wp_t, preferred_element_type=f32,
                   precision=hi)
    rtot = 1.0 / cums[NC - 1:NC, :]
    cdf_t = cums[:NC] * rtot
    cdfn_t = cums[NC:] * rtot
    binsb = jnp.dot(bm_ref[...], z_t, preferred_element_type=f32,
                    precision=hi)
    bins_t = binsb[:NC]
    binsn_t = binsb[NC:]
    denom = cdfn_t - cdf_t
    denomg = jnp.where(denom < 1e-5, 1.0, denom)
    B_t = (binsn_t - bins_t) / denomg
    A_t = bins_t - cdf_t * B_t

    u_t = jax.lax.broadcasted_iota(jnp.int32, (NS, 1), 0).astype(f32) * (
        1.0 / (NS - 1))
    bounds = (0, 16, 32, 48, NC - 1)
    ags, bgs = [], []
    for c in range(4):
        k0 = bounds[c]
        Ac = jnp.broadcast_to(A_t[k0:k0 + 1, :], (NS, BLK))
        Bc = jnp.broadcast_to(B_t[k0:k0 + 1, :], (NS, BLK))
        for k in range(k0 + 1, bounds[c + 1]):
            ge = u_t >= cdf_t[k:k + 1, :]
            Ac = jnp.where(ge, A_t[k:k + 1, :], Ac)
            Bc = jnp.where(ge, B_t[k:k + 1, :], Bc)
        ags.append(Ac)
        bgs.append(Bc)
    ge16 = u_t >= cdf_t[16:17, :]
    ge32 = u_t >= cdf_t[32:33, :]
    ge48 = u_t >= cdf_t[48:49, :]
    Ag = jnp.where(ge32, jnp.where(ge48, ags[3], ags[2]),
                   jnp.where(ge16, ags[1], ags[0]))
    Bg = jnp.where(ge32, jnp.where(ge48, bgs[3], bgs[2]),
                   jnp.where(ge16, bgs[1], bgs[0]))
    samples = jnp.swapaxes(Ag + Bg * u_t, 0, 1)
    s_ref[...] = samples

    lane128 = jax.lax.broadcasted_iota(jnp.int32, (1, NS), 1)
    xa = jnp.concatenate([z, jnp.full((BLK, NS - NC), BIG, dtype=f32)],
                         axis=1)
    for s0 in range(0, BLK, SUB):
        x0 = xa[s0:s0 + SUB, :]
        x1 = samples[s0:s0 + SUB, :]
        for k in range(1, 9):
            size = 1 << k
            for j in range(k - 1, -1, -1):
                d = 1 << j
                if d == NS:
                    lo = jnp.minimum(x0, x1)
                    x1 = jnp.maximum(x0, x1)
                    x0 = lo
                    continue
                if d == NS // 2:
                    p0 = pltpu.roll(x0, d, axis=1)
                    p1 = pltpu.roll(x1, d, axis=1)
                    tm0 = ((lane128 & d) == 0) == ((lane128 & size) == 0)
                    tm1 = (((lane128 & d) == 0)
                           == (((lane128 + NS) & size) == 0))
                    x0 = jnp.where(tm0, jnp.minimum(x0, p0),
                                   jnp.maximum(x0, p0))
                    x1 = jnp.where(tm1, jnp.minimum(x1, p1),
                                   jnp.maximum(x1, p1))
                    continue
                idx = jnp.broadcast_to(lane128 ^ d, (SUB, NS))
                low = (lane128 & d) == 0
                tm0 = low == ((lane128 & size) == 0)
                tm1 = low == (((lane128 + NS) & size) == 0)
                p0 = jnp.take_along_axis(x0, idx, axis=1)
                p1 = jnp.take_along_axis(x1, idx, axis=1)
                x0 = jnp.where(tm0, jnp.minimum(x0, p0), jnp.maximum(x0, p0))
                x1 = jnp.where(tm1, jnp.minimum(x1, p1), jnp.maximum(x1, p1))
        zc = jnp.concatenate([x0, x1[:, :NZ - NS]], axis=1)
        zc_ref[s0:s0 + SUB, :] = zc
        def dot2(a, m):
            a_hi = a.astype(jnp.bfloat16)
            a_lo = (a - a_hi.astype(f32)).astype(jnp.bfloat16)
            return (jnp.dot(a_hi, m, preferred_element_type=f32)
                    + jnp.dot(a_lo, m, preferred_element_type=f32))

        gb = g_ref[...].astype(jnp.bfloat16)
        hb = h_ref[...].astype(jnp.bfloat16)
        z3 = dot2(zc, gb)
        o3 = dot2(o_ref[s0:s0 + SUB, :], hb)
        d3 = dot2(d_ref[s0:s0 + SUB, :], hb)
        pts_ref[s0:s0 + SUB, :] = o3 + d3 * z3


def _constants():
    j = np.arange(NC)[:, None]
    k = np.arange(NC)[None, :]
    cum = (k <= j).astype(np.float32)
    cumn = (k <= j + 1).astype(np.float32)
    sh = (k == j + 1).astype(np.float32)
    bm = 0.5 * (np.eye(NC, dtype=np.float32) + sh)
    sh2 = sh.copy()
    sh2[NC - 2, :] = 0.0
    sh2[NC - 2, NC - 2] = 1.0
    bn = sh2 @ bm
    cm_mat = np.concatenate([cum, cumn], axis=0)
    bm_mat = np.concatenate([bm, bn], axis=0)
    s_iota = np.arange(NZ)[:, None]
    t_iota = np.arange(NF)[None, :]
    g_mat = (t_iota // 3 == s_iota).astype(np.float32)
    h_mat = (t_iota % 3 == np.arange(3)[:, None]).astype(np.float32)
    return (jnp.asarray(cm_mat), jnp.asarray(bm_mat),
            jnp.asarray(g_mat), jnp.asarray(h_mat))


def _run(rays_o, rays_d, z_vals, weights, interpret=False):
    n = z_vals.shape[0]
    grid = (n // BLK,)
    cm_mat, bm_mat, g_mat, h_mat = _constants()
    z_t = z_vals.T
    w_t = weights.T
    out_shape = [
        jax.ShapeDtypeStruct((n, NF), jnp.float32),
        jax.ShapeDtypeStruct((n, NZ), jnp.float32),
        jax.ShapeDtypeStruct((n, NS), jnp.float32),
    ]
    pts_flat, zc, samples = pl.pallas_call(
        _sampler_body,
        grid=grid,
        in_specs=[
            pl.BlockSpec((BLK, 3), lambda i: (i, 0)),
            pl.BlockSpec((BLK, 3), lambda i: (i, 0)),
            pl.BlockSpec((BLK, NC), lambda i: (i, 0)),
            pl.BlockSpec((NC, BLK), lambda i: (0, i)),
            pl.BlockSpec((NC, BLK), lambda i: (0, i)),
            pl.BlockSpec((2 * NC, NC), lambda i: (0, 0)),
            pl.BlockSpec((2 * NC, NC), lambda i: (0, 0)),
            pl.BlockSpec((NZ, NF), lambda i: (0, 0)),
            pl.BlockSpec((3, NF), lambda i: (0, 0)),
        ],
        out_specs=[
            pl.BlockSpec((BLK, NF), lambda i: (i, 0)),
            pl.BlockSpec((BLK, NZ), lambda i: (i, 0)),
            pl.BlockSpec((BLK, NS), lambda i: (i, 0)),
        ],
        out_shape=out_shape,
        compiler_params=pltpu.CompilerParams(
            dimension_semantics=("parallel",)),
        interpret=interpret,
    )(rays_o, rays_d, z_vals, z_t, w_t, cm_mat, bm_mat, g_mat, h_mat)
    pts = pts_flat.reshape(n, NZ, 3)
    return pts, zc, samples


def kernel(rays_o, rays_d, z_vals, weights):
    return _run(rays_o, rays_d, z_vals, weights)

# --- scband reference (transcript-rebuilt; emitter-appended) ---
"""Pipeline reference for scband-hierarchical-sampler-2748779070271 (READ-ONLY COPY).

The authoritative reference and input builder live on the scoring server;
editing this copy changes nothing except your own understanding.
"""

import jax, jax.numpy as jnp
import numpy as np

N_RAYS = 65536
N_COARSE = 64
N_SAMPLES = 128


def setup_inputs(seed: int = 0) -> dict:
    key = jax.random.key(seed)
    k1, k2, k3, k4 = jax.random.split(key, 4)
    rays_o = jax.random.normal(k1, (N_RAYS, 3), dtype=jnp.float32)
    rays_d = jax.random.normal(k2, (N_RAYS, 3), dtype=jnp.float32)
    z_vals = jax.random.uniform(k3, (N_RAYS, N_COARSE), dtype=jnp.float32)
    weights = jax.random.uniform(k4, (N_RAYS, N_COARSE), dtype=jnp.float32)
    return {"rays_o": rays_o, "rays_d": rays_d, "z_vals": z_vals, "weights": weights}


def _sample_pdf(bins, weights, n_samples):
    pdf = (weights + 1e-05) / jnp.sum(weights + 1e-05, axis=-1, keepdims=True)
    cdf = jnp.cumsum(pdf, axis=-1)
    cdf = jnp.concatenate([jnp.zeros_like(cdf[..., :1]), cdf], axis=-1)
    u = jnp.linspace(0.0, 1.0, n_samples, dtype=cdf.dtype)
    u = jnp.broadcast_to(u, cdf.shape[:-1] + (n_samples,))
    inds = jax.vmap(lambda c, uu: jnp.searchsorted(c, uu, side='right'))(cdf, u)
    last = cdf.shape[-1] - 1
    below = jnp.clip(inds - 1, 0, last)
    above = jnp.clip(inds, 0, last)
    cdf_g0 = jnp.take_along_axis(cdf, below, axis=-1)
    cdf_g1 = jnp.take_along_axis(cdf, above, axis=-1)
    bins_g0 = jnp.take_along_axis(bins, below, axis=-1)
    bins_g1 = jnp.take_along_axis(bins, above, axis=-1)
    denom = cdf_g1 - cdf_g0
    denom = jnp.where(denom < 1e-05, jnp.ones_like(denom), denom)
    t = (u - cdf_g0) / denom
    samples = bins_g0 + t * (bins_g1 - bins_g0)
    return samples


def reference(rays_o, rays_d, z_vals, weights):
    z_vals_mid = 0.5 * (z_vals[..., 1:] + z_vals[..., :-1])
    new_z_samples = _sample_pdf(z_vals_mid, weights[..., 1:-1], N_SAMPLES)
    new_z_samples = jax.lax.stop_gradient(new_z_samples)
    z_vals_combined = jnp.sort(jnp.concatenate([z_vals, new_z_samples], axis=-1), axis=-1)
    pts = rays_o[..., None, :] + rays_d[..., None, :] * z_vals_combined[..., :, None]
    return pts, z_vals_combined, new_z_samples

if __name__ == "__main__":
    import jax
    _d = setup_inputs()
    print(jax.jit(kernel)(*tuple(_d.values())))

</pallas_src>

<mosaic_0001>
module attributes {stable_mosaic.version = 14 : i64} {
  func.func @_sampler_body(%arg0: i32, %arg1: memref<512x3xf32, #tpu.memory_space<vmem>>, %arg2: memref<512x3xf32, #tpu.memory_space<vmem>>, %arg3: memref<512x64xf32, #tpu.memory_space<vmem>>, %arg4: memref<64x512xf32, #tpu.memory_space<vmem>>, %arg5: memref<64x512xf32, #tpu.memory_space<vmem>>, %arg6: memref<128x64xf32, #tpu.memory_space<vmem>>, %arg7: memref<128x64xf32, #tpu.memory_space<vmem>>, %arg8: memref<192x576xf32, #tpu.memory_space<vmem>>, %arg9: memref<3x576xf32, #tpu.memory_space<vmem>>, %arg10: memref<512x576xf32, #tpu.memory_space<vmem>>, %arg11: memref<512x192xf32, #tpu.memory_space<vmem>>, %arg12: memref<512x128xf32, #tpu.memory_space<vmem>>) attributes {dimension_semantics = [#tpu.dimension_semantics<parallel>], iteration_bounds = array<i64: 128>, scalar_prefetch = 0 : i64, scratch_operands = 0 : i64, tpu.core_type = #tpu.core_type<tc>, window_params = [{transform_indices = @transform_0, window_bounds = array<i64: 512, 3>}, {transform_indices = @transform_1, window_bounds = array<i64: 512, 3>}, {transform_indices = @transform_2, window_bounds = array<i64: 512, 64>}, {transform_indices = @transform_3, window_bounds = array<i64: 64, 512>}, {transform_indices = @transform_4, window_bounds = array<i64: 64, 512>}, {pipeline_mode = #tpu.pipeline_mode<synchronous>, transform_indices = @transform_5, window_bounds = array<i64: 128, 64>}, {pipeline_mode = #tpu.pipeline_mode<synchronous>, transform_indices = @transform_6, window_bounds = array<i64: 128, 64>}, {pipeline_mode = #tpu.pipeline_mode<synchronous>, transform_indices = @transform_7, window_bounds = array<i64: 192, 576>}, {pipeline_mode = #tpu.pipeline_mode<synchronous>, transform_indices = @transform_8, window_bounds = array<i64: 3, 576>}, {transform_indices = @transform_9, window_bounds = array<i64: 512, 576>}, {transform_indices = @transform_10, window_bounds = array<i64: 512, 192>}, {transform_indices = @transform_11, window_bounds = array<i64: 512, 128>}]} {
    %get3A = arith.constant 0 : index
    %get3A_0 = arith.constant 0 : index
    %get3A_1 = vector.load %arg3[%get3A, %get3A_0] : memref<512x64xf32, #tpu.memory_space<vmem>>, vector<512x64xf32>
    %get3A_2 = arith.constant 0 : index
    %get3A_3 = arith.constant 0 : index
    %get3A_4 = vector.load %arg4[%get3A_2, %get3A_3] : memref<64x512xf32, #tpu.memory_space<vmem>>, vector<64x512xf32>
    %get3A_5 = arith.constant 0 : index
    %get3A_6 = arith.constant 0 : index
    %get3A_7 = vector.load %arg5[%get3A_5, %get3A_6] : memref<64x512xf32, #tpu.memory_space<vmem>>, vector<64x512xf32>
    %iota3A = tpu.iota {dimensions = array<i32: 0>} : vector<64x1xi32>
    %ge3A = arith.constant 1 : i32
    %ge3A_8 = vector.broadcast %ge3A : i32 to vector<64x1xi32>
    %ge3A_9 = arith.cmpi sge, %iota3A, %ge3A_8 : vector<64x1xi32>
    %le3A = arith.constant 62 : i32
    %le3A_10 = vector.broadcast %le3A : i32 to vector<64x1xi32>
    %le3A_11 = arith.cmpi sle, %iota3A, %le3A_10 : vector<64x1xi32>
    %and3A = arith.andi %ge3A_9, %le3A_11 : vector<64x1xi1>
    %add3A = arith.constant 9.99999974E-6 : f32
    %add3A_12 = vector.broadcast %add3A : f32 to vector<64x512xf32>
    %add3A_13 = arith.addf %get3A_7, %add3A_12 : vector<64x512xf32>
    %jit3A = arith.constant 0.000000e+00 : f32
    %broadcast_in_dim3A = vector.shape_cast %and3A : vector<64x1xi1> to vector<64x1xi1>
    %broadcast_in_dim3A_14 = vector.broadcast %broadcast_in_dim3A : vector<64x1xi1> to vector<64x512xi1>
    %broadcast_in_dim3A_15 = vector.broadcast %jit3A : f32 to vector<64x512xf32>
    %select_n3A = arith.select %broadcast_in_dim3A_14, %add3A_13, %broadcast_in_dim3A_15 : vector<64x512xi1>, vector<64x512xf32>
    %get3A_16 = arith.constant 0 : index
    %get3A_17 = arith.constant 0 : index
    %get3A_18 = vector.load %arg6[%get3A_16, %get3A_17] : memref<128x64xf32, #tpu.memory_space<vmem>>, vector<128x64xf32>
    %dot_general3A = arith.constant dense<0.000000e+00> : vector<128x512xf32>
    %dot_general3A_19 = tpu.matmul %get3A_18, %select_n3A, %dot_general3A {dimension_numbers = #tpu.dot_dimension_numbers<[1], [0], [0], [1], [0, 0, 1, 1], [], []>, precision = #tpu.contract_precision<fp32>, transpose_lhs_hint = false} : vector<128x64xf32>, vector<64x512xf32>, vector<128x512xf32> -> vector<128x512xf32>
    %slice3A = vector.extract_strided_slice %dot_general3A_19 {offsets = [63, 0], sizes = [1, 512], strides = [1, 1]} : vector<128x512xf32> to vector<1x512xf32>
    %div3A = arith.constant 1.000000e+00 : f32
    %div3A_20 = vector.broadcast %div3A : f32 to vector<1x512xf32>
    %div3A_21 = arith.divf %div3A_20, %slice3A : vector<1x512xf32>
    %slice3A_22 = vector.extract_strided_slice %dot_general3A_19 {offsets = [0, 0], sizes = [64, 512], strides = [1, 1]} : vector<128x512xf32> to vector<64x512xf32>
    %mul3A = vector.broadcast %div3A_21 : vector<1x512xf32> to vector<64x512xf32>
    %mul3A_23 = arith.mulf %slice3A_22, %mul3A : vector<64x512xf32>
    %slice3A_24 = vector.extract_strided_slice %dot_general3A_19 {offsets = [64, 0], sizes = [64, 512], strides = [1, 1]} : vector<128x512xf32> to vector<64x512xf32>
    %mul3A_25 = vector.broadcast %div3A_21 : vector<1x512xf32> to vector<64x512xf32>
    %mul3A_26 = arith.mulf %slice3A_24, %mul3A_25 : vector<64x512xf32>
    %get3A_27 = arith.constant 0 : index
    %get3A_28 = arith.constant 0 : index
    %get3A_29 = vector.load %arg7[%get3A_27, %get3A_28] : memref<128x64xf32, #tpu.memory_space<vmem>>, vector<128x64xf32>
    %dot_general3A_30 = arith.constant dense<0.000000e+00> : vector<128x512xf32>
    %dot_general3A_31 = tpu.matmul %get3A_29, %get3A_4, %dot_general3A_30 {dimension_numbers = #tpu.dot_dimension_numbers<[1], [0], [0], [1], [0, 0, 1, 1], [], []>, precision = #tpu.contract_precision<fp32>, transpose_lhs_hint = false} : vector<128x64xf32>, vector<64x512xf32>, vector<128x512xf32> -> vector<128x512xf32>
    %slice3A_32 = vector.extract_strided_slice %dot_general3A_31 {offsets = [0, 0], sizes = [64, 512], strides = [1, 1]} : vector<128x512xf32> to vector<64x512xf32>
    %slice3A_33 = vector.extract_strided_slice %dot_general3A_31 {offsets = [64, 0], sizes = [64, 512], strides = [1, 1]} : vector<128x512xf32> to vector<64x512xf32>
    %sub3A = arith.subf %mul3A_26, %mul3A_23 : vector<64x512xf32>
    %lt3A = arith.constant 9.99999974E-6 : f32
    %lt3A_34 = vector.broadcast %lt3A : f32 to vector<64x512xf32>
    %lt3A_35 = arith.cmpf olt, %sub3A, %lt3A_34 : vector<64x512xf32>
    %jit3A_36 = arith.constant 1.000000e+00 : f32
    %broadcast_in_dim3A_37 = vector.broadcast %jit3A_36 : f32 to vector<64x512xf32>
    %select_n3A_38 = arith.select %lt3A_35, %broadcast_in_dim3A_37, %sub3A : vector<64x512xi1>, vector<64x512xf32>
    %sub3A_39 = arith.subf %slice3A_33, %slice3A_32 : vector<64x512xf32>
    %div3A_40 = arith.divf %sub3A_39, %select_n3A_38 : vector<64x512xf32>
    %mul3A_41 = arith.mulf %mul3A_23, %div3A_40 : vector<64x512xf32>
    %sub3A_42 = arith.subf %slice3A_32, %mul3A_41 : vector<64x512xf32>
    %iota3A_43 = tpu.iota {dimensions = array<i32: 0>} : vector<128x1xi32>
    %convert_element_type3A = arith.sitofp %iota3A_43 : vector<128x1xi32> to vector<128x1xf32>
    %mul3A_44 = arith.constant 0.00787401571 : f32
    %mul3A_45 = vector.broadcast %mul3A_44 : f32 to vector<128x1xf32>
    %mul3A_46 = arith.mulf %convert_element_type3A, %mul3A_45 : vector<128x1xf32>
    %slice3A_47 = vector.extract_strided_slice %sub3A_42 {offsets = [0, 0], sizes = [1, 512], strides = [1, 1]} : vector<64x512xf32> to vector<1x512xf32>
    %broadcast_in_dim3A_48 = vector.shape_cast %slice3A_47 : vector<1x512xf32> to vector<1x512xf32>
    %broadcast_in_dim3A_49 = vector.broadcast %broadcast_in_dim3A_48 : vector<1x512xf32> to vector<128x512xf32>
    %slice3A_50 = vector.extract_strided_slice %div3A_40 {offsets = [0, 0], sizes = [1, 512], strides = [1, 1]} : vector<64x512xf32> to vector<1x512xf32>
    %broadcast_in_dim3A_51 = vector.shape_cast %slice3A_50 : vector<1x512xf32> to vector<1x512xf32>
    %broadcast_in_dim3A_52 = vector.broadcast %broadcast_in_dim3A_51 : vector<1x512xf32> to vector<128x512xf32>
    %slice3A_53 = vector.extract_strided_slice %mul3A_23 {offsets = [1, 0], sizes = [1, 512], strides = [1, 1]} : vector<64x512xf32> to vector<1x512xf32>
    %ge3A_54 = vector.broadcast %mul3A_46 : vector<128x1xf32> to vector<128x512xf32>
    %ge3A_55 = vector.broadcast %slice3A_53 : vector<1x512xf32> to vector<128x512xf32>
    %ge3A_56 = arith.cmpf oge, %ge3A_54, %ge3A_55 : vector<128x512xf32>
    %slice3A_57 = vector.extract_strided_slice %sub3A_42 {offsets = [1, 0], sizes = [1, 512], strides = [1, 1]} : vector<64x512xf32> to vector<1x512xf32>
    %broadcast_in_dim3A_58 = vector.shape_cast %slice3A_57 : vector<1x512xf32> to vector<1x512xf32>
    %broadcast_in_dim3A_59 = vector.broadcast %broadcast_in_dim3A_58 : vector<1x512xf32> to vector<128x512xf32>
    %select_n3A_60 = arith.select %ge3A_56, %broadcast_in_dim3A_59, %broadcast_in_dim3A_49 : vector<128x512xi1>, vector<128x512xf32>
    %slice3A_61 = vector.extract_strided_slice %div3A_40 {offsets = [1, 0], sizes = [1, 512], strides = [1, 1]} : vector<64x512xf32> to vector<1x512xf32>
    %broadcast_in_dim3A_62 = vector.shape_cast %slice3A_61 : vector<1x512xf32> to vector<1x512xf32>
    %broadcast_in_dim3A_63 = vector.broadcast %broadcast_in_dim3A_62 : vector<1x512xf32> to vector<128x512xf32>
    %select_n3A_64 = arith.select %ge3A_56, %broadcast_in_dim3A_63, %broadcast_in_dim3A_52 : vector<128x512xi1>, vector<128x512xf32>
    %slice3A_65 = vector.extract_strided_slice %mul3A_23 {offsets = [2, 0], sizes = [1, 512], strides = [1, 1]} : vector<64x512xf32> to vector<1x512xf32>
    %ge3A_66 = vector.broadcast %mul3A_46 : vector<128x1xf32> to vector<128x512xf32>
    %ge3A_67 = vector.broadcast %slice3A_65 : vector<1x512xf32> to vector<128x512xf32>
    %ge3A_68 = arith.cmpf oge, %ge3A_66, %ge3A_67 : vector<128x512xf32>
    %slice3A_69 = vector.extract_strided_slice %sub3A_42 {offsets = [2, 0], sizes = [1, 512], strides = [1, 1]} : vector<64x512xf32> to vector<1x512xf32>
    %broadcast_in_dim3A_70 = vector.shape_cast %slice3A_69 : vector<1x512xf32> to vector<1x512xf32>
    %broadcast_in_dim3A_71 = vector.broadcast %broadcast_in_dim3A_70 : vector<1x512xf32> to vector<128x512xf32>
    %select_n3A_72 = arith.select %ge3A_68, %broadcast_in_dim3A_71, %select_n3A_60 : vector<128x512xi1>, vector<128x512xf32>
    %slice3A_73 = vector.extract_strided_slice %div3A_40 {offsets = [2, 0], sizes = [1, 512], strides = [1, 1]} : vector<64x512xf32> to vector<1x512xf32>
    %broadcast_in_dim3A_74 = vector.shape_cast %slice3A_73 : vector<1x512xf32> to vector<1x512xf32>
    %broadcast_in_dim3A_75 = vector.broadcast %broadcast_in_dim3A_74 : vector<1x512xf32> to vector<128x512xf32>
    %select_n3A_76 = arith.select %ge3A_68, %broadcast_in_dim3A_75, %select_n3A_64 : vector<128x512xi1>, vector<128x512xf32>
    %slice3A_77 = vector.extract_strided_slice %mul3A_23 {offsets = [3, 0], sizes = [1, 512], strides = [1, 1]} : vector<64x512xf32> to vector<1x512xf32>
    %ge3A_78 = vector.broadcast %mul3A_46 : vector<128x1xf32> to vector<128x512xf32>
    %ge3A_79 = vector.broadcast %slice3A_77 : vector<1x512xf32> to vector<128x512xf32>
    %ge3A_80 = arith.cmpf oge, %ge3A_78, %ge3A_79 : vector<128x512xf32>
    %slice3A_81 = vector.extract_strided_slice %sub3A_42 {offsets = [3, 0], sizes = [1, 512], strides = [1, 1]} : vector<64x512xf32> to vector<1x512xf32>
    %broadcast_in_dim3A_82 = vector.shape_cast %slice3A_81 : vector<1x512xf32> to vector<1x512xf32>
    %broadcast_in_dim3A_83 = vector.broadcast %broadcast_in_dim3A_82 : vector<1x512xf32> to vector<128x512xf32>
    %select_n3A_84 = arith.select %ge3A_80, %broadcast_in_dim3A_83, %select_n3A_72 : vector<128x512xi1>, vector<128x512xf32>
    %slice3A_85 = vector.extract_strided_slice %div3A_40 {offsets = [3, 0], sizes = [1, 512], strides = [1, 1]} : vector<64x512xf32> to vector<1x512xf32>
    %broadcast_in_dim3A_86 = vector.shape_cast %slice3A_85 : vector<1x512xf32> to vector<1x512xf32>
    %broadcast_in_dim3A_87 = vector.broadcast %broadcast_in_dim3A_86 : vector<1x512xf32> to vector<128x512xf32>
    %select_n3A_88 = arith.select %ge3A_80, %broadcast_in_dim3A_87, %select_n3A_76 : vector<128x512xi1>, vector<128x512xf32>
    %slice3A_89 = vector.extract_strided_slice %mul3A_23 {offsets = [4, 0], sizes = [1, 512], strides = [1, 1]} : vector<64x512xf32> to vector<1x512xf32>
    %ge3A_90 = vector.broadcast %mul3A_46 : vector<128x1xf32> to vector<128x512xf32>
    %ge3A_91 = vector.broadcast %slice3A_89 : vector<1x512xf32> to vector<128x512xf32>
    %ge3A_92 = arith.cmpf oge, %ge3A_90, %ge3A_91 : vector<128x512xf32>
    %slice3A_93 = vector.extract_strided_slice %sub3A_42 {offsets = [4, 0], sizes = [1, 512], strides = [1, 1]} : vector<64x512xf32> to vector<1x512xf32>
    %broadcast_in_dim3A_94 = vector.shape_cast %slice3A_93 : vector<1x512xf32> to vector<1x512xf32>
    %broadcast_in_dim3A_95 = vector.broadcast %broadcast_in_dim3A_94 : vector<1x512xf32> to vector<128x512xf32>
    %select_n3A_96 = arith.select %ge3A_92, %broadcast_in_dim3A_95, %select_n3A_84 : vector<128x512xi1>, vector<128x512xf32>
    %slice3A_97 = vector.extract_strided_slice %div3A_40 {offsets = [4, 0], sizes = [1, 512], strides = [1, 1]} : vector<64x512xf32> to vector<1x512xf32>
    %broadcast_in_dim3A_98 = vector.shape_cast %slice3A_97 : vector<1x512xf32> to vector<1x512xf32>
    %broadcast_in_dim3A_99 = vector.broadcast %broadcast_in_dim3A_98 : vector<1x512xf32> to vector<128x512xf32>
    %select_n3A_100 = arith.select %ge3A_92, %broadcast_in_dim3A_99, %select_n3A_88 : vector<128x512xi1>, vector<128x512xf32>
    %slice3A_101 = vector.extract_strided_slice %mul3A_23 {offsets = [5, 0], sizes = [1, 512], strides = [1, 1]} : vector<64x512xf32> to vector<1x512xf32>
    %ge3A_102 = vector.broadcast %mul3A_46 : vector<128x1xf32> to vector<128x512xf32>
    %ge3A_103 = vector.broadcast %slice3A_101 : vector<1x512xf32> to vector<128x512xf32>
    %ge3A_104 = arith.cmpf oge, %ge3A_102, %ge3A_103 : vector<128x512xf32>
    %slice3A_105 = vector.extract_strided_slice %sub3A_42 {offsets = [5, 0], sizes = [1, 512], strides = [1, 1]} : vector<64x512xf32> to vector<1x512xf32>
    %broadcast_in_dim3A_106 = vector.shape_cast %slice3A_105 : vector<1x512xf32> to vector<1x512xf32>
    %broadcast_in_dim3A_107 = vector.broadcast %broadcast_in_dim3A_106 : vector<1x512xf32> to vector<128x512xf32>
    %select_n3A_108 = arith.select %ge3A_104, %broadcast_in_dim3A_107, %select_n3A_96 : vector<128x512xi1>, vector<128x512xf32>
    %slice3A_109 = vector.extract_strided_slice %div3A_40 {offsets = [5, 0], sizes = [1, 512], strides = [1, 1]} : vector<64x512xf32> to vector<1x512xf32>
    %broadcast_in_dim3A_110 = vector.shape_cast %slice3A_109 : vector<1x512xf32> to vector<1x512xf32>
    %broadcast_in_dim3A_111 = vector.broadcast %broadcast_in_dim3A_110 : vector<1x512xf32> to vector<128x512xf32>
    %select_n3A_112 = arith.select %ge3A_104, %broadcast_in_dim3A_111, %select_n3A_100 : vector<128x512xi1>, vector<128x512xf32>
    %slice3A_113 = vector.extract_strided_slice %mul3A_23 {offsets = [6, 0], sizes = [1, 512], strides = [1, 1]} : vector<64x512xf32> to vector<1x512xf32>
    %ge3A_114 = vector.broadcast %mul3A_46 : vector<128x1xf32> to vector<128x512xf32>
    %ge3A_115 = vector.broadcast %slice3A_113 : vector<1x512xf32> to vector<128x512xf32>
    %ge3A_116 = arith.cmpf oge, %ge3A_114, %ge3A_115 : vector<128x512xf32>
    %slice3A_117 = vector.extract_strided_slice %sub3A_42 {offsets = [6, 0], sizes = [1, 512], strides = [1, 1]} : vector<64x512xf32> to vector<1x512xf32>
    %broadcast_in_dim3A_118 = vector.shape_cast %slice3A_117 : vector<1x512xf32> to vector<1x512xf32>
    %broadcast_in_dim3A_119 = vector.broadcast %broadcast_in_dim3A_118 : vector<1x512xf32> to vector<128x512xf32>
    %select_n3A_120 = arith.select %ge3A_116, %broadcast_in_dim3A_119, %select_n3A_108 : vector<128x512xi1>, vector<128x512xf32>
    %slice3A_121 = vector.extract_strided_slice %div3A_40 {offsets = [6, 0], sizes = [1, 512], strides = [1, 1]} : vector<64x512xf32> to vector<1x512xf32>
    %broadcast_in_dim3A_122 = vector.shape_cast %slice3A_121 : vector<1x512xf32> to vector<1x512xf32>
    %broadcast_in_dim3A_123 = vector.broadcast %broadcast_in_dim3A_122 : vector<1x512xf32> to vector<128x512xf32>
    %select_n3A_124 = arith.select %ge3A_116, %broadcast_in_dim3A_123, %select_n3A_112 : vector<128x512xi1>, vector<128x512xf32>
    %slice3A_125 = vector.extract_strided_slice %mul3A_23 {offsets = [7, 0], sizes = [1, 512], strides = [1, 1]} : vector<64x512xf32> to vector<1x512xf32>
    %ge3A_126 = vector.broadcast %mul3A_46 : vector<128x1xf32> to vector<128x512xf32>
    %ge3A_127 = vector.broadcast %slice3A_125 : vector<1x512xf32> to vector<128x512xf32>
    %ge3A_128 = arith.cmpf oge, %ge3A_126, %ge3A_127 : vector<128x512xf32>
    %slice3A_129 = vector.extract_strided_slice %sub3A_42 {offsets = [7, 0], sizes = [1, 512], strides = [1, 1]} : vector<64x512xf32> to vector<1x512xf32>
    %broadcast_in_dim3A_130 = vector.shape_cast %slice3A_129 : vector<1x512xf32> to vector<1x512xf32>
    %broadcast_in_dim3A_131 = vector.broadcast %broadcast_in_dim3A_130 : vector<1x512xf32> to vector<128x512xf32>
    %select_n3A_132 = arith.select %ge3A_128, %broadcast_in_dim3A_131, %select_n3A_120 : vector<128x512xi1>, vector<128x512xf32>
    %slice3A_133 = vector.extract_strided_slice %div3A_40 {offsets = [7, 0], sizes = [1, 512], strides = [1, 1]} : vector<64x512xf32> to vector<1x512xf32>
    %broadcast_in_dim3A_134 = vector.shape_cast %slice3A_133 : vector<1x512xf32> to vector<1x512xf32>
    %broadcast_in_dim3A_135 = vector.broadcast %broadcast_in_dim3A_134 : vector<1x512xf32> to vector<128x512xf32>
    %select_n3A_136 = arith.select %ge3A_128, %broadcast_in_dim3A_135, %select_n3A_124 : vector<128x512xi1>, vector<128x512xf32>
    %slice3A_137 = vector.extract_strided_slice %mul3A_23 {offsets = [8, 0], sizes = [1, 512], strides = [1, 1]} : vector<64x512xf32> to vector<1x512xf32>
    %ge3A_138 = vector.broadcast %mul3A_46 : vector<128x1xf32> to vector<128x512xf32>
    %ge3A_139 = vector.broadcast %slice3A_137 : vector<1x512xf32> to vector<128x512xf32>
    %ge3A_140 = arith.cmpf oge, %ge3A_138, %ge3A_139 : vector<128x512xf32>
    %slice3A_141 = vector.extract_strided_slice %sub3A_42 {offsets = [8, 0], sizes = [1, 512], strides = [1, 1]} : vector<64x512xf32> to vector<1x512xf32>
    %broadcast_in_dim3A_142 = vector.shape_cast %slice3A_141 : vector<1x512xf32> to vector<1x512xf32>
    %broadcast_in_dim3A_143 = vector.broadcast %broadcast_in_dim3A_142 : vector<1x512xf32> to vector<128x512xf32>
    %select_n3A_144 = arith.select %ge3A_140, %broadcast_in_dim3A_143, %select_n3A_132 : vector<128x512xi1>, vector<128x512xf32>
    %slice3A_145 = vector.extract_strided_slice %div3A_40 {offsets = [8, 0], sizes = [1, 512], strides = [1, 1]} : vector<64x512xf32> to vector<1x512xf32>
    %broadcast_in_dim3A_146 = vector.shape_cast %slice3A_145 : vector<1x512xf32> to vector<1x512xf32>
    %broadcast_in_dim3A_147 = vector.broadcast %broadcast_in_dim3A_146 : vector<1x512xf32> to vector<128x512xf32>
    %select_n3A_148 = arith.select %ge3A_140, %broadcast_in_dim3A_147, %select_n3A_136 : vector<128x512xi1>, vector<128x512xf32>
    %slice3A_149 = vector.extract_strided_slice %mul3A_23 {offsets = [9, 0], sizes = [1, 512], strides = [1, 1]} : vector<64x512xf32> to vector<1x512xf32>
    %ge3A_150 = vector.broadcast %mul3A_46 : vector<128x1xf32> to vector<128x512xf32>
    %ge3A_151 = vector.broadcast %slice3A_149 : vector<1x512xf32> to vector<128x512xf32>
    %ge3A_152 = arith.cmpf oge, %ge3A_150, %ge3A_151 : vector<128x512xf32>
    %slice3A_153 = vector.extract_strided_slice %sub3A_42 {offsets = [9, 0], sizes = [1, 512], strides = [1, 1]} : vector<64x512xf32> to vector<1x512xf32>
    %broadcast_in_dim3A_154 = vector.shape_cast %slice3A_153 : vector<1x512xf32> to vector<1x512xf32>
    %broadcast_in_dim3A_155 = vector.broadcast %broadcast_in_dim3A_154 : vector<1x512xf32> to vector<128x512xf32>
    %select_n3A_156 = arith.select %ge3A_152, %broadcast_in_dim3A_155, %select_n3A_144 : vector<128x512xi1>, vector<128x512xf32>
    %slice3A_157 = vector.extract_strided_slice %div3A_40 {offsets = [9, 0], sizes = [1, 512], strides = [1, 1]} : vector<64x512xf32> to vector<1x512xf32>
    %broadcast_in_dim3A_158 = vector.shape_cast %slice3A_157 : vector<1x512xf32> to vector<1x512xf32>
    %broadcast_in_dim3A_159 = vector.broadcast %broadcast_in_dim3A_158 : vector<1x512xf32> to vector<128x512xf32>
    %select_n3A_160 = arith.select %ge3A_152, %broadcast_in_dim3A_159, %select_n3A_148 : vector<128x512xi1>, vector<128x512xf32>
    %slice3A_161 = vector.extract_strided_slice %mul3A_23 {offsets = [10, 0], sizes = [1, 512], strides = [1, 1]} : vector<64x512xf32> to vector<1x512xf32>
    %ge3A_162 = vector.broadcast %mul3A_46 : vector<128x1xf32> to vector<128x512xf32>
    %ge3A_163 = vector.broadcast %slice3A_161 : vector<1x512xf32> to vector<128x512xf32>
    %ge3A_164 = arith.cmpf oge, %ge3A_162, %ge3A_163 : vector<128x512xf32>
    %slice3A_165 = vector.extract_strided_slice %sub3A_42 {offsets = [10, 0], sizes = [1, 512], strides = [1, 1]} : vector<64x512xf32> to vector<1x512xf32>
    %broadcast_in_dim3A_166 = vector.shape_cast %slice3A_165 : vector<1x512xf32> to vector<1x512xf32>
    %broadcast_in_dim3A_167 = vector.broadcast %broadcast_in_dim3A_166 : vector<1x512xf32> to vector<128x512xf32>
    %select_n3A_168 = arith.select %ge3A_164, %broadcast_in_dim3A_167, %select_n3A_156 : vector<128x512xi1>, vector<128x512xf32>
    %slice3A_169 = vector.extract_strided_slice %div3A_40 {offsets = [10, 0], sizes = [1, 512], strides = [1, 1]} : vector<64x512xf32> to vector<1x512xf32>
    %broadcast_in_dim3A_170 = vector.shape_cast %slice3A_169 : vector<1x512xf32> to vector<1x512xf32>
    %broadcast_in_dim3A_171 = vector.broadcast %broadcast_in_dim3A_170 : vector<1x512xf32> to vector<128x512xf32>
    %select_n3A_172 = arith.select %ge3A_164, %broadcast_in_dim3A_171, %select_n3A_160 : vector<128x512xi1>, vector<128x512xf32>
    %slice3A_173 = vector.extract_strided_slice %mul3A_23 {offsets = [11, 0], sizes = [1, 512], strides = [1, 1]} : vector<64x512xf32> to vector<1x512xf32>
    %ge3A_174 = vector.broadcast %mul3A_46 : vector<128x1xf32> to vector<128x512xf32>
    %ge3A_175 = vector.broadcast %slice3A_173 : vector<1x512xf32> to vector<128x512xf32>
    %ge3A_176 = arith.cmpf oge, %ge3A_174, %ge3A_175 : vector<128x512xf32>
    %slice3A_177 = vector.extract_strided_slice %sub3A_42 {offsets = [11, 0], sizes = [1, 512], strides = [1, 1]} : vector<64x512xf32> to vector<1x512xf32>
    %broadcast_in_dim3A_178 = vector.shape_cast %slice3A_177 : vector<1x512xf32> to vector<1x512xf32>
    %broadcast_in_dim3A_179 = vector.broadcast %broadcast_in_dim3A_178 : vector<1x512xf32> to vector<128x512xf32>
    %select_n3A_180 = arith.select %ge3A_176, %broadcast_in_dim3A_179, %select_n3A_168 : vector<128x512xi1>, vector<128x512xf32>
    %slice3A_181 = vector.extract_strided_slice %div3A_40 {offsets = [11, 0], sizes = [1, 512], strides = [1, 1]} : vector<64x512xf32> to vector<1x512xf32>
    %broadcast_in_dim3A_182 = vector.shape_cast %slice3A_181 : vector<1x512xf32> to vector<1x512xf32>
    %broadcast_in_dim3A_183 = vector.broadcast %broadcast_in_dim3A_182 : vector<1x512xf32> to vector<128x512xf32>
    %select_n3A_184 = arith.select %ge3A_176, %broadcast_in_dim3A_183, %select_n3A_172 : vector<128x512xi1>, vector<128x512xf32>
    %slice3A_185 = vector.extract_strided_slice %mul3A_23 {offsets = [12, 0], sizes = [1, 512], strides = [1, 1]} : vector<64x512xf32> to vector<1x512xf32>
    %ge3A_186 = vector.broadcast %mul3A_46 : vector<128x1xf32> to vector<128x512xf32>
    %ge3A_187 = vector.broadcast %slice3A_185 : vector<1x512xf32> to vector<128x512xf32>
    %ge3A_188 = arith.cmpf oge, %ge3A_186, %ge3A_187 : vector<128x512xf32>
    %slice3A_189 = vector.extract_strided_slice %sub3A_42 {offsets = [12, 0], sizes = [1, 512], strides = [1, 1]} : vector<64x512xf32> to vector<1x512xf32>
    %broadcast_in_dim3A_190 = vector.shape_cast %slice3A_189 : vector<1x512xf32> to vector<1x512xf32>
    %broadcast_in_dim3A_191 = vector.broadcast %broadcast_in_dim3A_190 : vector<1x512xf32> to vector<128x512xf32>
    %select_n3A_192 = arith.select %ge3A_188, %broadcast_in_dim3A_191, %select_n3A_180 : vector<128x512xi1>, vector<128x512xf32>
    %slice3A_193 = vector.extract_strided_slice %div3A_40 {offsets = [12, 0], sizes = [1, 512], strides = [1, 1]} : vector<64x512xf32> to vector<1x512xf32>
    %broadcast_in_dim3A_194 = vector.shape_cast %slice3A_193 : vector<1x512xf32> to vector<1x512xf32>
    %broadcast_in_dim3A_195 = vector.broadcast %broadcast_in_dim3A_194 : vector<1x512xf32> to vector<128x512xf32>
    %select_n3A_196 = arith.select %ge3A_188, %broadcast_in_dim3A_195, %select_n3A_184 : vector<128x512xi1>, vector<128x512xf32>
    %slice3A_197 = vector.extract_strided_slice %mul3A_23 {offsets = [13, 0], sizes = [1, 512], strides = [1, 1]} : vector<64x512xf32> to vector<1x512xf32>
    %ge3A_198 = vector.broadcast %mul3A_46 : vector<128x1xf32> to vector<128x512xf32>
    %ge3A_199 = vector.broadcast %slice3A_197 : vector<1x512xf32> to vector<128x512xf32>
    %ge3A_200 = arith.cmpf oge, %ge3A_198, %ge3A_199 : vector<128x512xf32>
    %slice3A_201 = vector.extract_strided_slice %sub3A_42 {offsets = [13, 0], sizes = [1, 512], strides = [1, 1]} : vector<64x512xf32> to vector<1x512xf32>
    %broadcast_in_dim3A_202 = vector.shape_cast %slice3A_201 : vector<1x512xf32> to vector<1x512xf32>
    %broadcast_in_dim3A_203 = vector.broadcast %broadcast_in_dim3A_202 : vector<1x512xf32> to vector<128x512xf32>
    %select_n3A_204 = arith.select %ge3A_200, %broadcast_in_dim3A_203, %select_n3A_192 : vector<128x512xi1>, vector<128x512xf32>
    %slice3A_205 = vector.extract_strided_slice %div3A_40 {offsets = [13, 0], sizes = [1, 512], strides = [1, 1]} : vector<64x512xf32> to vector<1x512xf32>
    %broadcast_in_dim3A_206 = vector.shape_cast %slice3A_205 : vector<1x512xf32> to vector<1x512xf32>
    %broadcast_in_dim3A_207 = vector.broadcast %broadcast_in_dim3A_206 : vector<1x512xf32> to vector<128x512xf32>
    %select_n3A_208 = arith.select %ge3A_200, %broadcast_in_dim3A_207, %select_n3A_196 : vector<128x512xi1>, vector<128x512xf32>
    %slice3A_209 = vector.extract_strided_slice %mul3A_23 {offsets = [14, 0], sizes = [1, 512], strides = [1, 1]} : vector<64x512xf32> to vector<1x512xf32>
    %ge3A_210 = vector.broadcast %mul3A_46 : vector<128x1xf32> to vector<128x512xf32>
    %ge3A_211 = vector.broadcast %slice3A_209 : vector<1x512xf32> to vector<128x512xf32>
    %ge3A_212 = arith.cmpf oge, %ge3A_210, %ge3A_211 : vector<128x512xf32>
    %slice3A_213 = vector.extract_strided_slice %sub3A_42 {offsets = [14, 0], sizes = [1, 512], strides = [1, 1]} : vector<64x512xf32> to vector<1x512xf32>
    %broadcast_in_dim3A_214 = vector.shape_cast %slice3A_213 : vector<1x512xf32> to vector<1x512xf32>
    %broadcast_in_dim3A_215 = vector.broadcast %broadcast_in_dim3A_214 : vector<1x512xf32> to vector<128x512xf32>
    %select_n3A_216 = arith.select %ge3A_212, %broadcast_in_dim3A_215, %select_n3A_204 : vector<128x512xi1>, vector<128x512xf32>
    %slice3A_217 = vector.extract_strided_slice %div3A_40 {offsets = [14, 0], sizes = [1, 512], strides = [1, 1]} : vector<64x512xf32> to vector<1x512xf32>
    %broadcast_in_dim3A_218 = vector.shape_cast %slice3A_217 : vector<1x512xf32> to vector<1x512xf32>
    %broadcast_in_dim3A_219 = vector.broadcast %broadcast_in_dim3A_218 : vector<1x512xf32> to vector<128x512xf32>
    %select_n3A_220 = arith.select %ge3A_212, %broadcast_in_dim3A_219, %select_n3A_208 : vector<128x512xi1>, vector<128x512xf32>
    %slice3A_221 = vector.extract_strided_slice %mul3A_23 {offsets = [15, 0], sizes = [1, 512], strides = [1, 1]} : vector<64x512xf32> to vector<1x512xf32>
    %ge3A_222 = vector.broadcast %mul3A_46 : vector<128x1xf32> to vector<128x512xf32>
    %ge3A_223 = vector.broadcast %slice3A_221 : vector<1x512xf32> to vector<128x512xf32>
    %ge3A_224 = arith.cmpf oge, %ge3A_222, %ge3A_223 : vector<128x512xf32>
    %slice3A_225 = vector.extract_strided_slice %sub3A_42 {offsets = [15, 0], sizes = [1, 512], strides = [1, 1]} : vector<64x512xf32> to vector<1x512xf32>
    %broadcast_in_dim3A_226 = vector.shape_cast %slice3A_225 : vector<1x512xf32> to vector<1x512xf32>
    %broadcast_in_dim3A_227 = vector.broadcast %broadcast_in_dim3A_226 : vector<1x512xf32> to vector<128x512xf32>
    %select_n3A_228 = arith.select %ge3A_224, %broadcast_in_dim3A_227, %select_n3A_216 : vector<128x512xi1>, vector<128x512xf32>
    %slice3A_229 = vector.extract_strided_slice %div3A_40 {offsets = [15, 0], sizes = [1, 512], strides = [1, 1]} : vector<64x512xf32> to vector<1x512xf32>
    %broadcast_in_dim3A_230 = vector.shape_cast %slice3A_229 : vector<1x512xf32> to vector<1x512xf32>
    %broadcast_in_dim3A_231 = vector.broadcast %broadcast_in_dim3A_230 : vector<1x512xf32> to vector<128x512xf32>
    %select_n3A_232 = arith.select %ge3A_224, %broadcast_in_dim3A_231, %select_n3A_220 : vector<128x512xi1>, vector<128x512xf32>
    %slice3A_233 = vector.extract_strided_slice %sub3A_42 {offsets = [16, 0], sizes = [1, 512], strides = [1, 1]} : vector<64x512xf32> to vector<1x512xf32>
    %broadcast_in_dim3A_234 = vector.shape_cast %slice3A_233 : vector<1x512xf32> to vector<1x512xf32>
    %broadcast_in_dim3A_235 = vector.broadcast %broadcast_in_dim3A_234 : vector<1x512xf32> to vector<128x512xf32>
    %slice3A_236 = vector.extract_strided_slice %div3A_40 {offsets = [16, 0], sizes = [1, 512], strides = [1, 1]} : vector<64x512xf32> to vector<1x512xf32>
    %broadcast_in_dim3A_237 = vector.shape_cast %slice3A_236 : vector<1x512xf32> to vector<1x512xf32>
    %broadcast_in_dim3A_238 = vector.broadcast %broadcast_in_dim3A_237 : vector<1x512xf32> to vector<128x512xf32>
    %slice3A_239 = vector.extract_strided_slice %mul3A_23 {offsets = [17, 0], sizes = [1, 512], strides = [1, 1]} : vector<64x512xf32> to vector<1x512xf32>
    %ge3A_240 = vector.broadcast %mul3A_46 : vector<128x1xf32> to vector<128x512xf32>
    %ge3A_241 = vector.broadcast %slice3A_239 : vector<1x512xf32> to vector<128x512xf32>
    %ge3A_242 = arith.cmpf oge, %ge3A_240, %ge3A_241 : vector<128x512xf32>
    %slice3A_243 = vector.extract_strided_slice %sub3A_42 {offsets = [17, 0], sizes = [1, 512], strides = [1, 1]} : vector<64x512xf32> to vector<1x512xf32>
    %broadcast_in_dim3A_244 = vector.shape_cast %slice3A_243 : vector<1x512xf32> to vector<1x512xf32>
    %broadcast_in_dim3A_245 = vector.broadcast %broadcast_in_dim3A_244 : vector<1x512xf32> to vector<128x512xf32>
    %select_n3A_246 = arith.select %ge3A_242, %broadcast_in_dim3A_245, %broadcast_in_dim3A_235 : vector<128x512xi1>, vector<128x512xf32>
    %slice3A_247 = vector.extract_strided_slice %div3A_40 {offsets = [17, 0], sizes = [1, 512], strides = [1, 1]} : vector<64x512xf32> to vector<1x512xf32>
    %broadcast_in_dim3A_248 = vector.shape_cast %slice3A_247 : vector<1x512xf32> to vector<1x512xf32>
    %broadcast_in_dim3A_249 = vector.broadcast %broadcast_in_dim3A_248 : vector<1x512xf32> to vector<128x512xf32>
    %select_n3A_250 = arith.select %ge3A_242, %broadcast_in_dim3A_249, %broadcast_in_dim3A_238 : vector<128x512xi1>, vector<128x512xf32>
    %slice3A_251 = vector.extract_strided_slice %mul3A_23 {offsets = [18, 0], sizes = [1, 512], strides = [1, 1]} : vector<64x512xf32> to vector<1x512xf32>
    %ge3A_252 = vector.broadcast %mul3A_46 : vector<128x1xf32> to vector<128x512xf32>
    %ge3A_253 = vector.broadcast %slice3A_251 : vector<1x512xf32> to vector<128x512xf32>
    %ge3A_254 = arith.cmpf oge, %ge3A_252, %ge3A_253 : vector<128x512xf32>
    %slice3A_255 = vector.extract_strided_slice %sub3A_42 {offsets = [18, 0], sizes = [1, 512], strides = [1, 1]} : vector<64x512xf32> to vector<1x512xf32>
    %broadcast_in_dim3A_256 = vector.shape_cast %slice3A_255 : vector<1x512xf32> to vector<1x512xf32>
    %broadcast_in_dim3A_257 = vector.broadcast %broadcast_in_dim3A_256 : vector<1x512xf32> to vector<128x512xf32>
    %select_n3A_258 = arith.select %ge3A_254, %broadcast_in_dim3A_257, %select_n3A_246 : vector<128x512xi1>, vector<128x512xf32>
    %slice3A_259 = vector.extract_strided_slice %div3A_40 {offsets = [18, 0], sizes = [1, 512], strides = [1, 1]} : vector<64x512xf32> to vector<1x512xf32>
    %broadcast_in_dim3A_260 = vector.shape_cast %slice3A_259 : vector<1x512xf32> to vector<1x512xf32>
    %broadcast_in_dim3A_261 = vector.broadcast %broadcast_in_dim3A_260 : vector<1x512xf32> to vector<128x512xf32>
    %select_n3A_262 = arith.select %ge3A_254, %broadcast_in_dim3A_261, %select_n3A_250 : vector<128x512xi1>, vector<128x512xf32>
    %slice3A_263 = vector.extract_strided_slice %mul3A_23 {offsets = [19, 0], sizes = [1, 512], strides = [1, 1]} : vector<64x512xf32> to vector<1x512xf32>
    %ge3A_264 = vector.broadcast %mul3A_46 : vector<128x1xf32> to vector<128x512xf32>
    %ge3A_265 = vector.broadcast %slice3A_263 : vector<1x512xf32> to vector<128x512xf32>
    %ge3A_266 = arith.cmpf oge, %ge3A_264, %ge3A_265 : vector<128x512xf32>
    %slice3A_267 = vector.extract_strided_slice %sub3A_42 {offsets = [19, 0], sizes = [1, 512], strides = [1, 1]} : vector<64x512xf32> to vector<1x512xf32>
    %broadcast_in_dim3A_268 = vector.shape_cast %slice3A_267 : vector<1x512xf32> to vector<1x512xf32>
    %broadcast_in_dim3A_269 = vector.broadcast %broadcast_in_dim3A_268 : vector<1x512xf32> to vector<128x512xf32>
    %select_n3A_270 = arith.select %ge3A_266, %broadcast_in_dim3A_269, %select_n3A_258 : vector<128x512xi1>, vector<128x512xf32>
    %slice3A_271 = vector.extract_strided_slice %div3A_40 {offsets = [19, 0], sizes = [1, 512], strides = [1, 1]} : vector<64x512xf32> to vector<1x512xf32>
    %broadcast_in_dim3A_272 = vector.shape_cast %slice3A_271 : vector<1x512xf32> to vector<1x512xf32>
    %broadcast_in_dim3A_273 = vector.broadcast %broadcast_in_dim3A_272 : vector<1x512xf32> to vector<128x512xf32>
    %select_n3A_274 = arith.select %ge3A_266, %broadcast_in_dim3A_273, %select_n3A_262 : vector<128x512xi1>, vector<128x512xf32>
    %slice3A_275 = vector.extract_strided_slice %mul3A_23 {offsets = [20, 0], sizes = [1, 512], strides = [1, 1]} : vector<64x512xf32> to vector<1x512xf32>
    %ge3A_276 = vector.broadcast %mul3A_46 : vector<128x1xf32> to vector<128x512xf32>
    %ge3A_277 = vector.broadcast %slice3A_275 : vector<1x512xf32> to vector<128x512xf32>
    %ge3A_278 = arith.cmpf oge, %ge3A_276, %ge3A_277 : vector<128x512xf32>
    %slice3A_279 = vector.extract_strided_slice %sub3A_42 {offsets = [20, 0], sizes = [1, 512], strides = [1, 1]} : vector<64x512xf32> to vector<1x512xf32>
    %broadcast_in_dim3A_280 = vector.shape_cast %slice3A_279 : vector<1x512xf32> to vector<1x512xf32>
    %broadcast_in_dim3A_281 = vector.broadcast %broadcast_in_dim3A_280 : vector<1x512xf32> to vector<128x512xf32>
    %select_n3A_282 = arith.select %ge3A_278, %broadcast_in_dim3A_281, %select_n3A_270 : vector<128x512xi1>, vector<128x512xf32>
    %slice3A_283 = vector.extract_strided_slice %div3A_40 {offsets = [20, 0], sizes = [1, 512], strides = [1, 1]} : vector<64x512xf32> to vector<1x512xf32>
    %broadcast_in_dim3A_284 = vector.shape_cast %slice3A_283 : vector<1x512xf32> to vector<1x512xf32>
    %broadcast_in_dim3A_285 = vector.broadcast %broadcast_in_dim3A_284 : vector<1x512xf32> to vector<128x512xf32>
    %select_n3A_286 = arith.select %ge3A_278, %broadcast_in_dim3A_285, %select_n3A_274 : vector<128x512xi1>, vector<128x512xf32>
    %slice3A_287 = vector.extract_strided_slice %mul3A_23 {offsets = [21, 0], sizes = [1, 512], strides = [1, 1]} : vector<64x512xf32> to vector<1x512xf32>
    %ge3A_288 = vector.broadcast %mul3A_46 : vector<128x1xf32> to vector<128x512xf32>
    %ge3A_289 = vector.broadcast %slice3A_287 : vector<1x512xf32> to vector<128x512xf32>
    %ge3A_290 = arith.cmpf oge, %ge3A_288, %ge3A_289 : vector<128x512xf32>
    %slice3A_291 = vector.extract_strided_slice %sub3A_42 {offsets = [21, 0], sizes = [1, 512], strides = [1, 1]} : vector<64x512xf32> to vector<1x512xf32>
    %broadcast_in_dim3A_292 = vector.shape_cast %slice3A_291 : vector<1x512xf32> to vector<1x512xf32>
    %broadcast_in_dim3A_293 = vector.broadcast %broadcast_in_dim3A_292 : vector<1x512xf32> to vector<128x512xf32>
    %select_n3A_294 = arith.select %ge3A_290, %broadcast_in_dim3A_293, %select_n3A_282 : vector<128x512xi1>, vector<128x512xf32>
    %slice3A_295 = vector.extract_strided_slice %div3A_40 {offsets = [21, 0], sizes = [1, 512], strides = [1, 1]} : vector<64x512xf32> to vector<1x512xf32>
    %broadcast_in_dim3A_296 = vector.shape_cast %slice3A_295 : vector<1x512xf32> to vector<1x512xf32>
    %broadcast_in_dim3A_297 = vector.broadcast %broadcast_in_dim3A_296 : vector<1x512xf32> to vector<128x512xf32>
    %select_n3A_298 = arith.select %ge3A_290, %broadcast_in_dim3A_297, %select_n3A_286 : vector<128x512xi1>, vector<128x512xf32>
    %slice3A_299 = vector.extract_strided_slice %mul3A_23 {offsets = [22, 0], sizes = [1, 512], strides = [1, 1]} : vector<64x512xf32> to vector<1x512xf32>
    %ge3A_300 = vector.broadcast %mul3A_46 : vector<128x1xf32> to vector<128x512xf32>
    %ge3A_301 = vector.broadcast %slice3A_299 : vector<1x512xf32> to vector<128x512xf32>
    %ge3A_302 = arith.cmpf oge, %ge3A_300, %ge3A_301 : vector<128x512xf32>
    %slice3A_303 = vector.extract_strided_slice %sub3A_42 {offsets = [22, 0], sizes = [1, 512], strides = [1, 1]} : vector<64x512xf32> to vector<1x512xf32>
    %broadcast_in_dim3A_304 = vector.shape_cast %slice3A_303 : vector<1x512xf32> to vector<1x512xf32>
    %broadcast_in_dim3A_305 = vector.broadcast %broadcast_in_dim3A_304 : vector<1x512xf32> to vector<128x512xf32>
    %select_n3A_306 = arith.select %ge3A_302, %broadcast_in_dim3A_305, %select_n3A_294 : vector<128x512xi1>, vector<128x512xf32>
    %slice3A_307 = vector.extract_strided_slice %div3A_40 {offsets = [22, 0], sizes = [1, 512], strides = [1, 1]} : vector<64x512xf32> to vector<1x512xf32>
    %broadcast_in_dim3A_308 = vector.shape_cast %slice3A_307 : vector<1x512xf32> to vector<1x512xf32>
    %broadcast_in_dim3A_309 = vector.broadcast %broadcast_in_dim3A_308 : vector<1x512xf32> to vector<128x512xf32>
    %select_n3A_310 = arith.select %ge3A_302, %broadcast_in_dim3A_309, %select_n3A_298 : vector<128x512xi1>, vector<128x512xf32>
    %slice3A_311 = vector.extract_strided_slice %mul3A_23 {offsets = [23, 0], sizes = [1, 512], strides = [1, 1]} : vector<64x512xf32> to vector<1x512xf32>
    %ge3A_312 = vector.broadcast %mul3A_46 : vector<128x1xf32> to vector<128x512xf32>
    %ge3A_313 = vector.broadcast %slice3A_311 : vector<1x512xf32> to vector<128x512xf32>
    %ge3A_314 = arith.cmpf oge, %ge3A_312, %ge3A_313 : vector<128x512xf32>
    %slice3A_315 = vector.extract_strided_slice %sub3A_42 {offsets = [23, 0], sizes = [1, 512], strides = [1, 1]} : vector<64x512xf32> to vector<1x512xf32>
    %broadcast_in_dim3A_316 = vector.shape_cast %slice3A_315 : vector<1x512xf32> to vector<1x512xf32>
    %broadcast_in_dim3A_317 = vector.broadcast %broadcast_in_dim3A_316 : vector<1x512xf32> to vector<128x512xf32>
    %select_n3A_318 = arith.select %ge3A_314, %broadcast_in_dim3A_317, %select_n3A_306 : vector<128x512xi1>, vector<128x512xf32>
    %slice3A_319 = vector.extract_strided_slice %div3A_40 {offsets = [23, 0], sizes = [1, 512], strides = [1, 1]} : vector<64x512xf32> to vector<1x512xf32>
    %broadcast_in_dim3A_320 = vector.shape_cast %slice3A_319 : vector<1x512xf32> to vector<1x512xf32>
    %broadcast_in_dim3A_321 = vector.broadcast %broadcast_in_dim3A_320 : vector<1x512xf32> to vector<128x512xf32>
    %select_n3A_322 = arith.select %ge3A_314, %broadcast_in_dim3A_321, %select_n3A_310 : vector<128x512xi1>, vector<128x512xf32>
    %slice3A_323 = vector.extract_strided_slice %mul3A_23 {offsets = [24, 0], sizes = [1, 512], strides = [1, 1]} : vector<64x512xf32> to vector<1x512xf32>
    %ge3A_324 = vector.broadcast %mul3A_46 : vector<128x1xf32> to vector<128x512xf32>
    %ge3A_325 = vector.broadcast %slice3A_323 : vector<1x512xf32> to vector<128x512xf32>
    %ge3A_326 = arith.cmpf oge, %ge3A_324, %ge3A_325 : vector<128x512xf32>
    %slice3A_327 = vector.extract_strided_slice %sub3A_42 {offsets = [24, 0], sizes = [1, 512], strides = [1, 1]} : vector<64x512xf32> to vector<1x512xf32>
    %broadcast_in_dim3A_328 = vector.shape_cast %slice3A_327 : vector<1x512xf32> to vector<1x512xf32>
    %broadcast_in_dim3A_329 = vector.broadcast %broadcast_in_dim3A_328 : vector<1x512xf32> to vector<128x512xf32>
    %select_n3A_330 = arith.select %ge3A_326, %broadcast_in_dim3A_329, %select_n3A_318 : vector<128x512xi1>, vector<128x512xf32>
    %slice3A_331 = vector.extract_strided_slice %div3A_40 {offsets = [24, 0], sizes = [1, 512], strides = [1, 1]} : vector<64x512xf32> to vector<1x512xf32>
    %broadcast_in_dim3A_332 = vector.shape_cast %slice3A_331 : vector<1x512xf32> to vector<1x512xf32>
    %broadcast_in_dim3A_333 = vector.broadcast %broadcast_in_dim3A_332 : vector<1x512xf32> to vector<128x512xf32>
    %select_n3A_334 = arith.select %ge3A_326, %broadcast_in_dim3A_333, %select_n3A_322 : vector<128x512xi1>, vector<128x512xf32>
    %slice3A_335 = vector.extract_strided_slice %mul3A_23 {offsets = [25, 0], sizes = [1, 512], strides = [1, 1]} : vector<64x512xf32> to vector<1x512xf32>
    %ge3A_336 = vector.broadcast %mul3A_46 : vector<128x1xf32> to vector<128x512xf32>
    %ge3A_337 = vector.broadcast %slice3A_335 : vector<1x512xf32> to vector<128x512xf32>
    %ge3A_338 = arith.cmpf oge, %ge3A_336, %ge3A_337 : vector<128x512xf32>
    %slice3A_339 = vector.extract_strided_slice %sub3A_42 {offsets = [25, 0], sizes = [1, 512], strides = [1, 1]} : vector<64x512xf32> to vector<1x512xf32>
    %broadcast_in_dim3A_340 = vector.shape_cast %slice3A_339 : vector<1x512xf32> to vector<1x512xf32>
    %broadcast_in_dim3A_341 = vector.broadcast %broadcast_in_dim3A_340 : vector<1x512xf32> to vector<128x512xf32>
    %select_n3A_342 = arith.select %ge3A_338, %broadcast_in_dim3A_341, %select_n3A_330 : vector<128x512xi1>, vector<128x512xf32>
    %slice3A_343 = vector.extract_strided_slice %div3A_40 {offsets = [25, 0], sizes = [1, 512], strides = [1, 1]} : vector<64x512xf32> to vector<1x512xf32>
    %broadcast_in_dim3A_344 = vector.shape_cast %slice3A_343 : vector<1x512xf32> to vector<1x512xf32>
    %broadcast_in_dim3A_345 = vector.broadcast %broadcast_in_dim3A_344 : vector<1x512xf32> to vector<128x512xf32>
    %select_n3A_346 = arith.select %ge3A_338, %broadcast_in_dim3A_345, %select_n3A_334 : vector<128x512xi1>, vector<128x512xf32>
    %slice3A_347 = vector.extract_strided_slice %mul3A_23 {offsets = [26, 0], sizes = [1, 512], strides = [1, 1]} : vector<64x512xf32> to vector<1x512xf32>
    %ge3A_348 = vector.broadcast %mul3A_46 : vector<128x1xf32> to vector<128x512xf32>
    %ge3A_349 = vector.broadcast %slice3A_347 : vector<1x512xf32> to vector<128x512xf32>
    %ge3A_350 = arith.cmpf oge, %ge3A_348, %ge3A_349 : vector<128x512xf32>
    %slice3A_351 = vector.extract_strided_slice %sub3A_42 {offsets = [26, 0], sizes = [1, 512], strides = [1, 1]} : vector<64x512xf32> to vector<1x512xf32>
    %broadcast_in_dim3A_352 = vector.shape_cast %slice3A_351 : vector<1x512xf32> to vector<1x512xf32>
    %broadcast_in_dim3A_353 = vector.broadcast %broadcast_in_dim3A_352 : vector<1x512xf32> to vector<128x512xf32>
    %select_n3A_354 = arith.select %ge3A_350, %broadcast_in_dim3A_353, %select_n3A_342 : vector<128x512xi1>, vector<128x512xf32>
    %slice3A_355 = vector.extract_strided_slice %div3A_40 {offsets = [26, 0], sizes = [1, 512], strides = [1, 1]} : vector<64x512xf32> to vector<1x512xf32>
    %broadcast_in_dim3A_356 = vector.shape_cast %slice3A_355 : vector<1x512xf32> to vector<1x512xf32>
    %broadcast_in_dim3A_357 = vector.broadcast %broadcast_in_dim3A_356 : vector<1x512xf32> to vector<128x512xf32>
    %select_n3A_358 = arith.select %ge3A_350, %broadcast_in_dim3A_357, %select_n3A_346 : vector<128x512xi1>, vector<128x512xf32>
    %slice3A_359 = vector.extract_strided_slice %mul3A_23 {offsets = [27, 0], sizes = [1, 512], strides = [1, 1]} : vector<64x512xf32> to vector<1x512xf32>
    %ge3A_360 = vector.broadcast %mul3A_46 : vector<128x1xf32> to vector<128x512xf32>
    %ge3A_361 = vector.broadcast %slice3A_359 : vector<1x512xf32> to vector<128x512xf32>
    %ge3A_362 = arith.cmpf oge, %ge3A_360, %ge3A_361 : vector<128x512xf32>
    %slice3A_363 = vector.extract_strided_slice %sub3A_42 {offsets = [27, 0], sizes = [1, 512], strides = [1, 1]} : vector<64x512xf32> to vector<1x512xf32>
    %broadcast_in_dim3A_364 = vector.shape_cast %slice3A_363 : vector<1x512xf32> to vector<1x512xf32>
    %broadcast_in_dim3A_365 = vector.broadcast %broadcast_in_dim3A_364 : vector<1x512xf32> to vector<128x512xf32>
    %select_n3A_366 = arith.select %ge3A_362, %broadcast_in_dim3A_365, %select_n3A_354 : vector<128x512xi1>, vector<128x512xf32>
    %slice3A_367 = vector.extract_strided_slice %div3A_40 {offsets = [27, 0], sizes = [1, 512], strides = [1, 1]} : vector<64x512xf32> to vector<1x512xf32>
    %broadcast_in_dim3A_368 = vector.shape_cast %slice3A_367 : vector<1x512xf32> to vector<1x512xf32>
    %broadcast_in_dim3A_369 = vector.broadcast %broadcast_in_dim3A_368 : vector<1x512xf32> to vector<128x512xf32>
    %select_n3A_370 = arith.select %ge3A_362, %broadcast_in_dim3A_369, %select_n3A_358 : vector<128x512xi1>, vector<128x512xf32>
    %slice3A_371 = vector.extract_strided_slice %mul3A_23 {offsets = [28, 0], sizes = [1, 512], strides = [1, 1]} : vector<64x512xf32> to vector<1x512xf32>
    %ge3A_372 = vector.broadcast %mul3A_46 : vector<128x1xf32> to vector<128x512xf32>
    %ge3A_373 = vector.broadcast %slice3A_371 : vector<1x512xf32> to vector<128x512xf32>
    %ge3A_374 = arith.cmpf oge, %ge3A_372, %ge3A_373 : vector<128x512xf32>
    %slice3A_375 = vector.extract_strided_slice %sub3A_42 {offsets = [28, 0], sizes = [1, 512], strides = [1, 1]} : vector<64x512xf32> to vector<1x512xf32>
    %broadcast_in_dim3A_376 = vector.shape_cast %slice3A_375 : vector<1x512xf32> to vector<1x512xf32>
    %broadcast_in_dim3A_377 = vector.broadcast %broadcast_in_dim3A_376 : vector<1x512xf32> to vector<128x512xf32>
    %select_n3A_378 = arith.select %ge3A_374, %broadcast_in_dim3A_377, %select_n3A_366 : vector<128x512xi1>, vector<128x512xf32>
    %slice3A_379 = vector.extract_strided_slice %div3A_40 {offsets = [28, 0], sizes = [1, 512], strides = [1, 1]} : vector<64x512xf32> to vector<1x512xf32>
    %broadcast_in_dim3A_380 = vector.shape_cast %slice3A_379 : vector<1x512xf32> to vector<1x512xf32>
    %broadcast_in_dim3A_381 = vector.broadcast %broadcast_in_dim3A_380 : vector<1x512xf32> to vector<128x512xf32>
    %select_n3A_382 = arith.select %ge3A_374, %broadcast_in_dim3A_381, %select_n3A_370 : vector<128x512xi1>, vector<128x512xf32>
    %slice3A_383 = vector.extract_strided_slice %mul3A_23 {offsets = [29, 0], sizes = [1, 512], strides = [1, 1]} : vector<64x512xf32> to vector<1x512xf32>
    %ge3A_384 = vector.broadcast %mul3A_46 : vector<128x1xf32> to vector<128x512xf32>
    %ge3A_385 = vector.broadcast %slice3A_383 : vector<1x512xf32> to vector<128x512xf32>
    %ge3A_386 = arith.cmpf oge, %ge3A_384, %ge3A_385 : vector<128x512xf32>
    %slice3A_387 = vector.extract_strided_slice %sub3A_42 {offsets = [29, 0], sizes = [1, 512], strides = [1, 1]} : vector<64x512xf32> to vector<1x512xf32>
    %broadcast_in_dim3A_388 = vector.shape_cast %slice3A_387 : vector<1x512xf32> to vector<1x512xf32>
    %broadcast_in_dim3A_389 = vector.broadcast %broadcast_in_dim3A_388 : vector<1x512xf32> to vector<128x512xf32>
    %select_n3A_390 = arith.select %ge3A_386, %broadcast_in_dim3A_389, %select_n3A_378 : vector<128x512xi1>, vector<128x512xf32>
    %slice3A_391 = vector.extract_strided_slice %div3A_40 {offsets = [29, 0], sizes = [1, 512], strides = [1, 1]} : vector<64x512xf32> to vector<1x512xf32>
    %broadcast_in_dim3A_392 = vector.shape_cast %slice3A_391 : vector<1x512xf32> to vector<1x512xf32>
    %broadcast_in_dim3A_393 = vector.broadcast %broadcast_in_dim3A_392 : vector<1x512xf32> to vector<128x512xf32>
    %select_n3A_394 = arith.select %ge3A_386, %broadcast_in_dim3A_393, %select_n3A_382 : vector<128x512xi1>, vector<128x512xf32>
    %slice3A_395 = vector.extract_strided_slice %mul3A_23 {offsets = [30, 0], sizes = [1, 512], strides = [1, 1]} : vector<64x512xf32> to vector<1x512xf32>
    %ge3A_396 = vector.broadcast %mul3A_46 : vector<128x1xf32> to vector<128x512xf32>
    %ge3A_397 = vector.broadcast %slice3A_395 : vector<1x512xf32> to vector<128x512xf32>
    %ge3A_398 = arith.cmpf oge, %ge3A_396, %ge3A_397 : vector<128x512xf32>
    %slice3A_399 = vector.extract_strided_slice %sub3A_42 {offsets = [30, 0], sizes = [1, 512], strides = [1, 1]} : vector<64x512xf32> to vector<1x512xf32>
    %broadcast_in_dim3A_400 = vector.shape_cast %slice3A_399 : vector<1x512xf32> to vector<1x512xf32>
    %broadcast_in_dim3A_401 = vector.broadcast %broadcast_in_dim3A_400 : vector<1x512xf32> to vector<128x512xf32>
    %select_n3A_402 = arith.select %ge3A_398, %broadcast_in_dim3A_401, %select_n3A_390 : vector<128x512xi1>, vector<128x512xf32>
    %slice3A_403 = vector.extract_strided_slice %div3A_40 {offsets = [30, 0], sizes = [1, 512], strides = [1, 1]} : vector<64x512xf32> to vector<1x512xf32>
    %broadcast_in_dim3A_404 = vector.shape_cast %slice3A_403 : vector<1x512xf32> to vector<1x512xf32>
    %broadcast_in_dim3A_405 = vector.broadcast %broadcast_in_dim3A_404 : vector<1x512xf32> to vector<128x512xf32>
    %select_n3A_406 = arith.select %ge3A_398, %broadcast_in_dim3A_405, %select_n3A_394 : vector<128x512xi1>, vector<128x512xf32>
    %slice3A_407 = vector.extract_strided_slice %mul3A_23 {offsets = [31, 0], sizes = [1, 512], strides = [1, 1]} : vector<64x512xf32> to vector<1x512xf32>
    %ge3A_408 = vector.broadcast %mul3A_46 : vector<128x1xf32> to vector<128x512xf32>
    %ge3A_409 = vector.broadcast %slice3A_407 : vector<1x512xf32> to vector<128x512xf32>
    %ge3A_410 = arith.cmpf oge, %ge3A_408, %ge3A_409 : vector<128x512xf32>
    %slice3A_411 = vector.extract_strided_slice %sub3A_42 {offsets = [31, 0], sizes = [1, 512], strides = [1, 1]} : vector<64x512xf32> to vector<1x512xf32>
    %broadcast_in_dim3A_412 = vector.shape_cast %slice3A_411 : vector<1x512xf32> to vector<1x512xf32>
    %broadcast_in_dim3A_413 = vector.broadcast %broadcast_in_dim3A_412 : vector<1x512xf32> to vector<128x512xf32>
    %select_n3A_414 = arith.select %ge3A_410, %broadcast_in_dim3A_413, %select_n3A_402 : vector<128x512xi1>, vector<128x512xf32>
    %slice3A_415 = vector.extract_strided_slice %div3A_40 {offsets = [31, 0], sizes = [1, 512], strides = [1, 1]} : vector<64x512xf32> to vector<1x512xf32>
    %broadcast_in_dim3A_416 = vector.shape_cast %slice3A_415 : vector<1x512xf32> to vector<1x512xf32>
    %broadcast_in_dim3A_417 = vector.broadcast %broadcast_in_dim3A_416 : vector<1x512xf32> to vector<128x512xf32>
    %select_n3A_418 = arith.select %ge3A_410, %broadcast_in_dim3A_417, %select_n3A_406 : vector<128x512xi1>, vector<128x512xf32>
    %slice3A_419 = vector.extract_strided_slice %sub3A_42 {offsets = [32, 0], sizes = [1, 512], strides = [1, 1]} : vector<64x512xf32> to vector<1x512xf32>
    %broadcast_in_dim3A_420 = vector.shape_cast %slice3A_419 : vector<1x512xf32> to vector<1x512xf32>
    %broadcast_in_dim3A_421 = vector.broadcast %broadcast_in_dim3A_420 : vector<1x512xf32> to vector<128x512xf32>
    %slice3A_422 = vector.extract_strided_slice %div3A_40 {offsets = [32, 0], sizes = [1, 512], strides = [1, 1]} : vector<64x512xf32> to vector<1x512xf32>
    %broadcast_in_dim3A_423 = vector.shape_cast %slice3A_422 : vector<1x512xf32> to vector<1x512xf32>
    %broadcast_in_dim3A_424 = vector.broadcast %broadcast_in_dim3A_423 : vector<1x512xf32> to vector<128x512xf32>
    %slice3A_425 = vector.extract_strided_slice %mul3A_23 {offsets = [33, 0], sizes = [1, 512], strides = [1, 1]} : vector<64x512xf32> to vector<1x512xf32>
    %ge3A_426 = vector.broadcast %mul3A_46 : vector<128x1xf32> to vector<128x512xf32>
    %ge3A_427 = vector.broadcast %slice3A_425 : vector<1x512xf32> to vector<128x512xf32>
    %ge3A_428 = arith.cmpf oge, %ge3A_426, %ge3A_427 : vector<128x512xf32>
    %slice3A_429 = vector.extract_strided_slice %sub3A_42 {offsets = [33, 0], sizes = [1, 512], strides = [1, 1]} : vector<64x512xf32> to vector<1x512xf32>
    %broadcast_in_dim3A_430 = vector.shape_cast %slice3A_429 : vector<1x512xf32> to vector<1x512xf32>
    %broadcast_in_dim3A_431 = vector.broadcast %broadcast_in_dim3A_430 : vector<1x512xf32> to vector<128x512xf32>
    %select_n3A_432 = arith.select %ge3A_428, %broadcast_in_dim3A_431, %broadcast_in_dim3A_421 : vector<128x512xi1>, vector<128x512xf32>
    %slice3A_433 = vector.extract_strided_slice %div3A_40 {offsets = [33, 0], sizes = [1, 512], strides = [1, 1]} : vector<64x512xf32> to vector<1x512xf32>
    %broadcast_in_dim3A_434 = vector.shape_cast %slice3A_433 : vector<1x512xf32> to vector<1x512xf32>
    %broadcast_in_dim3A_435 = vector.broadcast %broadcast_in_dim3A_434 : vector<1x512xf32> to vector<128x512xf32>
    %select_n3A_436 = arith.select %ge3A_428, %broadcast_in_dim3A_435, %broadcast_in_dim3A_424 : vector<128x512xi1>, vector<128x512xf32>
    %slice3A_437 = vector.extract_strided_slice %mul3A_23 {offsets = [34, 0], sizes = [1, 512], strides = [1, 1]} : vector<64x512xf32> to vector<1x512xf32>
    %ge3A_438 = vector.broadcast %mul3A_46 : vector<128x1xf32> to vector<128x512xf32>
    %ge3A_439 = vector.broadcast %slice3A_437 : vector<1x512xf32> to vector<128x512xf32>
    %ge3A_440 = arith.cmpf oge, %ge3A_438, %ge3A_439 : vector<128x512xf32>
    %slice3A_441 = vector.extract_strided_slice %sub3A_42 {offsets = [34, 0], sizes = [1, 512], strides = [1, 1]} : vector<64x512xf32> to vector<1x512xf32>
    %broadcast_in_dim3A_442 = vector.shape_cast %slice3A_441 : vector<1x512xf32> to vector<1x512xf32>
    %broadcast_in_dim3A_443 = vector.broadcast %broadcast_in_dim3A_442 : vector<1x512xf32> to vector<128x512xf32>
    %select_n3A_444 = arith.select %ge3A_440, %broadcast_in_dim3A_443, %select_n3A_432 : vector<128x512xi1>, vector<128x512xf32>
    %slice3A_445 = vector.extract_strided_slice %div3A_40 {offsets = [34, 0], sizes = [1, 512], strides = [1, 1]} : vector<64x512xf32> to vector<1x512xf32>
    %broadcast_in_dim3A_446 = vector.shape_cast %slice3A_445 : vector<1x512xf32> to vector<1x512xf32>
    %broadcast_in_dim3A_447 = vector.broadcast %broadcast_in_dim3A_446 : vector<1x512xf32> to vector<128x512xf32>
    %select_n3A_448 = arith.select %ge3A_440, %broadcast_in_dim3A_447, %select_n3A_436 : vector<128x512xi1>, vector<128x512xf32>
    %slice3A_449 = vector.extract_strided_slice %mul3A_23 {offsets = [35, 0], sizes = [1, 512], strides = [1, 1]} : vector<64x512xf32> to vector<1x512xf32>
    %ge3A_450 = vector.broadcast %mul3A_46 : vector<128x1xf32> to vector<128x512xf32>
    %ge3A_451 = vector.broadcast %slice3A_449 : vector<1x512xf32> to vector<128x512xf32>
    %ge3A_452 = arith.cmpf oge, %ge3A_450, %ge3A_451 : vector<128x512xf32>
    %slice3A_453 = vector.extract_strided_slice %sub3A_42 {offsets = [35, 0], sizes = [1, 512], strides = [1, 1]} : vector<64x512xf32> to vector<1x512xf32>
    %broadcast_in_dim3A_454 = vector.shape_cast %slice3A_453 : vector<1x512xf32> to vector<1x512xf32>
    %broadcast_in_dim3A_455 = vector.broadcast %broadcast_in_dim3A_454 : vector<1x512xf32> to vector<128x512xf32>
    %select_n3A_456 = arith.select %ge3A_452, %broadcast_in_dim3A_455, %select_n3A_444 : vector<128x512xi1>, vector<128x512xf32>
    %slice3A_457 = vector.extract_strided_slice %div3A_40 {offsets = [35, 0], sizes = [1, 512], strides = [1, 1]} : vector<64x512xf32> to vector<1x512xf32>
    %broadcast_in_dim3A_458 = vector.shape_cast %slice3A_457 : vector<1x512xf32> to vector<1x512xf32>
    %broadcast_in_dim3A_459 = vector.broadcast %broadcast_in_dim3A_458 : vector<1x512xf32> to vector<128x512xf32>
    %select_n3A_460 = arith.select %ge3A_452, %broadcast_in_dim3A_459, %select_n3A_448 : vector<128x512xi1>, vector<128x512xf32>
    %slice3A_461 = vector.extract_strided_slice %mul3A_23 {offsets = [36, 0], sizes = [1, 512], strides = [1, 1]} : vector<64x512xf32> to vector<1x512xf32>
    %ge3A_462 = vector.broadcast %mul3A_46 : vector<128x1xf32> to vector<128x512xf32>
    %ge3A_463 = vector.broadcast %slice3A_461 : vector<1x512xf32> to vector<128x512xf32>
    %ge3A_464 = arith.cmpf oge, %ge3A_462, %ge3A_463 : vector<128x512xf32>
    %slice3A_465 = vector.extract_strided_slice %sub3A_42 {offsets = [36, 0], sizes = [1, 512], strides = [1, 1]} : vector<64x512xf32> to vector<1x512xf32>
    %broadcast_in_dim3A_466 = vector.shape_cast %slice3A_465 : vector<1x512xf32> to vector<1x512xf32>
    %broadcast_in_dim3A_467 = vector.broadcast %broadcast_in_dim3A_466 : vector<1x512xf32> to vector<128x512xf32>
    %select_n3A_468 = arith.select %ge3A_464, %broadcast_in_dim3A_467, %select_n3A_456 : vector<128x512xi1>, vector<128x512xf32>
    %slice3A_469 = vector.extract_strided_slice %div3A_40 {offsets = [36, 0], sizes = [1, 512], strides = [1, 1]} : vector<64x512xf32> to vector<1x512xf32>
    %broadcast_in_dim3A_470 = vector.shape_cast %slice3A_469 : vector<1x512xf32> to vector<1x512xf32>
    %broadcast_in_dim3A_471 = vector.broadcast %broadcast_in_dim3A_470 : vector<1x512xf32> to vector<128x512xf32>
    %select_n3A_472 = arith.select %ge3A_464, %broadcast_in_dim3A_471, %select_n3A_460 : vector<128x512xi1>, vector<128x512xf32>
    %slice3A_473 = vector.extract_strided_slice %mul3A_23 {offsets = [37, 0], sizes = [1, 512], strides = [1, 1]} : vector<64x512xf32> to vector<1x512xf32>
    %ge3A_474 = vector.broadcast %mul3A_46 : vector<128x1xf32> to vector<128x512xf32>
    %ge3A_475 = vector.broadcast %slice3A_473 : vector<1x512xf32> to vector<128x512xf32>
    %ge3A_476 = arith.cmpf oge, %ge3A_474, %ge3A_475 : vector<128x512xf32>
    %slice3A_477 = vector.extract_strided_slice %sub3A_42 {offsets = [37, 0], sizes = [1, 512], strides = [1, 1]} : vector<64x512xf32> to vector<1x512xf32>
    %broadcast_in_dim3A_478 = vector.shape_cast %slice3A_477 : vector<1x512xf32> to vector<1x512xf32>
    %broadcast_in_dim3A_479 = vector.broadcast %broadcast_in_dim3A_478 : vector<1x512xf32> to vector<128x512xf32>
    %select_n3A_480 = arith.select %ge3A_476, %broadcast_in_dim3A_479, %select_n3A_468 : vector<128x512xi1>, vector<128x512xf32>
    %slice3A_481 = vector.extract_strided_slice %div3A_40 {offsets = [37, 0], sizes = [1, 512], strides = [1, 1]} : vector<64x512xf32> to vector<1x512xf32>
    %broadcast_in_dim3A_482 = vector.shape_cast %slice3A_481 : vector<1x512xf32> to vector<1x512xf32>
    %broadcast_in_dim3A_483 = vector.broadcast %broadcast_in_dim3A_482 : vector<1x512xf32> to vector<128x512xf32>
    %select_n3A_484 = arith.select %ge3A_476, %broadcast_in_dim3A_483, %select_n3A_472 : vector<128x512xi1>, vector<128x512xf32>
    %slice3A_485 = vector.extract_strided_slice %mul3A_23 {offsets = [38, 0], sizes = [1, 512], strides = [1, 1]} : vector<64x512xf32> to vector<1x512xf32>
    %ge3A_486 = vector.broadcast %mul3A_46 : vector<128x1xf32> to vector<128x512xf32>
    %ge3A_487 = vector.broadcast %slice3A_485 : vector<1x512xf32> to vector<128x512xf32>
    %ge3A_488 = arith.cmpf oge, %ge3A_486, %ge3A_487 : vector<128x512xf32>
    %slice3A_489 = vector.extract_strided_slice %sub3A_42 {offsets = [38, 0], sizes = [1, 512], strides = [1, 1]} : vector<64x512xf32> to vector<1x512xf32>
    %broadcast_in_dim3A_490 = vector.shape_cast %slice3A_489 : vector<1x512xf32> to vector<1x512xf32>
    %broadcast_in_dim3A_491 = vector.broadcast %broadcast_in_dim3A_490 : vector<1x512xf32> to vector<128x512xf32>
    %select_n3A_492 = arith.select %ge3A_488, %broadcast_in_dim3A_491, %select_n3A_480 : vector<128x512xi1>, vector<128x512xf32>
    %slice3A_493 = vector.extract_strided_slice %div3A_40 {offsets = [38, 0], sizes = [1, 512], strides = [1, 1]} : vector<64x512xf32> to vector<1x512xf32>
    %broadcast_in_dim3A_494 = vector.shape_cast %slice3A_493 : vector<1x512xf32> to vector<1x512xf32>
    %broadcast_in_dim3A_495 = vector.broadcast %broadcast_in_dim3A_494 : vector<1x512xf32> to vector<128x512xf32>
    %select_n3A_496 = arith.select %ge3A_488, %broadcast_in_dim3A_495, %select_n3A_484 : vector<128x512xi1>, vector<128x512xf32>
    %slice3A_497 = vector.extract_strided_slice %mul3A_23 {offsets = [39, 0], sizes = [1, 512], strides = [1, 1]} : vector<64x512xf32> to vector<1x512xf32>
    %ge3A_498 = vector.broadcast %mul3A_46 : vector<128x1xf32> to vector<128x512xf32>
    %ge3A_499 = vector.broadcast %slice3A_497 : vector<1x512xf32> to vector<128x512xf32>
    %ge3A_500 = arith.cmpf oge, %ge3A_498, %ge3A_499 : vector<128x512xf32>
    %slice3A_501 = vector.extract_strided_slice %sub3A_42 {offsets = [39, 0], sizes = [1, 512], strides = [1, 1]} : vector<64x512xf32> to vector<1x512xf32>
    %broadcast_in_dim3A_502 = vector.shape_cast %slice3A_501 : vector<1x512xf32> to vector<1x512xf32>
    %broadcast_in_dim3A_503 = vector.broadcast %broadcast_in_dim3A_502 : vector<1x512xf32> to vector<128x512xf32>
    %select_n3A_504 = arith.select %ge3A_500, %broadcast_in_dim3A_503, %select_n3A_492 : vector<128x512xi1>, vector<128x512xf32>
    %slice3A_505 = vector.extract_strided_slice %div3A_40 {offsets = [39, 0], sizes = [1, 512], strides = [1, 1]} : vector<64x512xf32> to vector<1x512xf32>
    %broadcast_in_dim3A_506 = vector.shape_cast %slice3A_505 : vector<1x512xf32> to vector<1x512xf32>
    %broadcast_in_dim3A_507 = vector.broadcast %broadcast_in_dim3A_506 : vector<1x512xf32> to vector<128x512xf32>
    %select_n3A_508 = arith.select %ge3A_500, %broadcast_in_dim3A_507, %select_n3A_496 : vector<128x512xi1>, vector<128x512xf32>
    %slice3A_509 = vector.extract_strided_slice %mul3A_23 {offsets = [40, 0], sizes = [1, 512], strides = [1, 1]} : vector<64x512xf32> to vector<1x512xf32>
    %ge3A_510 = vector.broadcast %mul3A_46 : vector<128x1xf32> to vector<128x512xf32>
    %ge3A_511 = vector.broadcast %slice3A_509 : vector<1x512xf32> to vector<128x512xf32>
    %ge3A_512 = arith.cmpf oge, %ge3A_510, %ge3A_511 : vector<128x512xf32>
    %slice3A_513 = vector.extract_strided_slice %sub3A_42 {offsets = [40, 0], sizes = [1, 512], strides = [1, 1]} : vector<64x512xf32> to vector<1x512xf32>
    %broadcast_in_dim3A_514 = vector.shape_cast %slice3A_513 : vector<1x512xf32> to vector<1x512xf32>
    %broadcast_in_dim3A_515 = vector.broadcast %broadcast_in_dim3A_514 : vector<1x512xf32> to vector<128x512xf32>
    %select_n3A_516 = arith.select %ge3A_512, %broadcast_in_dim3A_515, %select_n3A_504 : vector<128x512xi1>, vector<128x512xf32>
    %slice3A_517 = vector.extract_strided_slice %div3A_40 {offsets = [40, 0], sizes = [1, 512], strides = [1, 1]} : vector<64x512xf32> to vector<1x512xf32>
    %broadcast_in_dim3A_518 = vector.shape_cast %slice3A_517 : vector<1x512xf32> to vector<1x512xf32>
    %broadcast_in_dim3A_519 = vector.broadcast %broadcast_in_dim3A_518 : vector<1x512xf32> to vector<128x512xf32>
    %select_n3A_520 = arith.select %ge3A_512, %broadcast_in_dim3A_519, %select_n3A_508 : vector<128x512xi1>, vector<128x512xf32>
    %slice3A_521 = vector.extract_strided_slice %mul3A_23 {offsets = [41, 0], sizes = [1, 512], strides = [1, 1]} : vector<64x512xf32> to vector<1x512xf32>
    %ge3A_522 = vector.broadcast %mul3A_46 : vector<128x1xf32> to vector<128x512xf32>
    %ge3A_523 = vector.broadcast %slice3A_521 : vector<1x512xf32> to vector<128x512xf32>
    %ge3A_524 = arith.cmpf oge, %ge3A_522, %ge3A_523 : vector<128x512xf32>
    %slice3A_525 = vector.extract_strided_slice %sub3A_42 {offsets = [41, 0], sizes = [1, 512], strides = [1, 1]} : vector<64x512xf32> to vector<1x512xf32>
    %broadcast_in_dim3A_526 = vector.shape_cast %slice3A_525 : vector<1x512xf32> to vector<1x512xf32>
    %broadcast_in_dim3A_527 = vector.broadcast %broadcast_in_dim3A_526 : vector<1x512xf32> to vector<128x512xf32>
    %select_n3A_528 = arith.select %ge3A_524, %broadcast_in_dim3A_527, %select_n3A_516 : vector<128x512xi1>, vector<128x512xf32>
    %slice3A_529 = vector.extract_strided_slice %div3A_40 {offsets = [41, 0], sizes = [1, 512], strides = [1, 1]} : vector<64x512xf32> to vector<1x512xf32>
    %broadcast_in_dim3A_530 = vector.shape_cast %slice3A_529 : vector<1x512xf32> to vector<1x512xf32>
    %broadcast_in_dim3A_531 = vector.broadcast %broadcast_in_dim3A_530 : vector<1x512xf32> to vector<128x512xf32>
    %select_n3A_532 = arith.select %ge3A_524, %broadcast_in_dim3A_531, %select_n3A_520 : vector<128x512xi1>, vector<128x512xf32>
    %slice3A_533 = vector.extract_strided_slice %mul3A_23 {offsets = [42, 0], sizes = [1, 512], strides = [1, 1]} : vector<64x512xf32> to vector<1x512xf32>
    %ge3A_534 = vector.broadcast %mul3A_46 : vector<128x1xf32> to vector<128x512xf32>
    %ge3A_535 = vector.broadcast %slice3A_533 : vector<1x512xf32> to vector<128x512xf32>
    %ge3A_536 = arith.cmpf oge, %ge3A_534, %ge3A_535 : vector<128x512xf32>
    %slice3A_537 = vector.extract_strided_slice %sub3A_42 {offsets = [42, 0], sizes = [1, 512], strides = [1, 1]} : vector<64x512xf32> to vector<1x512xf32>
    %broadcast_in_dim3A_538 = vector.shape_cast %slice3A_537 : vector<1x512xf32> to vector<1x512xf32>
    %broadcast_in_dim3A_539 = vector.broadcast %broadcast_in_dim3A_538 : vector<1x512xf32> to vector<128x512xf32>
    %select_n3A_540 = arith.select %ge3A_536, %broadcast_in_dim3A_539, %select_n3A_528 : vector<128x512xi1>, vector<128x512xf32>
    %slice3A_541 = vector.extract_strided_slice %div3A_40 {offsets = [42, 0], sizes = [1, 512], strides = [1, 1]} : vector<64x512xf32> to vector<1x512xf32>
    %broadcast_in_dim3A_542 = vector.shape_cast %slice3A_541 : vector<1x512xf32> to vector<1x512xf32>
    %broadcast_in_dim3A_543 = vector.broadcast %broadcast_in_dim3A_542 : vector<1x512xf32> to vector<128x512xf32>
    %select_n3A_544 = arith.select %ge3A_536, %broadcast_in_dim3A_543, %select_n3A_532 : vector<128x512xi1>, vector<128x512xf32>
    %slice3A_545 = vector.extract_strided_slice %mul3A_23 {offsets = [43, 0], sizes = [1, 512], strides = [1, 1]} : vector<64x512xf32> to vector<1x512xf32>
    %ge3A_546 = vector.broadcast %mul3A_46 : vector<128x1xf32> to vector<128x512xf32>
    %ge3A_547 = vector.broadcast %slice3A_545 : vector<1x512xf32> to vector<128x512xf32>
    %ge3A_548 = arith.cmpf oge, %ge3A_546, %ge3A_547 : vector<128x512xf32>
    %slice3A_549 = vector.extract_strided_slice %sub3A_42 {offsets = [43, 0], sizes = [1, 512], strides = [1, 1]} : vector<64x512xf32> to vector<1x512xf32>
    %broadcast_in_dim3A_550 = vector.shape_cast %slice3A_549 : vector<1x512xf32> to vector<1x512xf32>
    %broadcast_in_dim3A_551 = vector.broadcast %broadcast_in_dim3A_550 : vector<1x512xf32> to vector<128x512xf32>
    %select_n3A_552 = arith.select %ge3A_548, %broadcast_in_dim3A_551, %select_n3A_540 : vector<128x512xi1>, vector<128x512xf32>
    %slice3A_553 = vector.extract_strided_slice %div3A_40 {offsets = [43, 0], sizes = [1, 512], strides = [1, 1]} : vector<64x512xf32> to vector<1x512xf32>
    %broadcast_in_dim3A_554 = vector.shape_cast %slice3A_553 : vector<1x512xf32> to vector<1x512xf32>
    %broadcast_in_dim3A_555 = vector.broadcast %broadcast_in_dim3A_554 : vector<1x512xf32> to vector<128x512xf32>
    %select_n3A_556 = arith.select %ge3A_548, %broadcast_in_dim3A_555, %select_n3A_544 : vector<128x512xi1>, vector<128x512xf32>
    %slice3A_557 = vector.extract_strided_slice %mul3A_23 {offsets = [44, 0], sizes = [1, 512], strides = [1, 1]} : vector<64x512xf32> to vector<1x512xf32>
    %ge3A_558 = vector.broadcast %mul3A_46 : vector<128x1xf32> to vector<128x512xf32>
    %ge3A_559 = vector.broadcast %slice3A_557 : vector<1x512xf32> to vector<128x512xf32>
    %ge3A_560 = arith.cmpf oge, %ge3A_558, %ge3A_559 : vector<128x512xf32>
    %slice3A_561 = vector.extract_strided_slice %sub3A_42 {offsets = [44, 0], sizes = [1, 512], strides = [1, 1]} : vector<64x512xf32> to vector<1x512xf32>
    %broadcast_in_dim3A_562 = vector.shape_cast %slice3A_561 : vector<1x512xf32> to vector<1x512xf32>
    %broadcast_in_dim3A_563 = vector.broadcast %broadcast_in_dim3A_562 : vector<1x512xf32> to vector<128x512xf32>
    %select_n3A_564 = arith.select %ge3A_560, %broadcast_in_dim3A_563, %select_n3A_552 : vector<128x512xi1>, vector<128x512xf32>
    %slice3A_565 = vector.extract_strided_slice %div3A_40 {offsets = [44, 0], sizes = [1, 512], strides = [1, 1]} : vector<64x512xf32> to vector<1x512xf32>
    %broadcast_in_dim3A_566 = vector.shape_cast %slice3A_565 : vector<1x512xf32> to vector<1x512xf32>
    %broadcast_in_dim3A_567 = vector.broadcast %broadcast_in_dim3A_566 : vector<1x512xf32> to vector<128x512xf32>
    %select_n3A_568 = arith.select %ge3A_560, %broadcast_in_dim3A_567, %select_n3A_556 : vector<128x512xi1>, vector<128x512xf32>
    %slice3A_569 = vector.extract_strided_slice %mul3A_23 {offsets = [45, 0], sizes = [1, 512], strides = [1, 1]} : vector<64x512xf32> to vector<1x512xf32>
    %ge3A_570 = vector.broadcast %mul3A_46 : vector<128x1xf32> to vector<128x512xf32>
    %ge3A_571 = vector.broadcast %slice3A_569 : vector<1x512xf32> to vector<128x512xf32>
    %ge3A_572 = arith.cmpf oge, %ge3A_570, %ge3A_571 : vector<128x512xf32>
    %slice3A_573 = vector.extract_strided_slice %sub3A_42 {offsets = [45, 0], sizes = [1, 512], strides = [1, 1]} : vector<64x512xf32> to vector<1x512xf32>
    %broadcast_in_dim3A_574 = vector.shape_cast %slice3A_573 : vector<1x512xf32> to vector<1x512xf32>
    %broadcast_in_dim3A_575 = vector.broadcast %broadcast_in_dim3A_574 : vector<1x512xf32> to vector<128x512xf32>
    %select_n3A_576 = arith.select %ge3A_572, %broadcast_in_dim3A_575, %select_n3A_564 : vector<128x512xi1>, vector<128x512xf32>
    %slice3A_577 = vector.extract_strided_slice %div3A_40 {offsets = [45, 0], sizes = [1, 512], strides = [1, 1]} : vector<64x512xf32> to vector<1x512xf32>
    %broadcast_in_dim3A_578 = vector.shape_cast %slice3A_577 : vector<1x512xf32> to vector<1x512xf32>
    %broadcast_in_dim3A_579 = vector.broadcast %broadcast_in_dim3A_578 : vector<1x512xf32> to vector<128x512xf32>
    %select_n3A_580 = arith.select %ge3A_572, %broadcast_in_dim3A_579, %select_n3A_568 : vector<128x512xi1>, vector<128x512xf32>
    %slice3A_581 = vector.extract_strided_slice %mul3A_23 {offsets = [46, 0], sizes = [1, 512], strides = [1, 1]} : vector<64x512xf32> to vector<1x512xf32>
    %ge3A_582 = vector.broadcast %mul3A_46 : vector<128x1xf32> to vector<128x512xf32>
    %ge3A_583 = vector.broadcast %slice3A_581 : vector<1x512xf32> to vector<128x512xf32>
    %ge3A_584 = arith.cmpf oge, %ge3A_582, %ge3A_583 : vector<128x512xf32>
    %slice3A_585 = vector.extract_strided_slice %sub3A_42 {offsets = [46, 0], sizes = [1, 512], strides = [1, 1]} : vector<64x512xf32> to vector<1x512xf32>
    %broadcast_in_dim3A_586 = vector.shape_cast %slice3A_585 : vector<1x512xf32> to vector<1x512xf32>
    %broadcast_in_dim3A_587 = vector.broadcast %broadcast_in_dim3A_586 : vector<1x512xf32> to vector<128x512xf32>
    %select_n3A_588 = arith.select %ge3A_584, %broadcast_in_dim3A_587, %select_n3A_576 : vector<128x512xi1>, vector<128x512xf32>
    %slice3A_589 = vector.extract_strided_slice %div3A_40 {offsets = [46, 0], sizes = [1, 512], strides = [1, 1]} : vector<64x512xf32> to vector<1x512xf32>
    %broadcast_in_dim3A_590 = vector.shape_cast %slice3A_589 : vector<1x512xf32> to vector<1x512xf32>
    %broadcast_in_dim3A_591 = vector.broadcast %broadcast_in_dim3A_590 : vector<1x512xf32> to vector<128x512xf32>
    %select_n3A_592 = arith.select %ge3A_584, %broadcast_in_dim3A_591, %select_n3A_580 : vector<128x512xi1>, vector<128x512xf32>
    %slice3A_593 = vector.extract_strided_slice %mul3A_23 {offsets = [47, 0], sizes = [1, 512], strides = [1, 1]} : vector<64x512xf32> to vector<1x512xf32>
    %ge3A_594 = vector.broadcast %mul3A_46 : vector<128x1xf32> to vector<128x512xf32>
    %ge3A_595 = vector.broadcast %slice3A_593 : vector<1x512xf32> to vector<128x512xf32>
    %ge3A_596 = arith.cmpf oge, %ge3A_594, %ge3A_595 : vector<128x512xf32>
    %slice3A_597 = vector.extract_strided_slice %sub3A_42 {offsets = [47, 0], sizes = [1, 512], strides = [1, 1]} : vector<64x512xf32> to vector<1x512xf32>
    %broadcast_in_dim3A_598 = vector.shape_cast %slice3A_597 : vector<1x512xf32> to vector<1x512xf32>
    %broadcast_in_dim3A_599 = vector.broadcast %broadcast_in_dim3A_598 : vector<1x512xf32> to vector<128x512xf32>
    %select_n3A_600 = arith.select %ge3A_596, %broadcast_in_dim3A_599, %select_n3A_588 : vector<128x512xi1>, vector<128x512xf32>
    %slice3A_601 = vector.extract_strided_slice %div3A_40 {offsets = [47, 0], sizes = [1, 512], strides = [1, 1]} : vector<64x512xf32> to vector<1x512xf32>
    %broadcast_in_dim3A_602 = vector.shape_cast %slice3A_601 : vector<1x512xf32> to vector<1x512xf32>
    %broadcast_in_dim3A_603 = vector.broadcast %broadcast_in_dim3A_602 : vector<1x512xf32> to vector<128x512xf32>
    %select_n3A_604 = arith.select %ge3A_596, %broadcast_in_dim3A_603, %select_n3A_592 : vector<128x512xi1>, vector<128x512xf32>
    %slice3A_605 = vector.extract_strided_slice %sub3A_42 {offsets = [48, 0], sizes = [1, 512], strides = [1, 1]} : vector<64x512xf32> to vector<1x512xf32>
    %broadcast_in_dim3A_606 = vector.shape_cast %slice3A_605 : vector<1x512xf32> to vector<1x512xf32>
    %broadcast_in_dim3A_607 = vector.broadcast %broadcast_in_dim3A_606 : vector<1x512xf32> to vector<128x512xf32>
    %slice3A_608 = vector.extract_strided_slice %div3A_40 {offsets = [48, 0], sizes = [1, 512], strides = [1, 1]} : vector<64x512xf32> to vector<1x512xf32>
    %broadcast_in_dim3A_609 = vector.shape_cast %slice3A_608 : vector<1x512xf32> to vector<1x512xf32>
    %broadcast_in_dim3A_610 = vector.broadcast %broadcast_in_dim3A_609 : vector<1x512xf32> to vector<128x512xf32>
    %slice3A_611 = vector.extract_strided_slice %mul3A_23 {offsets = [49, 0], sizes = [1, 512], strides = [1, 1]} : vector<64x512xf32> to vector<1x512xf32>
    %ge3A_612 = vector.broadcast %mul3A_46 : vector<128x1xf32> to vector<128x512xf32>
    %ge3A_613 = vector.broadcast %slice3A_611 : vector<1x512xf32> to vector<128x512xf32>
    %ge3A_614 = arith.cmpf oge, %ge3A_612, %ge3A_613 : vector<128x512xf32>
    %slice3A_615 = vector.extract_strided_slice %sub3A_42 {offsets = [49, 0], sizes = [1, 512], strides = [1, 1]} : vector<64x512xf32> to vector<1x512xf32>
    %broadcast_in_dim3A_616 = vector.shape_cast %slice3A_615 : vector<1x512xf32> to vector<1x512xf32>
    %broadcast_in_dim3A_617 = vector.broadcast %broadcast_in_dim3A_616 : vector<1x512xf32> to vector<128x512xf32>
    %select_n3A_618 = arith.select %ge3A_614, %broadcast_in_dim3A_617, %broadcast_in_dim3A_607 : vector<128x512xi1>, vector<128x512xf32>
    %slice3A_619 = vector.extract_strided_slice %div3A_40 {offsets = [49, 0], sizes = [1, 512], strides = [1, 1]} : vector<64x512xf32> to vector<1x512xf32>
    %broadcast_in_dim3A_620 = vector.shape_cast %slice3A_619 : vector<1x512xf32> to vector<1x512xf32>
    %broadcast_in_dim3A_621 = vector.broadcast %broadcast_in_dim3A_620 : vector<1x512xf32> to vector<128x512xf32>
    %select_n3A_622 = arith.select %ge3A_614, %broadcast_in_dim3A_621, %broadcast_in_dim3A_610 : vector<128x512xi1>, vector<128x512xf32>
    %slice3A_623 = vector.extract_strided_slice %mul3A_23 {offsets = [50, 0], sizes = [1, 512], strides = [1, 1]} : vector<64x512xf32> to vector<1x512xf32>
    %ge3A_624 = vector.broadcast %mul3A_46 : vector<128x1xf32> to vector<128x512xf32>
    %ge3A_625 = vector.broadcast %slice3A_623 : vector<1x512xf32> to vector<128x512xf32>
    %ge3A_626 = arith.cmpf oge, %ge3A_624, %ge3A_625 : vector<128x512xf32>
    %slice3A_627 = vector.extract_strided_slice %sub3A_42 {offsets = [50, 0], sizes = [1, 512], strides = [1, 1]} : vector<64x512xf32> to vector<1x512xf32>
    %broadcast_in_dim3A_628 = vector.shape_cast %slice3A_627 : vector<1x512xf32> to vector<1x512xf32>
    %broadcast_in_dim3A_629 = vector.broadcast %broadcast_in_dim3A_628 : vector<1x512xf32> to vector<128x512xf32>
    %select_n3A_630 = arith.select %ge3A_626, %broadcast_in_dim3A_629, %select_n3A_618 : vector<128x512xi1>, vector<128x512xf32>
    %slice3A_631 = vector.extract_strided_slice %div3A_40 {offsets = [50, 0], sizes = [1, 512], strides = [1, 1]} : vector<64x512xf32> to vector<1x512xf32>
    %broadcast_in_dim3A_632 = vector.shape_cast %slice3A_631 : vector<1x512xf32> to vector<1x512xf32>
    %broadcast_in_dim3A_633 = vector.broadcast %broadcast_in_dim3A_632 : vector<1x512xf32> to vector<128x512xf32>
    %select_n3A_634 = arith.select %ge3A_626, %broadcast_in_dim3A_633, %select_n3A_622 : vector<128x512xi1>, vector<128x512xf32>
    %slice3A_635 = vector.extract_strided_slice %mul3A_23 {offsets = [51, 0], sizes = [1, 512], strides = [1, 1]} : vector<64x512xf32> to vector<1x512xf32>
    %ge3A_636 = vector.broadcast %mul3A_46 : vector<128x1xf32> to vector<128x512xf32>
    %ge3A_637 = vector.broadcast %slice3A_635 : vector<1x512xf32> to vector<128x512xf32>
    %ge3A_638 = arith.cmpf oge, %ge3A_636, %ge3A_637 : vector<128x512xf32>
    %slice3A_639 = vector.extract_strided_slice %sub3A_42 {offsets = [51, 0], sizes = [1, 512], strides = [1, 1]} : vector<64x512xf32> to vector<1x512xf32>
    %broadcast_in_dim3A_640 = vector.shape_cast %slice3A_639 : vector<1x512xf32> to vector<1x512xf32>
    %broadcast_in_dim3A_641 = vector.broadcast %broadcast_in_dim3A_640 : vector<1x512xf32> to vector<128x512xf32>
    %select_n3A_642 = arith.select %ge3A_638, %broadcast_in_dim3A_641, %select_n3A_630 : vector<128x512xi1>, vector<128x512xf32>
    %slice3A_643 = vector.extract_strided_slice %div3A_40 {offsets = [51, 0], sizes = [1, 512], strides = [1, 1]} : vector<64x512xf32> to vector<1x512xf32>
    %broadcast_in_dim3A_644 = vector.shape_cast %slice3A_643 : vector<1x512xf32> to vector<1x512xf32>
    %broadcast_in_dim3A_645 = vector.broadcast %broadcast_in_dim3A_644 : vector<1x512xf32> to vector<128x512xf32>
    %select_n3A_646 = arith.select %ge3A_638, %broadcast_in_dim3A_645, %select_n3A_634 : vector<128x512xi1>, vector<128x512xf32>
    %slice3A_647 = vector.extract_strided_slice %mul3A_23 {offsets = [52, 0], sizes = [1, 512], strides = [1, 1]} : vector<64x512xf32> to vector<1x512xf32>
    %ge3A_648 = vector.broadcast %mul3A_46 : vector<128x1xf32> to vector<128x512xf32>
    %ge3A_649 = vector.broadcast %slice3A_647 : vector<1x512xf32> to vector<128x512xf32>
    %ge3A_650 = arith.cmpf oge, %ge3A_648, %ge3A_649 : vector<128x512xf32>
    %slice3A_651 = vector.extract_strided_slice %sub3A_42 {offsets = [52, 0], sizes = [1, 512], strides = [1, 1]} : vector<64x512xf32> to vector<1x512xf32>
    %broadcast_in_dim3A_652 = vector.shape_cast %slice3A_651 : vector<1x512xf32> to vector<1x512xf32>
    %broadcast_in_dim3A_653 = vector.broadcast %broadcast_in_dim3A_652 : vector<1x512xf32> to vector<128x512xf32>
    %select_n3A_654 = arith.select %ge3A_650, %broadcast_in_dim3A_653, %select_n3A_642 : vector<128x512xi1>, vector<128x512xf32>
    %slice3A_655 = vector.extract_strided_slice %div3A_40 {offsets = [52, 0], sizes = [1, 512], strides = [1, 1]} : vector<64x512xf32> to vector<1x512xf32>
    %broadcast_in_dim3A_656 = vector.shape_cast %slice3A_655 : vector<1x512xf32> to vector<1x512xf32>
    %broadcast_in_dim3A_657 = vector.broadcast %broadcast_in_dim3A_656 : vector<1x512xf32> to vector<128x512xf32>
    %select_n3A_658 = arith.select %ge3A_650, %broadcast_in_dim3A_657, %select_n3A_646 : vector<128x512xi1>, vector<128x512xf32>
    %slice3A_659 = vector.extract_strided_slice %mul3A_23 {offsets = [53, 0], sizes = [1, 512], strides = [1, 1]} : vector<64x512xf32> to vector<1x512xf32>
    %ge3A_660 = vector.broadcast %mul3A_46 : vector<128x1xf32> to vector<128x512xf32>
    %ge3A_661 = vector.broadcast %slice3A_659 : vector<1x512xf32> to vector<128x512xf32>
    %ge3A_662 = arith.cmpf oge, %ge3A_660, %ge3A_661 : vector<128x512xf32>
    %slice3A_663 = vector.extract_strided_slice %sub3A_42 {offsets = [53, 0], sizes = [1, 512], strides = [1, 1]} : vector<64x512xf32> to vector<1x512xf32>
    %broadcast_in_dim3A_664 = vector.shape_cast %slice3A_663 : vector<1x512xf32> to vector<1x512xf32>
    %broadcast_in_dim3A_665 = vector.broadcast %broadcast_in_dim3A_664 : vector<1x512xf32> to vector<128x512xf32>
    %select_n3A_666 = arith.select %ge3A_662, %broadcast_in_dim3A_665, %select_n3A_654 : vector<128x512xi1>, vector<128x512xf32>
    %slice3A_667 = vector.extract_strided_slice %div3A_40 {offsets = [53, 0], sizes = [1, 512], strides = [1, 1]} : vector<64x512xf32> to vector<1x512xf32>
    %broadcast_in_dim3A_668 = vector.shape_cast %slice3A_667 : vector<1x512xf32> to vector<1x512xf32>
    %broadcast_in_dim3A_669 = vector.broadcast %broadcast_in_dim3A_668 : vector<1x512xf32> to vector<128x512xf32>
    %select_n3A_670 = arith.select %ge3A_662, %broadcast_in_dim3A_669, %select_n3A_658 : vector<128x512xi1>, vector<128x512xf32>
    %slice3A_671 = vector.extract_strided_slice %mul3A_23 {offsets = [54, 0], sizes = [1, 512], strides = [1, 1]} : vector<64x512xf32> to vector<1x512xf32>
    %ge3A_672 = vector.broadcast %mul3A_46 : vector<128x1xf32> to vector<128x512xf32>
    %ge3A_673 = vector.broadcast %slice3A_671 : vector<1x512xf32> to vector<128x512xf32>
    %ge3A_674 = arith.cmpf oge, %ge3A_672, %ge3A_673 : vector<128x512xf32>
    %slice3A_675 = vector.extract_strided_slice %sub3A_42 {offsets = [54, 0], sizes = [1, 512], strides = [1, 1]} : vector<64x512xf32> to vector<1x512xf32>
    %broadcast_in_dim3A_676 = vector.shape_cast %slice3A_675 : vector<1x512xf32> to vector<1x512xf32>
    %broadcast_in_dim3A_677 = vector.broadcast %broadcast_in_dim3A_676 : vector<1x512xf32> to vector<128x512xf32>
    %select_n3A_678 = arith.select %ge3A_674, %broadcast_in_dim3A_677, %select_n3A_666 : vector<128x512xi1>, vector<128x512xf32>
    %slice3A_679 = vector.extract_strided_slice %div3A_40 {offsets = [54, 0], sizes = [1, 512], strides = [1, 1]} : vector<64x512xf32> to vector<1x512xf32>
    %broadcast_in_dim3A_680 = vector.shape_cast %slice3A_679 : vector<1x512xf32> to vector<1x512xf32>
    %broadcast_in_dim3A_681 = vector.broadcast %broadcast_in_dim3A_680 : vector<1x512xf32> to vector<128x512xf32>
    %select_n3A_682 = arith.select %ge3A_674, %broadcast_in_dim3A_681, %select_n3A_670 : vector<128x512xi1>, vector<128x512xf32>
    %slice3A_683 = vector.extract_strided_slice %mul3A_23 {offsets = [55, 0], sizes = [1, 512], strides = [1, 1]} : vector<64x512xf32> to vector<1x512xf32>
    %ge3A_684 = vector.broadcast %mul3A_46 : vector<128x1xf32> to vector<128x512xf32>
    %ge3A_685 = vector.broadcast %slice3A_683 : vector<1x512xf32> to vector<128x512xf32>
    %ge3A_686 = arith.cmpf oge, %ge3A_684, %ge3A_685 : vector<128x512xf32>
    %slice3A_687 = vector.extract_strided_slice %sub3A_42 {offsets = [55, 0], sizes = [1, 512], strides = [1, 1]} : vector<64x512xf32> to vector<1x512xf32>
    %broadcast_in_dim3A_688 = vector.shape_cast %slice3A_687 : vector<1x512xf32> to vector<1x512xf32>
    %broadcast_in_dim3A_689 = vector.broadcast %broadcast_in_dim3A_688 : vector<1x512xf32> to vector<128x512xf32>
    %select_n3A_690 = arith.select %ge3A_686, %broadcast_in_dim3A_689, %select_n3A_678 : vector<128x512xi1>, vector<128x512xf32>
    %slice3A_691 = vector.extract_strided_slice %div3A_40 {offsets = [55, 0], sizes = [1, 512], strides = [1, 1]} : vector<64x512xf32> to vector<1x512xf32>
    %broadcast_in_dim3A_692 = vector.shape_cast %slice3A_691 : vector<1x512xf32> to vector<1x512xf32>
    %broadcast_in_dim3A_693 = vector.broadcast %broadcast_in_dim3A_692 : vector<1x512xf32> to vector<128x512xf32>
    %select_n3A_694 = arith.select %ge3A_686, %broadcast_in_dim3A_693, %select_n3A_682 : vector<128x512xi1>, vector<128x512xf32>
    %slice3A_695 = vector.extract_strided_slice %mul3A_23 {offsets = [56, 0], sizes = [1, 512], strides = [1, 1]} : vector<64x512xf32> to vector<1x512xf32>
    %ge3A_696 = vector.broadcast %mul3A_46 : vector<128x1xf32> to vector<128x512xf32>
    %ge3A_697 = vector.broadcast %slice3A_695 : vector<1x512xf32> to vector<128x512xf32>
    %ge3A_698 = arith.cmpf oge, %ge3A_696, %ge3A_697 : vector<128x512xf32>
    %slice3A_699 = vector.extract_strided_slice %sub3A_42 {offsets = [56, 0], sizes = [1, 512], strides = [1, 1]} : vector<64x512xf32> to vector<1x512xf32>
    %broadcast_in_dim3A_700 = vector.shape_cast %slice3A_699 : vector<1x512xf32> to vector<1x512xf32>
    %broadcast_in_dim3A_701 = vector.broadcast %broadcast_in_dim3A_700 : vector<1x512xf32> to vector<128x512xf32>
    %select_n3A_702 = arith.select %ge3A_698, %broadcast_in_dim3A_701, %select_n3A_690 : vector<128x512xi1>, vector<128x512xf32>
    %slice3A_703 = vector.extract_strided_slice %div3A_40 {offsets = [56, 0], sizes = [1, 512], strides = [1, 1]} : vector<64x512xf32> to vector<1x512xf32>
    %broadcast_in_dim3A_704 = vector.shape_cast %slice3A_703 : vector<1x512xf32> to vector<1x512xf32>
    %broadcast_in_dim3A_705 = vector.broadcast %broadcast_in_dim3A_704 : vector<1x512xf32> to vector<128x512xf32>
    %select_n3A_706 = arith.select %ge3A_698, %broadcast_in_dim3A_705, %select_n3A_694 : vector<128x512xi1>, vector<128x512xf32>
    %slice3A_707 = vector.extract_strided_slice %mul3A_23 {offsets = [57, 0], sizes = [1, 512], strides = [1, 1]} : vector<64x512xf32> to vector<1x512xf32>
    %ge3A_708 = vector.broadcast %mul3A_46 : vector<128x1xf32> to vector<128x512xf32>
    %ge3A_709 = vector.broadcast %slice3A_707 : vector<1x512xf32> to vector<128x512xf32>
    %ge3A_710 = arith.cmpf oge, %ge3A_708, %ge3A_709 : vector<128x512xf32>
    %slice3A_711 = vector.extract_strided_slice %sub3A_42 {offsets = [57, 0], sizes = [1, 512], strides = [1, 1]} : vector<64x512xf32> to vector<1x512xf32>
    %broadcast_in_dim3A_712 = vector.shape_cast %slice3A_711 : vector<1x512xf32> to vector<1x512xf32>
    %broadcast_in_dim3A_713 = vector.broadcast %broadcast_in_dim3A_712 : vector<1x512xf32> to vector<128x512xf32>
    %select_n3A_714 = arith.select %ge3A_710, %broadcast_in_dim3A_713, %select_n3A_702 : vector<128x512xi1>, vector<128x512xf32>
    %slice3A_715 = vector.extract_strided_slice %div3A_40 {offsets = [57, 0], sizes = [1, 512], strides = [1, 1]} : vector<64x512xf32> to vector<1x512xf32>
    %broadcast_in_dim3A_716 = vector.shape_cast %slice3A_715 : vector<1x512xf32> to vector<1x512xf32>
    %broadcast_in_dim3A_717 = vector.broadcast %broadcast_in_dim3A_716 : vector<1x512xf32> to vector<128x512xf32>
    %select_n3A_718 = arith.select %ge3A_710, %broadcast_in_dim3A_717, %select_n3A_706 : vector<128x512xi1>, vector<128x512xf32>
    %slice3A_719 = vector.extract_strided_slice %mul3A_23 {offsets = [58, 0], sizes = [1, 512], strides = [1, 1]} : vector<64x512xf32> to vector<1x512xf32>
    %ge3A_720 = vector.broadcast %mul3A_46 : vector<128x1xf32> to vector<128x512xf32>
    %ge3A_721 = vector.broadcast %slice3A_719 : vector<1x512xf32> to vector<128x512xf32>
    %ge3A_722 = arith.cmpf oge, %ge3A_720, %ge3A_721 : vector<128x512xf32>
    %slice3A_723 = vector.extract_strided_slice %sub3A_42 {offsets = [58, 0], sizes = [1, 512], strides = [1, 1]} : vector<64x512xf32> to vector<1x512xf32>
    %broadcast_in_dim3A_724 = vector.shape_cast %slice3A_723 : vector<1x512xf32> to vector<1x512xf32>
    %broadcast_in_dim3A_725 = vector.broadcast %broadcast_in_dim3A_724 : vector<1x512xf32> to vector<128x512xf32>
    %select_n3A_726 = arith.select %ge3A_722, %broadcast_in_dim3A_725, %select_n3A_714 : vector<128x512xi1>, vector<128x512xf32>
    %slice3A_727 = vector.extract_strided_slice %div3A_40 {offsets = [58, 0], sizes = [1, 512], strides = [1, 1]} : vector<64x512xf32> to vector<1x512xf32>
    %broadcast_in_dim3A_728 = vector.shape_cast %slice3A_727 : vector<1x512xf32> to vector<1x512xf32>
    %broadcast_in_dim3A_729 = vector.broadcast %broadcast_in_dim3A_728 : vector<1x512xf32> to vector<128x512xf32>
    %select_n3A_730 = arith.select %ge3A_722, %broadcast_in_dim3A_729, %select_n3A_718 : vector<128x512xi1>, vector<128x512xf32>
    %slice3A_731 = vector.extract_strided_slice %mul3A_23 {offsets = [59, 0], sizes = [1, 512], strides = [1, 1]} : vector<64x512xf32> to vector<1x512xf32>
    %ge3A_732 = vector.broadcast %mul3A_46 : vector<128x1xf32> to vector<128x512xf32>
    %ge3A_733 = vector.broadcast %slice3A_731 : vector<1x512xf32> to vector<128x512xf32>
    %ge3A_734 = arith.cmpf oge, %ge3A_732, %ge3A_733 : vector<128x512xf32>
    %slice3A_735 = vector.extract_strided_slice %sub3A_42 {offsets = [59, 0], sizes = [1, 512], strides = [1, 1]} : vector<64x512xf32> to vector<1x512xf32>
    %broadcast_in_dim3A_736 = vector.shape_cast %slice3A_735 : vector<1x512xf32> to vector<1x512xf32>
    %broadcast_in_dim3A_737 = vector.broadcast %broadcast_in_dim3A_736 : vector<1x512xf32> to vector<128x512xf32>
    %select_n3A_738 = arith.select %ge3A_734, %broadcast_in_dim3A_737, %select_n3A_726 : vector<128x512xi1>, vector<128x512xf32>
    %slice3A_739 = vector.extract_strided_slice %div3A_40 {offsets = [59, 0], sizes = [1, 512], strides = [1, 1]} : vector<64x512xf32> to vector<1x512xf32>
    %broadcast_in_dim3A_740 = vector.shape_cast %slice3A_739 : vector<1x512xf32> to vector<1x512xf32>
    %broadcast_in_dim3A_741 = vector.broadcast %broadcast_in_dim3A_740 : vector<1x512xf32> to vector<128x512xf32>
    %select_n3A_742 = arith.select %ge3A_734, %broadcast_in_dim3A_741, %select_n3A_730 : vector<128x512xi1>, vector<128x512xf32>
    %slice3A_743 = vector.extract_strided_slice %mul3A_23 {offsets = [60, 0], sizes = [1, 512], strides = [1, 1]} : vector<64x512xf32> to vector<1x512xf32>
    %ge3A_744 = vector.broadcast %mul3A_46 : vector<128x1xf32> to vector<128x512xf32>
    %ge3A_745 = vector.broadcast %slice3A_743 : vector<1x512xf32> to vector<128x512xf32>
    %ge3A_746 = arith.cmpf oge, %ge3A_744, %ge3A_745 : vector<128x512xf32>
    %slice3A_747 = vector.extract_strided_slice %sub3A_42 {offsets = [60, 0], sizes = [1, 512], strides = [1, 1]} : vector<64x512xf32> to vector<1x512xf32>
    %broadcast_in_dim3A_748 = vector.shape_cast %slice3A_747 : vector<1x512xf32> to vector<1x512xf32>
    %broadcast_in_dim3A_749 = vector.broadcast %broadcast_in_dim3A_748 : vector<1x512xf32> to vector<128x512xf32>
    %select_n3A_750 = arith.select %ge3A_746, %broadcast_in_dim3A_749, %select_n3A_738 : vector<128x512xi1>, vector<128x512xf32>
    %slice3A_751 = vector.extract_strided_slice %div3A_40 {offsets = [60, 0], sizes = [1, 512], strides = [1, 1]} : vector<64x512xf32> to vector<1x512xf32>
    %broadcast_in_dim3A_752 = vector.shape_cast %slice3A_751 : vector<1x512xf32> to vector<1x512xf32>
    %broadcast_in_dim3A_753 = vector.broadcast %broadcast_in_dim3A_752 : vector<1x512xf32> to vector<128x512xf32>
    %select_n3A_754 = arith.select %ge3A_746, %broadcast_in_dim3A_753, %select_n3A_742 : vector<128x512xi1>, vector<128x512xf32>
    %slice3A_755 = vector.extract_strided_slice %mul3A_23 {offsets = [61, 0], sizes = [1, 512], strides = [1, 1]} : vector<64x512xf32> to vector<1x512xf32>
    %ge3A_756 = vector.broadcast %mul3A_46 : vector<128x1xf32> to vector<128x512xf32>
    %ge3A_757 = vector.broadcast %slice3A_755 : vector<1x512xf32> to vector<128x512xf32>
    %ge3A_758 = arith.cmpf oge, %ge3A_756, %ge3A_757 : vector<128x512xf32>
    %slice3A_759 = vector.extract_strided_slice %sub3A_42 {offsets = [61, 0], sizes = [1, 512], strides = [1, 1]} : vector<64x512xf32> to vector<1x512xf32>
    %broadcast_in_dim3A_760 = vector.shape_cast %slice3A_759 : vector<1x512xf32> to vector<1x512xf32>
    %broadcast_in_dim3A_761 = vector.broadcast %broadcast_in_dim3A_760 : vector<1x512xf32> to vector<128x512xf32>
    %select_n3A_762 = arith.select %ge3A_758, %broadcast_in_dim3A_761, %select_n3A_750 : vector<128x512xi1>, vector<128x512xf32>
    %slice3A_763 = vector.extract_strided_slice %div3A_40 {offsets = [61, 0], sizes = [1, 512], strides = [1, 1]} : vector<64x512xf32> to vector<1x512xf32>
    %broadcast_in_dim3A_764 = vector.shape_cast %slice3A_763 : vector<1x512xf32> to vector<1x512xf32>
    %broadcast_in_dim3A_765 = vector.broadcast %broadcast_in_dim3A_764 : vector<1x512xf32> to vector<128x512xf32>
    %select_n3A_766 = arith.select %ge3A_758, %broadcast_in_dim3A_765, %select_n3A_754 : vector<128x512xi1>, vector<128x512xf32>
    %slice3A_767 = vector.extract_strided_slice %mul3A_23 {offsets = [62, 0], sizes = [1, 512], strides = [1, 1]} : vector<64x512xf32> to vector<1x512xf32>
    %ge3A_768 = vector.broadcast %mul3A_46 : vector<128x1xf32> to vector<128x512xf32>
    %ge3A_769 = vector.broadcast %slice3A_767 : vector<1x512xf32> to vector<128x512xf32>
    %ge3A_770 = arith.cmpf oge, %ge3A_768, %ge3A_769 : vector<128x512xf32>
    %slice3A_771 = vector.extract_strided_slice %sub3A_42 {offsets = [62, 0], sizes = [1, 512], strides = [1, 1]} : vector<64x512xf32> to vector<1x512xf32>
    %broadcast_in_dim3A_772 = vector.shape_cast %slice3A_771 : vector<1x512xf32> to vector<1x512xf32>
    %broadcast_in_dim3A_773 = vector.broadcast %broadcast_in_dim3A_772 : vector<1x512xf32> to vector<128x512xf32>
    %select_n3A_774 = arith.select %ge3A_770, %broadcast_in_dim3A_773, %select_n3A_762 : vector<128x512xi1>, vector<128x512xf32>
    %slice3A_775 = vector.extract_strided_slice %div3A_40 {offsets = [62, 0], sizes = [1, 512], strides = [1, 1]} : vector<64x512xf32> to vector<1x512xf32>
    %broadcast_in_dim3A_776 = vector.shape_cast %slice3A_775 : vector<1x512xf32> to vector<1x512xf32>
    %broadcast_in_dim3A_777 = vector.broadcast %broadcast_in_dim3A_776 : vector<1x512xf32> to vector<128x512xf32>
    %select_n3A_778 = arith.select %ge3A_770, %broadcast_in_dim3A_777, %select_n3A_766 : vector<128x512xi1>, vector<128x512xf32>
    %slice3A_779 = vector.extract_strided_slice %mul3A_23 {offsets = [16, 0], sizes = [1, 512], strides = [1, 1]} : vector<64x512xf32> to vector<1x512xf32>
    %ge3A_780 = vector.broadcast %mul3A_46 : vector<128x1xf32> to vector<128x512xf32>
    %ge3A_781 = vector.broadcast %slice3A_779 : vector<1x512xf32> to vector<128x512xf32>
    %ge3A_782 = arith.cmpf oge, %ge3A_780, %ge3A_781 : vector<128x512xf32>
    %slice3A_783 = vector.extract_strided_slice %mul3A_23 {offsets = [32, 0], sizes = [1, 512], strides = [1, 1]} : vector<64x512xf32> to vector<1x512xf32>
    %ge3A_784 = vector.broadcast %mul3A_46 : vector<128x1xf32> to vector<128x512xf32>
    %ge3A_785 = vector.broadcast %slice3A_783 : vector<1x512xf32> to vector<128x512xf32>
    %ge3A_786 = arith.cmpf oge, %ge3A_784, %ge3A_785 : vector<128x512xf32>
    %slice3A_787 = vector.extract_strided_slice %mul3A_23 {offsets = [48, 0], sizes = [1, 512], strides = [1, 1]} : vector<64x512xf32> to vector<1x512xf32>
    %ge3A_788 = vector.broadcast %mul3A_46 : vector<128x1xf32> to vector<128x512xf32>
    %ge3A_789 = vector.broadcast %slice3A_787 : vector<1x512xf32> to vector<128x512xf32>
    %ge3A_790 = arith.cmpf oge, %ge3A_788, %ge3A_789 : vector<128x512xf32>
    %select_n3A_791 = arith.select %ge3A_790, %select_n3A_774, %select_n3A_600 : vector<128x512xi1>, vector<128x512xf32>
    %select_n3A_792 = arith.select %ge3A_782, %select_n3A_414, %select_n3A_228 : vector<128x512xi1>, vector<128x512xf32>
    %select_n3A_793 = arith.select %ge3A_786, %select_n3A_791, %select_n3A_792 : vector<128x512xi1>, vector<128x512xf32>
    %select_n3A_794 = arith.select %ge3A_790, %select_n3A_778, %select_n3A_604 : vector<128x512xi1>, vector<128x512xf32>
    %select_n3A_795 = arith.select %ge3A_782, %select_n3A_418, %select_n3A_232 : vector<128x512xi1>, vector<128x512xf32>
    %select_n3A_796 = arith.select %ge3A_786, %select_n3A_794, %select_n3A_795 : vector<128x512xi1>, vector<128x512xf32>
    %mul3A_797 = vector.broadcast %mul3A_46 : vector<128x1xf32> to vector<128x512xf32>
    %mul3A_798 = arith.mulf %select_n3A_796, %mul3A_797 : vector<128x512xf32>
    %add3A_799 = arith.addf %select_n3A_793, %mul3A_798 : vector<128x512xf32>
    %transpose3A = tpu.transpose %add3A_799, [1, 0] : vector<128x512xf32> -> vector<512x128xf32>
    %swap3A = arith.constant 0 : index
    %swap3A_800 = arith.constant 0 : index
    %swap3A_801 = vector.load %arg12[%swap3A, %swap3A_800] : memref<512x128xf32, #tpu.memory_space<vmem>>, vector<512x128xf32>
    tpu.vector_store %arg12[%swap3A, %swap3A_800], %transpose3A {strides = array<i32>} : memref<512x128xf32, #tpu.memory_space<vmem>>, vector<512x128xf32>,
    %iota3A_802 = tpu.iota {dimensions = array<i32: 1>} : vector<1x128xi32>
    %broadcast_in_dim3A_803 = arith.constant 3.000000e+38 : f32
    %broadcast_in_dim3A_804 = vector.broadcast %broadcast_in_dim3A_803 : f32 to vector<512x64xf32>
    %concatenate3A = tpu.concatenate %get3A_1, %broadcast_in_dim3A_804 in 1 : vector<512x64xf32>, vector<512x64xf32> -> vector<512x128xf32>
    %slice3A_805 = vector.extract_strided_slice %concatenate3A {offsets = [0, 0], sizes = [256, 128], strides = [1, 1]} : vector<512x128xf32> to vector<256x128xf32>
    %slice3A_806 = vector.extract_strided_slice %transpose3A {offsets = [0, 0], sizes = [256, 128], strides = [1, 1]} : vector<512x128xf32> to vector<256x128xf32>
    %xor3A = arith.constant 1 : i32
    %xor3A_807 = vector.broadcast %xor3A : i32 to vector<1x128xi32>
    %xor3A_808 = arith.xori %iota3A_802, %xor3A_807 : vector<1x128xi32>
    %broadcast_in_dim3A_809 = vector.shape_cast %xor3A_808 : vector<1x128xi32> to vector<1x128xi32>
    %broadcast_in_dim3A_810 = vector.broadcast %broadcast_in_dim3A_809 : vector<1x128xi32> to vector<256x128xi32>
    %and3A_811 = arith.constant 1 : i32
    %and3A_812 = vector.broadcast %and3A_811 : i32 to vector<1x128xi32>
    %and3A_813 = arith.andi %iota3A_802, %and3A_812 : vector<1x128xi32>
    %eq3A = arith.constant 0 : i32
    %eq3A_814 = vector.broadcast %eq3A : i32 to vector<1x128xi32>
    %eq3A_815 = arith.cmpi eq, %and3A_813, %eq3A_814 : vector<1x128xi32>
    %and3A_816 = arith.constant 2 : i32
    %and3A_817 = vector.broadcast %and3A_816 : i32 to vector<1x128xi32>
    %and3A_818 = arith.andi %iota3A_802, %and3A_817 : vector<1x128xi32>
    %eq3A_819 = arith.constant 0 : i32
    %eq3A_820 = vector.broadcast %eq3A_819 : i32 to vector<1x128xi32>
    %eq3A_821 = arith.cmpi eq, %and3A_818, %eq3A_820 : vector<1x128xi32>
    %eq3A_822 = arith.xori %eq3A_815, %eq3A_821 : vector<1x128xi1>
    %eq3A_823 = arith.constant dense<true> : vector<1x128xi1>
    %eq3A_824 = arith.xori %eq3A_822, %eq3A_823 : vector<1x128xi1>
    %add3A_825 = arith.constant 128 : i32
    %add3A_826 = vector.broadcast %add3A_825 : i32 to vector<1x128xi32>
    %add3A_827 = arith.addi %iota3A_802, %add3A_826 : vector<1x128xi32>
    %and3A_828 = arith.constant 2 : i32
    %and3A_829 = vector.broadcast %and3A_828 : i32 to vector<1x128xi32>
    %and3A_830 = arith.andi %add3A_827, %and3A_829 : vector<1x128xi32>
    %eq3A_831 = arith.constant 0 : i32
    %eq3A_832 = vector.broadcast %eq3A_831 : i32 to vector<1x128xi32>
    %eq3A_833 = arith.cmpi eq, %and3A_830, %eq3A_832 : vector<1x128xi32>
    %eq3A_834 = arith.xori %eq3A_815, %eq3A_833 : vector<1x128xi1>
    %eq3A_835 = arith.constant dense<true> : vector<1x128xi1>
    %eq3A_836 = arith.xori %eq3A_834, %eq3A_835 : vector<1x128xi1>
    %lt3A_837 = arith.constant 0 : i32
    %lt3A_838 = vector.broadcast %lt3A_837 : i32 to vector<256x128xi32>
    %lt3A_839 = arith.cmpi slt, %broadcast_in_dim3A_810, %lt3A_838 : vector<256x128xi32>
    %add3A_840 = arith.constant 128 : i32
    %add3A_841 = vector.broadcast %add3A_840 : i32 to vector<256x128xi32>
    %add3A_842 = arith.addi %broadcast_in_dim3A_810, %add3A_841 : vector<256x128xi32>
    %select_n3A_843 = arith.select %lt3A_839, %add3A_842, %broadcast_in_dim3A_810 : vector<256x128xi1>, vector<256x128xi32>
    %reshape3A = vector.shape_cast %select_n3A_843 : vector<256x128xi32> to vector<256x128x1xi32>
    %gather3A = vector.shape_cast %reshape3A : vector<256x128x1xi32> to vector<256x128xi32>
    %gather3A_844 = tpu.dynamic_gather %slice3A_805[%gather3A] in [1] : vector<256x128xf32>, vector<256x128xi32> -> vector<256x128xf32>
    %lt3A_845 = arith.constant 0 : i32
    %lt3A_846 = vector.broadcast %lt3A_845 : i32 to vector<256x128xi32>
    %lt3A_847 = arith.cmpi slt, %broadcast_in_dim3A_810, %lt3A_846 : vector<256x128xi32>
    %add3A_848 = arith.constant 128 : i32
    %add3A_849 = vector.broadcast %add3A_848 : i32 to vector<256x128xi32>
    %add3A_850 = arith.addi %broadcast_in_dim3A_810, %add3A_849 : vector<256x128xi32>
    %select_n3A_851 = arith.select %lt3A_847, %add3A_850, %broadcast_in_dim3A_810 : vector<256x128xi1>, vector<256x128xi32>
    %reshape3A_852 = vector.shape_cast %select_n3A_851 : vector<256x128xi32> to vector<256x128x1xi32>
    %gather3A_853 = vector.shape_cast %reshape3A_852 : vector<256x128x1xi32> to vector<256x128xi32>
    %gather3A_854 = tpu.dynamic_gather %slice3A_806[%gather3A_853] in [1] : vector<256x128xf32>, vector<256x128xi32> -> vector<256x128xf32>
    %min3A = arith.minimumf %slice3A_805, %gather3A_844 : vector<256x128xf32>
    %max3A = arith.maximumf %slice3A_805, %gather3A_844 : vector<256x128xf32>
    %broadcast_in_dim3A_855 = vector.shape_cast %eq3A_824 : vector<1x128xi1> to vector<1x128xi1>
    %broadcast_in_dim3A_856 = vector.broadcast %broadcast_in_dim3A_855 : vector<1x128xi1> to vector<256x128xi1>
    %select_n3A_857 = arith.select %broadcast_in_dim3A_856, %min3A, %max3A : vector<256x128xi1>, vector<256x128xf32>
    %min3A_858 = arith.minimumf %slice3A_806, %gather3A_854 : vector<256x128xf32>
    %max3A_859 = arith.maximumf %slice3A_806, %gather3A_854 : vector<256x128xf32>
    %broadcast_in_dim3A_860 = vector.shape_cast %eq3A_836 : vector<1x128xi1> to vector<1x128xi1>
    %broadcast_in_dim3A_861 = vector.broadcast %broadcast_in_dim3A_860 : vector<1x128xi1> to vector<256x128xi1>
    %select_n3A_862 = arith.select %broadcast_in_dim3A_861, %min3A_858, %max3A_859 : vector<256x128xi1>, vector<256x128xf32>
    %xor3A_863 = arith.constant 2 : i32
    %xor3A_864 = vector.broadcast %xor3A_863 : i32 to vector<1x128xi32>
    %xor3A_865 = arith.xori %iota3A_802, %xor3A_864 : vector<1x128xi32>
    %broadcast_in_dim3A_866 = vector.shape_cast %xor3A_865 : vector<1x128xi32> to vector<1x128xi32>
    %broadcast_in_dim3A_867 = vector.broadcast %broadcast_in_dim3A_866 : vector<1x128xi32> to vector<256x128xi32>
    %and3A_868 = arith.constant 2 : i32
    %and3A_869 = vector.broadcast %and3A_868 : i32 to vector<1x128xi32>
    %and3A_870 = arith.andi %iota3A_802, %and3A_869 : vector<1x128xi32>
    %eq3A_871 = arith.constant 0 : i32
    %eq3A_872 = vector.broadcast %eq3A_871 : i32 to vector<1x128xi32>
    %eq3A_873 = arith.cmpi eq, %and3A_870, %eq3A_872 : vector<1x128xi32>
    %and3A_874 = arith.constant 4 : i32
    %and3A_875 = vector.broadcast %and3A_874 : i32 to vector<1x128xi32>
    %and3A_876 = arith.andi %iota3A_802, %and3A_875 : vector<1x128xi32>
    %eq3A_877 = arith.constant 0 : i32
    %eq3A_878 = vector.broadcast %eq3A_877 : i32 to vector<1x128xi32>
    %eq3A_879 = arith.cmpi eq, %and3A_876, %eq3A_878 : vector<1x128xi32>
    %eq3A_880 = arith.xori %eq3A_873, %eq3A_879 : vector<1x128xi1>
    %eq3A_881 = arith.constant dense<true> : vector<1x128xi1>
    %eq3A_882 = arith.xori %eq3A_880, %eq3A_881 : vector<1x128xi1>
    %add3A_883 = arith.constant 128 : i32
    %add3A_884 = vector.broadcast %add3A_883 : i32 to vector<1x128xi32>
    %add3A_885 = arith.addi %iota3A_802, %add3A_884 : vector<1x128xi32>
    %and3A_886 = arith.constant 4 : i32
    %and3A_887 = vector.broadcast %and3A_886 : i32 to vector<1x128xi32>
    %and3A_888 = arith.andi %add3A_885, %and3A_887 : vector<1x128xi32>
    %eq3A_889 = arith.constant 0 : i32
    %eq3A_890 = vector.broadcast %eq3A_889 : i32 to vector<1x128xi32>
    %eq3A_891 = arith.cmpi eq, %and3A_888, %eq3A_890 : vector<1x128xi32>
    %eq3A_892 = arith.xori %eq3A_873, %eq3A_891 : vector<1x128xi1>
    %eq3A_893 = arith.constant dense<true> : vector<1x128xi1>
    %eq3A_894 = arith.xori %eq3A_892, %eq3A_893 : vector<1x128xi1>
    %lt3A_895 = arith.constant 0 : i32
    %lt3A_896 = vector.broadcast %lt3A_895 : i32 to vector<256x128xi32>
    %lt3A_897 = arith.cmpi slt, %broadcast_in_dim3A_867, %lt3A_896 : vector<256x128xi32>
    %add3A_898 = arith.constant 128 : i32
    %add3A_899 = vector.broadcast %add3A_898 : i32 to vector<256x128xi32>
    %add3A_900 = arith.addi %broadcast_in_dim3A_867, %add3A_899 : vector<256x128xi32>
    %select_n3A_901 = arith.select %lt3A_897, %add3A_900, %broadcast_in_dim3A_867 : vector<256x128xi1>, vector<256x128xi32>
    %reshape3A_902 = vector.shape_cast %select_n3A_901 : vector<256x128xi32> to vector<256x128x1xi32>
    %gather3A_903 = vector.shape_cast %reshape3A_902 : vector<256x128x1xi32> to vector<256x128xi32>
    %gather3A_904 = tpu.dynamic_gather %select_n3A_857[%gather3A_903] in [1] : vector<256x128xf32>, vector<256x128xi32> -> vector<256x128xf32>
    %lt3A_905 = arith.constant 0 : i32
    %lt3A_906 = vector.broadcast %lt3A_905 : i32 to vector<256x128xi32>
    %lt3A_907 = arith.cmpi slt, %broadcast_in_dim3A_867, %lt3A_906 : vector<256x128xi32>
    %add3A_908 = arith.constant 128 : i32
    %add3A_909 = vector.broadcast %add3A_908 : i32 to vector<256x128xi32>
    %add3A_910 = arith.addi %broadcast_in_dim3A_867, %add3A_909 : vector<256x128xi32>
    %select_n3A_911 = arith.select %lt3A_907, %add3A_910, %broadcast_in_dim3A_867 : vector<256x128xi1>, vector<256x128xi32>
    %reshape3A_912 = vector.shape_cast %select_n3A_911 : vector<256x128xi32> to vector<256x128x1xi32>
    %gather3A_913 = vector.shape_cast %reshape3A_912 : vector<256x128x1xi32> to vector<256x128xi32>
    %gather3A_914 = tpu.dynamic_gather %select_n3A_862[%gather3A_913] in [1] : vector<256x128xf32>, vector<256x128xi32> -> vector<256x128xf32>
    %min3A_915 = arith.minimumf %select_n3A_857, %gather3A_904 : vector<256x128xf32>
    %max3A_916 = arith.maximumf %select_n3A_857, %gather3A_904 : vector<256x128xf32>
    %broadcast_in_dim3A_917 = vector.shape_cast %eq3A_882 : vector<1x128xi1> to vector<1x128xi1>
    %broadcast_in_dim3A_918 = vector.broadcast %broadcast_in_dim3A_917 : vector<1x128xi1> to vector<256x128xi1>
    %select_n3A_919 = arith.select %broadcast_in_dim3A_918, %min3A_915, %max3A_916 : vector<256x128xi1>, vector<256x128xf32>
    %min3A_920 = arith.minimumf %select_n3A_862, %gather3A_914 : vector<256x128xf32>
    %max3A_921 = arith.maximumf %select_n3A_862, %gather3A_914 : vector<256x128xf32>
    %broadcast_in_dim3A_922 = vector.shape_cast %eq3A_894 : vector<1x128xi1> to vector<1x128xi1>
    %broadcast_in_dim3A_923 = vector.broadcast %broadcast_in_dim3A_922 : vector<1x128xi1> to vector<256x128xi1>
    %select_n3A_924 = arith.select %broadcast_in_dim3A_923, %min3A_920, %max3A_921 : vector<256x128xi1>, vector<256x128xf32>
    %xor3A_925 = arith.constant 1 : i32
    %xor3A_926 = vector.broadcast %xor3A_925 : i32 to vector<1x128xi32>
    %xor3A_927 = arith.xori %iota3A_802, %xor3A_926 : vector<1x128xi32>
    %broadcast_in_dim3A_928 = vector.shape_cast %xor3A_927 : vector<1x128xi32> to vector<1x128xi32>
    %broadcast_in_dim3A_929 = vector.broadcast %broadcast_in_dim3A_928 : vector<1x128xi32> to vector<256x128xi32>
    %and3A_930 = arith.constant 1 : i32
    %and3A_931 = vector.broadcast %and3A_930 : i32 to vector<1x128xi32>
    %and3A_932 = arith.andi %iota3A_802, %and3A_931 : vector<1x128xi32>
    %eq3A_933 = arith.constant 0 : i32
    %eq3A_934 = vector.broadcast %eq3A_933 : i32 to vector<1x128xi32>
    %eq3A_935 = arith.cmpi eq, %and3A_932, %eq3A_934 : vector<1x128xi32>
    %and3A_936 = arith.constant 4 : i32
    %and3A_937 = vector.broadcast %and3A_936 : i32 to vector<1x128xi32>
    %and3A_938 = arith.andi %iota3A_802, %and3A_937 : vector<1x128xi32>
    %eq3A_939 = arith.constant 0 : i32
    %eq3A_940 = vector.broadcast %eq3A_939 : i32 to vector<1x128xi32>
    %eq3A_941 = arith.cmpi eq, %and3A_938, %eq3A_940 : vector<1x128xi32>
    %eq3A_942 = arith.xori %eq3A_935, %eq3A_941 : vector<1x128xi1>
    %eq3A_943 = arith.constant dense<true> : vector<1x128xi1>
    %eq3A_944 = arith.xori %eq3A_942, %eq3A_943 : vector<1x128xi1>
    %add3A_945 = arith.constant 128 : i32
    %add3A_946 = vector.broadcast %add3A_945 : i32 to vector<1x128xi32>
    %add3A_947 = arith.addi %iota3A_802, %add3A_946 : vector<1x128xi32>
    %and3A_948 = arith.constant 4 : i32
    %and3A_949 = vector.broadcast %and3A_948 : i32 to vector<1x128xi32>
    %and3A_950 = arith.andi %add3A_947, %and3A_949 : vector<1x128xi32>
    %eq3A_951 = arith.constant 0 : i32
    %eq3A_952 = vector.broadcast %eq3A_951 : i32 to vector<1x128xi32>
    %eq3A_953 = arith.cmpi eq, %and3A_950, %eq3A_952 : vector<1x128xi32>
    %eq3A_954 = arith.xori %eq3A_935, %eq3A_953 : vector<1x128xi1>
    %eq3A_955 = arith.constant dense<true> : vector<1x128xi1>
    %eq3A_956 = arith.xori %eq3A_954, %eq3A_955 : vector<1x128xi1>
    %lt3A_957 = arith.constant 0 : i32
    %lt3A_958 = vector.broadcast %lt3A_957 : i32 to vector<256x128xi32>
    %lt3A_959 = arith.cmpi slt, %broadcast_in_dim3A_929, %lt3A_958 : vector<256x128xi32>
    %add3A_960 = arith.constant 128 : i32
    %add3A_961 = vector.broadcast %add3A_960 : i32 to vector<256x128xi32>
    %add3A_962 = arith.addi %broadcast_in_dim3A_929, %add3A_961 : vector<256x128xi32>
    %select_n3A_963 = arith.select %lt3A_959, %add3A_962, %broadcast_in_dim3A_929 : vector<256x128xi1>, vector<256x128xi32>
    %reshape3A_964 = vector.shape_cast %select_n3A_963 : vector<256x128xi32> to vector<256x128x1xi32>
    %gather3A_965 = vector.shape_cast %reshape3A_964 : vector<256x128x1xi32> to vector<256x128xi32>
    %gather3A_966 = tpu.dynamic_gather %select_n3A_919[%gather3A_965] in [1] : vector<256x128xf32>, vector<256x128xi32> -> vector<256x128xf32>
    %lt3A_967 = arith.constant 0 : i32
    %lt3A_968 = vector.broadcast %lt3A_967 : i32 to vector<256x128xi32>
    %lt3A_969 = arith.cmpi slt, %broadcast_in_dim3A_929, %lt3A_968 : vector<256x128xi32>
    %add3A_970 = arith.constant 128 : i32
    %add3A_971 = vector.broadcast %add3A_970 : i32 to vector<256x128xi32>
    %add3A_972 = arith.addi %broadcast_in_dim3A_929, %add3A_971 : vector<256x128xi32>
    %select_n3A_973 = arith.select %lt3A_969, %add3A_972, %broadcast_in_dim3A_929 : vector<256x128xi1>, vector<256x128xi32>
    %reshape3A_974 = vector.shape_cast %select_n3A_973 : vector<256x128xi32> to vector<256x128x1xi32>
    %gather3A_975 = vector.shape_cast %reshape3A_974 : vector<256x128x1xi32> to vector<256x128xi32>
    %gather3A_976 = tpu.dynamic_gather %select_n3A_924[%gather3A_975] in [1] : vector<256x128xf32>, vector<256x128xi32> -> vector<256x128xf32>
    %min3A_977 = arith.minimumf %select_n3A_919, %gather3A_966 : vector<256x128xf32>
    %max3A_978 = arith.maximumf %select_n3A_919, %gather3A_966 : vector<256x128xf32>
    %broadcast_in_dim3A_979 = vector.shape_cast %eq3A_944 : vector<1x128xi1> to vector<1x128xi1>
    %broadcast_in_dim3A_980 = vector.broadcast %broadcast_in_dim3A_979 : vector<1x128xi1> to vector<256x128xi1>
    %select_n3A_981 = arith.select %broadcast_in_dim3A_980, %min3A_977, %max3A_978 : vector<256x128xi1>, vector<256x128xf32>
    %min3A_982 = arith.minimumf %select_n3A_924, %gather3A_976 : vector<256x128xf32>
    %max3A_983 = arith.maximumf %select_n3A_924, %gather3A_976 : vector<256x128xf32>
    %broadcast_in_dim3A_984 = vector.shape_cast %eq3A_956 : vector<1x128xi1> to vector<1x128xi1>
    %broadcast_in_dim3A_985 = vector.broadcast %broadcast_in_dim3A_984 : vector<1x128xi1> to vector<256x128xi1>
    %select_n3A_986 = arith.select %broadcast_in_dim3A_985, %min3A_982, %max3A_983 : vector<256x128xi1>, vector<256x128xf32>
    %xor3A_987 = arith.constant 4 : i32
    %xor3A_988 = vector.broadcast %xor3A_987 : i32 to vector<1x128xi32>
    %xor3A_989 = arith.xori %iota3A_802, %xor3A_988 : vector<1x128xi32>
    %broadcast_in_dim3A_990 = vector.shape_cast %xor3A_989 : vector<1x128xi32> to vector<1x128xi32>
    %broadcast_in_dim3A_991 = vector.broadcast %broadcast_in_dim3A_990 : vector<1x128xi32> to vector<256x128xi32>
    %and3A_992 = arith.constant 4 : i32
    %and3A_993 = vector.broadcast %and3A_992 : i32 to vector<1x128xi32>
    %and3A_994 = arith.andi %iota3A_802, %and3A_993 : vector<1x128xi32>
    %eq3A_995 = arith.constant 0 : i32
    %eq3A_996 = vector.broadcast %eq3A_995 : i32 to vector<1x128xi32>
    %eq3A_997 = arith.cmpi eq, %and3A_994, %eq3A_996 : vector<1x128xi32>
    %and3A_998 = arith.constant 8 : i32
    %and3A_999 = vector.broadcast %and3A_998 : i32 to vector<1x128xi32>
    %and3A_1000 = arith.andi %iota3A_802, %and3A_999 : vector<1x128xi32>
    %eq3A_1001 = arith.constant 0 : i32
    %eq3A_1002 = vector.broadcast %eq3A_1001 : i32 to vector<1x128xi32>
    %eq3A_1003 = arith.cmpi eq, %and3A_1000, %eq3A_1002 : vector<1x128xi32>
    %eq3A_1004 = arith.xori %eq3A_997, %eq3A_1003 : vector<1x128xi1>
    %eq3A_1005 = arith.constant dense<true> : vector<1x128xi1>
    %eq3A_1006 = arith.xori %eq3A_1004, %eq3A_1005 : vector<1x128xi1>
    %add3A_1007 = arith.constant 128 : i32
    %add3A_1008 = vector.broadcast %add3A_1007 : i32 to vector<1x128xi32>
    %add3A_1009 = arith.addi %iota3A_802, %add3A_1008 : vector<1x128xi32>
    %and3A_1010 = arith.constant 8 : i32
    %and3A_1011 = vector.broadcast %and3A_1010 : i32 to vector<1x128xi32>
    %and3A_1012 = arith.andi %add3A_1009, %and3A_1011 : vector<1x128xi32>
    %eq3A_1013 = arith.constant 0 : i32
    %eq3A_1014 = vector.broadcast %eq3A_1013 : i32 to vector<1x128xi32>
    %eq3A_1015 = arith.cmpi eq, %and3A_1012, %eq3A_1014 : vector<1x128xi32>
    %eq3A_1016 = arith.xori %eq3A_997, %eq3A_1015 : vector<1x128xi1>
    %eq3A_1017 = arith.constant dense<true> : vector<1x128xi1>
    %eq3A_1018 = arith.xori %eq3A_1016, %eq3A_1017 : vector<1x128xi1>
    %lt3A_1019 = arith.constant 0 : i32
    %lt3A_1020 = vector.broadcast %lt3A_1019 : i32 to vector<256x128xi32>
    %lt3A_1021 = arith.cmpi slt, %broadcast_in_dim3A_991, %lt3A_1020 : vector<256x128xi32>
    %add3A_1022 = arith.constant 128 : i32
    %add3A_1023 = vector.broadcast %add3A_1022 : i32 to vector<256x128xi32>
    %add3A_1024 = arith.addi %broadcast_in_dim3A_991, %add3A_1023 : vector<256x128xi32>
    %select_n3A_1025 = arith.select %lt3A_1021, %add3A_1024, %broadcast_in_dim3A_991 : vector<256x128xi1>, vector<256x128xi32>
    %reshape3A_1026 = vector.shape_cast %select_n3A_1025 : vector<256x128xi32> to vector<256x128x1xi32>
    %gather3A_1027 = vector.shape_cast %reshape3A_1026 : vector<256x128x1xi32> to vector<256x128xi32>
    %gather3A_1028 = tpu.dynamic_gather %select_n3A_981[%gather3A_1027] in [1] : vector<256x128xf32>, vector<256x128xi32> -> vector<256x128xf32>
    %lt3A_1029 = arith.constant 0 : i32
    %lt3A_1030 = vector.broadcast %lt3A_1029 : i32 to vector<256x128xi32>
    %lt3A_1031 = arith.cmpi slt, %broadcast_in_dim3A_991, %lt3A_1030 : vector<256x128xi32>
    %add3A_1032 = arith.constant 128 : i32
    %add3A_1033 = vector.broadcast %add3A_1032 : i32 to vector<256x128xi32>
    %add3A_1034 = arith.addi %broadcast_in_dim3A_991, %add3A_1033 : vector<256x128xi32>
    %select_n3A_1035 = arith.select %lt3A_1031, %add3A_1034, %broadcast_in_dim3A_991 : vector<256x128xi1>, vector<256x128xi32>
    %reshape3A_1036 = vector.shape_cast %select_n3A_1035 : vector<256x128xi32> to vector<256x128x1xi32>
    %gather3A_1037 = vector.shape_cast %reshape3A_1036 : vector<256x128x1xi32> to vector<256x128xi32>
    %gather3A_1038 = tpu.dynamic_gather %select_n3A_986[%gather3A_1037] in [1] : vector<256x128xf32>, vector<256x128xi32> -> vector<256x128xf32>
    %min3A_1039 = arith.minimumf %select_n3A_981, %gather3A_1028 : vector<256x128xf32>
    %max3A_1040 = arith.maximumf %select_n3A_981, %gather3A_1028 : vector<256x128xf32>
    %broadcast_in_dim3A_1041 = vector.shape_cast %eq3A_1006 : vector<1x128xi1> to vector<1x128xi1>
    %broadcast_in_dim3A_1042 = vector.broadcast %broadcast_in_dim3A_1041 : vector<1x128xi1> to vector<256x128xi1>
    %select_n3A_1043 = arith.select %broadcast_in_dim3A_1042, %min3A_1039, %max3A_1040 : vector<256x128xi1>, vector<256x128xf32>
    %min3A_1044 = arith.minimumf %select_n3A_986, %gather3A_1038 : vector<256x128xf32>
    %max3A_1045 = arith.maximumf %select_n3A_986, %gather3A_1038 : vector<256x128xf32>
    %broadcast_in_dim3A_1046 = vector.shape_cast %eq3A_1018 : vector<1x128xi1> to vector<1x128xi1>
    %broadcast_in_dim3A_1047 = vector.broadcast %broadcast_in_dim3A_1046 : vector<1x128xi1> to vector<256x128xi1>
    %select_n3A_1048 = arith.select %broadcast_in_dim3A_1047, %min3A_1044, %max3A_1045 : vector<256x128xi1>, vector<256x128xf32>
    %xor3A_1049 = arith.constant 2 : i32
    %xor3A_1050 = vector.broadcast %xor3A_1049 : i32 to vector<1x128xi32>
    %xor3A_1051 = arith.xori %iota3A_802, %xor3A_1050 : vector<1x128xi32>
    %broadcast_in_dim3A_1052 = vector.shape_cast %xor3A_1051 : vector<1x128xi32> to vector<1x128xi32>
    %broadcast_in_dim3A_1053 = vector.broadcast %broadcast_in_dim3A_1052 : vector<1x128xi32> to vector<256x128xi32>
    %and3A_1054 = arith.constant 2 : i32
    %and3A_1055 = vector.broadcast %and3A_1054 : i32 to vector<1x128xi32>
    %and3A_1056 = arith.andi %iota3A_802, %and3A_1055 : vector<1x128xi32>
    %eq3A_1057 = arith.constant 0 : i32
    %eq3A_1058 = vector.broadcast %eq3A_1057 : i32 to vector<1x128xi32>
    %eq3A_1059 = arith.cmpi eq, %and3A_1056, %eq3A_1058 : vector<1x128xi32>
    %and3A_1060 = arith.constant 8 : i32
    %and3A_1061 = vector.broadcast %and3A_1060 : i32 to vector<1x128xi32>
    %and3A_1062 = arith.andi %iota3A_802, %and3A_1061 : vector<1x128xi32>
    %eq3A_1063 = arith.constant 0 : i32
    %eq3A_1064 = vector.broadcast %eq3A_1063 : i32 to vector<1x128xi32>
    %eq3A_1065 = arith.cmpi eq, %and3A_1062, %eq3A_1064 : vector<1x128xi32>
    %eq3A_1066 = arith.xori %eq3A_1059, %eq3A_1065 : vector<1x128xi1>
    %eq3A_1067 = arith.constant dense<true> : vector<1x128xi1>
    %eq3A_1068 = arith.xori %eq3A_1066, %eq3A_1067 : vector<1x128xi1>
    %add3A_1069 = arith.constant 128 : i32
    %add3A_1070 = vector.broadcast %add3A_1069 : i32 to vector<1x128xi32>
    %add3A_1071 = arith.addi %iota3A_802, %add3A_1070 : vector<1x128xi32>
    %and3A_1072 = arith.constant 8 : i32
    %and3A_1073 = vector.broadcast %and3A_1072 : i32 to vector<1x128xi32>
    %and3A_1074 = arith.andi %add3A_1071, %and3A_1073 : vector<1x128xi32>
    %eq3A_1075 = arith.constant 0 : i32
    %eq3A_1076 = vector.broadcast %eq3A_1075 : i32 to vector<1x128xi32>
    %eq3A_1077 = arith.cmpi eq, %and3A_1074, %eq3A_1076 : vector<1x128xi32>
    %eq3A_1078 = arith.xori %eq3A_1059, %eq3A_1077 : vector<1x128xi1>
    %eq3A_1079 = arith.constant dense<true> : vector<1x128xi1>
    %eq3A_1080 = arith.xori %eq3A_1078, %eq3A_1079 : vector<1x128xi1>
    %lt3A_1081 = arith.constant 0 : i32
    %lt3A_1082 = vector.broadcast %lt3A_1081 : i32 to vector<256x128xi32>
    %lt3A_1083 = arith.cmpi slt, %broadcast_in_dim3A_1053, %lt3A_1082 : vector<256x128xi32>
    %add3A_1084 = arith.constant 128 : i32
    %add3A_1085 = vector.broadcast %add3A_1084 : i32 to vector<256x128xi32>
    %add3A_1086 = arith.addi %broadcast_in_dim3A_1053, %add3A_1085 : vector<256x128xi32>
    %select_n3A_1087 = arith.select %lt3A_1083, %add3A_1086, %broadcast_in_dim3A_1053 : vector<256x128xi1>, vector<256x128xi32>
    %reshape3A_1088 = vector.shape_cast %select_n3A_1087 : vector<256x128xi32> to vector<256x128x1xi32>
    %gather3A_1089 = vector.shape_cast %reshape3A_1088 : vector<256x128x1xi32> to vector<256x128xi32>
    %gather3A_1090 = tpu.dynamic_gather %select_n3A_1043[%gather3A_1089] in [1] : vector<256x128xf32>, vector<256x128xi32> -> vector<256x128xf32>
    %lt3A_1091 = arith.constant 0 : i32
    %lt3A_1092 = vector.broadcast %lt3A_1091 : i32 to vector<256x128xi32>
    %lt3A_1093 = arith.cmpi slt, %broadcast_in_dim3A_1053, %lt3A_1092 : vector<256x128xi32>
    %add3A_1094 = arith.constant 128 : i32
    %add3A_1095 = vector.broadcast %add3A_1094 : i32 to vector<256x128xi32>
    %add3A_1096 = arith.addi %broadcast_in_dim3A_1053, %add3A_1095 : vector<256x128xi32>
    %select_n3A_1097 = arith.select %lt3A_1093, %add3A_1096, %broadcast_in_dim3A_1053 : vector<256x128xi1>, vector<256x128xi32>
    %reshape3A_1098 = vector.shape_cast %select_n3A_1097 : vector<256x128xi32> to vector<256x128x1xi32>
    %gather3A_1099 = vector.shape_cast %reshape3A_1098 : vector<256x128x1xi32> to vector<256x128xi32>
    %gather3A_1100 = tpu.dynamic_gather %select_n3A_1048[%gather3A_1099] in [1] : vector<256x128xf32>, vector<256x128xi32> -> vector<256x128xf32>
    %min3A_1101 = arith.minimumf %select_n3A_1043, %gather3A_1090 : vector<256x128xf32>
    %max3A_1102 = arith.maximumf %select_n3A_1043, %gather3A_1090 : vector<256x128xf32>
    %broadcast_in_dim3A_1103 = vector.shape_cast %eq3A_1068 : vector<1x128xi1> to vector<1x128xi1>
    %broadcast_in_dim3A_1104 = vector.broadcast %broadcast_in_dim3A_1103 : vector<1x128xi1> to vector<256x128xi1>
    %select_n3A_1105 = arith.select %broadcast_in_dim3A_1104, %min3A_1101, %max3A_1102 : vector<256x128xi1>, vector<256x128xf32>
    %min3A_1106 = arith.minimumf %select_n3A_1048, %gather3A_1100 : vector<256x128xf32>
    %max3A_1107 = arith.maximumf %select_n3A_1048, %gather3A_1100 : vector<256x128xf32>
    %broadcast_in_dim3A_1108 = vector.shape_cast %eq3A_1080 : vector<1x128xi1> to vector<1x128xi1>
    %broadcast_in_dim3A_1109 = vector.broadcast %broadcast_in_dim3A_1108 : vector<1x128xi1> to vector<256x128xi1>
    %select_n3A_1110 = arith.select %broadcast_in_dim3A_1109, %min3A_1106, %max3A_1107 : vector<256x128xi1>, vector<256x128xf32>
    %xor3A_1111 = arith.constant 1 : i32
    %xor3A_1112 = vector.broadcast %xor3A_1111 : i32 to vector<1x128xi32>
    %xor3A_1113 = arith.xori %iota3A_802, %xor3A_1112 : vector<1x128xi32>
    %broadcast_in_dim3A_1114 = vector.shape_cast %xor3A_1113 : vector<1x128xi32> to vector<1x128xi32>
    %broadcast_in_dim3A_1115 = vector.broadcast %broadcast_in_dim3A_1114 : vector<1x128xi32> to vector<256x128xi32>
    %and3A_1116 = arith.constant 1 : i32
    %and3A_1117 = vector.broadcast %and3A_1116 : i32 to vector<1x128xi32>
    %and3A_1118 = arith.andi %iota3A_802, %and3A_1117 : vector<1x128xi32>
    %eq3A_1119 = arith.constant 0 : i32
    %eq3A_1120 = vector.broadcast %eq3A_1119 : i32 to vector<1x128xi32>
    %eq3A_1121 = arith.cmpi eq, %and3A_1118, %eq3A_1120 : vector<1x128xi32>
    %and3A_1122 = arith.constant 8 : i32
    %and3A_1123 = vector.broadcast %and3A_1122 : i32 to vector<1x128xi32>
    %and3A_1124 = arith.andi %iota3A_802, %and3A_1123 : vector<1x128xi32>
    %eq3A_1125 = arith.constant 0 : i32
    %eq3A_1126 = vector.broadcast %eq3A_1125 : i32 to vector<1x128xi32>
    %eq3A_1127 = arith.cmpi eq, %and3A_1124, %eq3A_1126 : vector<1x128xi32>
    %eq3A_1128 = arith.xori %eq3A_1121, %eq3A_1127 : vector<1x128xi1>
    %eq3A_1129 = arith.constant dense<true> : vector<1x128xi1>
    %eq3A_1130 = arith.xori %eq3A_1128, %eq3A_1129 : vector<1x128xi1>
    %add3A_1131 = arith.constant 128 : i32
    %add3A_1132 = vector.broadcast %add3A_1131 : i32 to vector<1x128xi32>
    %add3A_1133 = arith.addi %iota3A_802, %add3A_1132 : vector<1x128xi32>
    %and3A_1134 = arith.constant 8 : i32
    %and3A_1135 = vector.broadcast %and3A_1134 : i32 to vector<1x128xi32>
    %and3A_1136 = arith.andi %add3A_1133, %and3A_1135 : vector<1x128xi32>
    %eq3A_1137 = arith.constant 0 : i32
    %eq3A_1138 = vector.broadcast %eq3A_1137 : i32 to vector<1x128xi32>
    %eq3A_1139 = arith.cmpi eq, %and3A_1136, %eq3A_1138 : vector<1x128xi32>
    %eq3A_1140 = arith.xori %eq3A_1121, %eq3A_1139 : vector<1x128xi1>
    %eq3A_1141 = arith.constant dense<true> : vector<1x128xi1>
    %eq3A_1142 = arith.xori %eq3A_1140, %eq3A_1141 : vector<1x128xi1>
    %lt3A_1143 = arith.constant 0 : i32
    %lt3A_1144 = vector.broadcast %lt3A_1143 : i32 to vector<256x128xi32>
    %lt3A_1145 = arith.cmpi slt, %broadcast_in_dim3A_1115, %lt3A_1144 : vector<256x128xi32>
    %add3A_1146 = arith.constant 128 : i32
    %add3A_1147 = vector.broadcast %add3A_1146 : i32 to vector<256x128xi32>
    %add3A_1148 = arith.addi %broadcast_in_dim3A_1115, %add3A_1147 : vector<256x128xi32>
    %select_n3A_1149 = arith.select %lt3A_1145, %add3A_1148, %broadcast_in_dim3A_1115 : vector<256x128xi1>, vector<256x128xi32>
    %reshape3A_1150 = vector.shape_cast %select_n3A_1149 : vector<256x128xi32> to vector<256x128x1xi32>
    %gather3A_1151 = vector.shape_cast %reshape3A_1150 : vector<256x128x1xi32> to vector<256x128xi32>
    %gather3A_1152 = tpu.dynamic_gather %select_n3A_1105[%gather3A_1151] in [1] : vector<256x128xf32>, vector<256x128xi32> -> vector<256x128xf32>
    %lt3A_1153 = arith.constant 0 : i32
    %lt3A_1154 = vector.broadcast %lt3A_1153 : i32 to vector<256x128xi32>
    %lt3A_1155 = arith.cmpi slt, %broadcast_in_dim3A_1115, %lt3A_1154 : vector<256x128xi32>
    %add3A_1156 = arith.constant 128 : i32
    %add3A_1157 = vector.broadcast %add3A_1156 : i32 to vector<256x128xi32>
    %add3A_1158 = arith.addi %broadcast_in_dim3A_1115, %add3A_1157 : vector<256x128xi32>
    %select_n3A_1159 = arith.select %lt3A_1155, %add3A_1158, %broadcast_in_dim3A_1115 : vector<256x128xi1>, vector<256x128xi32>
    %reshape3A_1160 = vector.shape_cast %select_n3A_1159 : vector<256x128xi32> to vector<256x128x1xi32>
    %gather3A_1161 = vector.shape_cast %reshape3A_1160 : vector<256x128x1xi32> to vector<256x128xi32>
    %gather3A_1162 = tpu.dynamic_gather %select_n3A_1110[%gather3A_1161] in [1] : vector<256x128xf32>, vector<256x128xi32> -> vector<256x128xf32>
    %min3A_1163 = arith.minimumf %select_n3A_1105, %gather3A_1152 : vector<256x128xf32>
    %max3A_1164 = arith.maximumf %select_n3A_1105, %gather3A_1152 : vector<256x128xf32>
    %broadcast_in_dim3A_1165 = vector.shape_cast %eq3A_1130 : vector<1x128xi1> to vector<1x128xi1>
    %broadcast_in_dim3A_1166 = vector.broadcast %broadcast_in_dim3A_1165 : vector<1x128xi1> to vector<256x128xi1>
    %select_n3A_1167 = arith.select %broadcast_in_dim3A_1166, %min3A_1163, %max3A_1164 : vector<256x128xi1>, vector<256x128xf32>
    %min3A_1168 = arith.minimumf %select_n3A_1110, %gather3A_1162 : vector<256x128xf32>
    %max3A_1169 = arith.maximumf %select_n3A_1110, %gather3A_1162 : vector<256x128xf32>
    %broadcast_in_dim3A_1170 = vector.shape_cast %eq3A_1142 : vector<1x128xi1> to vector<1x128xi1>
    %broadcast_in_dim3A_1171 = vector.broadcast %broadcast_in_dim3A_1170 : vector<1x128xi1> to vector<256x128xi1>
    %select_n3A_1172 = arith.select %broadcast_in_dim3A_1171, %min3A_1168, %max3A_1169 : vector<256x128xi1>, vector<256x128xf32>
    %xor3A_1173 = arith.constant 8 : i32
    %xor3A_1174 = vector.broadcast %xor3A_1173 : i32 to vector<1x128xi32>
    %xor3A_1175 = arith.xori %iota3A_802, %xor3A_1174 : vector<1x128xi32>
    %broadcast_in_dim3A_1176 = vector.shape_cast %xor3A_1175 : vector<1x128xi32> to vector<1x128xi32>
    %broadcast_in_dim3A_1177 = vector.broadcast %broadcast_in_dim3A_1176 : vector<1x128xi32> to vector<256x128xi32>
    %and3A_1178 = arith.constant 8 : i32
    %and3A_1179 = vector.broadcast %and3A_1178 : i32 to vector<1x128xi32>
    %and3A_1180 = arith.andi %iota3A_802, %and3A_1179 : vector<1x128xi32>
    %eq3A_1181 = arith.constant 0 : i32
    %eq3A_1182 = vector.broadcast %eq3A_1181 : i32 to vector<1x128xi32>
    %eq3A_1183 = arith.cmpi eq, %and3A_1180, %eq3A_1182 : vector<1x128xi32>
    %and3A_1184 = arith.constant 16 : i32
    %and3A_1185 = vector.broadcast %and3A_1184 : i32 to vector<1x128xi32>
    %and3A_1186 = arith.andi %iota3A_802, %and3A_1185 : vector<1x128xi32>
    %eq3A_1187 = arith.constant 0 : i32
    %eq3A_1188 = vector.broadcast %eq3A_1187 : i32 to vector<1x128xi32>
    %eq3A_1189 = arith.cmpi eq, %and3A_1186, %eq3A_1188 : vector<1x128xi32>
    %eq3A_1190 = arith.xori %eq3A_1183, %eq3A_1189 : vector<1x128xi1>
    %eq3A_1191 = arith.constant dense<true> : vector<1x128xi1>
    %eq3A_1192 = arith.xori %eq3A_1190, %eq3A_1191 : vector<1x128xi1>
    %add3A_1193 = arith.constant 128 : i32
    %add3A_1194 = vector.broadcast %add3A_1193 : i32 to vector<1x128xi32>
    %add3A_1195 = arith.addi %iota3A_802, %add3A_1194 : vector<1x128xi32>
    %and3A_1196 = arith.constant 16 : i32
    %and3A_1197 = vector.broadcast %and3A_1196 : i32 to vector<1x128xi32>
    %and3A_1198 = arith.andi %add3A_1195, %and3A_1197 : vector<1x128xi32>
    %eq3A_1199 = arith.constant 0 : i32
    %eq3A_1200 = vector.broadcast %eq3A_1199 : i32 to vector<1x128xi32>
    %eq3A_1201 = arith.cmpi eq, %and3A_1198, %eq3A_1200 : vector<1x128xi32>
    %eq3A_1202 = arith.xori %eq3A_1183, %eq3A_1201 : vector<1x128xi1>
    %eq3A_1203 = arith.constant dense<true> : vector<1x128xi1>
    %eq3A_1204 = arith.xori %eq3A_1202, %eq3A_1203 : vector<1x128xi1>
    %lt3A_1205 = arith.constant 0 : i32
    %lt3A_1206 = vector.broadcast %lt3A_1205 : i32 to vector<256x128xi32>
    %lt3A_1207 = arith.cmpi slt, %broadcast_in_dim3A_1177, %lt3A_1206 : vector<256x128xi32>
    %add3A_1208 = arith.constant 128 : i32
    %add3A_1209 = vector.broadcast %add3A_1208 : i32 to vector<256x128xi32>
    %add3A_1210 = arith.addi %broadcast_in_dim3A_1177, %add3A_1209 : vector<256x128xi32>
    %select_n3A_1211 = arith.select %lt3A_1207, %add3A_1210, %broadcast_in_dim3A_1177 : vector<256x128xi1>, vector<256x128xi32>
    %reshape3A_1212 = vector.shape_cast %select_n3A_1211 : vector<256x128xi32> to vector<256x128x1xi32>
    %gather3A_1213 = vector.shape_cast %reshape3A_1212 : vector<256x128x1xi32> to vector<256x128xi32>
    %gather3A_1214 = tpu.dynamic_gather %select_n3A_1167[%gather3A_1213] in [1] : vector<256x128xf32>, vector<256x128xi32> -> vector<256x128xf32>
    %lt3A_1215 = arith.constant 0 : i32
    %lt3A_1216 = vector.broadcast %lt3A_1215 : i32 to vector<256x128xi32>
    %lt3A_1217 = arith.cmpi slt, %broadcast_in_dim3A_1177, %lt3A_1216 : vector<256x128xi32>
    %add3A_1218 = arith.constant 128 : i32
    %add3A_1219 = vector.broadcast %add3A_1218 : i32 to vector<256x128xi32>
    %add3A_1220 = arith.addi %broadcast_in_dim3A_1177, %add3A_1219 : vector<256x128xi32>
    %select_n3A_1221 = arith.select %lt3A_1217, %add3A_1220, %broadcast_in_dim3A_1177 : vector<256x128xi1>, vector<256x128xi32>
    %reshape3A_1222 = vector.shape_cast %select_n3A_1221 : vector<256x128xi32> to vector<256x128x1xi32>
    %gather3A_1223 = vector.shape_cast %reshape3A_1222 : vector<256x128x1xi32> to vector<256x128xi32>
    %gather3A_1224 = tpu.dynamic_gather %select_n3A_1172[%gather3A_1223] in [1] : vector<256x128xf32>, vector<256x128xi32> -> vector<256x128xf32>
    %min3A_1225 = arith.minimumf %select_n3A_1167, %gather3A_1214 : vector<256x128xf32>
    %max3A_1226 = arith.maximumf %select_n3A_1167, %gather3A_1214 : vector<256x128xf32>
    %broadcast_in_dim3A_1227 = vector.shape_cast %eq3A_1192 : vector<1x128xi1> to vector<1x128xi1>
    %broadcast_in_dim3A_1228 = vector.broadcast %broadcast_in_dim3A_1227 : vector<1x128xi1> to vector<256x128xi1>
    %select_n3A_1229 = arith.select %broadcast_in_dim3A_1228, %min3A_1225, %max3A_1226 : vector<256x128xi1>, vector<256x128xf32>
    %min3A_1230 = arith.minimumf %select_n3A_1172, %gather3A_1224 : vector<256x128xf32>
    %max3A_1231 = arith.maximumf %select_n3A_1172, %gather3A_1224 : vector<256x128xf32>
    %broadcast_in_dim3A_1232 = vector.shape_cast %eq3A_1204 : vector<1x128xi1> to vector<1x128xi1>
    %broadcast_in_dim3A_1233 = vector.broadcast %broadcast_in_dim3A_1232 : vector<1x128xi1> to vector<256x128xi1>
    %select_n3A_1234 = arith.select %broadcast_in_dim3A_1233, %min3A_1230, %max3A_1231 : vector<256x128xi1>, vector<256x128xf32>
    %xor3A_1235 = arith.constant 4 : i32
    %xor3A_1236 = vector.broadcast %xor3A_1235 : i32 to vector<1x128xi32>
    %xor3A_1237 = arith.xori %iota3A_802, %xor3A_1236 : vector<1x128xi32>
    %broadcast_in_dim3A_1238 = vector.shape_cast %xor3A_1237 : vector<1x128xi32> to vector<1x128xi32>
    %broadcast_in_dim3A_1239 = vector.broadcast %broadcast_in_dim3A_1238 : vector<1x128xi32> to vector<256x128xi32>
    %and3A_1240 = arith.constant 4 : i32
    %and3A_1241 = vector.broadcast %and3A_1240 : i32 to vector<1x128xi32>
    %and3A_1242 = arith.andi %iota3A_802, %and3A_1241 : vector<1x128xi32>
    %eq3A_1243 = arith.constant 0 : i32
    %eq3A_1244 = vector.broadcast %eq3A_1243 : i32 to vector<1x128xi32>
    %eq3A_1245 = arith.cmpi eq, %and3A_1242, %eq3A_1244 : vector<1x128xi32>
    %and3A_1246 = arith.constant 16 : i32
    %and3A_1247 = vector.broadcast %and3A_1246 : i32 to vector<1x128xi32>
    %and3A_1248 = arith.andi %iota3A_802, %and3A_1247 : vector<1x128xi32>
    %eq3A_1249 = arith.constant 0 : i32
    %eq3A_1250 = vector.broadcast %eq3A_1249 : i32 to vector<1x128xi32>
    %eq3A_1251 = arith.cmpi eq, %and3A_1248, %eq3A_1250 : vector<1x128xi32>
    %eq3A_1252 = arith.xori %eq3A_1245, %eq3A_1251 : vector<1x128xi1>
    %eq3A_1253 = arith.constant dense<true> : vector<1x128xi1>
    %eq3A_1254 = arith.xori %eq3A_1252, %eq3A_1253 : vector<1x128xi1>
    %add3A_1255 = arith.constant 128 : i32
    %add3A_1256 = vector.broadcast %add3A_1255 : i32 to vector<1x128xi32>
    %add3A_1257 = arith.addi %iota3A_802, %add3A_1256 : vector<1x128xi32>
    %and3A_1258 = arith.constant 16 : i32
    %and3A_1259 = vector.broadcast %and3A_1258 : i32 to vector<1x128xi32>
    %and3A_1260 = arith.andi %add3A_1257, %and3A_1259 : vector<1x128xi32>
    %eq3A_1261 = arith.constant 0 : i32
    %eq3A_1262 = vector.broadcast %eq3A_1261 : i32 to vector<1x128xi32>
    %eq3A_1263 = arith.cmpi eq, %and3A_1260, %eq3A_1262 : vector<1x128xi32>
    %eq3A_1264 = arith.xori %eq3A_1245, %eq3A_1263 : vector<1x128xi1>
    %eq3A_1265 = arith.constant dense<true> : vector<1x128xi1>
    %eq3A_1266 = arith.xori %eq3A_1264, %eq3A_1265 : vector<1x128xi1>
    %lt3A_1267 = arith.constant 0 : i32
    %lt3A_1268 = vector.broadcast %lt3A_1267 : i32 to vector<256x128xi32>
    %lt3A_1269 = arith.cmpi slt, %broadcast_in_dim3A_1239, %lt3A_1268 : vector<256x128xi32>
    %add3A_1270 = arith.constant 128 : i32
    %add3A_1271 = vector.broadcast %add3A_1270 : i32 to vector<256x128xi32>
    %add3A_1272 = arith.addi %broadcast_in_dim3A_1239, %add3A_1271 : vector<256x128xi32>
    %select_n3A_1273 = arith.select %lt3A_1269, %add3A_1272, %broadcast_in_dim3A_1239 : vector<256x128xi1>, vector<256x128xi32>
    %reshape3A_1274 = vector.shape_cast %select_n3A_1273 : vector<256x128xi32> to vector<256x128x1xi32>
    %gather3A_1275 = vector.shape_cast %reshape3A_1274 : vector<256x128x1xi32> to vector<256x128xi32>
    %gather3A_1276 = tpu.dynamic_gather %select_n3A_1229[%gather3A_1275] in [1] : vector<256x128xf32>, vector<256x128xi32> -> vector<256x128xf32>
    %lt3A_1277 = arith.constant 0 : i32
    %lt3A_1278 = vector.broadcast %lt3A_1277 : i32 to vector<256x128xi32>
    %lt3A_1279 = arith.cmpi slt, %broadcast_in_dim3A_1239, %lt3A_1278 : vector<256x128xi32>
    %add3A_1280 = arith.constant 128 : i32
    %add3A_1281 = vector.broadcast %add3A_1280 : i32 to vector<256x128xi32>
    %add3A_1282 = arith.addi %broadcast_in_dim3A_1239, %add3A_1281 : vector<256x128xi32>
    %select_n3A_1283 = arith.select %lt3A_1279, %add3A_1282, %broadcast_in_dim3A_1239 : vector<256x128xi1>, vector<256x128xi32>
    %reshape3A_1284 = vector.shape_cast %select_n3A_1283 : vector<256x128xi32> to vector<256x128x1xi32>
    %gather3A_1285 = vector.shape_cast %reshape3A_1284 : vector<256x128x1xi32> to vector<256x128xi32>
    %gather3A_1286 = tpu.dynamic_gather %select_n3A_1234[%gather3A_1285] in [1] : vector<256x128xf32>, vector<256x128xi32> -> vector<256x128xf32>
    %min3A_1287 = arith.minimumf %select_n3A_1229, %gather3A_1276 : vector<256x128xf32>
    %max3A_1288 = arith.maximumf %select_n3A_1229, %gather3A_1276 : vector<256x128xf32>
    %broadcast_in_dim3A_1289 = vector.shape_cast %eq3A_1254 : vector<1x128xi1> to vector<1x128xi1>
    %broadcast_in_dim3A_1290 = vector.broadcast %broadcast_in_dim3A_1289 : vector<1x128xi1> to vector<256x128xi1>
    %select_n3A_1291 = arith.select %broadcast_in_dim3A_1290, %min3A_1287, %max3A_1288 : vector<256x128xi1>, vector<256x128xf32>
    %min3A_1292 = arith.minimumf %select_n3A_1234, %gather3A_1286 : vector<256x128xf32>
    %max3A_1293 = arith.maximumf %select_n3A_1234, %gather3A_1286 : vector<256x128xf32>
    %broadcast_in_dim3A_1294 = vector.shape_cast %eq3A_1266 : vector<1x128xi1> to vector<1x128xi1>
    %broadcast_in_dim3A_1295 = vector.broadcast %broadcast_in_dim3A_1294 : vector<1x128xi1> to vector<256x128xi1>
    %select_n3A_1296 = arith.select %broadcast_in_dim3A_1295, %min3A_1292, %max3A_1293 : vector<256x128xi1>, vector<256x128xf32>
    %xor3A_1297 = arith.constant 2 : i32
    %xor3A_1298 = vector.broadcast %xor3A_1297 : i32 to vector<1x128xi32>
    %xor3A_1299 = arith.xori %iota3A_802, %xor3A_1298 : vector<1x128xi32>
    %broadcast_in_dim3A_1300 = vector.shape_cast %xor3A_1299 : vector<1x128xi32> to vector<1x128xi32>
    %broadcast_in_dim3A_1301 = vector.broadcast %broadcast_in_dim3A_1300 : vector<1x128xi32> to vector<256x128xi32>
    %and3A_1302 = arith.constant 2 : i32
    %and3A_1303 = vector.broadcast %and3A_1302 : i32 to vector<1x128xi32>
    %and3A_1304 = arith.andi %iota3A_802, %and3A_1303 : vector<1x128xi32>
    %eq3A_1305 = arith.constant 0 : i32
    %eq3A_1306 = vector.broadcast %eq3A_1305 : i32 to vector<1x128xi32>
    %eq3A_1307 = arith.cmpi eq, %and3A_1304, %eq3A_1306 : vector<1x128xi32>
    %and3A_1308 = arith.constant 16 : i32
    %and3A_1309 = vector.broadcast %and3A_1308 : i32 to vector<1x128xi32>
    %and3A_1310 = arith.andi %iota3A_802, %and3A_1309 : vector<1x128xi32>
    %eq3A_1311 = arith.constant 0 : i32
    %eq3A_1312 = vector.broadcast %eq3A_1311 : i32 to vector<1x128xi32>
    %eq3A_1313 = arith.cmpi eq, %and3A_1310, %eq3A_1312 : vector<1x128xi32>
    %eq3A_1314 = arith.xori %eq3A_1307, %eq3A_1313 : vector<1x128xi1>
    %eq3A_1315 = arith.constant dense<true> : vector<1x128xi1>
    %eq3A_1316 = arith.xori %eq3A_1314, %eq3A_1315 : vector<1x128xi1>
    %add3A_1317 = arith.constant 128 : i32
    %add3A_1318 = vector.broadcast %add3A_1317 : i32 to vector<1x128xi32>
    %add3A_1319 = arith.addi %iota3A_802, %add3A_1318 : vector<1x128xi32>
    %and3A_1320 = arith.constant 16 : i32
    %and3A_1321 = vector.broadcast %and3A_1320 : i32 to vector<1x128xi32>
    %and3A_1322 = arith.andi %add3A_1319, %and3A_1321 : vector<1x128xi32>
    %eq3A_1323 = arith.constant 0 : i32
    %eq3A_1324 = vector.broadcast %eq3A_1323 : i32 to vector<1x128xi32>
    %eq3A_1325 = arith.cmpi eq, %and3A_1322, %eq3A_1324 : vector<1x128xi32>
    %eq3A_1326 = arith.xori %eq3A_1307, %eq3A_1325 : vector<1x128xi1>
    %eq3A_1327 = arith.constant dense<true> : vector<1x128xi1>
    %eq3A_1328 = arith.xori %eq3A_1326, %eq3A_1327 : vector<1x128xi1>
    %lt3A_1329 = arith.constant 0 : i32
    %lt3A_1330 = vector.broadcast %lt3A_1329 : i32 to vector<256x128xi32>
    %lt3A_1331 = arith.cmpi slt, %broadcast_in_dim3A_1301, %lt3A_1330 : vector<256x128xi32>
    %add3A_1332 = arith.constant 128 : i32
    %add3A_1333 = vector.broadcast %add3A_1332 : i32 to vector<256x128xi32>
    %add3A_1334 = arith.addi %broadcast_in_dim3A_1301, %add3A_1333 : vector<256x128xi32>
    %select_n3A_1335 = arith.select %lt3A_1331, %add3A_1334, %broadcast_in_dim3A_1301 : vector<256x128xi1>, vector<256x128xi32>
    %reshape3A_1336 = vector.shape_cast %select_n3A_1335 : vector<256x128xi32> to vector<256x128x1xi32>
    %gather3A_1337 = vector.shape_cast %reshape3A_1336 : vector<256x128x1xi32> to vector<256x128xi32>
    %gather3A_1338 = tpu.dynamic_gather %select_n3A_1291[%gather3A_1337] in [1] : vector<256x128xf32>, vector<256x128xi32> -> vector<256x128xf32>
    %lt3A_1339 = arith.constant 0 : i32
    %lt3A_1340 = vector.broadcast %lt3A_1339 : i32 to vector<256x128xi32>
    %lt3A_1341 = arith.cmpi slt, %broadcast_in_dim3A_1301, %lt3A_1340 : vector<256x128xi32>
    %add3A_1342 = arith.constant 128 : i32
    %add3A_1343 = vector.broadcast %add3A_1342 : i32 to vector<256x128xi32>
    %add3A_1344 = arith.addi %broadcast_in_dim3A_1301, %add3A_1343 : vector<256x128xi32>
    %select_n3A_1345 = arith.select %lt3A_1341, %add3A_1344, %broadcast_in_dim3A_1301 : vector<256x128xi1>, vector<256x128xi32>
    %reshape3A_1346 = vector.shape_cast %select_n3A_1345 : vector<256x128xi32> to vector<256x128x1xi32>
    %gather3A_1347 = vector.shape_cast %reshape3A_1346 : vector<256x128x1xi32> to vector<256x128xi32>
    %gather3A_1348 = tpu.dynamic_gather %select_n3A_1296[%gather3A_1347] in [1] : vector<256x128xf32>, vector<256x128xi32> -> vector<256x128xf32>
    %min3A_1349 = arith.minimumf %select_n3A_1291, %gather3A_1338 : vector<256x128xf32>
    %max3A_1350 = arith.maximumf %select_n3A_1291, %gather3A_1338 : vector<256x128xf32>
    %broadcast_in_dim3A_1351 = vector.shape_cast %eq3A_1316 : vector<1x128xi1> to vector<1x128xi1>
    %broadcast_in_dim3A_1352 = vector.broadcast %broadcast_in_dim3A_1351 : vector<1x128xi1> to vector<256x128xi1>
    %select_n3A_1353 = arith.select %broadcast_in_dim3A_1352, %min3A_1349, %max3A_1350 : vector<256x128xi1>, vector<256x128xf32>
    %min3A_1354 = arith.minimumf %select_n3A_1296, %gather3A_1348 : vector<256x128xf32>
    %max3A_1355 = arith.maximumf %select_n3A_1296, %gather3A_1348 : vector<256x128xf32>
    %broadcast_in_dim3A_1356 = vector.shape_cast %eq3A_1328 : vector<1x128xi1> to vector<1x128xi1>
    %broadcast_in_dim3A_1357 = vector.broadcast %broadcast_in_dim3A_1356 : vector<1x128xi1> to vector<256x128xi1>
    %select_n3A_1358 = arith.select %broadcast_in_dim3A_1357, %min3A_1354, %max3A_1355 : vector<256x128xi1>, vector<256x128xf32>
    %xor3A_1359 = arith.constant 1 : i32
    %xor3A_1360 = vector.broadcast %xor3A_1359 : i32 to vector<1x128xi32>
    %xor3A_1361 = arith.xori %iota3A_802, %xor3A_1360 : vector<1x128xi32>
    %broadcast_in_dim3A_1362 = vector.shape_cast %xor3A_1361 : vector<1x128xi32> to vector<1x128xi32>
    %broadcast_in_dim3A_1363 = vector.broadcast %broadcast_in_dim3A_1362 : vector<1x128xi32> to vector<256x128xi32>
    %and3A_1364 = arith.constant 1 : i32
    %and3A_1365 = vector.broadcast %and3A_1364 : i32 to vector<1x128xi32>
    %and3A_1366 = arith.andi %iota3A_802, %and3A_1365 : vector<1x128xi32>
    %eq3A_1367 = arith.constant 0 : i32
    %eq3A_1368 = vector.broadcast %eq3A_1367 : i32 to vector<1x128xi32>
    %eq3A_1369 = arith.cmpi eq, %and3A_1366, %eq3A_1368 : vector<1x128xi32>
    %and3A_1370 = arith.constant 16 : i32
    %and3A_1371 = vector.broadcast %and3A_1370 : i32 to vector<1x128xi32>
    %and3A_1372 = arith.andi %iota3A_802, %and3A_1371 : vector<1x128xi32>
    %eq3A_1373 = arith.constant 0 : i32
    %eq3A_1374 = vector.broadcast %eq3A_1373 : i32 to vector<1x128xi32>
    %eq3A_1375 = arith.cmpi eq, %and3A_1372, %eq3A_1374 : vector<1x128xi32>
    %eq3A_1376 = arith.xori %eq3A_1369, %eq3A_1375 : vector<1x128xi1>
    %eq3A_1377 = arith.constant dense<true> : vector<1x128xi1>
    %eq3A_1378 = arith.xori %eq3A_1376, %eq3A_1377 : vector<1x128xi1>
    %add3A_1379 = arith.constant 128 : i32
    %add3A_1380 = vector.broadcast %add3A_1379 : i32 to vector<1x128xi32>
    %add3A_1381 = arith.addi %iota3A_802, %add3A_1380 : vector<1x128xi32>
    %and3A_1382 = arith.constant 16 : i32
    %and3A_1383 = vector.broadcast %and3A_1382 : i32 to vector<1x128xi32>
    %and3A_1384 = arith.andi %add3A_1381, %and3A_1383 : vector<1x128xi32>
    %eq3A_1385 = arith.constant 0 : i32
    %eq3A_1386 = vector.broadcast %eq3A_1385 : i32 to vector<1x128xi32>
    %eq3A_1387 = arith.cmpi eq, %and3A_1384, %eq3A_1386 : vector<1x128xi32>
    %eq3A_1388 = arith.xori %eq3A_1369, %eq3A_1387 : vector<1x128xi1>
    %eq3A_1389 = arith.constant dense<true> : vector<1x128xi1>
    %eq3A_1390 = arith.xori %eq3A_1388, %eq3A_1389 : vector<1x128xi1>
    %lt3A_1391 = arith.constant 0 : i32
    %lt3A_1392 = vector.broadcast %lt3A_1391 : i32 to vector<256x128xi32>
    %lt3A_1393 = arith.cmpi slt, %broadcast_in_dim3A_1363, %lt3A_1392 : vector<256x128xi32>
    %add3A_1394 = arith.constant 128 : i32
    %add3A_1395 = vector.broadcast %add3A_1394 : i32 to vector<256x128xi32>
    %add3A_1396 = arith.addi %broadcast_in_dim3A_1363, %add3A_1395 : vector<256x128xi32>
    %select_n3A_1397 = arith.select %lt3A_1393, %add3A_1396, %broadcast_in_dim3A_1363 : vector<256x128xi1>, vector<256x128xi32>
    %reshape3A_1398 = vector.shape_cast %select_n3A_1397 : vector<256x128xi32> to vector<256x128x1xi32>
    %gather3A_1399 = vector.shape_cast %reshape3A_1398 : vector<256x128x1xi32> to vector<256x128xi32>
    %gather3A_1400 = tpu.dynamic_gather %select_n3A_1353[%gather3A_1399] in [1] : vector<256x128xf32>, vector<256x128xi32> -> vector<256x128xf32>
    %lt3A_1401 = arith.constant 0 : i32
    %lt3A_1402 = vector.broadcast %lt3A_1401 : i32 to vector<256x128xi32>
    %lt3A_1403 = arith.cmpi slt, %broadcast_in_dim3A_1363, %lt3A_1402 : vector<256x128xi32>
    %add3A_1404 = arith.constant 128 : i32
    %add3A_1405 = vector.broadcast %add3A_1404 : i32 to vector<256x128xi32>
    %add3A_1406 = arith.addi %broadcast_in_dim3A_1363, %add3A_1405 : vector<256x128xi32>
    %select_n3A_1407 = arith.select %lt3A_1403, %add3A_1406, %broadcast_in_dim3A_1363 : vector<256x128xi1>, vector<256x128xi32>
    %reshape3A_1408 = vector.shape_cast %select_n3A_1407 : vector<256x128xi32> to vector<256x128x1xi32>
    %gather3A_1409 = vector.shape_cast %reshape3A_1408 : vector<256x128x1xi32> to vector<256x128xi32>
    %gather3A_1410 = tpu.dynamic_gather %select_n3A_1358[%gather3A_1409] in [1] : vector<256x128xf32>, vector<256x128xi32> -> vector<256x128xf32>
    %min3A_1411 = arith.minimumf %select_n3A_1353, %gather3A_1400 : vector<256x128xf32>
    %max3A_1412 = arith.maximumf %select_n3A_1353, %gather3A_1400 : vector<256x128xf32>
    %broadcast_in_dim3A_1413 = vector.shape_cast %eq3A_1378 : vector<1x128xi1> to vector<1x128xi1>
    %broadcast_in_dim3A_1414 = vector.broadcast %broadcast_in_dim3A_1413 : vector<1x128xi1> to vector<256x128xi1>
    %select_n3A_1415 = arith.select %broadcast_in_dim3A_1414, %min3A_1411, %max3A_1412 : vector<256x128xi1>, vector<256x128xf32>
    %min3A_1416 = arith.minimumf %select_n3A_1358, %gather3A_1410 : vector<256x128xf32>
    %max3A_1417 = arith.maximumf %select_n3A_1358, %gather3A_1410 : vector<256x128xf32>
    %broadcast_in_dim3A_1418 = vector.shape_cast %eq3A_1390 : vector<1x128xi1> to vector<1x128xi1>
    %broadcast_in_dim3A_1419 = vector.broadcast %broadcast_in_dim3A_1418 : vector<1x128xi1> to vector<256x128xi1>
    %select_n3A_1420 = arith.select %broadcast_in_dim3A_1419, %min3A_1416, %max3A_1417 : vector<256x128xi1>, vector<256x128xf32>
    %xor3A_1421 = arith.constant 16 : i32
    %xor3A_1422 = vector.broadcast %xor3A_1421 : i32 to vector<1x128xi32>
    %xor3A_1423 = arith.xori %iota3A_802, %xor3A_1422 : vector<1x128xi32>
    %broadcast_in_dim3A_1424 = vector.shape_cast %xor3A_1423 : vector<1x128xi32> to vector<1x128xi32>
    %broadcast_in_dim3A_1425 = vector.broadcast %broadcast_in_dim3A_1424 : vector<1x128xi32> to vector<256x128xi32>
    %and3A_1426 = arith.constant 16 : i32
    %and3A_1427 = vector.broadcast %and3A_1426 : i32 to vector<1x128xi32>
    %and3A_1428 = arith.andi %iota3A_802, %and3A_1427 : vector<1x128xi32>
    %eq3A_1429 = arith.constant 0 : i32
    %eq3A_1430 = vector.broadcast %eq3A_1429 : i32 to vector<1x128xi32>
    %eq3A_1431 = arith.cmpi eq, %and3A_1428, %eq3A_1430 : vector<1x128xi32>
    %and3A_1432 = arith.constant 32 : i32
    %and3A_1433 = vector.broadcast %and3A_1432 : i32 to vector<1x128xi32>
    %and3A_1434 = arith.andi %iota3A_802, %and3A_1433 : vector<1x128xi32>
    %eq3A_1435 = arith.constant 0 : i32
    %eq3A_1436 = vector.broadcast %eq3A_1435 : i32 to vector<1x128xi32>
    %eq3A_1437 = arith.cmpi eq, %and3A_1434, %eq3A_1436 : vector<1x128xi32>
    %eq3A_1438 = arith.xori %eq3A_1431, %eq3A_1437 : vector<1x128xi1>
    %eq3A_1439 = arith.constant dense<true> : vector<1x128xi1>
    %eq3A_1440 = arith.xori %eq3A_1438, %eq3A_1439 : vector<1x128xi1>
    %add3A_1441 = arith.constant 128 : i32
    %add3A_1442 = vector.broadcast %add3A_1441 : i32 to vector<1x128xi32>
    %add3A_1443 = arith.addi %iota3A_802, %add3A_1442 : vector<1x128xi32>
    %and3A_1444 = arith.constant 32 : i32
    %and3A_1445 = vector.broadcast %and3A_1444 : i32 to vector<1x128xi32>
    %and3A_1446 = arith.andi %add3A_1443, %and3A_1445 : vector<1x128xi32>
    %eq3A_1447 = arith.constant 0 : i32
    %eq3A_1448 = vector.broadcast %eq3A_1447 : i32 to vector<1x128xi32>
    %eq3A_1449 = arith.cmpi eq, %and3A_1446, %eq3A_1448 : vector<1x128xi32>
    %eq3A_1450 = arith.xori %eq3A_1431, %eq3A_1449 : vector<1x128xi1>
    %eq3A_1451 = arith.constant dense<true> : vector<1x128xi1>
    %eq3A_1452 = arith.xori %eq3A_1450, %eq3A_1451 : vector<1x128xi1>
    %lt3A_1453 = arith.constant 0 : i32
    %lt3A_1454 = vector.broadcast %lt3A_1453 : i32 to vector<256x128xi32>
    %lt3A_1455 = arith.cmpi slt, %broadcast_in_dim3A_1425, %lt3A_1454 : vector<256x128xi32>
    %add3A_1456 = arith.constant 128 : i32
    %add3A_1457 = vector.broadcast %add3A_1456 : i32 to vector<256x128xi32>
    %add3A_1458 = arith.addi %broadcast_in_dim3A_1425, %add3A_1457 : vector<256x128xi32>
    %select_n3A_1459 = arith.select %lt3A_1455, %add3A_1458, %broadcast_in_dim3A_1425 : vector<256x128xi1>, vector<256x128xi32>
    %reshape3A_1460 = vector.shape_cast %select_n3A_1459 : vector<256x128xi32> to vector<256x128x1xi32>
    %gather3A_1461 = vector.shape_cast %reshape3A_1460 : vector<256x128x1xi32> to vector<256x128xi32>
    %gather3A_1462 = tpu.dynamic_gather %select_n3A_1415[%gather3A_1461] in [1] : vector<256x128xf32>, vector<256x128xi32> -> vector<256x128xf32>
    %lt3A_1463 = arith.constant 0 : i32
    %lt3A_1464 = vector.broadcast %lt3A_1463 : i32 to vector<256x128xi32>
    %lt3A_1465 = arith.cmpi slt, %broadcast_in_dim3A_1425, %lt3A_1464 : vector<256x128xi32>
    %add3A_1466 = arith.constant 128 : i32
    %add3A_1467 = vector.broadcast %add3A_1466 : i32 to vector<256x128xi32>
    %add3A_1468 = arith.addi %broadcast_in_dim3A_1425, %add3A_1467 : vector<256x128xi32>
    %select_n3A_1469 = arith.select %lt3A_1465, %add3A_1468, %broadcast_in_dim3A_1425 : vector<256x128xi1>, vector<256x128xi32>
    %reshape3A_1470 = vector.shape_cast %select_n3A_1469 : vector<256x128xi32> to vector<256x128x1xi32>
    %gather3A_1471 = vector.shape_cast %reshape3A_1470 : vector<256x128x1xi32> to vector<256x128xi32>
    %gather3A_1472 = tpu.dynamic_gather %select_n3A_1420[%gather3A_1471] in [1] : vector<256x128xf32>, vector<256x128xi32> -> vector<256x128xf32>
    %min3A_1473 = arith.minimumf %select_n3A_1415, %gather3A_1462 : vector<256x128xf32>
    %max3A_1474 = arith.maximumf %select_n3A_1415, %gather3A_1462 : vector<256x128xf32>
    %broadcast_in_dim3A_1475 = vector.shape_cast %eq3A_1440 : vector<1x128xi1> to vector<1x128xi1>
    %broadcast_in_dim3A_1476 = vector.broadcast %broadcast_in_dim3A_1475 : vector<1x128xi1> to vector<256x128xi1>
    %select_n3A_1477 = arith.select %broadcast_in_dim3A_1476, %min3A_1473, %max3A_1474 : vector<256x128xi1>, vector<256x128xf32>
    %min3A_1478 = arith.minimumf %select_n3A_1420, %gather3A_1472 : vector<256x128xf32>
    %max3A_1479 = arith.maximumf %select_n3A_1420, %gather3A_1472 : vector<256x128xf32>
    %broadcast_in_dim3A_1480 = vector.shape_cast %eq3A_1452 : vector<1x128xi1> to vector<1x128xi1>
    %broadcast_in_dim3A_1481 = vector.broadcast %broadcast_in_dim3A_1480 : vector<1x128xi1> to vector<256x128xi1>
    %select_n3A_1482 = arith.select %broadcast_in_dim3A_1481, %min3A_1478, %max3A_1479 : vector<256x128xi1>, vector<256x128xf32>
    %xor3A_1483 = arith.constant 8 : i32
    %xor3A_1484 = vector.broadcast %xor3A_1483 : i32 to vector<1x128xi32>
    %xor3A_1485 = arith.xori %iota3A_802, %xor3A_1484 : vector<1x128xi32>
    %broadcast_in_dim3A_1486 = vector.shape_cast %xor3A_1485 : vector<1x128xi32> to vector<1x128xi32>
    %broadcast_in_dim3A_1487 = vector.broadcast %broadcast_in_dim3A_1486 : vector<1x128xi32> to vector<256x128xi32>
    %and3A_1488 = arith.constant 8 : i32
    %and3A_1489 = vector.broadcast %and3A_1488 : i32 to vector<1x128xi32>
    %and3A_1490 = arith.andi %iota3A_802, %and3A_1489 : vector<1x128xi32>
    %eq3A_1491 = arith.constant 0 : i32
    %eq3A_1492 = vector.broadcast %eq3A_1491 : i32 to vector<1x128xi32>
    %eq3A_1493 = arith.cmpi eq, %and3A_1490, %eq3A_1492 : vector<1x128xi32>
    %and3A_1494 = arith.constant 32 : i32
    %and3A_1495 = vector.broadcast %and3A_1494 : i32 to vector<1x128xi32>
    %and3A_1496 = arith.andi %iota3A_802, %and3A_1495 : vector<1x128xi32>
    %eq3A_1497 = arith.constant 0 : i32
    %eq3A_1498 = vector.broadcast %eq3A_1497 : i32 to vector<1x128xi32>
    %eq3A_1499 = arith.cmpi eq, %and3A_1496, %eq3A_1498 : vector<1x128xi32>
    %eq3A_1500 = arith.xori %eq3A_1493, %eq3A_1499 : vector<1x128xi1>
    %eq3A_1501 = arith.constant dense<true> : vector<1x128xi1>
    %eq3A_1502 = arith.xori %eq3A_1500, %eq3A_1501 : vector<1x128xi1>
    %add3A_1503 = arith.constant 128 : i32
    %add3A_1504 = vector.broadcast %add3A_1503 : i32 to vector<1x128xi32>
    %add3A_1505 = arith.addi %iota3A_802, %add3A_1504 : vector<1x128xi32>
    %and3A_1506 = arith.constant 32 : i32
    %and3A_1507 = vector.broadcast %and3A_1506 : i32 to vector<1x128xi32>
    %and3A_1508 = arith.andi %add3A_1505, %and3A_1507 : vector<1x128xi32>
    %eq3A_1509 = arith.constant 0 : i32
    %eq3A_1510 = vector.broadcast %eq3A_1509 : i32 to vector<1x128xi32>
    %eq3A_1511 = arith.cmpi eq, %and3A_1508, %eq3A_1510 : vector<1x128xi32>
    %eq3A_1512 = arith.xori %eq3A_1493, %eq3A_1511 : vector<1x128xi1>
    %eq3A_1513 = arith.constant dense<true> : vector<1x128xi1>
    %eq3A_1514 = arith.xori %eq3A_1512, %eq3A_1513 : vector<1x128xi1>
    %lt3A_1515 = arith.constant 0 : i32
    %lt3A_1516 = vector.broadcast %lt3A_1515 : i32 to vector<256x128xi32>
    %lt3A_1517 = arith.cmpi slt, %broadcast_in_dim3A_1487, %lt3A_1516 : vector<256x128xi32>
    %add3A_1518 = arith.constant 128 : i32
    %add3A_1519 = vector.broadcast %add3A_1518 : i32 to vector<256x128xi32>
    %add3A_1520 = arith.addi %broadcast_in_dim3A_1487, %add3A_1519 : vector<256x128xi32>
    %select_n3A_1521 = arith.select %lt3A_1517, %add3A_1520, %broadcast_in_dim3A_1487 : vector<256x128xi1>, vector<256x128xi32>
    %reshape3A_1522 = vector.shape_cast %select_n3A_1521 : vector<256x128xi32> to vector<256x128x1xi32>
    %gather3A_1523 = vector.shape_cast %reshape3A_1522 : vector<256x128x1xi32> to vector<256x128xi32>
    %gather3A_1524 = tpu.dynamic_gather %select_n3A_1477[%gather3A_1523] in [1] : vector<256x128xf32>, vector<256x128xi32> -> vector<256x128xf32>
    %lt3A_1525 = arith.constant 0 : i32
    %lt3A_1526 = vector.broadcast %lt3A_1525 : i32 to vector<256x128xi32>
    %lt3A_1527 = arith.cmpi slt, %broadcast_in_dim3A_1487, %lt3A_1526 : vector<256x128xi32>
    %add3A_1528 = arith.constant 128 : i32
    %add3A_1529 = vector.broadcast %add3A_1528 : i32 to vector<256x128xi32>
    %add3A_1530 = arith.addi %broadcast_in_dim3A_1487, %add3A_1529 : vector<256x128xi32>
    %select_n3A_1531 = arith.select %lt3A_1527, %add3A_1530, %broadcast_in_dim3A_1487 : vector<256x128xi1>, vector<256x128xi32>
    %reshape3A_1532 = vector.shape_cast %select_n3A_1531 : vector<256x128xi32> to vector<256x128x1xi32>
    %gather3A_1533 = vector.shape_cast %reshape3A_1532 : vector<256x128x1xi32> to vector<256x128xi32>
    %gather3A_1534 = tpu.dynamic_gather %select_n3A_1482[%gather3A_1533] in [1] : vector<256x128xf32>, vector<256x128xi32> -> vector<256x128xf32>
    %min3A_1535 = arith.minimumf %select_n3A_1477, %gather3A_1524 : vector<256x128xf32>
    %max3A_1536 = arith.maximumf %select_n3A_1477, %gather3A_1524 : vector<256x128xf32>
    %broadcast_in_dim3A_1537 = vector.shape_cast %eq3A_1502 : vector<1x128xi1> to vector<1x128xi1>
    %broadcast_in_dim3A_1538 = vector.broadcast %broadcast_in_dim3A_1537 : vector<1x128xi1> to vector<256x128xi1>
    %select_n3A_1539 = arith.select %broadcast_in_dim3A_1538, %min3A_1535, %max3A_1536 : vector<256x128xi1>, vector<256x128xf32>
    %min3A_1540 = arith.minimumf %select_n3A_1482, %gather3A_1534 : vector<256x128xf32>
    %max3A_1541 = arith.maximumf %select_n3A_1482, %gather3A_1534 : vector<256x128xf32>
    %broadcast_in_dim3A_1542 = vector.shape_cast %eq3A_1514 : vector<1x128xi1> to vector<1x128xi1>
    %broadcast_in_dim3A_1543 = vector.broadcast %broadcast_in_dim3A_1542 : vector<1x128xi1> to vector<256x128xi1>
    %select_n3A_1544 = arith.select %broadcast_in_dim3A_1543, %min3A_1540, %max3A_1541 : vector<256x128xi1>, vector<256x128xf32>
    %xor3A_1545 = arith.constant 4 : i32
    %xor3A_1546 = vector.broadcast %xor3A_1545 : i32 to vector<1x128xi32>
    %xor3A_1547 = arith.xori %iota3A_802, %xor3A_1546 : vector<1x128xi32>
    %broadcast_in_dim3A_1548 = vector.shape_cast %xor3A_1547 : vector<1x128xi32> to vector<1x128xi32>
    %broadcast_in_dim3A_1549 = vector.broadcast %broadcast_in_dim3A_1548 : vector<1x128xi32> to vector<256x128xi32>
    %and3A_1550 = arith.constant 4 : i32
    %and3A_1551 = vector.broadcast %and3A_1550 : i32 to vector<1x128xi32>
    %and3A_1552 = arith.andi %iota3A_802, %and3A_1551 : vector<1x128xi32>
    %eq3A_1553 = arith.constant 0 : i32
    %eq3A_1554 = vector.broadcast %eq3A_1553 : i32 to vector<1x128xi32>
    %eq3A_1555 = arith.cmpi eq, %and3A_1552, %eq3A_1554 : vector<1x128xi32>
    %and3A_1556 = arith.constant 32 : i32
    %and3A_1557 = vector.broadcast %and3A_1556 : i32 to vector<1x128xi32>
    %and3A_1558 = arith.andi %iota3A_802, %and3A_1557 : vector<1x128xi32>
    %eq3A_1559 = arith.constant 0 : i32
    %eq3A_1560 = vector.broadcast %eq3A_1559 : i32 to vector<1x128xi32>
    %eq3A_1561 = arith.cmpi eq, %and3A_1558, %eq3A_1560 : vector<1x128xi32>
    %eq3A_1562 = arith.xori %eq3A_1555, %eq3A_1561 : vector<1x128xi1>
    %eq3A_1563 = arith.constant dense<true> : vector<1x128xi1>
    %eq3A_1564 = arith.xori %eq3A_1562, %eq3A_1563 : vector<1x128xi1>
    %add3A_1565 = arith.constant 128 : i32
    %add3A_1566 = vector.broadcast %add3A_1565 : i32 to vector<1x128xi32>
    %add3A_1567 = arith.addi %iota3A_802, %add3A_1566 : vector<1x128xi32>
    %and3A_1568 = arith.constant 32 : i32
    %and3A_1569 = vector.broadcast %and3A_1568 : i32 to vector<1x128xi32>
    %and3A_1570 = arith.andi %add3A_1567, %and3A_1569 : vector<1x128xi32>
    %eq3A_1571 = arith.constant 0 : i32
    %eq3A_1572 = vector.broadcast %eq3A_1571 : i32 to vector<1x128xi32>
    %eq3A_1573 = arith.cmpi eq, %and3A_1570, %eq3A_1572 : vector<1x128xi32>
    %eq3A_1574 = arith.xori %eq3A_1555, %eq3A_1573 : vector<1x128xi1>
    %eq3A_1575 = arith.constant dense<true> : vector<1x128xi1>
    %eq3A_1576 = arith.xori %eq3A_1574, %eq3A_1575 : vector<1x128xi1>
    %lt3A_1577 = arith.constant 0 : i32
    %lt3A_1578 = vector.broadcast %lt3A_1577 : i32 to vector<256x128xi32>
    %lt3A_1579 = arith.cmpi slt, %broadcast_in_dim3A_1549, %lt3A_1578 : vector<256x128xi32>
    %add3A_1580 = arith.constant 128 : i32
    %add3A_1581 = vector.broadcast %add3A_1580 : i32 to vector<256x128xi32>
    %add3A_1582 = arith.addi %broadcast_in_dim3A_1549, %add3A_1581 : vector<256x128xi32>
    %select_n3A_1583 = arith.select %lt3A_1579, %add3A_1582, %broadcast_in_dim3A_1549 : vector<256x128xi1>, vector<256x128xi32>
    %reshape3A_1584 = vector.shape_cast %select_n3A_1583 : vector<256x128xi32> to vector<256x128x1xi32>
    %gather3A_1585 = vector.shape_cast %reshape3A_1584 : vector<256x128x1xi32> to vector<256x128xi32>
    %gather3A_1586 = tpu.dynamic_gather %select_n3A_1539[%gather3A_1585] in [1] : vector<256x128xf32>, vector<256x128xi32> -> vector<256x128xf32>
    %lt3A_1587 = arith.constant 0 : i32
    %lt3A_1588 = vector.broadcast %lt3A_1587 : i32 to vector<256x128xi32>
    %lt3A_1589 = arith.cmpi slt, %broadcast_in_dim3A_1549, %lt3A_1588 : vector<256x128xi32>
    %add3A_1590 = arith.constant 128 : i32
    %add3A_1591 = vector.broadcast %add3A_1590 : i32 to vector<256x128xi32>
    %add3A_1592 = arith.addi %broadcast_in_dim3A_1549, %add3A_1591 : vector<256x128xi32>
    %select_n3A_1593 = arith.select %lt3A_1589, %add3A_1592, %broadcast_in_dim3A_1549 : vector<256x128xi1>, vector<256x128xi32>
    %reshape3A_1594 = vector.shape_cast %select_n3A_1593 : vector<256x128xi32> to vector<256x128x1xi32>
    %gather3A_1595 = vector.shape_cast %reshape3A_1594 : vector<256x128x1xi32> to vector<256x128xi32>
    %gather3A_1596 = tpu.dynamic_gather %select_n3A_1544[%gather3A_1595] in [1] : vector<256x128xf32>, vector<256x128xi32> -> vector<256x128xf32>
    %min3A_1597 = arith.minimumf %select_n3A_1539, %gather3A_1586 : vector<256x128xf32>
    %max3A_1598 = arith.maximumf %select_n3A_1539, %gather3A_1586 : vector<256x128xf32>
    %broadcast_in_dim3A_1599 = vector.shape_cast %eq3A_1564 : vector<1x128xi1> to vector<1x128xi1>
    %broadcast_in_dim3A_1600 = vector.broadcast %broadcast_in_dim3A_1599 : vector<1x128xi1> to vector<256x128xi1>
    %select_n3A_1601 = arith.select %broadcast_in_dim3A_1600, %min3A_1597, %max3A_1598 : vector<256x128xi1>, vector<256x128xf32>
    %min3A_1602 = arith.minimumf %select_n3A_1544, %gather3A_1596 : vector<256x128xf32>
    %max3A_1603 = arith.maximumf %select_n3A_1544, %gather3A_1596 : vector<256x128xf32>
    %broadcast_in_dim3A_1604 = vector.shape_cast %eq3A_1576 : vector<1x128xi1> to vector<1x128xi1>
    %broadcast_in_dim3A_1605 = vector.broadcast %broadcast_in_dim3A_1604 : vector<1x128xi1> to vector<256x128xi1>
    %select_n3A_1606 = arith.select %broadcast_in_dim3A_1605, %min3A_1602, %max3A_1603 : vector<256x128xi1>, vector<256x128xf32>
    %xor3A_1607 = arith.constant 2 : i32
    %xor3A_1608 = vector.broadcast %xor3A_1607 : i32 to vector<1x128xi32>
    %xor3A_1609 = arith.xori %iota3A_802, %xor3A_1608 : vector<1x128xi32>
    %broadcast_in_dim3A_1610 = vector.shape_cast %xor3A_1609 : vector<1x128xi32> to vector<1x128xi32>
    %broadcast_in_dim3A_1611 = vector.broadcast %broadcast_in_dim3A_1610 : vector<1x128xi32> to vector<256x128xi32>
    %and3A_1612 = arith.constant 2 : i32
    %and3A_1613 = vector.broadcast %and3A_1612 : i32 to vector<1x128xi32>
    %and3A_1614 = arith.andi %iota3A_802, %and3A_1613 : vector<1x128xi32>
    %eq3A_1615 = arith.constant 0 : i32
    %eq3A_1616 = vector.broadcast %eq3A_1615 : i32 to vector<1x128xi32>
    %eq3A_1617 = arith.cmpi eq, %and3A_1614, %eq3A_1616 : vector<1x128xi32>
    %and3A_1618 = arith.constant 32 : i32
    %and3A_1619 = vector.broadcast %and3A_1618 : i32 to vector<1x128xi32>
    %and3A_1620 = arith.andi %iota3A_802, %and3A_1619 : vector<1x128xi32>
    %eq3A_1621 = arith.constant 0 : i32
    %eq3A_1622 = vector.broadcast %eq3A_1621 : i32 to vector<1x128xi32>
    %eq3A_1623 = arith.cmpi eq, %and3A_1620, %eq3A_1622 : vector<1x128xi32>
    %eq3A_1624 = arith.xori %eq3A_1617, %eq3A_1623 : vector<1x128xi1>
    %eq3A_1625 = arith.constant dense<true> : vector<1x128xi1>
    %eq3A_1626 = arith.xori %eq3A_1624, %eq3A_1625 : vector<1x128xi1>
    %add3A_1627 = arith.constant 128 : i32
    %add3A_1628 = vector.broadcast %add3A_1627 : i32 to vector<1x128xi32>
    %add3A_1629 = arith.addi %iota3A_802, %add3A_1628 : vector<1x128xi32>
    %and3A_1630 = arith.constant 32 : i32
    %and3A_1631 = vector.broadcast %and3A_1630 : i32 to vector<1x128xi32>
    %and3A_1632 = arith.andi %add3A_1629, %and3A_1631 : vector<1x128xi32>
    %eq3A_1633 = arith.constant 0 : i32
    %eq3A_1634 = vector.broadcast %eq3A_1633 : i32 to vector<1x128xi32>
    %eq3A_1635 = arith.cmpi eq, %and3A_1632, %eq3A_1634 : vector<1x128xi32>
    %eq3A_1636 = arith.xori %eq3A_1617, %eq3A_1635 : vector<1x128xi1>
    %eq3A_1637 = arith.constant dense<true> : vector<1x128xi1>
    %eq3A_1638 = arith.xori %eq3A_1636, %eq3A_1637 : vector<1x128xi1>
    %lt3A_1639 = arith.constant 0 : i32
    %lt3A_1640 = vector.broadcast %lt3A_1639 : i32 to vector<256x128xi32>
    %lt3A_1641 = arith.cmpi slt, %broadcast_in_dim3A_1611, %lt3A_1640 : vector<256x128xi32>
    %add3A_1642 = arith.constant 128 : i32
    %add3A_1643 = vector.broadcast %add3A_1642 : i32 to vector<256x128xi32>
    %add3A_1644 = arith.addi %broadcast_in_dim3A_1611, %add3A_1643 : vector<256x128xi32>
    %select_n3A_1645 = arith.select %lt3A_1641, %add3A_1644, %broadcast_in_dim3A_1611 : vector<256x128xi1>, vector<256x128xi32>
    %reshape3A_1646 = vector.shape_cast %select_n3A_1645 : vector<256x128xi32> to vector<256x128x1xi32>
    %gather3A_1647 = vector.shape_cast %reshape3A_1646 : vector<256x128x1xi32> to vector<256x128xi32>
    %gather3A_1648 = tpu.dynamic_gather %select_n3A_1601[%gather3A_1647] in [1] : vector<256x128xf32>, vector<256x128xi32> -> vector<256x128xf32>
    %lt3A_1649 = arith.constant 0 : i32
    %lt3A_1650 = vector.broadcast %lt3A_1649 : i32 to vector<256x128xi32>
    %lt3A_1651 = arith.cmpi slt, %broadcast_in_dim3A_1611, %lt3A_1650 : vector<256x128xi32>
    %add3A_1652 = arith.constant 128 : i32
    %add3A_1653 = vector.broadcast %add3A_1652 : i32 to vector<256x128xi32>
    %add3A_1654 = arith.addi %broadcast_in_dim3A_1611, %add3A_1653 : vector<256x128xi32>
    %select_n3A_1655 = arith.select %lt3A_1651, %add3A_1654, %broadcast_in_dim3A_1611 : vector<256x128xi1>, vector<256x128xi32>
    %reshape3A_1656 = vector.shape_cast %select_n3A_1655 : vector<256x128xi32> to vector<256x128x1xi32>
    %gather3A_1657 = vector.shape_cast %reshape3A_1656 : vector<256x128x1xi32> to vector<256x128xi32>
    %gather3A_1658 = tpu.dynamic_gather %select_n3A_1606[%gather3A_1657] in [1] : vector<256x128xf32>, vector<256x128xi32> -> vector<256x128xf32>
    %min3A_1659 = arith.minimumf %select_n3A_1601, %gather3A_1648 : vector<256x128xf32>
    %max3A_1660 = arith.maximumf %select_n3A_1601, %gather3A_1648 : vector<256x128xf32>
    %broadcast_in_dim3A_1661 = vector.shape_cast %eq3A_1626 : vector<1x128xi1> to vector<1x128xi1>
    %broadcast_in_dim3A_1662 = vector.broadcast %broadcast_in_dim3A_1661 : vector<1x128xi1> to vector<256x128xi1>
    %select_n3A_1663 = arith.select %broadcast_in_dim3A_1662, %min3A_1659, %max3A_1660 : vector<256x128xi1>, vector<256x128xf32>
    %min3A_1664 = arith.minimumf %select_n3A_1606, %gather3A_1658 : vector<256x128xf32>
    %max3A_1665 = arith.maximumf %select_n3A_1606, %gather3A_1658 : vector<256x128xf32>
    %broadcast_in_dim3A_1666 = vector.shape_cast %eq3A_1638 : vector<1x128xi1> to vector<1x128xi1>
    %broadcast_in_dim3A_1667 = vector.broadcast %broadcast_in_dim3A_1666 : vector<1x128xi1> to vector<256x128xi1>
    %select_n3A_1668 = arith.select %broadcast_in_dim3A_1667, %min3A_1664, %max3A_1665 : vector<256x128xi1>, vector<256x128xf32>
    %xor3A_1669 = arith.constant 1 : i32
    %xor3A_1670 = vector.broadcast %xor3A_1669 : i32 to vector<1x128xi32>
    %xor3A_1671 = arith.xori %iota3A_802, %xor3A_1670 : vector<1x128xi32>
    %broadcast_in_dim3A_1672 = vector.shape_cast %xor3A_1671 : vector<1x128xi32> to vector<1x128xi32>
    %broadcast_in_dim3A_1673 = vector.broadcast %broadcast_in_dim3A_1672 : vector<1x128xi32> to vector<256x128xi32>
    %and3A_1674 = arith.constant 1 : i32
    %and3A_1675 = vector.broadcast %and3A_1674 : i32 to vector<1x128xi32>
    %and3A_1676 = arith.andi %iota3A_802, %and3A_1675 : vector<1x128xi32>
    %eq3A_1677 = arith.constant 0 : i32
    %eq3A_1678 = vector.broadcast %eq3A_1677 : i32 to vector<1x128xi32>
    %eq3A_1679 = arith.cmpi eq, %and3A_1676, %eq3A_1678 : vector<1x128xi32>
    %and3A_1680 = arith.constant 32 : i32
    %and3A_1681 = vector.broadcast %and3A_1680 : i32 to vector<1x128xi32>
    %and3A_1682 = arith.andi %iota3A_802, %and3A_1681 : vector<1x128xi32>
    %eq3A_1683 = arith.constant 0 : i32
    %eq3A_1684 = vector.broadcast %eq3A_1683 : i32 to vector<1x128xi32>
    %eq3A_1685 = arith.cmpi eq, %and3A_1682, %eq3A_1684 : vector<1x128xi32>
    %eq3A_1686 = arith.xori %eq3A_1679, %eq3A_1685 : vector<1x128xi1>
    %eq3A_1687 = arith.constant dense<true> : vector<1x128xi1>
    %eq3A_1688 = arith.xori %eq3A_1686, %eq3A_1687 : vector<1x128xi1>
    %add3A_1689 = arith.constant 128 : i32
    %add3A_1690 = vector.broadcast %add3A_1689 : i32 to vector<1x128xi32>
    %add3A_1691 = arith.addi %iota3A_802, %add3A_1690 : vector<1x128xi32>
    %and3A_1692 = arith.constant 32 : i32
    %and3A_1693 = vector.broadcast %and3A_1692 : i32 to vector<1x128xi32>
    %and3A_1694 = arith.andi %add3A_1691, %and3A_1693 : vector<1x128xi32>
    %eq3A_1695 = arith.constant 0 : i32
    %eq3A_1696 = vector.broadcast %eq3A_1695 : i32 to vector<1x128xi32>
    %eq3A_1697 = arith.cmpi eq, %and3A_1694, %eq3A_1696 : vector<1x128xi32>
    %eq3A_1698 = arith.xori %eq3A_1679, %eq3A_1697 : vector<1x128xi1>
    %eq3A_1699 = arith.constant dense<true> : vector<1x128xi1>
    %eq3A_1700 = arith.xori %eq3A_1698, %eq3A_1699 : vector<1x128xi1>
    %lt3A_1701 = arith.constant 0 : i32
    %lt3A_1702 = vector.broadcast %lt3A_1701 : i32 to vector<256x128xi32>
    %lt3A_1703 = arith.cmpi slt, %broadcast_in_dim3A_1673, %lt3A_1702 : vector<256x128xi32>
    %add3A_1704 = arith.constant 128 : i32
    %add3A_1705 = vector.broadcast %add3A_1704 : i32 to vector<256x128xi32>
    %add3A_1706 = arith.addi %broadcast_in_dim3A_1673, %add3A_1705 : vector<256x128xi32>
    %select_n3A_1707 = arith.select %lt3A_1703, %add3A_1706, %broadcast_in_dim3A_1673 : vector<256x128xi1>, vector<256x128xi32>
    %reshape3A_1708 = vector.shape_cast %select_n3A_1707 : vector<256x128xi32> to vector<256x128x1xi32>
    %gather3A_1709 = vector.shape_cast %reshape3A_1708 : vector<256x128x1xi32> to vector<256x128xi32>
    %gather3A_1710 = tpu.dynamic_gather %select_n3A_1663[%gather3A_1709] in [1] : vector<256x128xf32>, vector<256x128xi32> -> vector<256x128xf32>
    %lt3A_1711 = arith.constant 0 : i32
    %lt3A_1712 = vector.broadcast %lt3A_1711 : i32 to vector<256x128xi32>
    %lt3A_1713 = arith.cmpi slt, %broadcast_in_dim3A_1673, %lt3A_1712 : vector<256x128xi32>
    %add3A_1714 = arith.constant 128 : i32
    %add3A_1715 = vector.broadcast %add3A_1714 : i32 to vector<256x128xi32>
    %add3A_1716 = arith.addi %broadcast_in_dim3A_1673, %add3A_1715 : vector<256x128xi32>
    %select_n3A_1717 = arith.select %lt3A_1713, %add3A_1716, %broadcast_in_dim3A_1673 : vector<256x128xi1>, vector<256x128xi32>
    %reshape3A_1718 = vector.shape_cast %select_n3A_1717 : vector<256x128xi32> to vector<256x128x1xi32>
    %gather3A_1719 = vector.shape_cast %reshape3A_1718 : vector<256x128x1xi32> to vector<256x128xi32>
    %gather3A_1720 = tpu.dynamic_gather %select_n3A_1668[%gather3A_1719] in [1] : vector<256x128xf32>, vector<256x128xi32> -> vector<256x128xf32>
    %min3A_1721 = arith.minimumf %select_n3A_1663, %gather3A_1710 : vector<256x128xf32>
    %max3A_1722 = arith.maximumf %select_n3A_1663, %gather3A_1710 : vector<256x128xf32>
    %broadcast_in_dim3A_1723 = vector.shape_cast %eq3A_1688 : vector<1x128xi1> to vector<1x128xi1>
    %broadcast_in_dim3A_1724 = vector.broadcast %broadcast_in_dim3A_1723 : vector<1x128xi1> to vector<256x128xi1>
    %select_n3A_1725 = arith.select %broadcast_in_dim3A_1724, %min3A_1721, %max3A_1722 : vector<256x128xi1>, vector<256x128xf32>
    %min3A_1726 = arith.minimumf %select_n3A_1668, %gather3A_1720 : vector<256x128xf32>
    %max3A_1727 = arith.maximumf %select_n3A_1668, %gather3A_1720 : vector<256x128xf32>
    %broadcast_in_dim3A_1728 = vector.shape_cast %eq3A_1700 : vector<1x128xi1> to vector<1x128xi1>
    %broadcast_in_dim3A_1729 = vector.broadcast %broadcast_in_dim3A_1728 : vector<1x128xi1> to vector<256x128xi1>
    %select_n3A_1730 = arith.select %broadcast_in_dim3A_1729, %min3A_1726, %max3A_1727 : vector<256x128xi1>, vector<256x128xf32>
    %xor3A_1731 = arith.constant 32 : i32
    %xor3A_1732 = vector.broadcast %xor3A_1731 : i32 to vector<1x128xi32>
    %xor3A_1733 = arith.xori %iota3A_802, %xor3A_1732 : vector<1x128xi32>
    %broadcast_in_dim3A_1734 = vector.shape_cast %xor3A_1733 : vector<1x128xi32> to vector<1x128xi32>
    %broadcast_in_dim3A_1735 = vector.broadcast %broadcast_in_dim3A_1734 : vector<1x128xi32> to vector<256x128xi32>
    %and3A_1736 = arith.constant 32 : i32
    %and3A_1737 = vector.broadcast %and3A_1736 : i32 to vector<1x128xi32>
    %and3A_1738 = arith.andi %iota3A_802, %and3A_1737 : vector<1x128xi32>
    %eq3A_1739 = arith.constant 0 : i32
    %eq3A_1740 = vector.broadcast %eq3A_1739 : i32 to vector<1x128xi32>
    %eq3A_1741 = arith.cmpi eq, %and3A_1738, %eq3A_1740 : vector<1x128xi32>
    %and3A_1742 = arith.constant 64 : i32
    %and3A_1743 = vector.broadcast %and3A_1742 : i32 to vector<1x128xi32>
    %and3A_1744 = arith.andi %iota3A_802, %and3A_1743 : vector<1x128xi32>
    %eq3A_1745 = arith.constant 0 : i32
    %eq3A_1746 = vector.broadcast %eq3A_1745 : i32 to vector<1x128xi32>
    %eq3A_1747 = arith.cmpi eq, %and3A_1744, %eq3A_1746 : vector<1x128xi32>
    %eq3A_1748 = arith.xori %eq3A_1741, %eq3A_1747 : vector<1x128xi1>
    %eq3A_1749 = arith.constant dense<true> : vector<1x128xi1>
    %eq3A_1750 = arith.xori %eq3A_1748, %eq3A_1749 : vector<1x128xi1>
    %add3A_1751 = arith.constant 128 : i32
    %add3A_1752 = vector.broadcast %add3A_1751 : i32 to vector<1x128xi32>
    %add3A_1753 = arith.addi %iota3A_802, %add3A_1752 : vector<1x128xi32>
    %and3A_1754 = arith.constant 64 : i32
    %and3A_1755 = vector.broadcast %and3A_1754 : i32 to vector<1x128xi32>
    %and3A_1756 = arith.andi %add3A_1753, %and3A_1755 : vector<1x128xi32>
    %eq3A_1757 = arith.constant 0 : i32
    %eq3A_1758 = vector.broadcast %eq3A_1757 : i32 to vector<1x128xi32>
    %eq3A_1759 = arith.cmpi eq, %and3A_1756, %eq3A_1758 : vector<1x128xi32>
    %eq3A_1760 = arith.xori %eq3A_1741, %eq3A_1759 : vector<1x128xi1>
    %eq3A_1761 = arith.constant dense<true> : vector<1x128xi1>
    %eq3A_1762 = arith.xori %eq3A_1760, %eq3A_1761 : vector<1x128xi1>
    %lt3A_1763 = arith.constant 0 : i32
    %lt3A_1764 = vector.broadcast %lt3A_1763 : i32 to vector<256x128xi32>
    %lt3A_1765 = arith.cmpi slt, %broadcast_in_dim3A_1735, %lt3A_1764 : vector<256x128xi32>
    %add3A_1766 = arith.constant 128 : i32
    %add3A_1767 = vector.broadcast %add3A_1766 : i32 to vector<256x128xi32>
    %add3A_1768 = arith.addi %broadcast_in_dim3A_1735, %add3A_1767 : vector<256x128xi32>
    %select_n3A_1769 = arith.select %lt3A_1765, %add3A_1768, %broadcast_in_dim3A_1735 : vector<256x128xi1>, vector<256x128xi32>
    %reshape3A_1770 = vector.shape_cast %select_n3A_1769 : vector<256x128xi32> to vector<256x128x1xi32>
    %gather3A_1771 = vector.shape_cast %reshape3A_1770 : vector<256x128x1xi32> to vector<256x128xi32>
    %gather3A_1772 = tpu.dynamic_gather %select_n3A_1725[%gather3A_1771] in [1] : vector<256x128xf32>, vector<256x128xi32> -> vector<256x128xf32>
    %lt3A_1773 = arith.constant 0 : i32
    %lt3A_1774 = vector.broadcast %lt3A_1773 : i32 to vector<256x128xi32>
    %lt3A_1775 = arith.cmpi slt, %broadcast_in_dim3A_1735, %lt3A_1774 : vector<256x128xi32>
    %add3A_1776 = arith.constant 128 : i32
    %add3A_1777 = vector.broadcast %add3A_1776 : i32 to vector<256x128xi32>
    %add3A_1778 = arith.addi %broadcast_in_dim3A_1735, %add3A_1777 : vector<256x128xi32>
    %select_n3A_1779 = arith.select %lt3A_1775, %add3A_1778, %broadcast_in_dim3A_1735 : vector<256x128xi1>, vector<256x128xi32>
    %reshape3A_1780 = vector.shape_cast %select_n3A_1779 : vector<256x128xi32> to vector<256x128x1xi32>
    %gather3A_1781 = vector.shape_cast %reshape3A_1780 : vector<256x128x1xi32> to vector<256x128xi32>
    %gather3A_1782 = tpu.dynamic_gather %select_n3A_1730[%gather3A_1781] in [1] : vector<256x128xf32>, vector<256x128xi32> -> vector<256x128xf32>
    %min3A_1783 = arith.minimumf %select_n3A_1725, %gather3A_1772 : vector<256x128xf32>
    %max3A_1784 = arith.maximumf %select_n3A_1725, %gather3A_1772 : vector<256x128xf32>
    %broadcast_in_dim3A_1785 = vector.shape_cast %eq3A_1750 : vector<1x128xi1> to vector<1x128xi1>
    %broadcast_in_dim3A_1786 = vector.broadcast %broadcast_in_dim3A_1785 : vector<1x128xi1> to vector<256x128xi1>
    %select_n3A_1787 = arith.select %broadcast_in_dim3A_1786, %min3A_1783, %max3A_1784 : vector<256x128xi1>, vector<256x128xf32>
    %min3A_1788 = arith.minimumf %select_n3A_1730, %gather3A_1782 : vector<256x128xf32>
    %max3A_1789 = arith.maximumf %select_n3A_1730, %gather3A_1782 : vector<256x128xf32>
    %broadcast_in_dim3A_1790 = vector.shape_cast %eq3A_1762 : vector<1x128xi1> to vector<1x128xi1>
    %broadcast_in_dim3A_1791 = vector.broadcast %broadcast_in_dim3A_1790 : vector<1x128xi1> to vector<256x128xi1>
    %select_n3A_1792 = arith.select %broadcast_in_dim3A_1791, %min3A_1788, %max3A_1789 : vector<256x128xi1>, vector<256x128xf32>
    %xor3A_1793 = arith.constant 16 : i32
    %xor3A_1794 = vector.broadcast %xor3A_1793 : i32 to vector<1x128xi32>
    %xor3A_1795 = arith.xori %iota3A_802, %xor3A_1794 : vector<1x128xi32>
    %broadcast_in_dim3A_1796 = vector.shape_cast %xor3A_1795 : vector<1x128xi32> to vector<1x128xi32>
    %broadcast_in_dim3A_1797 = vector.broadcast %broadcast_in_dim3A_1796 : vector<1x128xi32> to vector<256x128xi32>
    %and3A_1798 = arith.constant 16 : i32
    %and3A_1799 = vector.broadcast %and3A_1798 : i32 to vector<1x128xi32>
    %and3A_1800 = arith.andi %iota3A_802, %and3A_1799 : vector<1x128xi32>
    %eq3A_1801 = arith.constant 0 : i32
    %eq3A_1802 = vector.broadcast %eq3A_1801 : i32 to vector<1x128xi32>
    %eq3A_1803 = arith.cmpi eq, %and3A_1800, %eq3A_1802 : vector<1x128xi32>
    %and3A_1804 = arith.constant 64 : i32
    %and3A_1805 = vector.broadcast %and3A_1804 : i32 to vector<1x128xi32>
    %and3A_1806 = arith.andi %iota3A_802, %and3A_1805 : vector<1x128xi32>
    %eq3A_1807 = arith.constant 0 : i32
    %eq3A_1808 = vector.broadcast %eq3A_1807 : i32 to vector<1x128xi32>
    %eq3A_1809 = arith.cmpi eq, %and3A_1806, %eq3A_1808 : vector<1x128xi32>
    %eq3A_1810 = arith.xori %eq3A_1803, %eq3A_1809 : vector<1x128xi1>
    %eq3A_1811 = arith.constant dense<true> : vector<1x128xi1>
    %eq3A_1812 = arith.xori %eq3A_1810, %eq3A_1811 : vector<1x128xi1>
    %add3A_1813 = arith.constant 128 : i32
    %add3A_1814 = vector.broadcast %add3A_1813 : i32 to vector<1x128xi32>
    %add3A_1815 = arith.addi %iota3A_802, %add3A_1814 : vector<1x128xi32>
    %and3A_1816 = arith.constant 64 : i32
    %and3A_1817 = vector.broadcast %and3A_1816 : i32 to vector<1x128xi32>
    %and3A_1818 = arith.andi %add3A_1815, %and3A_1817 : vector<1x128xi32>
    %eq3A_1819 = arith.constant 0 : i32
    %eq3A_1820 = vector.broadcast %eq3A_1819 : i32 to vector<1x128xi32>
    %eq3A_1821 = arith.cmpi eq, %and3A_1818, %eq3A_1820 : vector<1x128xi32>
    %eq3A_1822 = arith.xori %eq3A_1803, %eq3A_1821 : vector<1x128xi1>
    %eq3A_1823 = arith.constant dense<true> : vector<1x128xi1>
    %eq3A_1824 = arith.xori %eq3A_1822, %eq3A_1823 : vector<1x128xi1>
    %lt3A_1825 = arith.constant 0 : i32
    %lt3A_1826 = vector.broadcast %lt3A_1825 : i32 to vector<256x128xi32>
    %lt3A_1827 = arith.cmpi slt, %broadcast_in_dim3A_1797, %lt3A_1826 : vector<256x128xi32>
    %add3A_1828 = arith.constant 128 : i32
    %add3A_1829 = vector.broadcast %add3A_1828 : i32 to vector<256x128xi32>
    %add3A_1830 = arith.addi %broadcast_in_dim3A_1797, %add3A_1829 : vector<256x128xi32>
    %select_n3A_1831 = arith.select %lt3A_1827, %add3A_1830, %broadcast_in_dim3A_1797 : vector<256x128xi1>, vector<256x128xi32>
    %reshape3A_1832 = vector.shape_cast %select_n3A_1831 : vector<256x128xi32> to vector<256x128x1xi32>
    %gather3A_1833 = vector.shape_cast %reshape3A_1832 : vector<256x128x1xi32> to vector<256x128xi32>
    %gather3A_1834 = tpu.dynamic_gather %select_n3A_1787[%gather3A_1833] in [1] : vector<256x128xf32>, vector<256x128xi32> -> vector<256x128xf32>
    %lt3A_1835 = arith.constant 0 : i32
    %lt3A_1836 = vector.broadcast %lt3A_1835 : i32 to vector<256x128xi32>
    %lt3A_1837 = arith.cmpi slt, %broadcast_in_dim3A_1797, %lt3A_1836 : vector<256x128xi32>
    %add3A_1838 = arith.constant 128 : i32
    %add3A_1839 = vector.broadcast %add3A_1838 : i32 to vector<256x128xi32>
    %add3A_1840 = arith.addi %broadcast_in_dim3A_1797, %add3A_1839 : vector<256x128xi32>
    %select_n3A_1841 = arith.select %lt3A_1837, %add3A_1840, %broadcast_in_dim3A_1797 : vector<256x128xi1>, vector<256x128xi32>
    %reshape3A_1842 = vector.shape_cast %select_n3A_1841 : vector<256x128xi32> to vector<256x128x1xi32>
    %gather3A_1843 = vector.shape_cast %reshape3A_1842 : vector<256x128x1xi32> to vector<256x128xi32>
    %gather3A_1844 = tpu.dynamic_gather %select_n3A_1792[%gather3A_1843] in [1] : vector<256x128xf32>, vector<256x128xi32> -> vector<256x128xf32>
    %min3A_1845 = arith.minimumf %select_n3A_1787, %gather3A_1834 : vector<256x128xf32>
    %max3A_1846 = arith.maximumf %select_n3A_1787, %gather3A_1834 : vector<256x128xf32>
    %broadcast_in_dim3A_1847 = vector.shape_cast %eq3A_1812 : vector<1x128xi1> to vector<1x128xi1>
    %broadcast_in_dim3A_1848 = vector.broadcast %broadcast_in_dim3A_1847 : vector<1x128xi1> to vector<256x128xi1>
    %select_n3A_1849 = arith.select %broadcast_in_dim3A_1848, %min3A_1845, %max3A_1846 : vector<256x128xi1>, vector<256x128xf32>
    %min3A_1850 = arith.minimumf %select_n3A_1792, %gather3A_1844 : vector<256x128xf32>
    %max3A_1851 = arith.maximumf %select_n3A_1792, %gather3A_1844 : vector<256x128xf32>
    %broadcast_in_dim3A_1852 = vector.shape_cast %eq3A_1824 : vector<1x128xi1> to vector<1x128xi1>
    %broadcast_in_dim3A_1853 = vector.broadcast %broadcast_in_dim3A_1852 : vector<1x128xi1> to vector<256x128xi1>
    %select_n3A_1854 = arith.select %broadcast_in_dim3A_1853, %min3A_1850, %max3A_1851 : vector<256x128xi1>, vector<256x128xf32>
    %xor3A_1855 = arith.constant 8 : i32
    %xor3A_1856 = vector.broadcast %xor3A_1855 : i32 to vector<1x128xi32>
    %xor3A_1857 = arith.xori %iota3A_802, %xor3A_1856 : vector<1x128xi32>
    %broadcast_in_dim3A_1858 = vector.shape_cast %xor3A_1857 : vector<1x128xi32> to vector<1x128xi32>
    %broadcast_in_dim3A_1859 = vector.broadcast %broadcast_in_dim3A_1858 : vector<1x128xi32> to vector<256x128xi32>
    %and3A_1860 = arith.constant 8 : i32
    %and3A_1861 = vector.broadcast %and3A_1860 : i32 to vector<1x128xi32>
    %and3A_1862 = arith.andi %iota3A_802, %and3A_1861 : vector<1x128xi32>
    %eq3A_1863 = arith.constant 0 : i32
    %eq3A_1864 = vector.broadcast %eq3A_1863 : i32 to vector<1x128xi32>
    %eq3A_1865 = arith.cmpi eq, %and3A_1862, %eq3A_1864 : vector<1x128xi32>
    %and3A_1866 = arith.constant 64 : i32
    %and3A_1867 = vector.broadcast %and3A_1866 : i32 to vector<1x128xi32>
    %and3A_1868 = arith.andi %iota3A_802, %and3A_1867 : vector<1x128xi32>
    %eq3A_1869 = arith.constant 0 : i32
    %eq3A_1870 = vector.broadcast %eq3A_1869 : i32 to vector<1x128xi32>
    %eq3A_1871 = arith.cmpi eq, %and3A_1868, %eq3A_1870 : vector<1x128xi32>
    %eq3A_1872 = arith.xori %eq3A_1865, %eq3A_1871 : vector<1x128xi1>
    %eq3A_1873 = arith.constant dense<true> : vector<1x128xi1>
    %eq3A_1874 = arith.xori %eq3A_1872, %eq3A_1873 : vector<1x128xi1>
    %add3A_1875 = arith.constant 128 : i32
    %add3A_1876 = vector.broadcast %add3A_1875 : i32 to vector<1x128xi32>
    %add3A_1877 = arith.addi %iota3A_802, %add3A_1876 : vector<1x128xi32>
    %and3A_1878 = arith.constant 64 : i32
    %and3A_1879 = vector.broadcast %and3A_1878 : i32 to vector<1x128xi32>
    %and3A_1880 = arith.andi %add3A_1877, %and3A_1879 : vector<1x128xi32>
    %eq3A_1881 = arith.constant 0 : i32
    %eq3A_1882 = vector.broadcast %eq3A_1881 : i32 to vector<1x128xi32>
    %eq3A_1883 = arith.cmpi eq, %and3A_1880, %eq3A_1882 : vector<1x128xi32>
    %eq3A_1884 = arith.xori %eq3A_1865, %eq3A_1883 : vector<1x128xi1>
    %eq3A_1885 = arith.constant dense<true> : vector<1x128xi1>
    %eq3A_1886 = arith.xori %eq3A_1884, %eq3A_1885 : vector<1x128xi1>
    %lt3A_1887 = arith.constant 0 : i32
    %lt3A_1888 = vector.broadcast %lt3A_1887 : i32 to vector<256x128xi32>
    %lt3A_1889 = arith.cmpi slt, %broadcast_in_dim3A_1859, %lt3A_1888 : vector<256x128xi32>
    %add3A_1890 = arith.constant 128 : i32
    %add3A_1891 = vector.broadcast %add3A_1890 : i32 to vector<256x128xi32>
    %add3A_1892 = arith.addi %broadcast_in_dim3A_1859, %add3A_1891 : vector<256x128xi32>
    %select_n3A_1893 = arith.select %lt3A_1889, %add3A_1892, %broadcast_in_dim3A_1859 : vector<256x128xi1>, vector<256x128xi32>
    %reshape3A_1894 = vector.shape_cast %select_n3A_1893 : vector<256x128xi32> to vector<256x128x1xi32>
    %gather3A_1895 = vector.shape_cast %reshape3A_1894 : vector<256x128x1xi32> to vector<256x128xi32>
    %gather3A_1896 = tpu.dynamic_gather %select_n3A_1849[%gather3A_1895] in [1] : vector<256x128xf32>, vector<256x128xi32> -> vector<256x128xf32>
    %lt3A_1897 = arith.constant 0 : i32
    %lt3A_1898 = vector.broadcast %lt3A_1897 : i32 to vector<256x128xi32>
    %lt3A_1899 = arith.cmpi slt, %broadcast_in_dim3A_1859, %lt3A_1898 : vector<256x128xi32>
    %add3A_1900 = arith.constant 128 : i32
    %add3A_1901 = vector.broadcast %add3A_1900 : i32 to vector<256x128xi32>
    %add3A_1902 = arith.addi %broadcast_in_dim3A_1859, %add3A_1901 : vector<256x128xi32>
    %select_n3A_1903 = arith.select %lt3A_1899, %add3A_1902, %broadcast_in_dim3A_1859 : vector<256x128xi1>, vector<256x128xi32>
    %reshape3A_1904 = vector.shape_cast %select_n3A_1903 : vector<256x128xi32> to vector<256x128x1xi32>
    %gather3A_1905 = vector.shape_cast %reshape3A_1904 : vector<256x128x1xi32> to vector<256x128xi32>
    %gather3A_1906 = tpu.dynamic_gather %select_n3A_1854[%gather3A_1905] in [1] : vector<256x128xf32>, vector<256x128xi32> -> vector<256x128xf32>
    %min3A_1907 = arith.minimumf %select_n3A_1849, %gather3A_1896 : vector<256x128xf32>
    %max3A_1908 = arith.maximumf %select_n3A_1849, %gather3A_1896 : vector<256x128xf32>
    %broadcast_in_dim3A_1909 = vector.shape_cast %eq3A_1874 : vector<1x128xi1> to vector<1x128xi1>
    %broadcast_in_dim3A_1910 = vector.broadcast %broadcast_in_dim3A_1909 : vector<1x128xi1> to vector<256x128xi1>
    %select_n3A_1911 = arith.select %broadcast_in_dim3A_1910, %min3A_1907, %max3A_1908 : vector<256x128xi1>, vector<256x128xf32>
    %min3A_1912 = arith.minimumf %select_n3A_1854, %gather3A_1906 : vector<256x128xf32>
    %max3A_1913 = arith.maximumf %select_n3A_1854, %gather3A_1906 : vector<256x128xf32>
    %broadcast_in_dim3A_1914 = vector.shape_cast %eq3A_1886 : vector<1x128xi1> to vector<1x128xi1>
    %broadcast_in_dim3A_1915 = vector.broadcast %broadcast_in_dim3A_1914 : vector<1x128xi1> to vector<256x128xi1>
    %select_n3A_1916 = arith.select %broadcast_in_dim3A_1915, %min3A_1912, %max3A_1913 : vector<256x128xi1>, vector<256x128xf32>
    %xor3A_1917 = arith.constant 4 : i32
    %xor3A_1918 = vector.broadcast %xor3A_1917 : i32 to vector<1x128xi32>
    %xor3A_1919 = arith.xori %iota3A_802, %xor3A_1918 : vector<1x128xi32>
    %broadcast_in_dim3A_1920 = vector.shape_cast %xor3A_1919 : vector<1x128xi32> to vector<1x128xi32>
    %broadcast_in_dim3A_1921 = vector.broadcast %broadcast_in_dim3A_1920 : vector<1x128xi32> to vector<256x128xi32>
    %and3A_1922 = arith.constant 4 : i32
    %and3A_1923 = vector.broadcast %and3A_1922 : i32 to vector<1x128xi32>
    %and3A_1924 = arith.andi %iota3A_802, %and3A_1923 : vector<1x128xi32>
    %eq3A_1925 = arith.constant 0 : i32
    %eq3A_1926 = vector.broadcast %eq3A_1925 : i32 to vector<1x128xi32>
    %eq3A_1927 = arith.cmpi eq, %and3A_1924, %eq3A_1926 : vector<1x128xi32>
    %and3A_1928 = arith.constant 64 : i32
    %and3A_1929 = vector.broadcast %and3A_1928 : i32 to vector<1x128xi32>
    %and3A_1930 = arith.andi %iota3A_802, %and3A_1929 : vector<1x128xi32>
    %eq3A_1931 = arith.constant 0 : i32
    %eq3A_1932 = vector.broadcast %eq3A_1931 : i32 to vector<1x128xi32>
    %eq3A_1933 = arith.cmpi eq, %and3A_1930, %eq3A_1932 : vector<1x128xi32>
    %eq3A_1934 = arith.xori %eq3A_1927, %eq3A_1933 : vector<1x128xi1>
    %eq3A_1935 = arith.constant dense<true> : vector<1x128xi1>
    %eq3A_1936 = arith.xori %eq3A_1934, %eq3A_1935 : vector<1x128xi1>
    %add3A_1937 = arith.constant 128 : i32
    %add3A_1938 = vector.broadcast %add3A_1937 : i32 to vector<1x128xi32>
    %add3A_1939 = arith.addi %iota3A_802, %add3A_1938 : vector<1x128xi32>
    %and3A_1940 = arith.constant 64 : i32
    %and3A_1941 = vector.broadcast %and3A_1940 : i32 to vector<1x128xi32>
    %and3A_1942 = arith.andi %add3A_1939, %and3A_1941 : vector<1x128xi32>
    %eq3A_1943 = arith.constant 0 : i32
    %eq3A_1944 = vector.broadcast %eq3A_1943 : i32 to vector<1x128xi32>
    %eq3A_1945 = arith.cmpi eq, %and3A_1942, %eq3A_1944 : vector<1x128xi32>
    %eq3A_1946 = arith.xori %eq3A_1927, %eq3A_1945 : vector<1x128xi1>
    %eq3A_1947 = arith.constant dense<true> : vector<1x128xi1>
    %eq3A_1948 = arith.xori %eq3A_1946, %eq3A_1947 : vector<1x128xi1>
    %lt3A_1949 = arith.constant 0 : i32
    %lt3A_1950 = vector.broadcast %lt3A_1949 : i32 to vector<256x128xi32>
    %lt3A_1951 = arith.cmpi slt, %broadcast_in_dim3A_1921, %lt3A_1950 : vector<256x128xi32>
    %add3A_1952 = arith.constant 128 : i32
    %add3A_1953 = vector.broadcast %add3A_1952 : i32 to vector<256x128xi32>
    %add3A_1954 = arith.addi %broadcast_in_dim3A_1921, %add3A_1953 : vector<256x128xi32>
    %select_n3A_1955 = arith.select %lt3A_1951, %add3A_1954, %broadcast_in_dim3A_1921 : vector<256x128xi1>, vector<256x128xi32>
    %reshape3A_1956 = vector.shape_cast %select_n3A_1955 : vector<256x128xi32> to vector<256x128x1xi32>
    %gather3A_1957 = vector.shape_cast %reshape3A_1956 : vector<256x128x1xi32> to vector<256x128xi32>
    %gather3A_1958 = tpu.dynamic_gather %select_n3A_1911[%gather3A_1957] in [1] : vector<256x128xf32>, vector<256x128xi32> -> vector<256x128xf32>
    %lt3A_1959 = arith.constant 0 : i32
    %lt3A_1960 = vector.broadcast %lt3A_1959 : i32 to vector<256x128xi32>
    %lt3A_1961 = arith.cmpi slt, %broadcast_in_dim3A_1921, %lt3A_1960 : vector<256x128xi32>
    %add3A_1962 = arith.constant 128 : i32
    %add3A_1963 = vector.broadcast %add3A_1962 : i32 to vector<256x128xi32>
    %add3A_1964 = arith.addi %broadcast_in_dim3A_1921, %add3A_1963 : vector<256x128xi32>
    %select_n3A_1965 = arith.select %lt3A_1961, %add3A_1964, %broadcast_in_dim3A_1921 : vector<256x128xi1>, vector<256x128xi32>
    %reshape3A_1966 = vector.shape_cast %select_n3A_1965 : vector<256x128xi32> to vector<256x128x1xi32>
    %gather3A_1967 = vector.shape_cast %reshape3A_1966 : vector<256x128x1xi32> to vector<256x128xi32>
    %gather3A_1968 = tpu.dynamic_gather %select_n3A_1916[%gather3A_1967] in [1] : vector<256x128xf32>, vector<256x128xi32> -> vector<256x128xf32>
    %min3A_1969 = arith.minimumf %select_n3A_1911, %gather3A_1958 : vector<256x128xf32>
    %max3A_1970 = arith.maximumf %select_n3A_1911, %gather3A_1958 : vector<256x128xf32>
    %broadcast_in_dim3A_1971 = vector.shape_cast %eq3A_1936 : vector<1x128xi1> to vector<1x128xi1>
    %broadcast_in_dim3A_1972 = vector.broadcast %broadcast_in_dim3A_1971 : vector<1x128xi1> to vector<256x128xi1>
    %select_n3A_1973 = arith.select %broadcast_in_dim3A_1972, %min3A_1969, %max3A_1970 : vector<256x128xi1>, vector<256x128xf32>
    %min3A_1974 = arith.minimumf %select_n3A_1916, %gather3A_1968 : vector<256x128xf32>
    %max3A_1975 = arith.maximumf %select_n3A_1916, %gather3A_1968 : vector<256x128xf32>
    %broadcast_in_dim3A_1976 = vector.shape_cast %eq3A_1948 : vector<1x128xi1> to vector<1x128xi1>
    %broadcast_in_dim3A_1977 = vector.broadcast %broadcast_in_dim3A_1976 : vector<1x128xi1> to vector<256x128xi1>
    %select_n3A_1978 = arith.select %broadcast_in_dim3A_1977, %min3A_1974, %max3A_1975 : vector<256x128xi1>, vector<256x128xf32>
    %xor3A_1979 = arith.constant 2 : i32
    %xor3A_1980 = vector.broadcast %xor3A_1979 : i32 to vector<1x128xi32>
    %xor3A_1981 = arith.xori %iota3A_802, %xor3A_1980 : vector<1x128xi32>
    %broadcast_in_dim3A_1982 = vector.shape_cast %xor3A_1981 : vector<1x128xi32> to vector<1x128xi32>
    %broadcast_in_dim3A_1983 = vector.broadcast %broadcast_in_dim3A_1982 : vector<1x128xi32> to vector<256x128xi32>
    %and3A_1984 = arith.constant 2 : i32
    %and3A_1985 = vector.broadcast %and3A_1984 : i32 to vector<1x128xi32>
    %and3A_1986 = arith.andi %iota3A_802, %and3A_1985 : vector<1x128xi32>
    %eq3A_1987 = arith.constant 0 : i32
    %eq3A_1988 = vector.broadcast %eq3A_1987 : i32 to vector<1x128xi32>
    %eq3A_1989 = arith.cmpi eq, %and3A_1986, %eq3A_1988 : vector<1x128xi32>
    %and3A_1990 = arith.constant 64 : i32
    %and3A_1991 = vector.broadcast %and3A_1990 : i32 to vector<1x128xi32>
    %and3A_1992 = arith.andi %iota3A_802, %and3A_1991 : vector<1x128xi32>
    %eq3A_1993 = arith.constant 0 : i32
    %eq3A_1994 = vector.broadcast %eq3A_1993 : i32 to vector<1x128xi32>
    %eq3A_1995 = arith.cmpi eq, %and3A_1992, %eq3A_1994 : vector<1x128xi32>
    %eq3A_1996 = arith.xori %eq3A_1989, %eq3A_1995 : vector<1x128xi1>
    %eq3A_1997 = arith.constant dense<true> : vector<1x128xi1>
    %eq3A_1998 = arith.xori %eq3A_1996, %eq3A_1997 : vector<1x128xi1>
    %add3A_1999 = arith.constant 128 : i32
    %add3A_2000 = vector.broadcast %add3A_1999 : i32 to vector<1x128xi32>
    %add3A_2001 = arith.addi %iota3A_802, %add3A_2000 : vector<1x128xi32>
    %and3A_2002 = arith.constant 64 : i32
    %and3A_2003 = vector.broadcast %and3A_2002 : i32 to vector<1x128xi32>
    %and3A_2004 = arith.andi %add3A_2001, %and3A_2003 : vector<1x128xi32>
    %eq3A_2005 = arith.constant 0 : i32
    %eq3A_2006 = vector.broadcast %eq3A_2005 : i32 to vector<1x128xi32>
    %eq3A_2007 = arith.cmpi eq, %and3A_2004, %eq3A_2006 : vector<1x128xi32>
    %eq3A_2008 = arith.xori %eq3A_1989, %eq3A_2007 : vector<1x128xi1>
    %eq3A_2009 = arith.constant dense<true> : vector<1x128xi1>
    %eq3A_2010 = arith.xori %eq3A_2008, %eq3A_2009 : vector<1x128xi1>
    %lt3A_2011 = arith.constant 0 : i32
    %lt3A_2012 = vector.broadcast %lt3A_2011 : i32 to vector<256x128xi32>
    %lt3A_2013 = arith.cmpi slt, %broadcast_in_dim3A_1983, %lt3A_2012 : vector<256x128xi32>
    %add3A_2014 = arith.constant 128 : i32
    %add3A_2015 = vector.broadcast %add3A_2014 : i32 to vector<256x128xi32>
    %add3A_2016 = arith.addi %broadcast_in_dim3A_1983, %add3A_2015 : vector<256x128xi32>
    %select_n3A_2017 = arith.select %lt3A_2013, %add3A_2016, %broadcast_in_dim3A_1983 : vector<256x128xi1>, vector<256x128xi32>
    %reshape3A_2018 = vector.shape_cast %select_n3A_2017 : vector<256x128xi32> to vector<256x128x1xi32>
    %gather3A_2019 = vector.shape_cast %reshape3A_2018 : vector<256x128x1xi32> to vector<256x128xi32>
    %gather3A_2020 = tpu.dynamic_gather %select_n3A_1973[%gather3A_2019] in [1] : vector<256x128xf32>, vector<256x128xi32> -> vector<256x128xf32>
    %lt3A_2021 = arith.constant 0 : i32
    %lt3A_2022 = vector.broadcast %lt3A_2021 : i32 to vector<256x128xi32>
    %lt3A_2023 = arith.cmpi slt, %broadcast_in_dim3A_1983, %lt3A_2022 : vector<256x128xi32>
    %add3A_2024 = arith.constant 128 : i32
    %add3A_2025 = vector.broadcast %add3A_2024 : i32 to vector<256x128xi32>
    %add3A_2026 = arith.addi %broadcast_in_dim3A_1983, %add3A_2025 : vector<256x128xi32>
    %select_n3A_2027 = arith.select %lt3A_2023, %add3A_2026, %broadcast_in_dim3A_1983 : vector<256x128xi1>, vector<256x128xi32>
    %reshape3A_2028 = vector.shape_cast %select_n3A_2027 : vector<256x128xi32> to vector<256x128x1xi32>
    %gather3A_2029 = vector.shape_cast %reshape3A_2028 : vector<256x128x1xi32> to vector<256x128xi32>
    %gather3A_2030 = tpu.dynamic_gather %select_n3A_1978[%gather3A_2029] in [1] : vector<256x128xf32>, vector<256x128xi32> -> vector<256x128xf32>
    %min3A_2031 = arith.minimumf %select_n3A_1973, %gather3A_2020 : vector<256x128xf32>
    %max3A_2032 = arith.maximumf %select_n3A_1973, %gather3A_2020 : vector<256x128xf32>
    %broadcast_in_dim3A_2033 = vector.shape_cast %eq3A_1998 : vector<1x128xi1> to vector<1x128xi1>
    %broadcast_in_dim3A_2034 = vector.broadcast %broadcast_in_dim3A_2033 : vector<1x128xi1> to vector<256x128xi1>
    %select_n3A_2035 = arith.select %broadcast_in_dim3A_2034, %min3A_2031, %max3A_2032 : vector<256x128xi1>, vector<256x128xf32>
    %min3A_2036 = arith.minimumf %select_n3A_1978, %gather3A_2030 : vector<256x128xf32>
    %max3A_2037 = arith.maximumf %select_n3A_1978, %gather3A_2030 : vector<256x128xf32>
    %broadcast_in_dim3A_2038 = vector.shape_cast %eq3A_2010 : vector<1x128xi1> to vector<1x128xi1>
    %broadcast_in_dim3A_2039 = vector.broadcast %broadcast_in_dim3A_2038 : vector<1x128xi1> to vector<256x128xi1>
    %select_n3A_2040 = arith.select %broadcast_in_dim3A_2039, %min3A_2036, %max3A_2037 : vector<256x128xi1>, vector<256x128xf32>
    %xor3A_2041 = arith.constant 1 : i32
    %xor3A_2042 = vector.broadcast %xor3A_2041 : i32 to vector<1x128xi32>
    %xor3A_2043 = arith.xori %iota3A_802, %xor3A_2042 : vector<1x128xi32>
    %broadcast_in_dim3A_2044 = vector.shape_cast %xor3A_2043 : vector<1x128xi32> to vector<1x128xi32>
    %broadcast_in_dim3A_2045 = vector.broadcast %broadcast_in_dim3A_2044 : vector<1x128xi32> to vector<256x128xi32>
    %and3A_2046 = arith.constant 1 : i32
    %and3A_2047 = vector.broadcast %and3A_2046 : i32 to vector<1x128xi32>
    %and3A_2048 = arith.andi %iota3A_802, %and3A_2047 : vector<1x128xi32>
    %eq3A_2049 = arith.constant 0 : i32
    %eq3A_2050 = vector.broadcast %eq3A_2049 : i32 to vector<1x128xi32>
    %eq3A_2051 = arith.cmpi eq, %and3A_2048, %eq3A_2050 : vector<1x128xi32>
    %and3A_2052 = arith.constant 64 : i32
    %and3A_2053 = vector.broadcast %and3A_2052 : i32 to vector<1x128xi32>
    %and3A_2054 = arith.andi %iota3A_802, %and3A_2053 : vector<1x128xi32>
    %eq3A_2055 = arith.constant 0 : i32
    %eq3A_2056 = vector.broadcast %eq3A_2055 : i32 to vector<1x128xi32>
    %eq3A_2057 = arith.cmpi eq, %and3A_2054, %eq3A_2056 : vector<1x128xi32>
    %eq3A_2058 = arith.xori %eq3A_2051, %eq3A_2057 : vector<1x128xi1>
    %eq3A_2059 = arith.constant dense<true> : vector<1x128xi1>
    %eq3A_2060 = arith.xori %eq3A_2058, %eq3A_2059 : vector<1x128xi1>
    %add3A_2061 = arith.constant 128 : i32
    %add3A_2062 = vector.broadcast %add3A_2061 : i32 to vector<1x128xi32>
    %add3A_2063 = arith.addi %iota3A_802, %add3A_2062 : vector<1x128xi32>
    %and3A_2064 = arith.constant 64 : i32
    %and3A_2065 = vector.broadcast %and3A_2064 : i32 to vector<1x128xi32>
    %and3A_2066 = arith.andi %add3A_2063, %and3A_2065 : vector<1x128xi32>
    %eq3A_2067 = arith.constant 0 : i32
    %eq3A_2068 = vector.broadcast %eq3A_2067 : i32 to vector<1x128xi32>
    %eq3A_2069 = arith.cmpi eq, %and3A_2066, %eq3A_2068 : vector<1x128xi32>
    %eq3A_2070 = arith.xori %eq3A_2051, %eq3A_2069 : vector<1x128xi1>
    %eq3A_2071 = arith.constant dense<true> : vector<1x128xi1>
    %eq3A_2072 = arith.xori %eq3A_2070, %eq3A_2071 : vector<1x128xi1>
    %lt3A_2073 = arith.constant 0 : i32
    %lt3A_2074 = vector.broadcast %lt3A_2073 : i32 to vector<256x128xi32>
    %lt3A_2075 = arith.cmpi slt, %broadcast_in_dim3A_2045, %lt3A_2074 : vector<256x128xi32>
    %add3A_2076 = arith.constant 128 : i32
    %add3A_2077 = vector.broadcast %add3A_2076 : i32 to vector<256x128xi32>
    %add3A_2078 = arith.addi %broadcast_in_dim3A_2045, %add3A_2077 : vector<256x128xi32>
    %select_n3A_2079 = arith.select %lt3A_2075, %add3A_2078, %broadcast_in_dim3A_2045 : vector<256x128xi1>, vector<256x128xi32>
    %reshape3A_2080 = vector.shape_cast %select_n3A_2079 : vector<256x128xi32> to vector<256x128x1xi32>
    %gather3A_2081 = vector.shape_cast %reshape3A_2080 : vector<256x128x1xi32> to vector<256x128xi32>
    %gather3A_2082 = tpu.dynamic_gather %select_n3A_2035[%gather3A_2081] in [1] : vector<256x128xf32>, vector<256x128xi32> -> vector<256x128xf32>
    %lt3A_2083 = arith.constant 0 : i32
    %lt3A_2084 = vector.broadcast %lt3A_2083 : i32 to vector<256x128xi32>
    %lt3A_2085 = arith.cmpi slt, %broadcast_in_dim3A_2045, %lt3A_2084 : vector<256x128xi32>
    %add3A_2086 = arith.constant 128 : i32
    %add3A_2087 = vector.broadcast %add3A_2086 : i32 to vector<256x128xi32>
    %add3A_2088 = arith.addi %broadcast_in_dim3A_2045, %add3A_2087 : vector<256x128xi32>
    %select_n3A_2089 = arith.select %lt3A_2085, %add3A_2088, %broadcast_in_dim3A_2045 : vector<256x128xi1>, vector<256x128xi32>
    %reshape3A_2090 = vector.shape_cast %select_n3A_2089 : vector<256x128xi32> to vector<256x128x1xi32>
    %gather3A_2091 = vector.shape_cast %reshape3A_2090 : vector<256x128x1xi32> to vector<256x128xi32>
    %gather3A_2092 = tpu.dynamic_gather %select_n3A_2040[%gather3A_2091] in [1] : vector<256x128xf32>, vector<256x128xi32> -> vector<256x128xf32>
    %min3A_2093 = arith.minimumf %select_n3A_2035, %gather3A_2082 : vector<256x128xf32>
    %max3A_2094 = arith.maximumf %select_n3A_2035, %gather3A_2082 : vector<256x128xf32>
    %broadcast_in_dim3A_2095 = vector.shape_cast %eq3A_2060 : vector<1x128xi1> to vector<1x128xi1>
    %broadcast_in_dim3A_2096 = vector.broadcast %broadcast_in_dim3A_2095 : vector<1x128xi1> to vector<256x128xi1>
    %select_n3A_2097 = arith.select %broadcast_in_dim3A_2096, %min3A_2093, %max3A_2094 : vector<256x128xi1>, vector<256x128xf32>
    %min3A_2098 = arith.minimumf %select_n3A_2040, %gather3A_2092 : vector<256x128xf32>
    %max3A_2099 = arith.maximumf %select_n3A_2040, %gather3A_2092 : vector<256x128xf32>
    %broadcast_in_dim3A_2100 = vector.shape_cast %eq3A_2072 : vector<1x128xi1> to vector<1x128xi1>
    %broadcast_in_dim3A_2101 = vector.broadcast %broadcast_in_dim3A_2100 : vector<1x128xi1> to vector<256x128xi1>
    %select_n3A_2102 = arith.select %broadcast_in_dim3A_2101, %min3A_2098, %max3A_2099 : vector<256x128xi1>, vector<256x128xf32>
    %roll3A = arith.constant 64 : i32
    %roll3A_2103 = tpu.dynamic_rotate %select_n3A_2097 by %roll3A dim 1 : vector<256x128xf32>, i32 -> vector<256x128xf32>
    %roll3A_2104 = arith.constant 64 : i32
    %roll3A_2105 = tpu.dynamic_rotate %select_n3A_2102 by %roll3A_2104 dim 1 : vector<256x128xf32>, i32 -> vector<256x128xf32>
    %and3A_2106 = arith.constant 64 : i32
    %and3A_2107 = vector.broadcast %and3A_2106 : i32 to vector<1x128xi32>
    %and3A_2108 = arith.andi %iota3A_802, %and3A_2107 : vector<1x128xi32>
    %eq3A_2109 = arith.constant 0 : i32
    %eq3A_2110 = vector.broadcast %eq3A_2109 : i32 to vector<1x128xi32>
    %eq3A_2111 = arith.cmpi eq, %and3A_2108, %eq3A_2110 : vector<1x128xi32>
    %and3A_2112 = arith.constant 128 : i32
    %and3A_2113 = vector.broadcast %and3A_2112 : i32 to vector<1x128xi32>
    %and3A_2114 = arith.andi %iota3A_802, %and3A_2113 : vector<1x128xi32>
    %eq3A_2115 = arith.constant 0 : i32
    %eq3A_2116 = vector.broadcast %eq3A_2115 : i32 to vector<1x128xi32>
    %eq3A_2117 = arith.cmpi eq, %and3A_2114, %eq3A_2116 : vector<1x128xi32>
    %eq3A_2118 = arith.xori %eq3A_2111, %eq3A_2117 : vector<1x128xi1>
    %eq3A_2119 = arith.constant dense<true> : vector<1x128xi1>
    %eq3A_2120 = arith.xori %eq3A_2118, %eq3A_2119 : vector<1x128xi1>
    %and3A_2121 = arith.constant 64 : i32
    %and3A_2122 = vector.broadcast %and3A_2121 : i32 to vector<1x128xi32>
    %and3A_2123 = arith.andi %iota3A_802, %and3A_2122 : vector<1x128xi32>
    %eq3A_2124 = arith.constant 0 : i32
    %eq3A_2125 = vector.broadcast %eq3A_2124 : i32 to vector<1x128xi32>
    %eq3A_2126 = arith.cmpi eq, %and3A_2123, %eq3A_2125 : vector<1x128xi32>
    %add3A_2127 = arith.constant 128 : i32
    %add3A_2128 = vector.broadcast %add3A_2127 : i32 to vector<1x128xi32>
    %add3A_2129 = arith.addi %iota3A_802, %add3A_2128 : vector<1x128xi32>
    %and3A_2130 = arith.constant 128 : i32
    %and3A_2131 = vector.broadcast %and3A_2130 : i32 to vector<1x128xi32>
    %and3A_2132 = arith.andi %add3A_2129, %and3A_2131 : vector<1x128xi32>
    %eq3A_2133 = arith.constant 0 : i32
    %eq3A_2134 = vector.broadcast %eq3A_2133 : i32 to vector<1x128xi32>
    %eq3A_2135 = arith.cmpi eq, %and3A_2132, %eq3A_2134 : vector<1x128xi32>
    %eq3A_2136 = arith.xori %eq3A_2126, %eq3A_2135 : vector<1x128xi1>
    %eq3A_2137 = arith.constant dense<true> : vector<1x128xi1>
    %eq3A_2138 = arith.xori %eq3A_2136, %eq3A_2137 : vector<1x128xi1>
    %min3A_2139 = arith.minimumf %select_n3A_2097, %roll3A_2103 : vector<256x128xf32>
    %max3A_2140 = arith.maximumf %select_n3A_2097, %roll3A_2103 : vector<256x128xf32>
    %broadcast_in_dim3A_2141 = vector.shape_cast %eq3A_2120 : vector<1x128xi1> to vector<1x128xi1>
    %broadcast_in_dim3A_2142 = vector.broadcast %broadcast_in_dim3A_2141 : vector<1x128xi1> to vector<256x128xi1>
    %select_n3A_2143 = arith.select %broadcast_in_dim3A_2142, %min3A_2139, %max3A_2140 : vector<256x128xi1>, vector<256x128xf32>
    %min3A_2144 = arith.minimumf %select_n3A_2102, %roll3A_2105 : vector<256x128xf32>
    %max3A_2145 = arith.maximumf %select_n3A_2102, %roll3A_2105 : vector<256x128xf32>
    %broadcast_in_dim3A_2146 = vector.shape_cast %eq3A_2138 : vector<1x128xi1> to vector<1x128xi1>
    %broadcast_in_dim3A_2147 = vector.broadcast %broadcast_in_dim3A_2146 : vector<1x128xi1> to vector<256x128xi1>
    %select_n3A_2148 = arith.select %broadcast_in_dim3A_2147, %min3A_2144, %max3A_2145 : vector<256x128xi1>, vector<256x128xf32>
    %xor3A_2149 = arith.constant 32 : i32
    %xor3A_2150 = vector.broadcast %xor3A_2149 : i32 to vector<1x128xi32>
    %xor3A_2151 = arith.xori %iota3A_802, %xor3A_2150 : vector<1x128xi32>
    %broadcast_in_dim3A_2152 = vector.shape_cast %xor3A_2151 : vector<1x128xi32> to vector<1x128xi32>
    %broadcast_in_dim3A_2153 = vector.broadcast %broadcast_in_dim3A_2152 : vector<1x128xi32> to vector<256x128xi32>
    %and3A_2154 = arith.constant 32 : i32
    %and3A_2155 = vector.broadcast %and3A_2154 : i32 to vector<1x128xi32>
    %and3A_2156 = arith.andi %iota3A_802, %and3A_2155 : vector<1x128xi32>
    %eq3A_2157 = arith.constant 0 : i32
    %eq3A_2158 = vector.broadcast %eq3A_2157 : i32 to vector<1x128xi32>
    %eq3A_2159 = arith.cmpi eq, %and3A_2156, %eq3A_2158 : vector<1x128xi32>
    %and3A_2160 = arith.constant 128 : i32
    %and3A_2161 = vector.broadcast %and3A_2160 : i32 to vector<1x128xi32>
    %and3A_2162 = arith.andi %iota3A_802, %and3A_2161 : vector<1x128xi32>
    %eq3A_2163 = arith.constant 0 : i32
    %eq3A_2164 = vector.broadcast %eq3A_2163 : i32 to vector<1x128xi32>
    %eq3A_2165 = arith.cmpi eq, %and3A_2162, %eq3A_2164 : vector<1x128xi32>
    %eq3A_2166 = arith.xori %eq3A_2159, %eq3A_2165 : vector<1x128xi1>
    %eq3A_2167 = arith.constant dense<true> : vector<1x128xi1>
    %eq3A_2168 = arith.xori %eq3A_2166, %eq3A_2167 : vector<1x128xi1>
    %add3A_2169 = arith.constant 128 : i32
    %add3A_2170 = vector.broadcast %add3A_2169 : i32 to vector<1x128xi32>
    %add3A_2171 = arith.addi %iota3A_802, %add3A_2170 : vector<1x128xi32>
    %and3A_2172 = arith.constant 128 : i32
    %and3A_2173 = vector.broadcast %and3A_2172 : i32 to vector<1x128xi32>
    %and3A_2174 = arith.andi %add3A_2171, %and3A_2173 : vector<1x128xi32>
    %eq3A_2175 = arith.constant 0 : i32
    %eq3A_2176 = vector.broadcast %eq3A_2175 : i32 to vector<1x128xi32>
    %eq3A_2177 = arith.cmpi eq, %and3A_2174, %eq3A_2176 : vector<1x128xi32>
    %eq3A_2178 = arith.xori %eq3A_2159, %eq3A_2177 : vector<1x128xi1>
    %eq3A_2179 = arith.constant dense<true> : vector<1x128xi1>
    %eq3A_2180 = arith.xori %eq3A_2178, %eq3A_2179 : vector<1x128xi1>
    %lt3A_2181 = arith.constant 0 : i32
    %lt3A_2182 = vector.broadcast %lt3A_2181 : i32 to vector<256x128xi32>
    %lt3A_2183 = arith.cmpi slt, %broadcast_in_dim3A_2153, %lt3A_2182 : vector<256x128xi32>
    %add3A_2184 = arith.constant 128 : i32
    %add3A_2185 = vector.broadcast %add3A_2184 : i32 to vector<256x128xi32>
    %add3A_2186 = arith.addi %broadcast_in_dim3A_2153, %add3A_2185 : vector<256x128xi32>
    %select_n3A_2187 = arith.select %lt3A_2183, %add3A_2186, %broadcast_in_dim3A_2153 : vector<256x128xi1>, vector<256x128xi32>
    %reshape3A_2188 = vector.shape_cast %select_n3A_2187 : vector<256x128xi32> to vector<256x128x1xi32>
    %gather3A_2189 = vector.shape_cast %reshape3A_2188 : vector<256x128x1xi32> to vector<256x128xi32>
    %gather3A_2190 = tpu.dynamic_gather %select_n3A_2143[%gather3A_2189] in [1] : vector<256x128xf32>, vector<256x128xi32> -> vector<256x128xf32>
    %lt3A_2191 = arith.constant 0 : i32
    %lt3A_2192 = vector.broadcast %lt3A_2191 : i32 to vector<256x128xi32>
    %lt3A_2193 = arith.cmpi slt, %broadcast_in_dim3A_2153, %lt3A_2192 : vector<256x128xi32>
    %add3A_2194 = arith.constant 128 : i32
    %add3A_2195 = vector.broadcast %add3A_2194 : i32 to vector<256x128xi32>
    %add3A_2196 = arith.addi %broadcast_in_dim3A_2153, %add3A_2195 : vector<256x128xi32>
    %select_n3A_2197 = arith.select %lt3A_2193, %add3A_2196, %broadcast_in_dim3A_2153 : vector<256x128xi1>, vector<256x128xi32>
    %reshape3A_2198 = vector.shape_cast %select_n3A_2197 : vector<256x128xi32> to vector<256x128x1xi32>
    %gather3A_2199 = vector.shape_cast %reshape3A_2198 : vector<256x128x1xi32> to vector<256x128xi32>
    %gather3A_2200 = tpu.dynamic_gather %select_n3A_2148[%gather3A_2199] in [1] : vector<256x128xf32>, vector<256x128xi32> -> vector<256x128xf32>
    %min3A_2201 = arith.minimumf %select_n3A_2143, %gather3A_2190 : vector<256x128xf32>
    %max3A_2202 = arith.maximumf %select_n3A_2143, %gather3A_2190 : vector<256x128xf32>
    %broadcast_in_dim3A_2203 = vector.shape_cast %eq3A_2168 : vector<1x128xi1> to vector<1x128xi1>
    %broadcast_in_dim3A_2204 = vector.broadcast %broadcast_in_dim3A_2203 : vector<1x128xi1> to vector<256x128xi1>
    %select_n3A_2205 = arith.select %broadcast_in_dim3A_2204, %min3A_2201, %max3A_2202 : vector<256x128xi1>, vector<256x128xf32>
    %min3A_2206 = arith.minimumf %select_n3A_2148, %gather3A_2200 : vector<256x128xf32>
    %max3A_2207 = arith.maximumf %select_n3A_2148, %gather3A_2200 : vector<256x128xf32>
    %broadcast_in_dim3A_2208 = vector.shape_cast %eq3A_2180 : vector<1x128xi1> to vector<1x128xi1>
    %broadcast_in_dim3A_2209 = vector.broadcast %broadcast_in_dim3A_2208 : vector<1x128xi1> to vector<256x128xi1>
    %select_n3A_2210 = arith.select %broadcast_in_dim3A_2209, %min3A_2206, %max3A_2207 : vector<256x128xi1>, vector<256x128xf32>
    %xor3A_2211 = arith.constant 16 : i32
    %xor3A_2212 = vector.broadcast %xor3A_2211 : i32 to vector<1x128xi32>
    %xor3A_2213 = arith.xori %iota3A_802, %xor3A_2212 : vector<1x128xi32>
    %broadcast_in_dim3A_2214 = vector.shape_cast %xor3A_2213 : vector<1x128xi32> to vector<1x128xi32>
    %broadcast_in_dim3A_2215 = vector.broadcast %broadcast_in_dim3A_2214 : vector<1x128xi32> to vector<256x128xi32>
    %and3A_2216 = arith.constant 16 : i32
    %and3A_2217 = vector.broadcast %and3A_2216 : i32 to vector<1x128xi32>
    %and3A_2218 = arith.andi %iota3A_802, %and3A_2217 : vector<1x128xi32>
    %eq3A_2219 = arith.constant 0 : i32
    %eq3A_2220 = vector.broadcast %eq3A_2219 : i32 to vector<1x128xi32>
    %eq3A_2221 = arith.cmpi eq, %and3A_2218, %eq3A_2220 : vector<1x128xi32>
    %and3A_2222 = arith.constant 128 : i32
    %and3A_2223 = vector.broadcast %and3A_2222 : i32 to vector<1x128xi32>
    %and3A_2224 = arith.andi %iota3A_802, %and3A_2223 : vector<1x128xi32>
    %eq3A_2225 = arith.constant 0 : i32
    %eq3A_2226 = vector.broadcast %eq3A_2225 : i32 to vector<1x128xi32>
    %eq3A_2227 = arith.cmpi eq, %and3A_2224, %eq3A_2226 : vector<1x128xi32>
    %eq3A_2228 = arith.xori %eq3A_2221, %eq3A_2227 : vector<1x128xi1>
    %eq3A_2229 = arith.constant dense<true> : vector<1x128xi1>
    %eq3A_2230 = arith.xori %eq3A_2228, %eq3A_2229 : vector<1x128xi1>
    %add3A_2231 = arith.constant 128 : i32
    %add3A_2232 = vector.broadcast %add3A_2231 : i32 to vector<1x128xi32>
    %add3A_2233 = arith.addi %iota3A_802, %add3A_2232 : vector<1x128xi32>
    %and3A_2234 = arith.constant 128 : i32
    %and3A_2235 = vector.broadcast %and3A_2234 : i32 to vector<1x128xi32>
    %and3A_2236 = arith.andi %add3A_2233, %and3A_2235 : vector<1x128xi32>
    %eq3A_2237 = arith.constant 0 : i32
    %eq3A_2238 = vector.broadcast %eq3A_2237 : i32 to vector<1x128xi32>
    %eq3A_2239 = arith.cmpi eq, %and3A_2236, %eq3A_2238 : vector<1x128xi32>
    %eq3A_2240 = arith.xori %eq3A_2221, %eq3A_2239 : vector<1x128xi1>
    %eq3A_2241 = arith.constant dense<true> : vector<1x128xi1>
    %eq3A_2242 = arith.xori %eq3A_2240, %eq3A_2241 : vector<1x128xi1>
    %lt3A_2243 = arith.constant 0 : i32
    %lt3A_2244 = vector.broadcast %lt3A_2243 : i32 to vector<256x128xi32>
    %lt3A_2245 = arith.cmpi slt, %broadcast_in_dim3A_2215, %lt3A_2244 : vector<256x128xi32>
    %add3A_2246 = arith.constant 128 : i32
    %add3A_2247 = vector.broadcast %add3A_2246 : i32 to vector<256x128xi32>
    %add3A_2248 = arith.addi %broadcast_in_dim3A_2215, %add3A_2247 : vector<256x128xi32>
    %select_n3A_2249 = arith.select %lt3A_2245, %add3A_2248, %broadcast_in_dim3A_2215 : vector<256x128xi1>, vector<256x128xi32>
    %reshape3A_2250 = vector.shape_cast %select_n3A_2249 : vector<256x128xi32> to vector<256x128x1xi32>
    %gather3A_2251 = vector.shape_cast %reshape3A_2250 : vector<256x128x1xi32> to vector<256x128xi32>
    %gather3A_2252 = tpu.dynamic_gather %select_n3A_2205[%gather3A_2251] in [1] : vector<256x128xf32>, vector<256x128xi32> -> vector<256x128xf32>
    %lt3A_2253 = arith.constant 0 : i32
    %lt3A_2254 = vector.broadcast %lt3A_2253 : i32 to vector<256x128xi32>
    %lt3A_2255 = arith.cmpi slt, %broadcast_in_dim3A_2215, %lt3A_2254 : vector<256x128xi32>
    %add3A_2256 = arith.constant 128 : i32
    %add3A_2257 = vector.broadcast %add3A_2256 : i32 to vector<256x128xi32>
    %add3A_2258 = arith.addi %broadcast_in_dim3A_2215, %add3A_2257 : vector<256x128xi32>
    %select_n3A_2259 = arith.select %lt3A_2255, %add3A_2258, %broadcast_in_dim3A_2215 : vector<256x128xi1>, vector<256x128xi32>
    %reshape3A_2260 = vector.shape_cast %select_n3A_2259 : vector<256x128xi32> to vector<256x128x1xi32>
    %gather3A_2261 = vector.shape_cast %reshape3A_2260 : vector<256x128x1xi32> to vector<256x128xi32>
    %gather3A_2262 = tpu.dynamic_gather %select_n3A_2210[%gather3A_2261] in [1] : vector<256x128xf32>, vector<256x128xi32> -> vector<256x128xf32>
    %min3A_2263 = arith.minimumf %select_n3A_2205, %gather3A_2252 : vector<256x128xf32>
    %max3A_2264 = arith.maximumf %select_n3A_2205, %gather3A_2252 : vector<256x128xf32>
    %broadcast_in_dim3A_2265 = vector.shape_cast %eq3A_2230 : vector<1x128xi1> to vector<1x128xi1>
    %broadcast_in_dim3A_2266 = vector.broadcast %broadcast_in_dim3A_2265 : vector<1x128xi1> to vector<256x128xi1>
    %select_n3A_2267 = arith.select %broadcast_in_dim3A_2266, %min3A_2263, %max3A_2264 : vector<256x128xi1>, vector<256x128xf32>
    %min3A_2268 = arith.minimumf %select_n3A_2210, %gather3A_2262 : vector<256x128xf32>
    %max3A_2269 = arith.maximumf %select_n3A_2210, %gather3A_2262 : vector<256x128xf32>
    %broadcast_in_dim3A_2270 = vector.shape_cast %eq3A_2242 : vector<1x128xi1> to vector<1x128xi1>
    %broadcast_in_dim3A_2271 = vector.broadcast %broadcast_in_dim3A_2270 : vector<1x128xi1> to vector<256x128xi1>
    %select_n3A_2272 = arith.select %broadcast_in_dim3A_2271, %min3A_2268, %max3A_2269 : vector<256x128xi1>, vector<256x128xf32>
    %xor3A_2273 = arith.constant 8 : i32
    %xor3A_2274 = vector.broadcast %xor3A_2273 : i32 to vector<1x128xi32>
    %xor3A_2275 = arith.xori %iota3A_802, %xor3A_2274 : vector<1x128xi32>
    %broadcast_in_dim3A_2276 = vector.shape_cast %xor3A_2275 : vector<1x128xi32> to vector<1x128xi32>
    %broadcast_in_dim3A_2277 = vector.broadcast %broadcast_in_dim3A_2276 : vector<1x128xi32> to vector<256x128xi32>
    %and3A_2278 = arith.constant 8 : i32
    %and3A_2279 = vector.broadcast %and3A_2278 : i32 to vector<1x128xi32>
    %and3A_2280 = arith.andi %iota3A_802, %and3A_2279 : vector<1x128xi32>
    %eq3A_2281 = arith.constant 0 : i32
    %eq3A_2282 = vector.broadcast %eq3A_2281 : i32 to vector<1x128xi32>
    %eq3A_2283 = arith.cmpi eq, %and3A_2280, %eq3A_2282 : vector<1x128xi32>
    %and3A_2284 = arith.constant 128 : i32
    %and3A_2285 = vector.broadcast %and3A_2284 : i32 to vector<1x128xi32>
    %and3A_2286 = arith.andi %iota3A_802, %and3A_2285 : vector<1x128xi32>
    %eq3A_2287 = arith.constant 0 : i32
    %eq3A_2288 = vector.broadcast %eq3A_2287 : i32 to vector<1x128xi32>
    %eq3A_2289 = arith.cmpi eq, %and3A_2286, %eq3A_2288 : vector<1x128xi32>
    %eq3A_2290 = arith.xori %eq3A_2283, %eq3A_2289 : vector<1x128xi1>
    %eq3A_2291 = arith.constant dense<true> : vector<1x128xi1>
    %eq3A_2292 = arith.xori %eq3A_2290, %eq3A_2291 : vector<1x128xi1>
    %add3A_2293 = arith.constant 128 : i32
    %add3A_2294 = vector.broadcast %add3A_2293 : i32 to vector<1x128xi32>
    %add3A_2295 = arith.addi %iota3A_802, %add3A_2294 : vector<1x128xi32>
    %and3A_2296 = arith.constant 128 : i32
    %and3A_2297 = vector.broadcast %and3A_2296 : i32 to vector<1x128xi32>
    %and3A_2298 = arith.andi %add3A_2295, %and3A_2297 : vector<1x128xi32>
    %eq3A_2299 = arith.constant 0 : i32
    %eq3A_2300 = vector.broadcast %eq3A_2299 : i32 to vector<1x128xi32>
    %eq3A_2301 = arith.cmpi eq, %and3A_2298, %eq3A_2300 : vector<1x128xi32>
    %eq3A_2302 = arith.xori %eq3A_2283, %eq3A_2301 : vector<1x128xi1>
    %eq3A_2303 = arith.constant dense<true> : vector<1x128xi1>
    %eq3A_2304 = arith.xori %eq3A_2302, %eq3A_2303 : vector<1x128xi1>
    %lt3A_2305 = arith.constant 0 : i32
    %lt3A_2306 = vector.broadcast %lt3A_2305 : i32 to vector<256x128xi32>
    %lt3A_2307 = arith.cmpi slt, %broadcast_in_dim3A_2277, %lt3A_2306 : vector<256x128xi32>
    %add3A_2308 = arith.constant 128 : i32
    %add3A_2309 = vector.broadcast %add3A_2308 : i32 to vector<256x128xi32>
    %add3A_2310 = arith.addi %broadcast_in_dim3A_2277, %add3A_2309 : vector<256x128xi32>
    %select_n3A_2311 = arith.select %lt3A_2307, %add3A_2310, %broadcast_in_dim3A_2277 : vector<256x128xi1>, vector<256x128xi32>
    %reshape3A_2312 = vector.shape_cast %select_n3A_2311 : vector<256x128xi32> to vector<256x128x1xi32>
    %gather3A_2313 = vector.shape_cast %reshape3A_2312 : vector<256x128x1xi32> to vector<256x128xi32>
    %gather3A_2314 = tpu.dynamic_gather %select_n3A_2267[%gather3A_2313] in [1] : vector<256x128xf32>, vector<256x128xi32> -> vector<256x128xf32>
    %lt3A_2315 = arith.constant 0 : i32
    %lt3A_2316 = vector.broadcast %lt3A_2315 : i32 to vector<256x128xi32>
    %lt3A_2317 = arith.cmpi slt, %broadcast_in_dim3A_2277, %lt3A_2316 : vector<256x128xi32>
    %add3A_2318 = arith.constant 128 : i32
    %add3A_2319 = vector.broadcast %add3A_2318 : i32 to vector<256x128xi32>
    %add3A_2320 = arith.addi %broadcast_in_dim3A_2277, %add3A_2319 : vector<256x128xi32>
    %select_n3A_2321 = arith.select %lt3A_2317, %add3A_2320, %broadcast_in_dim3A_2277 : vector<256x128xi1>, vector<256x128xi32>
    %reshape3A_2322 = vector.shape_cast %select_n3A_2321 : vector<256x128xi32> to vector<256x128x1xi32>
    %gather3A_2323 = vector.shape_cast %reshape3A_2322 : vector<256x128x1xi32> to vector<256x128xi32>
    %gather3A_2324 = tpu.dynamic_gather %select_n3A_2272[%gather3A_2323] in [1] : vector<256x128xf32>, vector<256x128xi32> -> vector<256x128xf32>
    %min3A_2325 = arith.minimumf %select_n3A_2267, %gather3A_2314 : vector<256x128xf32>
    %max3A_2326 = arith.maximumf %select_n3A_2267, %gather3A_2314 : vector<256x128xf32>
    %broadcast_in_dim3A_2327 = vector.shape_cast %eq3A_2292 : vector<1x128xi1> to vector<1x128xi1>
    %broadcast_in_dim3A_2328 = vector.broadcast %broadcast_in_dim3A_2327 : vector<1x128xi1> to vector<256x128xi1>
    %select_n3A_2329 = arith.select %broadcast_in_dim3A_2328, %min3A_2325, %max3A_2326 : vector<256x128xi1>, vector<256x128xf32>
    %min3A_2330 = arith.minimumf %select_n3A_2272, %gather3A_2324 : vector<256x128xf32>
    %max3A_2331 = arith.maximumf %select_n3A_2272, %gather3A_2324 : vector<256x128xf32>
    %broadcast_in_dim3A_2332 = vector.shape_cast %eq3A_2304 : vector<1x128xi1> to vector<1x128xi1>
    %broadcast_in_dim3A_2333 = vector.broadcast %broadcast_in_dim3A_2332 : vector<1x128xi1> to vector<256x128xi1>
    %select_n3A_2334 = arith.select %broadcast_in_dim3A_2333, %min3A_2330, %max3A_2331 : vector<256x128xi1>, vector<256x128xf32>
    %xor3A_2335 = arith.constant 4 : i32
    %xor3A_2336 = vector.broadcast %xor3A_2335 : i32 to vector<1x128xi32>
    %xor3A_2337 = arith.xori %iota3A_802, %xor3A_2336 : vector<1x128xi32>
    %broadcast_in_dim3A_2338 = vector.shape_cast %xor3A_2337 : vector<1x128xi32> to vector<1x128xi32>
    %broadcast_in_dim3A_2339 = vector.broadcast %broadcast_in_dim3A_2338 : vector<1x128xi32> to vector<256x128xi32>
    %and3A_2340 = arith.constant 4 : i32
    %and3A_2341 = vector.broadcast %and3A_2340 : i32 to vector<1x128xi32>
    %and3A_2342 = arith.andi %iota3A_802, %and3A_2341 : vector<1x128xi32>
    %eq3A_2343 = arith.constant 0 : i32
    %eq3A_2344 = vector.broadcast %eq3A_2343 : i32 to vector<1x128xi32>
    %eq3A_2345 = arith.cmpi eq, %and3A_2342, %eq3A_2344 : vector<1x128xi32>
    %and3A_2346 = arith.constant 128 : i32
    %and3A_2347 = vector.broadcast %and3A_2346 : i32 to vector<1x128xi32>
    %and3A_2348 = arith.andi %iota3A_802, %and3A_2347 : vector<1x128xi32>
    %eq3A_2349 = arith.constant 0 : i32
    %eq3A_2350 = vector.broadcast %eq3A_2349 : i32 to vector<1x128xi32>
    %eq3A_2351 = arith.cmpi eq, %and3A_2348, %eq3A_2350 : vector<1x128xi32>
    %eq3A_2352 = arith.xori %eq3A_2345, %eq3A_2351 : vector<1x128xi1>
    %eq3A_2353 = arith.constant dense<true> : vector<1x128xi1>
    %eq3A_2354 = arith.xori %eq3A_2352, %eq3A_2353 : vector<1x128xi1>
    %add3A_2355 = arith.constant 128 : i32
    %add3A_2356 = vector.broadcast %add3A_2355 : i32 to vector<1x128xi32>
    %add3A_2357 = arith.addi %iota3A_802, %add3A_2356 : vector<1x128xi32>
    %and3A_2358 = arith.constant 128 : i32
    %and3A_2359 = vector.broadcast %and3A_2358 : i32 to vector<1x128xi32>
    %and3A_2360 = arith.andi %add3A_2357, %and3A_2359 : vector<1x128xi32>
    %eq3A_2361 = arith.constant 0 : i32
    %eq3A_2362 = vector.broadcast %eq3A_2361 : i32 to vector<1x128xi32>
    %eq3A_2363 = arith.cmpi eq, %and3A_2360, %eq3A_2362 : vector<1x128xi32>
    %eq3A_2364 = arith.xori %eq3A_2345, %eq3A_2363 : vector<1x128xi1>
    %eq3A_2365 = arith.constant dense<true> : vector<1x128xi1>
    %eq3A_2366 = arith.xori %eq3A_2364, %eq3A_2365 : vector<1x128xi1>
    %lt3A_2367 = arith.constant 0 : i32
    %lt3A_2368 = vector.broadcast %lt3A_2367 : i32 to vector<256x128xi32>
    %lt3A_2369 = arith.cmpi slt, %broadcast_in_dim3A_2339, %lt3A_2368 : vector<256x128xi32>
    %add3A_2370 = arith.constant 128 : i32
    %add3A_2371 = vector.broadcast %add3A_2370 : i32 to vector<256x128xi32>
    %add3A_2372 = arith.addi %broadcast_in_dim3A_2339, %add3A_2371 : vector<256x128xi32>
    %select_n3A_2373 = arith.select %lt3A_2369, %add3A_2372, %broadcast_in_dim3A_2339 : vector<256x128xi1>, vector<256x128xi32>
    %reshape3A_2374 = vector.shape_cast %select_n3A_2373 : vector<256x128xi32> to vector<256x128x1xi32>
    %gather3A_2375 = vector.shape_cast %reshape3A_2374 : vector<256x128x1xi32> to vector<256x128xi32>
    %gather3A_2376 = tpu.dynamic_gather %select_n3A_2329[%gather3A_2375] in [1] : vector<256x128xf32>, vector<256x128xi32> -> vector<256x128xf32>
    %lt3A_2377 = arith.constant 0 : i32
    %lt3A_2378 = vector.broadcast %lt3A_2377 : i32 to vector<256x128xi32>
    %lt3A_2379 = arith.cmpi slt, %broadcast_in_dim3A_2339, %lt3A_2378 : vector<256x128xi32>
    %add3A_2380 = arith.constant 128 : i32
    %add3A_2381 = vector.broadcast %add3A_2380 : i32 to vector<256x128xi32>
    %add3A_2382 = arith.addi %broadcast_in_dim3A_2339, %add3A_2381 : vector<256x128xi32>
    %select_n3A_2383 = arith.select %lt3A_2379, %add3A_2382, %broadcast_in_dim3A_2339 : vector<256x128xi1>, vector<256x128xi32>
    %reshape3A_2384 = vector.shape_cast %select_n3A_2383 : vector<256x128xi32> to vector<256x128x1xi32>
    %gather3A_2385 = vector.shape_cast %reshape3A_2384 : vector<256x128x1xi32> to vector<256x128xi32>
    %gather3A_2386 = tpu.dynamic_gather %select_n3A_2334[%gather3A_2385] in [1] : vector<256x128xf32>, vector<256x128xi32> -> vector<256x128xf32>
    %min3A_2387 = arith.minimumf %select_n3A_2329, %gather3A_2376 : vector<256x128xf32>
    %max3A_2388 = arith.maximumf %select_n3A_2329, %gather3A_2376 : vector<256x128xf32>
    %broadcast_in_dim3A_2389 = vector.shape_cast %eq3A_2354 : vector<1x128xi1> to vector<1x128xi1>
    %broadcast_in_dim3A_2390 = vector.broadcast %broadcast_in_dim3A_2389 : vector<1x128xi1> to vector<256x128xi1>
    %select_n3A_2391 = arith.select %broadcast_in_dim3A_2390, %min3A_2387, %max3A_2388 : vector<256x128xi1>, vector<256x128xf32>
    %min3A_2392 = arith.minimumf %select_n3A_2334, %gather3A_2386 : vector<256x128xf32>
    %max3A_2393 = arith.maximumf %select_n3A_2334, %gather3A_2386 : vector<256x128xf32>
    %broadcast_in_dim3A_2394 = vector.shape_cast %eq3A_2366 : vector<1x128xi1> to vector<1x128xi1>
    %broadcast_in_dim3A_2395 = vector.broadcast %broadcast_in_dim3A_2394 : vector<1x128xi1> to vector<256x128xi1>
    %select_n3A_2396 = arith.select %broadcast_in_dim3A_2395, %min3A_2392, %max3A_2393 : vector<256x128xi1>, vector<256x128xf32>
    %xor3A_2397 = arith.constant 2 : i32
    %xor3A_2398 = vector.broadcast %xor3A_2397 : i32 to vector<1x128xi32>
    %xor3A_2399 = arith.xori %iota3A_802, %xor3A_2398 : vector<1x128xi32>
    %broadcast_in_dim3A_2400 = vector.shape_cast %xor3A_2399 : vector<1x128xi32> to vector<1x128xi32>
    %broadcast_in_dim3A_2401 = vector.broadcast %broadcast_in_dim3A_2400 : vector<1x128xi32> to vector<256x128xi32>
    %and3A_2402 = arith.constant 2 : i32
    %and3A_2403 = vector.broadcast %and3A_2402 : i32 to vector<1x128xi32>
    %and3A_2404 = arith.andi %iota3A_802, %and3A_2403 : vector<1x128xi32>
    %eq3A_2405 = arith.constant 0 : i32
    %eq3A_2406 = vector.broadcast %eq3A_2405 : i32 to vector<1x128xi32>
    %eq3A_2407 = arith.cmpi eq, %and3A_2404, %eq3A_2406 : vector<1x128xi32>
    %and3A_2408 = arith.constant 128 : i32
    %and3A_2409 = vector.broadcast %and3A_2408 : i32 to vector<1x128xi32>
    %and3A_2410 = arith.andi %iota3A_802, %and3A_2409 : vector<1x128xi32>
    %eq3A_2411 = arith.constant 0 : i32
    %eq3A_2412 = vector.broadcast %eq3A_2411 : i32 to vector<1x128xi32>
    %eq3A_2413 = arith.cmpi eq, %and3A_2410, %eq3A_2412 : vector<1x128xi32>
    %eq3A_2414 = arith.xori %eq3A_2407, %eq3A_2413 : vector<1x128xi1>
    %eq3A_2415 = arith.constant dense<true> : vector<1x128xi1>
    %eq3A_2416 = arith.xori %eq3A_2414, %eq3A_2415 : vector<1x128xi1>
    %add3A_2417 = arith.constant 128 : i32
    %add3A_2418 = vector.broadcast %add3A_2417 : i32 to vector<1x128xi32>
    %add3A_2419 = arith.addi %iota3A_802, %add3A_2418 : vector<1x128xi32>
    %and3A_2420 = arith.constant 128 : i32
    %and3A_2421 = vector.broadcast %and3A_2420 : i32 to vector<1x128xi32>
    %and3A_2422 = arith.andi %add3A_2419, %and3A_2421 : vector<1x128xi32>
    %eq3A_2423 = arith.constant 0 : i32
    %eq3A_2424 = vector.broadcast %eq3A_2423 : i32 to vector<1x128xi32>
    %eq3A_2425 = arith.cmpi eq, %and3A_2422, %eq3A_2424 : vector<1x128xi32>
    %eq3A_2426 = arith.xori %eq3A_2407, %eq3A_2425 : vector<1x128xi1>
    %eq3A_2427 = arith.constant dense<true> : vector<1x128xi1>
    %eq3A_2428 = arith.xori %eq3A_2426, %eq3A_2427 : vector<1x128xi1>
    %lt3A_2429 = arith.constant 0 : i32
    %lt3A_2430 = vector.broadcast %lt3A_2429 : i32 to vector<256x128xi32>
    %lt3A_2431 = arith.cmpi slt, %broadcast_in_dim3A_2401, %lt3A_2430 : vector<256x128xi32>
    %add3A_2432 = arith.constant 128 : i32
    %add3A_2433 = vector.broadcast %add3A_2432 : i32 to vector<256x128xi32>
    %add3A_2434 = arith.addi %broadcast_in_dim3A_2401, %add3A_2433 : vector<256x128xi32>
    %select_n3A_2435 = arith.select %lt3A_2431, %add3A_2434, %broadcast_in_dim3A_2401 : vector<256x128xi1>, vector<256x128xi32>
    %reshape3A_2436 = vector.shape_cast %select_n3A_2435 : vector<256x128xi32> to vector<256x128x1xi32>
    %gather3A_2437 = vector.shape_cast %reshape3A_2436 : vector<256x128x1xi32> to vector<256x128xi32>
    %gather3A_2438 = tpu.dynamic_gather %select_n3A_2391[%gather3A_2437] in [1] : vector<256x128xf32>, vector<256x128xi32> -> vector<256x128xf32>
    %lt3A_2439 = arith.constant 0 : i32
    %lt3A_2440 = vector.broadcast %lt3A_2439 : i32 to vector<256x128xi32>
    %lt3A_2441 = arith.cmpi slt, %broadcast_in_dim3A_2401, %lt3A_2440 : vector<256x128xi32>
    %add3A_2442 = arith.constant 128 : i32
    %add3A_2443 = vector.broadcast %add3A_2442 : i32 to vector<256x128xi32>
    %add3A_2444 = arith.addi %broadcast_in_dim3A_2401, %add3A_2443 : vector<256x128xi32>
    %select_n3A_2445 = arith.select %lt3A_2441, %add3A_2444, %broadcast_in_dim3A_2401 : vector<256x128xi1>, vector<256x128xi32>
    %reshape3A_2446 = vector.shape_cast %select_n3A_2445 : vector<256x128xi32> to vector<256x128x1xi32>
    %gather3A_2447 = vector.shape_cast %reshape3A_2446 : vector<256x128x1xi32> to vector<256x128xi32>
    %gather3A_2448 = tpu.dynamic_gather %select_n3A_2396[%gather3A_2447] in [1] : vector<256x128xf32>, vector<256x128xi32> -> vector<256x128xf32>
    %min3A_2449 = arith.minimumf %select_n3A_2391, %gather3A_2438 : vector<256x128xf32>
    %max3A_2450 = arith.maximumf %select_n3A_2391, %gather3A_2438 : vector<256x128xf32>
    %broadcast_in_dim3A_2451 = vector.shape_cast %eq3A_2416 : vector<1x128xi1> to vector<1x128xi1>
    %broadcast_in_dim3A_2452 = vector.broadcast %broadcast_in_dim3A_2451 : vector<1x128xi1> to vector<256x128xi1>
    %select_n3A_2453 = arith.select %broadcast_in_dim3A_2452, %min3A_2449, %max3A_2450 : vector<256x128xi1>, vector<256x128xf32>
    %min3A_2454 = arith.minimumf %select_n3A_2396, %gather3A_2448 : vector<256x128xf32>
    %max3A_2455 = arith.maximumf %select_n3A_2396, %gather3A_2448 : vector<256x128xf32>
    %broadcast_in_dim3A_2456 = vector.shape_cast %eq3A_2428 : vector<1x128xi1> to vector<1x128xi1>
    %broadcast_in_dim3A_2457 = vector.broadcast %broadcast_in_dim3A_2456 : vector<1x128xi1> to vector<256x128xi1>
    %select_n3A_2458 = arith.select %broadcast_in_dim3A_2457, %min3A_2454, %max3A_2455 : vector<256x128xi1>, vector<256x128xf32>
    %xor3A_2459 = arith.constant 1 : i32
    %xor3A_2460 = vector.broadcast %xor3A_2459 : i32 to vector<1x128xi32>
    %xor3A_2461 = arith.xori %iota3A_802, %xor3A_2460 : vector<1x128xi32>
    %broadcast_in_dim3A_2462 = vector.shape_cast %xor3A_2461 : vector<1x128xi32> to vector<1x128xi32>
    %broadcast_in_dim3A_2463 = vector.broadcast %broadcast_in_dim3A_2462 : vector<1x128xi32> to vector<256x128xi32>
    %and3A_2464 = arith.constant 1 : i32
    %and3A_2465 = vector.broadcast %and3A_2464 : i32 to vector<1x128xi32>
    %and3A_2466 = arith.andi %iota3A_802, %and3A_2465 : vector<1x128xi32>
    %eq3A_2467 = arith.constant 0 : i32
    %eq3A_2468 = vector.broadcast %eq3A_2467 : i32 to vector<1x128xi32>
    %eq3A_2469 = arith.cmpi eq, %and3A_2466, %eq3A_2468 : vector<1x128xi32>
    %and3A_2470 = arith.constant 128 : i32
    %and3A_2471 = vector.broadcast %and3A_2470 : i32 to vector<1x128xi32>
    %and3A_2472 = arith.andi %iota3A_802, %and3A_2471 : vector<1x128xi32>
    %eq3A_2473 = arith.constant 0 : i32
    %eq3A_2474 = vector.broadcast %eq3A_2473 : i32 to vector<1x128xi32>
    %eq3A_2475 = arith.cmpi eq, %and3A_2472, %eq3A_2474 : vector<1x128xi32>
    %eq3A_2476 = arith.xori %eq3A_2469, %eq3A_2475 : vector<1x128xi1>
    %eq3A_2477 = arith.constant dense<true> : vector<1x128xi1>
    %eq3A_2478 = arith.xori %eq3A_2476, %eq3A_2477 : vector<1x128xi1>
    %add3A_2479 = arith.constant 128 : i32
    %add3A_2480 = vector.broadcast %add3A_2479 : i32 to vector<1x128xi32>
    %add3A_2481 = arith.addi %iota3A_802, %add3A_2480 : vector<1x128xi32>
    %and3A_2482 = arith.constant 128 : i32
    %and3A_2483 = vector.broadcast %and3A_2482 : i32 to vector<1x128xi32>
    %and3A_2484 = arith.andi %add3A_2481, %and3A_2483 : vector<1x128xi32>
    %eq3A_2485 = arith.constant 0 : i32
    %eq3A_2486 = vector.broadcast %eq3A_2485 : i32 to vector<1x128xi32>
    %eq3A_2487 = arith.cmpi eq, %and3A_2484, %eq3A_2486 : vector<1x128xi32>
    %eq3A_2488 = arith.xori %eq3A_2469, %eq3A_2487 : vector<1x128xi1>
    %eq3A_2489 = arith.constant dense<true> : vector<1x128xi1>
    %eq3A_2490 = arith.xori %eq3A_2488, %eq3A_2489 : vector<1x128xi1>
    %lt3A_2491 = arith.constant 0 : i32
    %lt3A_2492 = vector.broadcast %lt3A_2491 : i32 to vector<256x128xi32>
    %lt3A_2493 = arith.cmpi slt, %broadcast_in_dim3A_2463, %lt3A_2492 : vector<256x128xi32>
    %add3A_2494 = arith.constant 128 : i32
    %add3A_2495 = vector.broadcast %add3A_2494 : i32 to vector<256x128xi32>
    %add3A_2496 = arith.addi %broadcast_in_dim3A_2463, %add3A_2495 : vector<256x128xi32>
    %select_n3A_2497 = arith.select %lt3A_2493, %add3A_2496, %broadcast_in_dim3A_2463 : vector<256x128xi1>, vector<256x128xi32>
    %reshape3A_2498 = vector.shape_cast %select_n3A_2497 : vector<256x128xi32> to vector<256x128x1xi32>
    %gather3A_2499 = vector.shape_cast %reshape3A_2498 : vector<256x128x1xi32> to vector<256x128xi32>
    %gather3A_2500 = tpu.dynamic_gather %select_n3A_2453[%gather3A_2499] in [1] : vector<256x128xf32>, vector<256x128xi32> -> vector<256x128xf32>
    %lt3A_2501 = arith.constant 0 : i32
    %lt3A_2502 = vector.broadcast %lt3A_2501 : i32 to vector<256x128xi32>
    %lt3A_2503 = arith.cmpi slt, %broadcast_in_dim3A_2463, %lt3A_2502 : vector<256x128xi32>
    %add3A_2504 = arith.constant 128 : i32
    %add3A_2505 = vector.broadcast %add3A_2504 : i32 to vector<256x128xi32>
    %add3A_2506 = arith.addi %broadcast_in_dim3A_2463, %add3A_2505 : vector<256x128xi32>
    %select_n3A_2507 = arith.select %lt3A_2503, %add3A_2506, %broadcast_in_dim3A_2463 : vector<256x128xi1>, vector<256x128xi32>
    %reshape3A_2508 = vector.shape_cast %select_n3A_2507 : vector<256x128xi32> to vector<256x128x1xi32>
    %gather3A_2509 = vector.shape_cast %reshape3A_2508 : vector<256x128x1xi32> to vector<256x128xi32>
    %gather3A_2510 = tpu.dynamic_gather %select_n3A_2458[%gather3A_2509] in [1] : vector<256x128xf32>, vector<256x128xi32> -> vector<256x128xf32>
    %min3A_2511 = arith.minimumf %select_n3A_2453, %gather3A_2500 : vector<256x128xf32>
    %max3A_2512 = arith.maximumf %select_n3A_2453, %gather3A_2500 : vector<256x128xf32>
    %broadcast_in_dim3A_2513 = vector.shape_cast %eq3A_2478 : vector<1x128xi1> to vector<1x128xi1>
    %broadcast_in_dim3A_2514 = vector.broadcast %broadcast_in_dim3A_2513 : vector<1x128xi1> to vector<256x128xi1>
    %select_n3A_2515 = arith.select %broadcast_in_dim3A_2514, %min3A_2511, %max3A_2512 : vector<256x128xi1>, vector<256x128xf32>
    %min3A_2516 = arith.minimumf %select_n3A_2458, %gather3A_2510 : vector<256x128xf32>
    %max3A_2517 = arith.maximumf %select_n3A_2458, %gather3A_2510 : vector<256x128xf32>
    %broadcast_in_dim3A_2518 = vector.shape_cast %eq3A_2490 : vector<1x128xi1> to vector<1x128xi1>
    %broadcast_in_dim3A_2519 = vector.broadcast %broadcast_in_dim3A_2518 : vector<1x128xi1> to vector<256x128xi1>
    %select_n3A_2520 = arith.select %broadcast_in_dim3A_2519, %min3A_2516, %max3A_2517 : vector<256x128xi1>, vector<256x128xf32>
    %min3A_2521 = arith.minimumf %select_n3A_2515, %select_n3A_2520 : vector<256x128xf32>
    %max3A_2522 = arith.maximumf %select_n3A_2515, %select_n3A_2520 : vector<256x128xf32>
    %roll3A_2523 = arith.constant 64 : i32
    %roll3A_2524 = tpu.dynamic_rotate %min3A_2521 by %roll3A_2523 dim 1 : vector<256x128xf32>, i32 -> vector<256x128xf32>
    %roll3A_2525 = arith.constant 64 : i32
    %roll3A_2526 = tpu.dynamic_rotate %max3A_2522 by %roll3A_2525 dim 1 : vector<256x128xf32>, i32 -> vector<256x128xf32>
    %and3A_2527 = arith.constant 64 : i32
    %and3A_2528 = vector.broadcast %and3A_2527 : i32 to vector<1x128xi32>
    %and3A_2529 = arith.andi %iota3A_802, %and3A_2528 : vector<1x128xi32>
    %eq3A_2530 = arith.constant 0 : i32
    %eq3A_2531 = vector.broadcast %eq3A_2530 : i32 to vector<1x128xi32>
    %eq3A_2532 = arith.cmpi eq, %and3A_2529, %eq3A_2531 : vector<1x128xi32>
    %and3A_2533 = arith.constant 256 : i32
    %and3A_2534 = vector.broadcast %and3A_2533 : i32 to vector<1x128xi32>
    %and3A_2535 = arith.andi %iota3A_802, %and3A_2534 : vector<1x128xi32>
    %eq3A_2536 = arith.constant 0 : i32
    %eq3A_2537 = vector.broadcast %eq3A_2536 : i32 to vector<1x128xi32>
    %eq3A_2538 = arith.cmpi eq, %and3A_2535, %eq3A_2537 : vector<1x128xi32>
    %eq3A_2539 = arith.xori %eq3A_2532, %eq3A_2538 : vector<1x128xi1>
    %eq3A_2540 = arith.constant dense<true> : vector<1x128xi1>
    %eq3A_2541 = arith.xori %eq3A_2539, %eq3A_2540 : vector<1x128xi1>
    %and3A_2542 = arith.constant 64 : i32
    %and3A_2543 = vector.broadcast %and3A_2542 : i32 to vector<1x128xi32>
    %and3A_2544 = arith.andi %iota3A_802, %and3A_2543 : vector<1x128xi32>
    %eq3A_2545 = arith.constant 0 : i32
    %eq3A_2546 = vector.broadcast %eq3A_2545 : i32 to vector<1x128xi32>
    %eq3A_2547 = arith.cmpi eq, %and3A_2544, %eq3A_2546 : vector<1x128xi32>
    %add3A_2548 = arith.constant 128 : i32
    %add3A_2549 = vector.broadcast %add3A_2548 : i32 to vector<1x128xi32>
    %add3A_2550 = arith.addi %iota3A_802, %add3A_2549 : vector<1x128xi32>
    %and3A_2551 = arith.constant 256 : i32
    %and3A_2552 = vector.broadcast %and3A_2551 : i32 to vector<1x128xi32>
    %and3A_2553 = arith.andi %add3A_2550, %and3A_2552 : vector<1x128xi32>
    %eq3A_2554 = arith.constant 0 : i32
    %eq3A_2555 = vector.broadcast %eq3A_2554 : i32 to vector<1x128xi32>
    %eq3A_2556 = arith.cmpi eq, %and3A_2553, %eq3A_2555 : vector<1x128xi32>
    %eq3A_2557 = arith.xori %eq3A_2547, %eq3A_2556 : vector<1x128xi1>
    %eq3A_2558 = arith.constant dense<true> : vector<1x128xi1>
    %eq3A_2559 = arith.xori %eq3A_2557, %eq3A_2558 : vector<1x128xi1>
    %min3A_2560 = arith.minimumf %min3A_2521, %roll3A_2524 : vector<256x128xf32>
    %max3A_2561 = arith.maximumf %min3A_2521, %roll3A_2524 : vector<256x128xf32>
    %broadcast_in_dim3A_2562 = vector.shape_cast %eq3A_2541 : vector<1x128xi1> to vector<1x128xi1>
    %broadcast_in_dim3A_2563 = vector.broadcast %broadcast_in_dim3A_2562 : vector<1x128xi1> to vector<256x128xi1>
    %select_n3A_2564 = arith.select %broadcast_in_dim3A_2563, %min3A_2560, %max3A_2561 : vector<256x128xi1>, vector<256x128xf32>
    %min3A_2565 = arith.minimumf %max3A_2522, %roll3A_2526 : vector<256x128xf32>
    %max3A_2566 = arith.maximumf %max3A_2522, %roll3A_2526 : vector<256x128xf32>
    %broadcast_in_dim3A_2567 = vector.shape_cast %eq3A_2559 : vector<1x128xi1> to vector<1x128xi1>
    %broadcast_in_dim3A_2568 = vector.broadcast %broadcast_in_dim3A_2567 : vector<1x128xi1> to vector<256x128xi1>
    %select_n3A_2569 = arith.select %broadcast_in_dim3A_2568, %min3A_2565, %max3A_2566 : vector<256x128xi1>, vector<256x128xf32>
    %xor3A_2570 = arith.constant 32 : i32
    %xor3A_2571 = vector.broadcast %xor3A_2570 : i32 to vector<1x128xi32>
    %xor3A_2572 = arith.xori %iota3A_802, %xor3A_2571 : vector<1x128xi32>
    %broadcast_in_dim3A_2573 = vector.shape_cast %xor3A_2572 : vector<1x128xi32> to vector<1x128xi32>
    %broadcast_in_dim3A_2574 = vector.broadcast %broadcast_in_dim3A_2573 : vector<1x128xi32> to vector<256x128xi32>
    %and3A_2575 = arith.constant 32 : i32
    %and3A_2576 = vector.broadcast %and3A_2575 : i32 to vector<1x128xi32>
    %and3A_2577 = arith.andi %iota3A_802, %and3A_2576 : vector<1x128xi32>
    %eq3A_2578 = arith.constant 0 : i32
    %eq3A_2579 = vector.broadcast %eq3A_2578 : i32 to vector<1x128xi32>
    %eq3A_2580 = arith.cmpi eq, %and3A_2577, %eq3A_2579 : vector<1x128xi32>
    %and3A_2581 = arith.constant 256 : i32
    %and3A_2582 = vector.broadcast %and3A_2581 : i32 to vector<1x128xi32>
    %and3A_2583 = arith.andi %iota3A_802, %and3A_2582 : vector<1x128xi32>
    %eq3A_2584 = arith.constant 0 : i32
    %eq3A_2585 = vector.broadcast %eq3A_2584 : i32 to vector<1x128xi32>
    %eq3A_2586 = arith.cmpi eq, %and3A_2583, %eq3A_2585 : vector<1x128xi32>
    %eq3A_2587 = arith.xori %eq3A_2580, %eq3A_2586 : vector<1x128xi1>
    %eq3A_2588 = arith.constant dense<true> : vector<1x128xi1>
    %eq3A_2589 = arith.xori %eq3A_2587, %eq3A_2588 : vector<1x128xi1>
    %add3A_2590 = arith.constant 128 : i32
    %add3A_2591 = vector.broadcast %add3A_2590 : i32 to vector<1x128xi32>
    %add3A_2592 = arith.addi %iota3A_802, %add3A_2591 : vector<1x128xi32>
    %and3A_2593 = arith.constant 256 : i32
    %and3A_2594 = vector.broadcast %and3A_2593 : i32 to vector<1x128xi32>
    %and3A_2595 = arith.andi %add3A_2592, %and3A_2594 : vector<1x128xi32>
    %eq3A_2596 = arith.constant 0 : i32
    %eq3A_2597 = vector.broadcast %eq3A_2596 : i32 to vector<1x128xi32>
    %eq3A_2598 = arith.cmpi eq, %and3A_2595, %eq3A_2597 : vector<1x128xi32>
    %eq3A_2599 = arith.xori %eq3A_2580, %eq3A_2598 : vector<1x128xi1>
    %eq3A_2600 = arith.constant dense<true> : vector<1x128xi1>
    %eq3A_2601 = arith.xori %eq3A_2599, %eq3A_2600 : vector<1x128xi1>
    %lt3A_2602 = arith.constant 0 : i32
    %lt3A_2603 = vector.broadcast %lt3A_2602 : i32 to vector<256x128xi32>
    %lt3A_2604 = arith.cmpi slt, %broadcast_in_dim3A_2574, %lt3A_2603 : vector<256x128xi32>
    %add3A_2605 = arith.constant 128 : i32
    %add3A_2606 = vector.broadcast %add3A_2605 : i32 to vector<256x128xi32>
    %add3A_2607 = arith.addi %broadcast_in_dim3A_2574, %add3A_2606 : vector<256x128xi32>
    %select_n3A_2608 = arith.select %lt3A_2604, %add3A_2607, %broadcast_in_dim3A_2574 : vector<256x128xi1>, vector<256x128xi32>
    %reshape3A_2609 = vector.shape_cast %select_n3A_2608 : vector<256x128xi32> to vector<256x128x1xi32>
    %gather3A_2610 = vector.shape_cast %reshape3A_2609 : vector<256x128x1xi32> to vector<256x128xi32>
    %gather3A_2611 = tpu.dynamic_gather %select_n3A_2564[%gather3A_2610] in [1] : vector<256x128xf32>, vector<256x128xi32> -> vector<256x128xf32>
    %lt3A_2612 = arith.constant 0 : i32
    %lt3A_2613 = vector.broadcast %lt3A_2612 : i32 to vector<256x128xi32>
    %lt3A_2614 = arith.cmpi slt, %broadcast_in_dim3A_2574, %lt3A_2613 : vector<256x128xi32>
    %add3A_2615 = arith.constant 128 : i32
    %add3A_2616 = vector.broadcast %add3A_2615 : i32 to vector<256x128xi32>
    %add3A_2617 = arith.addi %broadcast_in_dim3A_2574, %add3A_2616 : vector<256x128xi32>
    %select_n3A_2618 = arith.select %lt3A_2614, %add3A_2617, %broadcast_in_dim3A_2574 : vector<256x128xi1>, vector<256x128xi32>
    %reshape3A_2619 = vector.shape_cast %select_n3A_2618 : vector<256x128xi32> to vector<256x128x1xi32>
    %gather3A_2620 = vector.shape_cast %reshape3A_2619 : vector<256x128x1xi32> to vector<256x128xi32>
    %gather3A_2621 = tpu.dynamic_gather %select_n3A_2569[%gather3A_2620] in [1] : vector<256x128xf32>, vector<256x128xi32> -> vector<256x128xf32>
    %min3A_2622 = arith.minimumf %select_n3A_2564, %gather3A_2611 : vector<256x128xf32>
    %max3A_2623 = arith.maximumf %select_n3A_2564, %gather3A_2611 : vector<256x128xf32>
    %broadcast_in_dim3A_2624 = vector.shape_cast %eq3A_2589 : vector<1x128xi1> to vector<1x128xi1>
    %broadcast_in_dim3A_2625 = vector.broadcast %broadcast_in_dim3A_2624 : vector<1x128xi1> to vector<256x128xi1>
    %select_n3A_2626 = arith.select %broadcast_in_dim3A_2625, %min3A_2622, %max3A_2623 : vector<256x128xi1>, vector<256x128xf32>
    %min3A_2627 = arith.minimumf %select_n3A_2569, %gather3A_2621 : vector<256x128xf32>
    %max3A_2628 = arith.maximumf %select_n3A_2569, %gather3A_2621 : vector<256x128xf32>
    %broadcast_in_dim3A_2629 = vector.shape_cast %eq3A_2601 : vector<1x128xi1> to vector<1x128xi1>
    %broadcast_in_dim3A_2630 = vector.broadcast %broadcast_in_dim3A_2629 : vector<1x128xi1> to vector<256x128xi1>
    %select_n3A_2631 = arith.select %broadcast_in_dim3A_2630, %min3A_2627, %max3A_2628 : vector<256x128xi1>, vector<256x128xf32>
    %xor3A_2632 = arith.constant 16 : i32
    %xor3A_2633 = vector.broadcast %xor3A_2632 : i32 to vector<1x128xi32>
    %xor3A_2634 = arith.xori %iota3A_802, %xor3A_2633 : vector<1x128xi32>
    %broadcast_in_dim3A_2635 = vector.shape_cast %xor3A_2634 : vector<1x128xi32> to vector<1x128xi32>
    %broadcast_in_dim3A_2636 = vector.broadcast %broadcast_in_dim3A_2635 : vector<1x128xi32> to vector<256x128xi32>
    %and3A_2637 = arith.constant 16 : i32
    %and3A_2638 = vector.broadcast %and3A_2637 : i32 to vector<1x128xi32>
    %and3A_2639 = arith.andi %iota3A_802, %and3A_2638 : vector<1x128xi32>
    %eq3A_2640 = arith.constant 0 : i32
    %eq3A_2641 = vector.broadcast %eq3A_2640 : i32 to vector<1x128xi32>
    %eq3A_2642 = arith.cmpi eq, %and3A_2639, %eq3A_2641 : vector<1x128xi32>
    %and3A_2643 = arith.constant 256 : i32
    %and3A_2644 = vector.broadcast %and3A_2643 : i32 to vector<1x128xi32>
    %and3A_2645 = arith.andi %iota3A_802, %and3A_2644 : vector<1x128xi32>
    %eq3A_2646 = arith.constant 0 : i32
    %eq3A_2647 = vector.broadcast %eq3A_2646 : i32 to vector<1x128xi32>
    %eq3A_2648 = arith.cmpi eq, %and3A_2645, %eq3A_2647 : vector<1x128xi32>
    %eq3A_2649 = arith.xori %eq3A_2642, %eq3A_2648 : vector<1x128xi1>
    %eq3A_2650 = arith.constant dense<true> : vector<1x128xi1>
    %eq3A_2651 = arith.xori %eq3A_2649, %eq3A_2650 : vector<1x128xi1>
    %add3A_2652 = arith.constant 128 : i32
    %add3A_2653 = vector.broadcast %add3A_2652 : i32 to vector<1x128xi32>
    %add3A_2654 = arith.addi %iota3A_802, %add3A_2653 : vector<1x128xi32>
    %and3A_2655 = arith.constant 256 : i32
    %and3A_2656 = vector.broadcast %and3A_2655 : i32 to vector<1x128xi32>
    %and3A_2657 = arith.andi %add3A_2654, %and3A_2656 : vector<1x128xi32>
    %eq3A_2658 = arith.constant 0 : i32
    %eq3A_2659 = vector.broadcast %eq3A_2658 : i32 to vector<1x128xi32>
    %eq3A_2660 = arith.cmpi eq, %and3A_2657, %eq3A_2659 : vector<1x128xi32>
    %eq3A_2661 = arith.xori %eq3A_2642, %eq3A_2660 : vector<1x128xi1>
    %eq3A_2662 = arith.constant dense<true> : vector<1x128xi1>
    %eq3A_2663 = arith.xori %eq3A_2661, %eq3A_2662 : vector<1x128xi1>
    %lt3A_2664 = arith.constant 0 : i32
    %lt3A_2665 = vector.broadcast %lt3A_2664 : i32 to vector<256x128xi32>
    %lt3A_2666 = arith.cmpi slt, %broadcast_in_dim3A_2636, %lt3A_2665 : vector<256x128xi32>
    %add3A_2667 = arith.constant 128 : i32
    %add3A_2668 = vector.broadcast %add3A_2667 : i32 to vector<256x128xi32>
    %add3A_2669 = arith.addi %broadcast_in_dim3A_2636, %add3A_2668 : vector<256x128xi32>
    %select_n3A_2670 = arith.select %lt3A_2666, %add3A_2669, %broadcast_in_dim3A_2636 : vector<256x128xi1>, vector<256x128xi32>
    %reshape3A_2671 = vector.shape_cast %select_n3A_2670 : vector<256x128xi32> to vector<256x128x1xi32>
    %gather3A_2672 = vector.shape_cast %reshape3A_2671 : vector<256x128x1xi32> to vector<256x128xi32>
    %gather3A_2673 = tpu.dynamic_gather %select_n3A_2626[%gather3A_2672] in [1] : vector<256x128xf32>, vector<256x128xi32> -> vector<256x128xf32>
    %lt3A_2674 = arith.constant 0 : i32
    %lt3A_2675 = vector.broadcast %lt3A_2674 : i32 to vector<256x128xi32>
    %lt3A_2676 = arith.cmpi slt, %broadcast_in_dim3A_2636, %lt3A_2675 : vector<256x128xi32>
    %add3A_2677 = arith.constant 128 : i32
    %add3A_2678 = vector.broadcast %add3A_2677 : i32 to vector<256x128xi32>
    %add3A_2679 = arith.addi %broadcast_in_dim3A_2636, %add3A_2678 : vector<256x128xi32>
    %select_n3A_2680 = arith.select %lt3A_2676, %add3A_2679, %broadcast_in_dim3A_2636 : vector<256x128xi1>, vector<256x128xi32>
    %reshape3A_2681 = vector.shape_cast %select_n3A_2680 : vector<256x128xi32> to vector<256x128x1xi32>
    %gather3A_2682 = vector.shape_cast %reshape3A_2681 : vector<256x128x1xi32> to vector<256x128xi32>
    %gather3A_2683 = tpu.dynamic_gather %select_n3A_2631[%gather3A_2682] in [1] : vector<256x128xf32>, vector<256x128xi32> -> vector<256x128xf32>
    %min3A_2684 = arith.minimumf %select_n3A_2626, %gather3A_2673 : vector<256x128xf32>
    %max3A_2685 = arith.maximumf %select_n3A_2626, %gather3A_2673 : vector<256x128xf32>
    %broadcast_in_dim3A_2686 = vector.shape_cast %eq3A_2651 : vector<1x128xi1> to vector<1x128xi1>
    %broadcast_in_dim3A_2687 = vector.broadcast %broadcast_in_dim3A_2686 : vector<1x128xi1> to vector<256x128xi1>
    %select_n3A_2688 = arith.select %broadcast_in_dim3A_2687, %min3A_2684, %max3A_2685 : vector<256x128xi1>, vector<256x128xf32>
    %min3A_2689 = arith.minimumf %select_n3A_2631, %gather3A_2683 : vector<256x128xf32>
    %max3A_2690 = arith.maximumf %select_n3A_2631, %gather3A_2683 : vector<256x128xf32>
    %broadcast_in_dim3A_2691 = vector.shape_cast %eq3A_2663 : vector<1x128xi1> to vector<1x128xi1>
    %broadcast_in_dim3A_2692 = vector.broadcast %broadcast_in_dim3A_2691 : vector<1x128xi1> to vector<256x128xi1>
    %select_n3A_2693 = arith.select %broadcast_in_dim3A_2692, %min3A_2689, %max3A_2690 : vector<256x128xi1>, vector<256x128xf32>
    %xor3A_2694 = arith.constant 8 : i32
    %xor3A_2695 = vector.broadcast %xor3A_2694 : i32 to vector<1x128xi32>
    %xor3A_2696 = arith.xori %iota3A_802, %xor3A_2695 : vector<1x128xi32>
    %broadcast_in_dim3A_2697 = vector.shape_cast %xor3A_2696 : vector<1x128xi32> to vector<1x128xi32>
    %broadcast_in_dim3A_2698 = vector.broadcast %broadcast_in_dim3A_2697 : vector<1x128xi32> to vector<256x128xi32>
    %and3A_2699 = arith.constant 8 : i32
    %and3A_2700 = vector.broadcast %and3A_2699 : i32 to vector<1x128xi32>
    %and3A_2701 = arith.andi %iota3A_802, %and3A_2700 : vector<1x128xi32>
    %eq3A_2702 = arith.constant 0 : i32
    %eq3A_2703 = vector.broadcast %eq3A_2702 : i32 to vector<1x128xi32>
    %eq3A_2704 = arith.cmpi eq, %and3A_2701, %eq3A_2703 : vector<1x128xi32>
    %and3A_2705 = arith.constant 256 : i32
    %and3A_2706 = vector.broadcast %and3A_2705 : i32 to vector<1x128xi32>
    %and3A_2707 = arith.andi %iota3A_802, %and3A_2706 : vector<1x128xi32>
    %eq3A_2708 = arith.constant 0 : i32
    %eq3A_2709 = vector.broadcast %eq3A_2708 : i32 to vector<1x128xi32>
    %eq3A_2710 = arith.cmpi eq, %and3A_2707, %eq3A_2709 : vector<1x128xi32>
    %eq3A_2711 = arith.xori %eq3A_2704, %eq3A_2710 : vector<1x128xi1>
    %eq3A_2712 = arith.constant dense<true> : vector<1x128xi1>
    %eq3A_2713 = arith.xori %eq3A_2711, %eq3A_2712 : vector<1x128xi1>
    %add3A_2714 = arith.constant 128 : i32
    %add3A_2715 = vector.broadcast %add3A_2714 : i32 to vector<1x128xi32>
    %add3A_2716 = arith.addi %iota3A_802, %add3A_2715 : vector<1x128xi32>
    %and3A_2717 = arith.constant 256 : i32
    %and3A_2718 = vector.broadcast %and3A_2717 : i32 to vector<1x128xi32>
    %and3A_2719 = arith.andi %add3A_2716, %and3A_2718 : vector<1x128xi32>
    %eq3A_2720 = arith.constant 0 : i32
    %eq3A_2721 = vector.broadcast %eq3A_2720 : i32 to vector<1x128xi32>
    %eq3A_2722 = arith.cmpi eq, %and3A_2719, %eq3A_2721 : vector<1x128xi32>
    %eq3A_2723 = arith.xori %eq3A_2704, %eq3A_2722 : vector<1x128xi1>
    %eq3A_2724 = arith.constant dense<true> : vector<1x128xi1>
    %eq3A_2725 = arith.xori %eq3A_2723, %eq3A_2724 : vector<1x128xi1>
    %lt3A_2726 = arith.constant 0 : i32
    %lt3A_2727 = vector.broadcast %lt3A_2726 : i32 to vector<256x128xi32>
    %lt3A_2728 = arith.cmpi slt, %broadcast_in_dim3A_2698, %lt3A_2727 : vector<256x128xi32>
    %add3A_2729 = arith.constant 128 : i32
    %add3A_2730 = vector.broadcast %add3A_2729 : i32 to vector<256x128xi32>
    %add3A_2731 = arith.addi %broadcast_in_dim3A_2698, %add3A_2730 : vector<256x128xi32>
    %select_n3A_2732 = arith.select %lt3A_2728, %add3A_2731, %broadcast_in_dim3A_2698 : vector<256x128xi1>, vector<256x128xi32>
    %reshape3A_2733 = vector.shape_cast %select_n3A_2732 : vector<256x128xi32> to vector<256x128x1xi32>
    %gather3A_2734 = vector.shape_cast %reshape3A_2733 : vector<256x128x1xi32> to vector<256x128xi32>
    %gather3A_2735 = tpu.dynamic_gather %select_n3A_2688[%gather3A_2734] in [1] : vector<256x128xf32>, vector<256x128xi32> -> vector<256x128xf32>
    %lt3A_2736 = arith.constant 0 : i32
    %lt3A_2737 = vector.broadcast %lt3A_2736 : i32 to vector<256x128xi32>
    %lt3A_2738 = arith.cmpi slt, %broadcast_in_dim3A_2698, %lt3A_2737 : vector<256x128xi32>
    %add3A_2739 = arith.constant 128 : i32
    %add3A_2740 = vector.broadcast %add3A_2739 : i32 to vector<256x128xi32>
    %add3A_2741 = arith.addi %broadcast_in_dim3A_2698, %add3A_2740 : vector<256x128xi32>
    %select_n3A_2742 = arith.select %lt3A_2738, %add3A_2741, %broadcast_in_dim3A_2698 : vector<256x128xi1>, vector<256x128xi32>
    %reshape3A_2743 = vector.shape_cast %select_n3A_2742 : vector<256x128xi32> to vector<256x128x1xi32>
    %gather3A_2744 = vector.shape_cast %reshape3A_2743 : vector<256x128x1xi32> to vector<256x128xi32>
    %gather3A_2745 = tpu.dynamic_gather %select_n3A_2693[%gather3A_2744] in [1] : vector<256x128xf32>, vector<256x128xi32> -> vector<256x128xf32>
    %min3A_2746 = arith.minimumf %select_n3A_2688, %gather3A_2735 : vector<256x128xf32>
    %max3A_2747 = arith.maximumf %select_n3A_2688, %gather3A_2735 : vector<256x128xf32>
    %broadcast_in_dim3A_2748 = vector.shape_cast %eq3A_2713 : vector<1x128xi1> to vector<1x128xi1>
    %broadcast_in_dim3A_2749 = vector.broadcast %broadcast_in_dim3A_2748 : vector<1x128xi1> to vector<256x128xi1>
    %select_n3A_2750 = arith.select %broadcast_in_dim3A_2749, %min3A_2746, %max3A_2747 : vector<256x128xi1>, vector<256x128xf32>
    %min3A_2751 = arith.minimumf %select_n3A_2693, %gather3A_2745 : vector<256x128xf32>
    %max3A_2752 = arith.maximumf %select_n3A_2693, %gather3A_2745 : vector<256x128xf32>
    %broadcast_in_dim3A_2753 = vector.shape_cast %eq3A_2725 : vector<1x128xi1> to vector<1x128xi1>
    %broadcast_in_dim3A_2754 = vector.broadcast %broadcast_in_dim3A_2753 : vector<1x128xi1> to vector<256x128xi1>
    %select_n3A_2755 = arith.select %broadcast_in_dim3A_2754, %min3A_2751, %max3A_2752 : vector<256x128xi1>, vector<256x128xf32>
    %xor3A_2756 = arith.constant 4 : i32
    %xor3A_2757 = vector.broadcast %xor3A_2756 : i32 to vector<1x128xi32>
    %xor3A_2758 = arith.xori %iota3A_802, %xor3A_2757 : vector<1x128xi32>
    %broadcast_in_dim3A_2759 = vector.shape_cast %xor3A_2758 : vector<1x128xi32> to vector<1x128xi32>
    %broadcast_in_dim3A_2760 = vector.broadcast %broadcast_in_dim3A_2759 : vector<1x128xi32> to vector<256x128xi32>
    %and3A_2761 = arith.constant 4 : i32
    %and3A_2762 = vector.broadcast %and3A_2761 : i32 to vector<1x128xi32>
    %and3A_2763 = arith.andi %iota3A_802, %and3A_2762 : vector<1x128xi32>
    %eq3A_2764 = arith.constant 0 : i32
    %eq3A_2765 = vector.broadcast %eq3A_2764 : i32 to vector<1x128xi32>
    %eq3A_2766 = arith.cmpi eq, %and3A_2763, %eq3A_2765 : vector<1x128xi32>
    %and3A_2767 = arith.constant 256 : i32
    %and3A_2768 = vector.broadcast %and3A_2767 : i32 to vector<1x128xi32>
    %and3A_2769 = arith.andi %iota3A_802, %and3A_2768 : vector<1x128xi32>
    %eq3A_2770 = arith.constant 0 : i32
    %eq3A_2771 = vector.broadcast %eq3A_2770 : i32 to vector<1x128xi32>
    %eq3A_2772 = arith.cmpi eq, %and3A_2769, %eq3A_2771 : vector<1x128xi32>
    %eq3A_2773 = arith.xori %eq3A_2766, %eq3A_2772 : vector<1x128xi1>
    %eq3A_2774 = arith.constant dense<true> : vector<1x128xi1>
    %eq3A_2775 = arith.xori %eq3A_2773, %eq3A_2774 : vector<1x128xi1>
    %add3A_2776 = arith.constant 128 : i32
    %add3A_2777 = vector.broadcast %add3A_2776 : i32 to vector<1x128xi32>
    %add3A_2778 = arith.addi %iota3A_802, %add3A_2777 : vector<1x128xi32>
    %and3A_2779 = arith.constant 256 : i32
    %and3A_2780 = vector.broadcast %and3A_2779 : i32 to vector<1x128xi32>
    %and3A_2781 = arith.andi %add3A_2778, %and3A_2780 : vector<1x128xi32>
    %eq3A_2782 = arith.constant 0 : i32
    %eq3A_2783 = vector.broadcast %eq3A_2782 : i32 to vector<1x128xi32>
    %eq3A_2784 = arith.cmpi eq, %and3A_2781, %eq3A_2783 : vector<1x128xi32>
    %eq3A_2785 = arith.xori %eq3A_2766, %eq3A_2784 : vector<1x128xi1>
    %eq3A_2786 = arith.constant dense<true> : vector<1x128xi1>
    %eq3A_2787 = arith.xori %eq3A_2785, %eq3A_2786 : vector<1x128xi1>
    %lt3A_2788 = arith.constant 0 : i32
    %lt3A_2789 = vector.broadcast %lt3A_2788 : i32 to vector<256x128xi32>
    %lt3A_2790 = arith.cmpi slt, %broadcast_in_dim3A_2760, %lt3A_2789 : vector<256x128xi32>
    %add3A_2791 = arith.constant 128 : i32
    %add3A_2792 = vector.broadcast %add3A_2791 : i32 to vector<256x128xi32>
    %add3A_2793 = arith.addi %broadcast_in_dim3A_2760, %add3A_2792 : vector<256x128xi32>
    %select_n3A_2794 = arith.select %lt3A_2790, %add3A_2793, %broadcast_in_dim3A_2760 : vector<256x128xi1>, vector<256x128xi32>
    %reshape3A_2795 = vector.shape_cast %select_n3A_2794 : vector<256x128xi32> to vector<256x128x1xi32>
    %gather3A_2796 = vector.shape_cast %reshape3A_2795 : vector<256x128x1xi32> to vector<256x128xi32>
    %gather3A_2797 = tpu.dynamic_gather %select_n3A_2750[%gather3A_2796] in [1] : vector<256x128xf32>, vector<256x128xi32> -> vector<256x128xf32>
    %lt3A_2798 = arith.constant 0 : i32
    %lt3A_2799 = vector.broadcast %lt3A_2798 : i32 to vector<256x128xi32>
    %lt3A_2800 = arith.cmpi slt, %broadcast_in_dim3A_2760, %lt3A_2799 : vector<256x128xi32>
    %add3A_2801 = arith.constant 128 : i32
    %add3A_2802 = vector.broadcast %add3A_2801 : i32 to vector<256x128xi32>
    %add3A_2803 = arith.addi %broadcast_in_dim3A_2760, %add3A_2802 : vector<256x128xi32>
    %select_n3A_2804 = arith.select %lt3A_2800, %add3A_2803, %broadcast_in_dim3A_2760 : vector<256x128xi1>, vector<256x128xi32>
    %reshape3A_2805 = vector.shape_cast %select_n3A_2804 : vector<256x128xi32> to vector<256x128x1xi32>
    %gather3A_2806 = vector.shape_cast %reshape3A_2805 : vector<256x128x1xi32> to vector<256x128xi32>
    %gather3A_2807 = tpu.dynamic_gather %select_n3A_2755[%gather3A_2806] in [1] : vector<256x128xf32>, vector<256x128xi32> -> vector<256x128xf32>
    %min3A_2808 = arith.minimumf %select_n3A_2750, %gather3A_2797 : vector<256x128xf32>
    %max3A_2809 = arith.maximumf %select_n3A_2750, %gather3A_2797 : vector<256x128xf32>
    %broadcast_in_dim3A_2810 = vector.shape_cast %eq3A_2775 : vector<1x128xi1> to vector<1x128xi1>
    %broadcast_in_dim3A_2811 = vector.broadcast %broadcast_in_dim3A_2810 : vector<1x128xi1> to vector<256x128xi1>
    %select_n3A_2812 = arith.select %broadcast_in_dim3A_2811, %min3A_2808, %max3A_2809 : vector<256x128xi1>, vector<256x128xf32>
    %min3A_2813 = arith.minimumf %select_n3A_2755, %gather3A_2807 : vector<256x128xf32>
    %max3A_2814 = arith.maximumf %select_n3A_2755, %gather3A_2807 : vector<256x128xf32>
    %broadcast_in_dim3A_2815 = vector.shape_cast %eq3A_2787 : vector<1x128xi1> to vector<1x128xi1>
    %broadcast_in_dim3A_2816 = vector.broadcast %broadcast_in_dim3A_2815 : vector<1x128xi1> to vector<256x128xi1>
    %select_n3A_2817 = arith.select %broadcast_in_dim3A_2816, %min3A_2813, %max3A_2814 : vector<256x128xi1>, vector<256x128xf32>
    %xor3A_2818 = arith.constant 2 : i32
    %xor3A_2819 = vector.broadcast %xor3A_2818 : i32 to vector<1x128xi32>
    %xor3A_2820 = arith.xori %iota3A_802, %xor3A_2819 : vector<1x128xi32>
    %broadcast_in_dim3A_2821 = vector.shape_cast %xor3A_2820 : vector<1x128xi32> to vector<1x128xi32>
    %broadcast_in_dim3A_2822 = vector.broadcast %broadcast_in_dim3A_2821 : vector<1x128xi32> to vector<256x128xi32>
    %and3A_2823 = arith.constant 2 : i32
    %and3A_2824 = vector.broadcast %and3A_2823 : i32 to vector<1x128xi32>
    %and3A_2825 = arith.andi %iota3A_802, %and3A_2824 : vector<1x128xi32>
    %eq3A_2826 = arith.constant 0 : i32
    %eq3A_2827 = vector.broadcast %eq3A_2826 : i32 to vector<1x128xi32>
    %eq3A_2828 = arith.cmpi eq, %and3A_2825, %eq3A_2827 : vector<1x128xi32>
    %and3A_2829 = arith.constant 256 : i32
    %and3A_2830 = vector.broadcast %and3A_2829 : i32 to vector<1x128xi32>
    %and3A_2831 = arith.andi %iota3A_802, %and3A_2830 : vector<1x128xi32>
    %eq3A_2832 = arith.constant 0 : i32
    %eq3A_2833 = vector.broadcast %eq3A_2832 : i32 to vector<1x128xi32>
    %eq3A_2834 = arith.cmpi eq, %and3A_2831, %eq3A_2833 : vector<1x128xi32>
    %eq3A_2835 = arith.xori %eq3A_2828, %eq3A_2834 : vector<1x128xi1>
    %eq3A_2836 = arith.constant dense<true> : vector<1x128xi1>
    %eq3A_2837 = arith.xori %eq3A_2835, %eq3A_2836 : vector<1x128xi1>
    %add3A_2838 = arith.constant 128 : i32
    %add3A_2839 = vector.broadcast %add3A_2838 : i32 to vector<1x128xi32>
    %add3A_2840 = arith.addi %iota3A_802, %add3A_2839 : vector<1x128xi32>
    %and3A_2841 = arith.constant 256 : i32
    %and3A_2842 = vector.broadcast %and3A_2841 : i32 to vector<1x128xi32>
    %and3A_2843 = arith.andi %add3A_2840, %and3A_2842 : vector<1x128xi32>
    %eq3A_2844 = arith.constant 0 : i32
    %eq3A_2845 = vector.broadcast %eq3A_2844 : i32 to vector<1x128xi32>
    %eq3A_2846 = arith.cmpi eq, %and3A_2843, %eq3A_2845 : vector<1x128xi32>
    %eq3A_2847 = arith.xori %eq3A_2828, %eq3A_2846 : vector<1x128xi1>
    %eq3A_2848 = arith.constant dense<true> : vector<1x128xi1>
    %eq3A_2849 = arith.xori %eq3A_2847, %eq3A_2848 : vector<1x128xi1>
    %lt3A_2850 = arith.constant 0 : i32
    %lt3A_2851 = vector.broadcast %lt3A_2850 : i32 to vector<256x128xi32>
    %lt3A_2852 = arith.cmpi slt, %broadcast_in_dim3A_2822, %lt3A_2851 : vector<256x128xi32>
    %add3A_2853 = arith.constant 128 : i32
    %add3A_2854 = vector.broadcast %add3A_2853 : i32 to vector<256x128xi32>
    %add3A_2855 = arith.addi %broadcast_in_dim3A_2822, %add3A_2854 : vector<256x128xi32>
    %select_n3A_2856 = arith.select %lt3A_2852, %add3A_2855, %broadcast_in_dim3A_2822 : vector<256x128xi1>, vector<256x128xi32>
    %reshape3A_2857 = vector.shape_cast %select_n3A_2856 : vector<256x128xi32> to vector<256x128x1xi32>
    %gather3A_2858 = vector.shape_cast %reshape3A_2857 : vector<256x128x1xi32> to vector<256x128xi32>
    %gather3A_2859 = tpu.dynamic_gather %select_n3A_2812[%gather3A_2858] in [1] : vector<256x128xf32>, vector<256x128xi32> -> vector<256x128xf32>
    %lt3A_2860 = arith.constant 0 : i32
    %lt3A_2861 = vector.broadcast %lt3A_2860 : i32 to vector<256x128xi32>
    %lt3A_2862 = arith.cmpi slt, %broadcast_in_dim3A_2822, %lt3A_2861 : vector<256x128xi32>
    %add3A_2863 = arith.constant 128 : i32
    %add3A_2864 = vector.broadcast %add3A_2863 : i32 to vector<256x128xi32>
    %add3A_2865 = arith.addi %broadcast_in_dim3A_2822, %add3A_2864 : vector<256x128xi32>
    %select_n3A_2866 = arith.select %lt3A_2862, %add3A_2865, %broadcast_in_dim3A_2822 : vector<256x128xi1>, vector<256x128xi32>
    %reshape3A_2867 = vector.shape_cast %select_n3A_2866 : vector<256x128xi32> to vector<256x128x1xi32>
    %gather3A_2868 = vector.shape_cast %reshape3A_2867 : vector<256x128x1xi32> to vector<256x128xi32>
    %gather3A_2869 = tpu.dynamic_gather %select_n3A_2817[%gather3A_2868] in [1] : vector<256x128xf32>, vector<256x128xi32> -> vector<256x128xf32>
    %min3A_2870 = arith.minimumf %select_n3A_2812, %gather3A_2859 : vector<256x128xf32>
    %max3A_2871 = arith.maximumf %select_n3A_2812, %gather3A_2859 : vector<256x128xf32>
    %broadcast_in_dim3A_2872 = vector.shape_cast %eq3A_2837 : vector<1x128xi1> to vector<1x128xi1>
    %broadcast_in_dim3A_2873 = vector.broadcast %broadcast_in_dim3A_2872 : vector<1x128xi1> to vector<256x128xi1>
    %select_n3A_2874 = arith.select %broadcast_in_dim3A_2873, %min3A_2870, %max3A_2871 : vector<256x128xi1>, vector<256x128xf32>
    %min3A_2875 = arith.minimumf %select_n3A_2817, %gather3A_2869 : vector<256x128xf32>
    %max3A_2876 = arith.maximumf %select_n3A_2817, %gather3A_2869 : vector<256x128xf32>
    %broadcast_in_dim3A_2877 = vector.shape_cast %eq3A_2849 : vector<1x128xi1> to vector<1x128xi1>
    %broadcast_in_dim3A_2878 = vector.broadcast %broadcast_in_dim3A_2877 : vector<1x128xi1> to vector<256x128xi1>
    %select_n3A_2879 = arith.select %broadcast_in_dim3A_2878, %min3A_2875, %max3A_2876 : vector<256x128xi1>, vector<256x128xf32>
    %xor3A_2880 = arith.constant 1 : i32
    %xor3A_2881 = vector.broadcast %xor3A_2880 : i32 to vector<1x128xi32>
    %xor3A_2882 = arith.xori %iota3A_802, %xor3A_2881 : vector<1x128xi32>
    %broadcast_in_dim3A_2883 = vector.shape_cast %xor3A_2882 : vector<1x128xi32> to vector<1x128xi32>
    %broadcast_in_dim3A_2884 = vector.broadcast %broadcast_in_dim3A_2883 : vector<1x128xi32> to vector<256x128xi32>
    %and3A_2885 = arith.constant 1 : i32
    %and3A_2886 = vector.broadcast %and3A_2885 : i32 to vector<1x128xi32>
    %and3A_2887 = arith.andi %iota3A_802, %and3A_2886 : vector<1x128xi32>
    %eq3A_2888 = arith.constant 0 : i32
    %eq3A_2889 = vector.broadcast %eq3A_2888 : i32 to vector<1x128xi32>
    %eq3A_2890 = arith.cmpi eq, %and3A_2887, %eq3A_2889 : vector<1x128xi32>
    %and3A_2891 = arith.constant 256 : i32
    %and3A_2892 = vector.broadcast %and3A_2891 : i32 to vector<1x128xi32>
    %and3A_2893 = arith.andi %iota3A_802, %and3A_2892 : vector<1x128xi32>
    %eq3A_2894 = arith.constant 0 : i32
    %eq3A_2895 = vector.broadcast %eq3A_2894 : i32 to vector<1x128xi32>
    %eq3A_2896 = arith.cmpi eq, %and3A_2893, %eq3A_2895 : vector<1x128xi32>
    %eq3A_2897 = arith.xori %eq3A_2890, %eq3A_2896 : vector<1x128xi1>
    %eq3A_2898 = arith.constant dense<true> : vector<1x128xi1>
    %eq3A_2899 = arith.xori %eq3A_2897, %eq3A_2898 : vector<1x128xi1>
    %add3A_2900 = arith.constant 128 : i32
    %add3A_2901 = vector.broadcast %add3A_2900 : i32 to vector<1x128xi32>
    %add3A_2902 = arith.addi %iota3A_802, %add3A_2901 : vector<1x128xi32>
    %and3A_2903 = arith.constant 256 : i32
    %and3A_2904 = vector.broadcast %and3A_2903 : i32 to vector<1x128xi32>
    %and3A_2905 = arith.andi %add3A_2902, %and3A_2904 : vector<1x128xi32>
    %eq3A_2906 = arith.constant 0 : i32
    %eq3A_2907 = vector.broadcast %eq3A_2906 : i32 to vector<1x128xi32>
    %eq3A_2908 = arith.cmpi eq, %and3A_2905, %eq3A_2907 : vector<1x128xi32>
    %eq3A_2909 = arith.xori %eq3A_2890, %eq3A_2908 : vector<1x128xi1>
    %eq3A_2910 = arith.constant dense<true> : vector<1x128xi1>
    %eq3A_2911 = arith.xori %eq3A_2909, %eq3A_2910 : vector<1x128xi1>
    %lt3A_2912 = arith.constant 0 : i32
    %lt3A_2913 = vector.broadcast %lt3A_2912 : i32 to vector<256x128xi32>
    %lt3A_2914 = arith.cmpi slt, %broadcast_in_dim3A_2884, %lt3A_2913 : vector<256x128xi32>
    %add3A_2915 = arith.constant 128 : i32
    %add3A_2916 = vector.broadcast %add3A_2915 : i32 to vector<256x128xi32>
    %add3A_2917 = arith.addi %broadcast_in_dim3A_2884, %add3A_2916 : vector<256x128xi32>
    %select_n3A_2918 = arith.select %lt3A_2914, %add3A_2917, %broadcast_in_dim3A_2884 : vector<256x128xi1>, vector<256x128xi32>
    %reshape3A_2919 = vector.shape_cast %select_n3A_2918 : vector<256x128xi32> to vector<256x128x1xi32>
    %gather3A_2920 = vector.shape_cast %reshape3A_2919 : vector<256x128x1xi32> to vector<256x128xi32>
    %gather3A_2921 = tpu.dynamic_gather %select_n3A_2874[%gather3A_2920] in [1] : vector<256x128xf32>, vector<256x128xi32> -> vector<256x128xf32>
    %lt3A_2922 = arith.constant 0 : i32
    %lt3A_2923 = vector.broadcast %lt3A_2922 : i32 to vector<256x128xi32>
    %lt3A_2924 = arith.cmpi slt, %broadcast_in_dim3A_2884, %lt3A_2923 : vector<256x128xi32>
    %add3A_2925 = arith.constant 128 : i32
    %add3A_2926 = vector.broadcast %add3A_2925 : i32 to vector<256x128xi32>
    %add3A_2927 = arith.addi %broadcast_in_dim3A_2884, %add3A_2926 : vector<256x128xi32>
    %select_n3A_2928 = arith.select %lt3A_2924, %add3A_2927, %broadcast_in_dim3A_2884 : vector<256x128xi1>, vector<256x128xi32>
    %reshape3A_2929 = vector.shape_cast %select_n3A_2928 : vector<256x128xi32> to vector<256x128x1xi32>
    %gather3A_2930 = vector.shape_cast %reshape3A_2929 : vector<256x128x1xi32> to vector<256x128xi32>
    %gather3A_2931 = tpu.dynamic_gather %select_n3A_2879[%gather3A_2930] in [1] : vector<256x128xf32>, vector<256x128xi32> -> vector<256x128xf32>
    %min3A_2932 = arith.minimumf %select_n3A_2874, %gather3A_2921 : vector<256x128xf32>
    %max3A_2933 = arith.maximumf %select_n3A_2874, %gather3A_2921 : vector<256x128xf32>
    %broadcast_in_dim3A_2934 = vector.shape_cast %eq3A_2899 : vector<1x128xi1> to vector<1x128xi1>
    %broadcast_in_dim3A_2935 = vector.broadcast %broadcast_in_dim3A_2934 : vector<1x128xi1> to vector<256x128xi1>
    %select_n3A_2936 = arith.select %broadcast_in_dim3A_2935, %min3A_2932, %max3A_2933 : vector<256x128xi1>, vector<256x128xf32>
    %min3A_2937 = arith.minimumf %select_n3A_2879, %gather3A_2931 : vector<256x128xf32>
    %max3A_2938 = arith.maximumf %select_n3A_2879, %gather3A_2931 : vector<256x128xf32>
    %broadcast_in_dim3A_2939 = vector.shape_cast %eq3A_2911 : vector<1x128xi1> to vector<1x128xi1>
    %broadcast_in_dim3A_2940 = vector.broadcast %broadcast_in_dim3A_2939 : vector<1x128xi1> to vector<256x128xi1>
    %select_n3A_2941 = arith.select %broadcast_in_dim3A_2940, %min3A_2937, %max3A_2938 : vector<256x128xi1>, vector<256x128xf32>
    %slice3A_2942 = vector.extract_strided_slice %select_n3A_2941 {offsets = [0, 0], sizes = [256, 64], strides = [1, 1]} : vector<256x128xf32> to vector<256x64xf32>
    %concatenate3A_2943 = tpu.concatenate %select_n3A_2936, %slice3A_2942 in 1 : vector<256x128xf32>, vector<256x64xf32> -> vector<256x192xf32>
    %swap3A_2944 = arith.constant 0 : index
    %swap3A_2945 = arith.constant 0 : index
    %swap3A_2946 = vector.load %arg11[%swap3A_2944, %swap3A_2945] : memref<512x192xf32, #tpu.memory_space<vmem>>, vector<256x192xf32>
    tpu.vector_store %arg11[%swap3A_2944, %swap3A_2945], %concatenate3A_2943 {strides = array<i32>} : memref<512x192xf32, #tpu.memory_space<vmem>>, vector<256x192xf32>,
    %get3A_2947 = arith.constant 0 : index
    %get3A_2948 = arith.constant 0 : index
    %get3A_2949 = vector.load %arg8[%get3A_2947, %get3A_2948] : memref<192x576xf32, #tpu.memory_space<vmem>>, vector<192x576xf32>
    %convert_element_type3A_2950 = arith.truncf %get3A_2949 : vector<192x576xf32> to vector<192x576xbf16>
    %get3A_2951 = arith.constant 0 : index
    %get3A_2952 = arith.constant 0 : index
    %get3A_2953 = vector.load %arg9[%get3A_2951, %get3A_2952] : memref<3x576xf32, #tpu.memory_space<vmem>>, vector<3x576xf32>
    %convert_element_type3A_2954 = arith.truncf %get3A_2953 : vector<3x576xf32> to vector<3x576xbf16>
    %convert_element_type3A_2955 = arith.truncf %concatenate3A_2943 : vector<256x192xf32> to vector<256x192xbf16>
    %convert_element_type3A_2956 = arith.extf %convert_element_type3A_2955 : vector<256x192xbf16> to vector<256x192xf32>
    %sub3A_2957 = arith.subf %concatenate3A_2943, %convert_element_type3A_2956 : vector<256x192xf32>
    %convert_element_type3A_2958 = arith.truncf %sub3A_2957 : vector<256x192xf32> to vector<256x192xbf16>
    %dot_general3A_2959 = arith.constant dense<0.000000e+00> : vector<256x576xf32>
    %dot_general3A_2960 = tpu.matmul %convert_element_type3A_2955, %convert_element_type3A_2950, %dot_general3A_2959 {dimension_numbers = #tpu.dot_dimension_numbers<[1], [0], [0], [1], [0, 0, 1, 1], [], []>, transpose_lhs_hint = false} : vector<256x192xbf16>, vector<192x576xbf16>, vector<256x576xf32> -> vector<256x576xf32>
    %dot_general3A_2961 = arith.constant dense<0.000000e+00> : vector<256x576xf32>
    %dot_general3A_2962 = tpu.matmul %convert_element_type3A_2958, %convert_element_type3A_2950, %dot_general3A_2961 {dimension_numbers = #tpu.dot_dimension_numbers<[1], [0], [0], [1], [0, 0, 1, 1], [], []>, transpose_lhs_hint = false} : vector<256x192xbf16>, vector<192x576xbf16>, vector<256x576xf32> -> vector<256x576xf32>
    %add3A_2963 = arith.addf %dot_general3A_2960, %dot_general3A_2962 : vector<256x576xf32>
    %get3A_2964 = arith.constant 0 : index
    %get3A_2965 = arith.constant 0 : index
    %get3A_2966 = vector.load %arg1[%get3A_2964, %get3A_2965] : memref<512x3xf32, #tpu.memory_space<vmem>>, vector<256x3xf32>
    %convert_element_type3A_2967 = arith.truncf %get3A_2966 : vector<256x3xf32> to vector<256x3xbf16>
    %convert_element_type3A_2968 = arith.extf %convert_element_type3A_2967 : vector<256x3xbf16> to vector<256x3xf32>
    %sub3A_2969 = arith.subf %get3A_2966, %convert_element_type3A_2968 : vector<256x3xf32>
    %convert_element_type3A_2970 = arith.truncf %sub3A_2969 : vector<256x3xf32> to vector<256x3xbf16>
    %dot_general3A_2971 = arith.constant dense<0.000000e+00> : vector<256x576xf32>
    %dot_general3A_2972 = tpu.matmul %convert_element_type3A_2967, %convert_element_type3A_2954, %dot_general3A_2971 {dimension_numbers = #tpu.dot_dimension_numbers<[1], [0], [0], [1], [0, 0, 1, 1], [], []>, transpose_lhs_hint = false} : vector<256x3xbf16>, vector<3x576xbf16>, vector<256x576xf32> -> vector<256x576xf32>
    %dot_general3A_2973 = arith.constant dense<0.000000e+00> : vector<256x576xf32>
    %dot_general3A_2974 = tpu.matmul %convert_element_type3A_2970, %convert_element_type3A_2954, %dot_general3A_2973 {dimension_numbers = #tpu.dot_dimension_numbers<[1], [0], [0], [1], [0, 0, 1, 1], [], []>, transpose_lhs_hint = false} : vector<256x3xbf16>, vector<3x576xbf16>, vector<256x576xf32> -> vector<256x576xf32>
    %add3A_2975 = arith.addf %dot_general3A_2972, %dot_general3A_2974 : vector<256x576xf32>
    %get3A_2976 = arith.constant 0 : index
    %get3A_2977 = arith.constant 0 : index
    %get3A_2978 = vector.load %arg2[%get3A_2976, %get3A_2977] : memref<512x3xf32, #tpu.memory_space<vmem>>, vector<256x3xf32>
    %convert_element_type3A_2979 = arith.truncf %get3A_2978 : vector<256x3xf32> to vector<256x3xbf16>
    %convert_element_type3A_2980 = arith.extf %convert_element_type3A_2979 : vector<256x3xbf16> to vector<256x3xf32>
    %sub3A_2981 = arith.subf %get3A_2978, %convert_element_type3A_2980 : vector<256x3xf32>
    %convert_element_type3A_2982 = arith.truncf %sub3A_2981 : vector<256x3xf32> to vector<256x3xbf16>
    %dot_general3A_2983 = arith.constant dense<0.000000e+00> : vector<256x576xf32>
    %dot_general3A_2984 = tpu.matmul %convert_element_type3A_2979, %convert_element_type3A_2954, %dot_general3A_2983 {dimension_numbers = #tpu.dot_dimension_numbers<[1], [0], [0], [1], [0, 0, 1, 1], [], []>, transpose_lhs_hint = false} : vector<256x3xbf16>, vector<3x576xbf16>, vector<256x576xf32> -> vector<256x576xf32>
    %dot_general3A_2985 = arith.constant dense<0.000000e+00> : vector<256x576xf32>
    %dot_general3A_2986 = tpu.matmul %convert_element_type3A_2982, %convert_element_type3A_2954, %dot_general3A_2985 {dimension_numbers = #tpu.dot_dimension_numbers<[1], [0], [0], [1], [0, 0, 1, 1], [], []>, transpose_lhs_hint = false} : vector<256x3xbf16>, vector<3x576xbf16>, vector<256x576xf32> -> vector<256x576xf32>
    %add3A_2987 = arith.addf %dot_general3A_2984, %dot_general3A_2986 : vector<256x576xf32>
    %mul3A_2988 = arith.mulf %add3A_2987, %add3A_2963 : vector<256x576xf32>
    %add3A_2989 = arith.addf %add3A_2975, %mul3A_2988 : vector<256x576xf32>
    %swap3A_2990 = arith.constant 0 : index
    %swap3A_2991 = arith.constant 0 : index
    %swap3A_2992 = vector.load %arg10[%swap3A_2990, %swap3A_2991] : memref<512x576xf32, #tpu.memory_space<vmem>>, vector<256x576xf32>
    tpu.vector_store %arg10[%swap3A_2990, %swap3A_2991], %add3A_2989 {strides = array<i32>} : memref<512x576xf32, #tpu.memory_space<vmem>>, vector<256x576xf32>,
    %slice3A_2993 = vector.extract_strided_slice %concatenate3A {offsets = [256, 0], sizes = [256, 128], strides = [1, 1]} : vector<512x128xf32> to vector<256x128xf32>
    %slice3A_2994 = vector.extract_strided_slice %transpose3A {offsets = [256, 0], sizes = [256, 128], strides = [1, 1]} : vector<512x128xf32> to vector<256x128xf32>
    %xor3A_2995 = arith.constant 1 : i32
    %xor3A_2996 = vector.broadcast %xor3A_2995 : i32 to vector<1x128xi32>
    %xor3A_2997 = arith.xori %iota3A_802, %xor3A_2996 : vector<1x128xi32>
    %broadcast_in_dim3A_2998 = vector.shape_cast %xor3A_2997 : vector<1x128xi32> to vector<1x128xi32>
    %broadcast_in_dim3A_2999 = vector.broadcast %broadcast_in_dim3A_2998 : vector<1x128xi32> to vector<256x128xi32>
    %and3A_3000 = arith.constant 1 : i32
    %and3A_3001 = vector.broadcast %and3A_3000 : i32 to vector<1x128xi32>
    %and3A_3002 = arith.andi %iota3A_802, %and3A_3001 : vector<1x128xi32>
    %eq3A_3003 = arith.constant 0 : i32
    %eq3A_3004 = vector.broadcast %eq3A_3003 : i32 to vector<1x128xi32>
    %eq3A_3005 = arith.cmpi eq, %and3A_3002, %eq3A_3004 : vector<1x128xi32>
    %and3A_3006 = arith.constant 2 : i32
    %and3A_3007 = vector.broadcast %and3A_3006 : i32 to vector<1x128xi32>
    %and3A_3008 = arith.andi %iota3A_802, %and3A_3007 : vector<1x128xi32>
    %eq3A_3009 = arith.constant 0 : i32
    %eq3A_3010 = vector.broadcast %eq3A_3009 : i32 to vector<1x128xi32>
    %eq3A_3011 = arith.cmpi eq, %and3A_3008, %eq3A_3010 : vector<1x128xi32>
    %eq3A_3012 = arith.xori %eq3A_3005, %eq3A_3011 : vector<1x128xi1>
    %eq3A_3013 = arith.constant dense<true> : vector<1x128xi1>
    %eq3A_3014 = arith.xori %eq3A_3012, %eq3A_3013 : vector<1x128xi1>
    %add3A_3015 = arith.constant 128 : i32
    %add3A_3016 = vector.broadcast %add3A_3015 : i32 to vector<1x128xi32>
    %add3A_3017 = arith.addi %iota3A_802, %add3A_3016 : vector<1x128xi32>
    %and3A_3018 = arith.constant 2 : i32
    %and3A_3019 = vector.broadcast %and3A_3018 : i32 to vector<1x128xi32>
    %and3A_3020 = arith.andi %add3A_3017, %and3A_3019 : vector<1x128xi32>
    %eq3A_3021 = arith.constant 0 : i32
    %eq3A_3022 = vector.broadcast %eq3A_3021 : i32 to vector<1x128xi32>
    %eq3A_3023 = arith.cmpi eq, %and3A_3020, %eq3A_3022 : vector<1x128xi32>
    %eq3A_3024 = arith.xori %eq3A_3005, %eq3A_3023 : vector<1x128xi1>
    %eq3A_3025 = arith.constant dense<true> : vector<1x128xi1>
    %eq3A_3026 = arith.xori %eq3A_3024, %eq3A_3025 : vector<1x128xi1>
    %lt3A_3027 = arith.constant 0 : i32
    %lt3A_3028 = vector.broadcast %lt3A_3027 : i32 to vector<256x128xi32>
    %lt3A_3029 = arith.cmpi slt, %broadcast_in_dim3A_2999, %lt3A_3028 : vector<256x128xi32>
    %add3A_3030 = arith.constant 128 : i32
    %add3A_3031 = vector.broadcast %add3A_3030 : i32 to vector<256x128xi32>
    %add3A_3032 = arith.addi %broadcast_in_dim3A_2999, %add3A_3031 : vector<256x128xi32>
    %select_n3A_3033 = arith.select %lt3A_3029, %add3A_3032, %broadcast_in_dim3A_2999 : vector<256x128xi1>, vector<256x128xi32>
    %reshape3A_3034 = vector.shape_cast %select_n3A_3033 : vector<256x128xi32> to vector<256x128x1xi32>
    %gather3A_3035 = vector.shape_cast %reshape3A_3034 : vector<256x128x1xi32> to vector<256x128xi32>
    %gather3A_3036 = tpu.dynamic_gather %slice3A_2993[%gather3A_3035] in [1] : vector<256x128xf32>, vector<256x128xi32> -> vector<256x128xf32>
    %lt3A_3037 = arith.constant 0 : i32
    %lt3A_3038 = vector.broadcast %lt3A_3037 : i32 to vector<256x128xi32>
    %lt3A_3039 = arith.cmpi slt, %broadcast_in_dim3A_2999, %lt3A_3038 : vector<256x128xi32>
    %add3A_3040 = arith.constant 128 : i32
    %add3A_3041 = vector.broadcast %add3A_3040 : i32 to vector<256x128xi32>
    %add3A_3042 = arith.addi %broadcast_in_dim3A_2999, %add3A_3041 : vector<256x128xi32>
    %select_n3A_3043 = arith.select %lt3A_3039, %add3A_3042, %broadcast_in_dim3A_2999 : vector<256x128xi1>, vector<256x128xi32>
    %reshape3A_3044 = vector.shape_cast %select_n3A_3043 : vector<256x128xi32> to vector<256x128x1xi32>
    %gather3A_3045 = vector.shape_cast %reshape3A_3044 : vector<256x128x1xi32> to vector<256x128xi32>
    %gather3A_3046 = tpu.dynamic_gather %slice3A_2994[%gather3A_3045] in [1] : vector<256x128xf32>, vector<256x128xi32> -> vector<256x128xf32>
    %min3A_3047 = arith.minimumf %slice3A_2993, %gather3A_3036 : vector<256x128xf32>
    %max3A_3048 = arith.maximumf %slice3A_2993, %gather3A_3036 : vector<256x128xf32>
    %broadcast_in_dim3A_3049 = vector.shape_cast %eq3A_3014 : vector<1x128xi1> to vector<1x128xi1>
    %broadcast_in_dim3A_3050 = vector.broadcast %broadcast_in_dim3A_3049 : vector<1x128xi1> to vector<256x128xi1>
    %select_n3A_3051 = arith.select %broadcast_in_dim3A_3050, %min3A_3047, %max3A_3048 : vector<256x128xi1>, vector<256x128xf32>
    %min3A_3052 = arith.minimumf %slice3A_2994, %gather3A_3046 : vector<256x128xf32>
    %max3A_3053 = arith.maximumf %slice3A_2994, %gather3A_3046 : vector<256x128xf32>
    %broadcast_in_dim3A_3054 = vector.shape_cast %eq3A_3026 : vector<1x128xi1> to vector<1x128xi1>
    %broadcast_in_dim3A_3055 = vector.broadcast %broadcast_in_dim3A_3054 : vector<1x128xi1> to vector<256x128xi1>
    %select_n3A_3056 = arith.select %broadcast_in_dim3A_3055, %min3A_3052, %max3A_3053 : vector<256x128xi1>, vector<256x128xf32>
    %xor3A_3057 = arith.constant 2 : i32
    %xor3A_3058 = vector.broadcast %xor3A_3057 : i32 to vector<1x128xi32>
    %xor3A_3059 = arith.xori %iota3A_802, %xor3A_3058 : vector<1x128xi32>
    %broadcast_in_dim3A_3060 = vector.shape_cast %xor3A_3059 : vector<1x128xi32> to vector<1x128xi32>
    %broadcast_in_dim3A_3061 = vector.broadcast %broadcast_in_dim3A_3060 : vector<1x128xi32> to vector<256x128xi32>
    %and3A_3062 = arith.constant 2 : i32
    %and3A_3063 = vector.broadcast %and3A_3062 : i32 to vector<1x128xi32>
    %and3A_3064 = arith.andi %iota3A_802, %and3A_3063 : vector<1x128xi32>
    %eq3A_3065 = arith.constant 0 : i32
    %eq3A_3066 = vector.broadcast %eq3A_3065 : i32 to vector<1x128xi32>
    %eq3A_3067 = arith.cmpi eq, %and3A_3064, %eq3A_3066 : vector<1x128xi32>
    %and3A_3068 = arith.constant 4 : i32
    %and3A_3069 = vector.broadcast %and3A_3068 : i32 to vector<1x128xi32>
    %and3A_3070 = arith.andi %iota3A_802, %and3A_3069 : vector<1x128xi32>
    %eq3A_3071 = arith.constant 0 : i32
    %eq3A_3072 = vector.broadcast %eq3A_3071 : i32 to vector<1x128xi32>
    %eq3A_3073 = arith.cmpi eq, %and3A_3070, %eq3A_3072 : vector<1x128xi32>
    %eq3A_3074 = arith.xori %eq3A_3067, %eq3A_3073 : vector<1x128xi1>
    %eq3A_3075 = arith.constant dense<true> : vector<1x128xi1>
    %eq3A_3076 = arith.xori %eq3A_3074, %eq3A_3075 : vector<1x128xi1>
    %add3A_3077 = arith.constant 128 : i32
    %add3A_3078 = vector.broadcast %add3A_3077 : i32 to vector<1x128xi32>
    %add3A_3079 = arith.addi %iota3A_802, %add3A_3078 : vector<1x128xi32>
    %and3A_3080 = arith.constant 4 : i32
    %and3A_3081 = vector.broadcast %and3A_3080 : i32 to vector<1x128xi32>
    %and3A_3082 = arith.andi %add3A_3079, %and3A_3081 : vector<1x128xi32>
    %eq3A_3083 = arith.constant 0 : i32
    %eq3A_3084 = vector.broadcast %eq3A_3083 : i32 to vector<1x128xi32>
    %eq3A_3085 = arith.cmpi eq, %and3A_3082, %eq3A_3084 : vector<1x128xi32>
    %eq3A_3086 = arith.xori %eq3A_3067, %eq3A_3085 : vector<1x128xi1>
    %eq3A_3087 = arith.constant dense<true> : vector<1x128xi1>
    %eq3A_3088 = arith.xori %eq3A_3086, %eq3A_3087 : vector<1x128xi1>
    %lt3A_3089 = arith.constant 0 : i32
    %lt3A_3090 = vector.broadcast %lt3A_3089 : i32 to vector<256x128xi32>
    %lt3A_3091 = arith.cmpi slt, %broadcast_in_dim3A_3061, %lt3A_3090 : vector<256x128xi32>
    %add3A_3092 = arith.constant 128 : i32
    %add3A_3093 = vector.broadcast %add3A_3092 : i32 to vector<256x128xi32>
    %add3A_3094 = arith.addi %broadcast_in_dim3A_3061, %add3A_3093 : vector<256x128xi32>
    %select_n3A_3095 = arith.select %lt3A_3091, %add3A_3094, %broadcast_in_dim3A_3061 : vector<256x128xi1>, vector<256x128xi32>
    %reshape3A_3096 = vector.shape_cast %select_n3A_3095 : vector<256x128xi32> to vector<256x128x1xi32>
    %gather3A_3097 = vector.shape_cast %reshape3A_3096 : vector<256x128x1xi32> to vector<256x128xi32>
    %gather3A_3098 = tpu.dynamic_gather %select_n3A_3051[%gather3A_3097] in [1] : vector<256x128xf32>, vector<256x128xi32> -> vector<256x128xf32>
    %lt3A_3099 = arith.constant 0 : i32
    %lt3A_3100 = vector.broadcast %lt3A_3099 : i32 to vector<256x128xi32>
    %lt3A_3101 = arith.cmpi slt, %broadcast_in_dim3A_3061, %lt3A_3100 : vector<256x128xi32>
    %add3A_3102 = arith.constant 128 : i32
    %add3A_3103 = vector.broadcast %add3A_3102 : i32 to vector<256x128xi32>
    %add3A_3104 = arith.addi %broadcast_in_dim3A_3061, %add3A_3103 : vector<256x128xi32>
    %select_n3A_3105 = arith.select %lt3A_3101, %add3A_3104, %broadcast_in_dim3A_3061 : vector<256x128xi1>, vector<256x128xi32>
    %reshape3A_3106 = vector.shape_cast %select_n3A_3105 : vector<256x128xi32> to vector<256x128x1xi32>
    %gather3A_3107 = vector.shape_cast %reshape3A_3106 : vector<256x128x1xi32> to vector<256x128xi32>
    %gather3A_3108 = tpu.dynamic_gather %select_n3A_3056[%gather3A_3107] in [1] : vector<256x128xf32>, vector<256x128xi32> -> vector<256x128xf32>
    %min3A_3109 = arith.minimumf %select_n3A_3051, %gather3A_3098 : vector<256x128xf32>
    %max3A_3110 = arith.maximumf %select_n3A_3051, %gather3A_3098 : vector<256x128xf32>
    %broadcast_in_dim3A_3111 = vector.shape_cast %eq3A_3076 : vector<1x128xi1> to vector<1x128xi1>
    %broadcast_in_dim3A_3112 = vector.broadcast %broadcast_in_dim3A_3111 : vector<1x128xi1> to vector<256x128xi1>
    %select_n3A_3113 = arith.select %broadcast_in_dim3A_3112, %min3A_3109, %max3A_3110 : vector<256x128xi1>, vector<256x128xf32>
    %min3A_3114 = arith.minimumf %select_n3A_3056, %gather3A_3108 : vector<256x128xf32>
    %max3A_3115 = arith.maximumf %select_n3A_3056, %gather3A_3108 : vector<256x128xf32>
    %broadcast_in_dim3A_3116 = vector.shape_cast %eq3A_3088 : vector<1x128xi1> to vector<1x128xi1>
    %broadcast_in_dim3A_3117 = vector.broadcast %broadcast_in_dim3A_3116 : vector<1x128xi1> to vector<256x128xi1>
    %select_n3A_3118 = arith.select %broadcast_in_dim3A_3117, %min3A_3114, %max3A_3115 : vector<256x128xi1>, vector<256x128xf32>
    %xor3A_3119 = arith.constant 1 : i32
    %xor3A_3120 = vector.broadcast %xor3A_3119 : i32 to vector<1x128xi32>
    %xor3A_3121 = arith.xori %iota3A_802, %xor3A_3120 : vector<1x128xi32>
    %broadcast_in_dim3A_3122 = vector.shape_cast %xor3A_3121 : vector<1x128xi32> to vector<1x128xi32>
    %broadcast_in_dim3A_3123 = vector.broadcast %broadcast_in_dim3A_3122 : vector<1x128xi32> to vector<256x128xi32>
    %and3A_3124 = arith.constant 1 : i32
    %and3A_3125 = vector.broadcast %and3A_3124 : i32 to vector<1x128xi32>
    %and3A_3126 = arith.andi %iota3A_802, %and3A_3125 : vector<1x128xi32>
    %eq3A_3127 = arith.constant 0 : i32
    %eq3A_3128 = vector.broadcast %eq3A_3127 : i32 to vector<1x128xi32>
    %eq3A_3129 = arith.cmpi eq, %and3A_3126, %eq3A_3128 : vector<1x128xi32>
    %and3A_3130 = arith.constant 4 : i32
    %and3A_3131 = vector.broadcast %and3A_3130 : i32 to vector<1x128xi32>
    %and3A_3132 = arith.andi %iota3A_802, %and3A_3131 : vector<1x128xi32>
    %eq3A_3133 = arith.constant 0 : i32
    %eq3A_3134 = vector.broadcast %eq3A_3133 : i32 to vector<1x128xi32>
    %eq3A_3135 = arith.cmpi eq, %and3A_3132, %eq3A_3134 : vector<1x128xi32>
    %eq3A_3136 = arith.xori %eq3A_3129, %eq3A_3135 : vector<1x128xi1>
    %eq3A_3137 = arith.constant dense<true> : vector<1x128xi1>
    %eq3A_3138 = arith.xori %eq3A_3136, %eq3A_3137 : vector<1x128xi1>
    %add3A_3139 = arith.constant 128 : i32
    %add3A_3140 = vector.broadcast %add3A_3139 : i32 to vector<1x128xi32>
    %add3A_3141 = arith.addi %iota3A_802, %add3A_3140 : vector<1x128xi32>
    %and3A_3142 = arith.constant 4 : i32
    %and3A_3143 = vector.broadcast %and3A_3142 : i32 to vector<1x128xi32>
    %and3A_3144 = arith.andi %add3A_3141, %and3A_3143 : vector<1x128xi32>
    %eq3A_3145 = arith.constant 0 : i32
    %eq3A_3146 = vector.broadcast %eq3A_3145 : i32 to vector<1x128xi32>
    %eq3A_3147 = arith.cmpi eq, %and3A_3144, %eq3A_3146 : vector<1x128xi32>
    %eq3A_3148 = arith.xori %eq3A_3129, %eq3A_3147 : vector<1x128xi1>
    %eq3A_3149 = arith.constant dense<true> : vector<1x128xi1>
    %eq3A_3150 = arith.xori %eq3A_3148, %eq3A_3149 : vector<1x128xi1>
    %lt3A_3151 = arith.constant 0 : i32
    %lt3A_3152 = vector.broadcast %lt3A_3151 : i32 to vector<256x128xi32>
    %lt3A_3153 = arith.cmpi slt, %broadcast_in_dim3A_3123, %lt3A_3152 : vector<256x128xi32>
    %add3A_3154 = arith.constant 128 : i32
    %add3A_3155 = vector.broadcast %add3A_3154 : i32 to vector<256x128xi32>
    %add3A_3156 = arith.addi %broadcast_in_dim3A_3123, %add3A_3155 : vector<256x128xi32>
    %select_n3A_3157 = arith.select %lt3A_3153, %add3A_3156, %broadcast_in_dim3A_3123 : vector<256x128xi1>, vector<256x128xi32>
    %reshape3A_3158 = vector.shape_cast %select_n3A_3157 : vector<256x128xi32> to vector<256x128x1xi32>
    %gather3A_3159 = vector.shape_cast %reshape3A_3158 : vector<256x128x1xi32> to vector<256x128xi32>
    %gather3A_3160 = tpu.dynamic_gather %select_n3A_3113[%gather3A_3159] in [1] : vector<256x128xf32>, vector<256x128xi32> -> vector<256x128xf32>
    %lt3A_3161 = arith.constant 0 : i32
    %lt3A_3162 = vector.broadcast %lt3A_3161 : i32 to vector<256x128xi32>
    %lt3A_3163 = arith.cmpi slt, %broadcast_in_dim3A_3123, %lt3A_3162 : vector<256x128xi32>
    %add3A_3164 = arith.constant 128 : i32
    %add3A_3165 = vector.broadcast %add3A_3164 : i32 to vector<256x128xi32>
    %add3A_3166 = arith.addi %broadcast_in_dim3A_3123, %add3A_3165 : vector<256x128xi32>
    %select_n3A_3167 = arith.select %lt3A_3163, %add3A_3166, %broadcast_in_dim3A_3123 : vector<256x128xi1>, vector<256x128xi32>
    %reshape3A_3168 = vector.shape_cast %select_n3A_3167 : vector<256x128xi32> to vector<256x128x1xi32>
    %gather3A_3169 = vector.shape_cast %reshape3A_3168 : vector<256x128x1xi32> to vector<256x128xi32>
    %gather3A_3170 = tpu.dynamic_gather %select_n3A_3118[%gather3A_3169] in [1] : vector<256x128xf32>, vector<256x128xi32> -> vector<256x128xf32>
    %min3A_3171 = arith.minimumf %select_n3A_3113, %gather3A_3160 : vector<256x128xf32>
    %max3A_3172 = arith.maximumf %select_n3A_3113, %gather3A_3160 : vector<256x128xf32>
    %broadcast_in_dim3A_3173 = vector.shape_cast %eq3A_3138 : vector<1x128xi1> to vector<1x128xi1>
    %broadcast_in_dim3A_3174 = vector.broadcast %broadcast_in_dim3A_3173 : vector<1x128xi1> to vector<256x128xi1>
    %select_n3A_3175 = arith.select %broadcast_in_dim3A_3174, %min3A_3171, %max3A_3172 : vector<256x128xi1>, vector<256x128xf32>
    %min3A_3176 = arith.minimumf %select_n3A_3118, %gather3A_3170 : vector<256x128xf32>
    %max3A_3177 = arith.maximumf %select_n3A_3118, %gather3A_3170 : vector<256x128xf32>
    %broadcast_in_dim3A_3178 = vector.shape_cast %eq3A_3150 : vector<1x128xi1> to vector<1x128xi1>
    %broadcast_in_dim3A_3179 = vector.broadcast %broadcast_in_dim3A_3178 : vector<1x128xi1> to vector<256x128xi1>
    %select_n3A_3180 = arith.select %broadcast_in_dim3A_3179, %min3A_3176, %max3A_3177 : vector<256x128xi1>, vector<256x128xf32>
    %xor3A_3181 = arith.constant 4 : i32
    %xor3A_3182 = vector.broadcast %xor3A_3181 : i32 to vector<1x128xi32>
    %xor3A_3183 = arith.xori %iota3A_802, %xor3A_3182 : vector<1x128xi32>
    %broadcast_in_dim3A_3184 = vector.shape_cast %xor3A_3183 : vector<1x128xi32> to vector<1x128xi32>
    %broadcast_in_dim3A_3185 = vector.broadcast %broadcast_in_dim3A_3184 : vector<1x128xi32> to vector<256x128xi32>
    %and3A_3186 = arith.constant 4 : i32
    %and3A_3187 = vector.broadcast %and3A_3186 : i32 to vector<1x128xi32>
    %and3A_3188 = arith.andi %iota3A_802, %and3A_3187 : vector<1x128xi32>
    %eq3A_3189 = arith.constant 0 : i32
    %eq3A_3190 = vector.broadcast %eq3A_3189 : i32 to vector<1x128xi32>
    %eq3A_3191 = arith.cmpi eq, %and3A_3188, %eq3A_3190 : vector<1x128xi32>
    %and3A_3192 = arith.constant 8 : i32
    %and3A_3193 = vector.broadcast %and3A_3192 : i32 to vector<1x128xi32>
    %and3A_3194 = arith.andi %iota3A_802, %and3A_3193 : vector<1x128xi32>
    %eq3A_3195 = arith.constant 0 : i32
    %eq3A_3196 = vector.broadcast %eq3A_3195 : i32 to vector<1x128xi32>
    %eq3A_3197 = arith.cmpi eq, %and3A_3194, %eq3A_3196 : vector<1x128xi32>
    %eq3A_3198 = arith.xori %eq3A_3191, %eq3A_3197 : vector<1x128xi1>
    %eq3A_3199 = arith.constant dense<true> : vector<1x128xi1>
    %eq3A_3200 = arith.xori %eq3A_3198, %eq3A_3199 : vector<1x128xi1>
    %add3A_3201 = arith.constant 128 : i32
    %add3A_3202 = vector.broadcast %add3A_3201 : i32 to vector<1x128xi32>
    %add3A_3203 = arith.addi %iota3A_802, %add3A_3202 : vector<1x128xi32>
    %and3A_3204 = arith.constant 8 : i32
    %and3A_3205 = vector.broadcast %and3A_3204 : i32 to vector<1x128xi32>
    %and3A_3206 = arith.andi %add3A_3203, %and3A_3205 : vector<1x128xi32>
    %eq3A_3207 = arith.constant 0 : i32
    %eq3A_3208 = vector.broadcast %eq3A_3207 : i32 to vector<1x128xi32>
    %eq3A_3209 = arith.cmpi eq, %and3A_3206, %eq3A_3208 : vector<1x128xi32>
    %eq3A_3210 = arith.xori %eq3A_3191, %eq3A_3209 : vector<1x128xi1>
    %eq3A_3211 = arith.constant dense<true> : vector<1x128xi1>
    %eq3A_3212 = arith.xori %eq3A_3210, %eq3A_3211 : vector<1x128xi1>
    %lt3A_3213 = arith.constant 0 : i32
    %lt3A_3214 = vector.broadcast %lt3A_3213 : i32 to vector<256x128xi32>
    %lt3A_3215 = arith.cmpi slt, %broadcast_in_dim3A_3185, %lt3A_3214 : vector<256x128xi32>
    %add3A_3216 = arith.constant 128 : i32
    %add3A_3217 = vector.broadcast %add3A_3216 : i32 to vector<256x128xi32>
    %add3A_3218 = arith.addi %broadcast_in_dim3A_3185, %add3A_3217 : vector<256x128xi32>
    %select_n3A_3219 = arith.select %lt3A_3215, %add3A_3218, %broadcast_in_dim3A_3185 : vector<256x128xi1>, vector<256x128xi32>
    %reshape3A_3220 = vector.shape_cast %select_n3A_3219 : vector<256x128xi32> to vector<256x128x1xi32>
    %gather3A_3221 = vector.shape_cast %reshape3A_3220 : vector<256x128x1xi32> to vector<256x128xi32>
    %gather3A_3222 = tpu.dynamic_gather %select_n3A_3175[%gather3A_3221] in [1] : vector<256x128xf32>, vector<256x128xi32> -> vector<256x128xf32>
    %lt3A_3223 = arith.constant 0 : i32
    %lt3A_3224 = vector.broadcast %lt3A_3223 : i32 to vector<256x128xi32>
    %lt3A_3225 = arith.cmpi slt, %broadcast_in_dim3A_3185, %lt3A_3224 : vector<256x128xi32>
    %add3A_3226 = arith.constant 128 : i32
    %add3A_3227 = vector.broadcast %add3A_3226 : i32 to vector<256x128xi32>
    %add3A_3228 = arith.addi %broadcast_in_dim3A_3185, %add3A_3227 : vector<256x128xi32>
    %select_n3A_3229 = arith.select %lt3A_3225, %add3A_3228, %broadcast_in_dim3A_3185 : vector<256x128xi1>, vector<256x128xi32>
    %reshape3A_3230 = vector.shape_cast %select_n3A_3229 : vector<256x128xi32> to vector<256x128x1xi32>
    %gather3A_3231 = vector.shape_cast %reshape3A_3230 : vector<256x128x1xi32> to vector<256x128xi32>
    %gather3A_3232 = tpu.dynamic_gather %select_n3A_3180[%gather3A_3231] in [1] : vector<256x128xf32>, vector<256x128xi32> -> vector<256x128xf32>
    %min3A_3233 = arith.minimumf %select_n3A_3175, %gather3A_3222 : vector<256x128xf32>
    %max3A_3234 = arith.maximumf %select_n3A_3175, %gather3A_3222 : vector<256x128xf32>
    %broadcast_in_dim3A_3235 = vector.shape_cast %eq3A_3200 : vector<1x128xi1> to vector<1x128xi1>
    %broadcast_in_dim3A_3236 = vector.broadcast %broadcast_in_dim3A_3235 : vector<1x128xi1> to vector<256x128xi1>
    %select_n3A_3237 = arith.select %broadcast_in_dim3A_3236, %min3A_3233, %max3A_3234 : vector<256x128xi1>, vector<256x128xf32>
    %min3A_3238 = arith.minimumf %select_n3A_3180, %gather3A_3232 : vector<256x128xf32>
    %max3A_3239 = arith.maximumf %select_n3A_3180, %gather3A_3232 : vector<256x128xf32>
    %broadcast_in_dim3A_3240 = vector.shape_cast %eq3A_3212 : vector<1x128xi1> to vector<1x128xi1>
    %broadcast_in_dim3A_3241 = vector.broadcast %broadcast_in_dim3A_3240 : vector<1x128xi1> to vector<256x128xi1>
    %select_n3A_3242 = arith.select %broadcast_in_dim3A_3241, %min3A_3238, %max3A_3239 : vector<256x128xi1>, vector<256x128xf32>
    %xor3A_3243 = arith.constant 2 : i32
    %xor3A_3244 = vector.broadcast %xor3A_3243 : i32 to vector<1x128xi32>
    %xor3A_3245 = arith.xori %iota3A_802, %xor3A_3244 : vector<1x128xi32>
    %broadcast_in_dim3A_3246 = vector.shape_cast %xor3A_3245 : vector<1x128xi32> to vector<1x128xi32>
    %broadcast_in_dim3A_3247 = vector.broadcast %broadcast_in_dim3A_3246 : vector<1x128xi32> to vector<256x128xi32>
    %and3A_3248 = arith.constant 2 : i32
    %and3A_3249 = vector.broadcast %and3A_3248 : i32 to vector<1x128xi32>
    %and3A_3250 = arith.andi %iota3A_802, %and3A_3249 : vector<1x128xi32>
    %eq3A_3251 = arith.constant 0 : i32
    %eq3A_3252 = vector.broadcast %eq3A_3251 : i32 to vector<1x128xi32>
    %eq3A_3253 = arith.cmpi eq, %and3A_3250, %eq3A_3252 : vector<1x128xi32>
    %and3A_3254 = arith.constant 8 : i32
    %and3A_3255 = vector.broadcast %and3A_3254 : i32 to vector<1x128xi32>
    %and3A_3256 = arith.andi %iota3A_802, %and3A_3255 : vector<1x128xi32>
    %eq3A_3257 = arith.constant 0 : i32
    %eq3A_3258 = vector.broadcast %eq3A_3257 : i32 to vector<1x128xi32>
    %eq3A_3259 = arith.cmpi eq, %and3A_3256, %eq3A_3258 : vector<1x128xi32>
    %eq3A_3260 = arith.xori %eq3A_3253, %eq3A_3259 : vector<1x128xi1>
    %eq3A_3261 = arith.constant dense<true> : vector<1x128xi1>
    %eq3A_3262 = arith.xori %eq3A_3260, %eq3A_3261 : vector<1x128xi1>
    %add3A_3263 = arith.constant 128 : i32
    %add3A_3264 = vector.broadcast %add3A_3263 : i32 to vector<1x128xi32>
    %add3A_3265 = arith.addi %iota3A_802, %add3A_3264 : vector<1x128xi32>
    %and3A_3266 = arith.constant 8 : i32
    %and3A_3267 = vector.broadcast %and3A_3266 : i32 to vector<1x128xi32>
    %and3A_3268 = arith.andi %add3A_3265, %and3A_3267 : vector<1x128xi32>
    %eq3A_3269 = arith.constant 0 : i32
    %eq3A_3270 = vector.broadcast %eq3A_3269 : i32 to vector<1x128xi32>
    %eq3A_3271 = arith.cmpi eq, %and3A_3268, %eq3A_3270 : vector<1x128xi32>
    %eq3A_3272 = arith.xori %eq3A_3253, %eq3A_3271 : vector<1x128xi1>
    %eq3A_3273 = arith.constant dense<true> : vector<1x128xi1>
    %eq3A_3274 = arith.xori %eq3A_3272, %eq3A_3273 : vector<1x128xi1>
    %lt3A_3275 = arith.constant 0 : i32
    %lt3A_3276 = vector.broadcast %lt3A_3275 : i32 to vector<256x128xi32>
    %lt3A_3277 = arith.cmpi slt, %broadcast_in_dim3A_3247, %lt3A_3276 : vector<256x128xi32>
    %add3A_3278 = arith.constant 128 : i32
    %add3A_3279 = vector.broadcast %add3A_3278 : i32 to vector<256x128xi32>
    %add3A_3280 = arith.addi %broadcast_in_dim3A_3247, %add3A_3279 : vector<256x128xi32>
    %select_n3A_3281 = arith.select %lt3A_3277, %add3A_3280, %broadcast_in_dim3A_3247 : vector<256x128xi1>, vector<256x128xi32>
    %reshape3A_3282 = vector.shape_cast %select_n3A_3281 : vector<256x128xi32> to vector<256x128x1xi32>
    %gather3A_3283 = vector.shape_cast %reshape3A_3282 : vector<256x128x1xi32> to vector<256x128xi32>
    %gather3A_3284 = tpu.dynamic_gather %select_n3A_3237[%gather3A_3283] in [1] : vector<256x128xf32>, vector<256x128xi32> -> vector<256x128xf32>
    %lt3A_3285 = arith.constant 0 : i32
    %lt3A_3286 = vector.broadcast %lt3A_3285 : i32 to vector<256x128xi32>
    %lt3A_3287 = arith.cmpi slt, %broadcast_in_dim3A_3247, %lt3A_3286 : vector<256x128xi32>
    %add3A_3288 = arith.constant 128 : i32
    %add3A_3289 = vector.broadcast %add3A_3288 : i32 to vector<256x128xi32>
    %add3A_3290 = arith.addi %broadcast_in_dim3A_3247, %add3A_3289 : vector<256x128xi32>
    %select_n3A_3291 = arith.select %lt3A_3287, %add3A_3290, %broadcast_in_dim3A_3247 : vector<256x128xi1>, vector<256x128xi32>
    %reshape3A_3292 = vector.shape_cast %select_n3A_3291 : vector<256x128xi32> to vector<256x128x1xi32>
    %gather3A_3293 = vector.shape_cast %reshape3A_3292 : vector<256x128x1xi32> to vector<256x128xi32>
    %gather3A_3294 = tpu.dynamic_gather %select_n3A_3242[%gather3A_3293] in [1] : vector<256x128xf32>, vector<256x128xi32> -> vector<256x128xf32>
    %min3A_3295 = arith.minimumf %select_n3A_3237, %gather3A_3284 : vector<256x128xf32>
    %max3A_3296 = arith.maximumf %select_n3A_3237, %gather3A_3284 : vector<256x128xf32>
    %broadcast_in_dim3A_3297 = vector.shape_cast %eq3A_3262 : vector<1x128xi1> to vector<1x128xi1>
    %broadcast_in_dim3A_3298 = vector.broadcast %broadcast_in_dim3A_3297 : vector<1x128xi1> to vector<256x128xi1>
    %select_n3A_3299 = arith.select %broadcast_in_dim3A_3298, %min3A_3295, %max3A_3296 : vector<256x128xi1>, vector<256x128xf32>
    %min3A_3300 = arith.minimumf %select_n3A_3242, %gather3A_3294 : vector<256x128xf32>
    %max3A_3301 = arith.maximumf %select_n3A_3242, %gather3A_3294 : vector<256x128xf32>
    %broadcast_in_dim3A_3302 = vector.shape_cast %eq3A_3274 : vector<1x128xi1> to vector<1x128xi1>
    %broadcast_in_dim3A_3303 = vector.broadcast %broadcast_in_dim3A_3302 : vector<1x128xi1> to vector<256x128xi1>
    %select_n3A_3304 = arith.select %broadcast_in_dim3A_3303, %min3A_3300, %max3A_3301 : vector<256x128xi1>, vector<256x128xf32>
    %xor3A_3305 = arith.constant 1 : i32
    %xor3A_3306 = vector.broadcast %xor3A_3305 : i32 to vector<1x128xi32>
    %xor3A_3307 = arith.xori %iota3A_802, %xor3A_3306 : vector<1x128xi32>
    %broadcast_in_dim3A_3308 = vector.shape_cast %xor3A_3307 : vector<1x128xi32> to vector<1x128xi32>
    %broadcast_in_dim3A_3309 = vector.broadcast %broadcast_in_dim3A_3308 : vector<1x128xi32> to vector<256x128xi32>
    %and3A_3310 = arith.constant 1 : i32
    %and3A_3311 = vector.broadcast %and3A_3310 : i32 to vector<1x128xi32>
    %and3A_3312 = arith.andi %iota3A_802, %and3A_3311 : vector<1x128xi32>
    %eq3A_3313 = arith.constant 0 : i32
    %eq3A_3314 = vector.broadcast %eq3A_3313 : i32 to vector<1x128xi32>
    %eq3A_3315 = arith.cmpi eq, %and3A_3312, %eq3A_3314 : vector<1x128xi32>
    %and3A_3316 = arith.constant 8 : i32
    %and3A_3317 = vector.broadcast %and3A_3316 : i32 to vector<1x128xi32>
    %and3A_3318 = arith.andi %iota3A_802, %and3A_3317 : vector<1x128xi32>
    %eq3A_3319 = arith.constant 0 : i32
    %eq3A_3320 = vector.broadcast %eq3A_3319 : i32 to vector<1x128xi32>
    %eq3A_3321 = arith.cmpi eq, %and3A_3318, %eq3A_3320 : vector<1x128xi32>
    %eq3A_3322 = arith.xori %eq3A_3315, %eq3A_3321 : vector<1x128xi1>
    %eq3A_3323 = arith.constant dense<true> : vector<1x128xi1>
    %eq3A_3324 = arith.xori %eq3A_3322, %eq3A_3323 : vector<1x128xi1>
    %add3A_3325 = arith.constant 128 : i32
    %add3A_3326 = vector.broadcast %add3A_3325 : i32 to vector<1x128xi32>
    %add3A_3327 = arith.addi %iota3A_802, %add3A_3326 : vector<1x128xi32>
    %and3A_3328 = arith.constant 8 : i32
    %and3A_3329 = vector.broadcast %and3A_3328 : i32 to vector<1x128xi32>
    %and3A_3330 = arith.andi %add3A_3327, %and3A_3329 : vector<1x128xi32>
    %eq3A_3331 = arith.constant 0 : i32
    %eq3A_3332 = vector.broadcast %eq3A_3331 : i32 to vector<1x128xi32>
    %eq3A_3333 = arith.cmpi eq, %and3A_3330, %eq3A_3332 : vector<1x128xi32>
    %eq3A_3334 = arith.xori %eq3A_3315, %eq3A_3333 : vector<1x128xi1>
    %eq3A_3335 = arith.constant dense<true> : vector<1x128xi1>
    %eq3A_3336 = arith.xori %eq3A_3334, %eq3A_3335 : vector<1x128xi1>
    %lt3A_3337 = arith.constant 0 : i32
    %lt3A_3338 = vector.broadcast %lt3A_3337 : i32 to vector<256x128xi32>
    %lt3A_3339 = arith.cmpi slt, %broadcast_in_dim3A_3309, %lt3A_3338 : vector<256x128xi32>
    %add3A_3340 = arith.constant 128 : i32
    %add3A_3341 = vector.broadcast %add3A_3340 : i32 to vector<256x128xi32>
    %add3A_3342 = arith.addi %broadcast_in_dim3A_3309, %add3A_3341 : vector<256x128xi32>
    %select_n3A_3343 = arith.select %lt3A_3339, %add3A_3342, %broadcast_in_dim3A_3309 : vector<256x128xi1>, vector<256x128xi32>
    %reshape3A_3344 = vector.shape_cast %select_n3A_3343 : vector<256x128xi32> to vector<256x128x1xi32>
    %gather3A_3345 = vector.shape_cast %reshape3A_3344 : vector<256x128x1xi32> to vector<256x128xi32>
    %gather3A_3346 = tpu.dynamic_gather %select_n3A_3299[%gather3A_3345] in [1] : vector<256x128xf32>, vector<256x128xi32> -> vector<256x128xf32>
    %lt3A_3347 = arith.constant 0 : i32
    %lt3A_3348 = vector.broadcast %lt3A_3347 : i32 to vector<256x128xi32>
    %lt3A_3349 = arith.cmpi slt, %broadcast_in_dim3A_3309, %lt3A_3348 : vector<256x128xi32>
    %add3A_3350 = arith.constant 128 : i32
    %add3A_3351 = vector.broadcast %add3A_3350 : i32 to vector<256x128xi32>
    %add3A_3352 = arith.addi %broadcast_in_dim3A_3309, %add3A_3351 : vector<256x128xi32>
    %select_n3A_3353 = arith.select %lt3A_3349, %add3A_3352, %broadcast_in_dim3A_3309 : vector<256x128xi1>, vector<256x128xi32>
    %reshape3A_3354 = vector.shape_cast %select_n3A_3353 : vector<256x128xi32> to vector<256x128x1xi32>
    %gather3A_3355 = vector.shape_cast %reshape3A_3354 : vector<256x128x1xi32> to vector<256x128xi32>
    %gather3A_3356 = tpu.dynamic_gather %select_n3A_3304[%gather3A_3355] in [1] : vector<256x128xf32>, vector<256x128xi32> -> vector<256x128xf32>
    %min3A_3357 = arith.minimumf %select_n3A_3299, %gather3A_3346 : vector<256x128xf32>
    %max3A_3358 = arith.maximumf %select_n3A_3299, %gather3A_3346 : vector<256x128xf32>
    %broadcast_in_dim3A_3359 = vector.shape_cast %eq3A_3324 : vector<1x128xi1> to vector<1x128xi1>
    %broadcast_in_dim3A_3360 = vector.broadcast %broadcast_in_dim3A_3359 : vector<1x128xi1> to vector<256x128xi1>
    %select_n3A_3361 = arith.select %broadcast_in_dim3A_3360, %min3A_3357, %max3A_3358 : vector<256x128xi1>, vector<256x128xf32>
    %min3A_3362 = arith.minimumf %select_n3A_3304, %gather3A_3356 : vector<256x128xf32>
    %max3A_3363 = arith.maximumf %select_n3A_3304, %gather3A_3356 : vector<256x128xf32>
    %broadcast_in_dim3A_3364 = vector.shape_cast %eq3A_3336 : vector<1x128xi1> to vector<1x128xi1>
    %broadcast_in_dim3A_3365 = vector.broadcast %broadcast_in_dim3A_3364 : vector<1x128xi1> to vector<256x128xi1>
    %select_n3A_3366 = arith.select %broadcast_in_dim3A_3365, %min3A_3362, %max3A_3363 : vector<256x128xi1>, vector<256x128xf32>
    %xor3A_3367 = arith.constant 8 : i32
    %xor3A_3368 = vector.broadcast %xor3A_3367 : i32 to vector<1x128xi32>
    %xor3A_3369 = arith.xori %iota3A_802, %xor3A_3368 : vector<1x128xi32>
    %broadcast_in_dim3A_3370 = vector.shape_cast %xor3A_3369 : vector<1x128xi32> to vector<1x128xi32>
    %broadcast_in_dim3A_3371 = vector.broadcast %broadcast_in_dim3A_3370 : vector<1x128xi32> to vector<256x128xi32>
    %and3A_3372 = arith.constant 8 : i32
    %and3A_3373 = vector.broadcast %and3A_3372 : i32 to vector<1x128xi32>
    %and3A_3374 = arith.andi %iota3A_802, %and3A_3373 : vector<1x128xi32>
    %eq3A_3375 = arith.constant 0 : i32
    %eq3A_3376 = vector.broadcast %eq3A_3375 : i32 to vector<1x128xi32>
    %eq3A_3377 = arith.cmpi eq, %and3A_3374, %eq3A_3376 : vector<1x128xi32>
    %and3A_3378 = arith.constant 16 : i32
    %and3A_3379 = vector.broadcast %and3A_3378 : i32 to vector<1x128xi32>
    %and3A_3380 = arith.andi %iota3A_802, %and3A_3379 : vector<1x128xi32>
    %eq3A_3381 = arith.constant 0 : i32
    %eq3A_3382 = vector.broadcast %eq3A_3381 : i32 to vector<1x128xi32>
    %eq3A_3383 = arith.cmpi eq, %and3A_3380, %eq3A_3382 : vector<1x128xi32>
    %eq3A_3384 = arith.xori %eq3A_3377, %eq3A_3383 : vector<1x128xi1>
    %eq3A_3385 = arith.constant dense<true> : vector<1x128xi1>
    %eq3A_3386 = arith.xori %eq3A_3384, %eq3A_3385 : vector<1x128xi1>
    %add3A_3387 = arith.constant 128 : i32
    %add3A_3388 = vector.broadcast %add3A_3387 : i32 to vector<1x128xi32>
    %add3A_3389 = arith.addi %iota3A_802, %add3A_3388 : vector<1x128xi32>
    %and3A_3390 = arith.constant 16 : i32
    %and3A_3391 = vector.broadcast %and3A_3390 : i32 to vector<1x128xi32>
    %and3A_3392 = arith.andi %add3A_3389, %and3A_3391 : vector<1x128xi32>
    %eq3A_3393 = arith.constant 0 : i32
    %eq3A_3394 = vector.broadcast %eq3A_3393 : i32 to vector<1x128xi32>
    %eq3A_3395 = arith.cmpi eq, %and3A_3392, %eq3A_3394 : vector<1x128xi32>
    %eq3A_3396 = arith.xori %eq3A_3377, %eq3A_3395 : vector<1x128xi1>
    %eq3A_3397 = arith.constant dense<true> : vector<1x128xi1>
    %eq3A_3398 = arith.xori %eq3A_3396, %eq3A_3397 : vector<1x128xi1>
    %lt3A_3399 = arith.constant 0 : i32
    %lt3A_3400 = vector.broadcast %lt3A_3399 : i32 to vector<256x128xi32>
    %lt3A_3401 = arith.cmpi slt, %broadcast_in_dim3A_3371, %lt3A_3400 : vector<256x128xi32>
    %add3A_3402 = arith.constant 128 : i32
    %add3A_3403 = vector.broadcast %add3A_3402 : i32 to vector<256x128xi32>
    %add3A_3404 = arith.addi %broadcast_in_dim3A_3371, %add3A_3403 : vector<256x128xi32>
    %select_n3A_3405 = arith.select %lt3A_3401, %add3A_3404, %broadcast_in_dim3A_3371 : vector<256x128xi1>, vector<256x128xi32>
    %reshape3A_3406 = vector.shape_cast %select_n3A_3405 : vector<256x128xi32> to vector<256x128x1xi32>
    %gather3A_3407 = vector.shape_cast %reshape3A_3406 : vector<256x128x1xi32> to vector<256x128xi32>
    %gather3A_3408 = tpu.dynamic_gather %select_n3A_3361[%gather3A_3407] in [1] : vector<256x128xf32>, vector<256x128xi32> -> vector<256x128xf32>
    %lt3A_3409 = arith.constant 0 : i32
    %lt3A_3410 = vector.broadcast %lt3A_3409 : i32 to vector<256x128xi32>
    %lt3A_3411 = arith.cmpi slt, %broadcast_in_dim3A_3371, %lt3A_3410 : vector<256x128xi32>
    %add3A_3412 = arith.constant 128 : i32
    %add3A_3413 = vector.broadcast %add3A_3412 : i32 to vector<256x128xi32>
    %add3A_3414 = arith.addi %broadcast_in_dim3A_3371, %add3A_3413 : vector<256x128xi32>
    %select_n3A_3415 = arith.select %lt3A_3411, %add3A_3414, %broadcast_in_dim3A_3371 : vector<256x128xi1>, vector<256x128xi32>
    %reshape3A_3416 = vector.shape_cast %select_n3A_3415 : vector<256x128xi32> to vector<256x128x1xi32>
    %gather3A_3417 = vector.shape_cast %reshape3A_3416 : vector<256x128x1xi32> to vector<256x128xi32>
    %gather3A_3418 = tpu.dynamic_gather %select_n3A_3366[%gather3A_3417] in [1] : vector<256x128xf32>, vector<256x128xi32> -> vector<256x128xf32>
    %min3A_3419 = arith.minimumf %select_n3A_3361, %gather3A_3408 : vector<256x128xf32>
    %max3A_3420 = arith.maximumf %select_n3A_3361, %gather3A_3408 : vector<256x128xf32>
    %broadcast_in_dim3A_3421 = vector.shape_cast %eq3A_3386 : vector<1x128xi1> to vector<1x128xi1>
    %broadcast_in_dim3A_3422 = vector.broadcast %broadcast_in_dim3A_3421 : vector<1x128xi1> to vector<256x128xi1>
    %select_n3A_3423 = arith.select %broadcast_in_dim3A_3422, %min3A_3419, %max3A_3420 : vector<256x128xi1>, vector<256x128xf32>
    %min3A_3424 = arith.minimumf %select_n3A_3366, %gather3A_3418 : vector<256x128xf32>
    %max3A_3425 = arith.maximumf %select_n3A_3366, %gather3A_3418 : vector<256x128xf32>
    %broadcast_in_dim3A_3426 = vector.shape_cast %eq3A_3398 : vector<1x128xi1> to vector<1x128xi1>
    %broadcast_in_dim3A_3427 = vector.broadcast %broadcast_in_dim3A_3426 : vector<1x128xi1> to vector<256x128xi1>
    %select_n3A_3428 = arith.select %broadcast_in_dim3A_3427, %min3A_3424, %max3A_3425 : vector<256x128xi1>, vector<256x128xf32>
    %xor3A_3429 = arith.constant 4 : i32
    %xor3A_3430 = vector.broadcast %xor3A_3429 : i32 to vector<1x128xi32>
    %xor3A_3431 = arith.xori %iota3A_802, %xor3A_3430 : vector<1x128xi32>
    %broadcast_in_dim3A_3432 = vector.shape_cast %xor3A_3431 : vector<1x128xi32> to vector<1x128xi32>
    %broadcast_in_dim3A_3433 = vector.broadcast %broadcast_in_dim3A_3432 : vector<1x128xi32> to vector<256x128xi32>
    %and3A_3434 = arith.constant 4 : i32
    %and3A_3435 = vector.broadcast %and3A_3434 : i32 to vector<1x128xi32>
    %and3A_3436 = arith.andi %iota3A_802, %and3A_3435 : vector<1x128xi32>
    %eq3A_3437 = arith.constant 0 : i32
    %eq3A_3438 = vector.broadcast %eq3A_3437 : i32 to vector<1x128xi32>
    %eq3A_3439 = arith.cmpi eq, %and3A_3436, %eq3A_3438 : vector<1x128xi32>
    %and3A_3440 = arith.constant 16 : i32
    %and3A_3441 = vector.broadcast %and3A_3440 : i32 to vector<1x128xi32>
    %and3A_3442 = arith.andi %iota3A_802, %and3A_3441 : vector<1x128xi32>
    %eq3A_3443 = arith.constant 0 : i32
    %eq3A_3444 = vector.broadcast %eq3A_3443 : i32 to vector<1x128xi32>
    %eq3A_3445 = arith.cmpi eq, %and3A_3442, %eq3A_3444 : vector<1x128xi32>
    %eq3A_3446 = arith.xori %eq3A_3439, %eq3A_3445 : vector<1x128xi1>
    %eq3A_3447 = arith.constant dense<true> : vector<1x128xi1>
    %eq3A_3448 = arith.xori %eq3A_3446, %eq3A_3447 : vector<1x128xi1>
    %add3A_3449 = arith.constant 128 : i32
    %add3A_3450 = vector.broadcast %add3A_3449 : i32 to vector<1x128xi32>
    %add3A_3451 = arith.addi %iota3A_802, %add3A_3450 : vector<1x128xi32>
    %and3A_3452 = arith.constant 16 : i32
    %and3A_3453 = vector.broadcast %and3A_3452 : i32 to vector<1x128xi32>
    %and3A_3454 = arith.andi %add3A_3451, %and3A_3453 : vector<1x128xi32>
    %eq3A_3455 = arith.constant 0 : i32
    %eq3A_3456 = vector.broadcast %eq3A_3455 : i32 to vector<1x128xi32>
    %eq3A_3457 = arith.cmpi eq, %and3A_3454, %eq3A_3456 : vector<1x128xi32>
    %eq3A_3458 = arith.xori %eq3A_3439, %eq3A_3457 : vector<1x128xi1>
    %eq3A_3459 = arith.constant dense<true> : vector<1x128xi1>
    %eq3A_3460 = arith.xori %eq3A_3458, %eq3A_3459 : vector<1x128xi1>
    %lt3A_3461 = arith.constant 0 : i32
    %lt3A_3462 = vector.broadcast %lt3A_3461 : i32 to vector<256x128xi32>
    %lt3A_3463 = arith.cmpi slt, %broadcast_in_dim3A_3433, %lt3A_3462 : vector<256x128xi32>
    %add3A_3464 = arith.constant 128 : i32
    %add3A_3465 = vector.broadcast %add3A_3464 : i32 to vector<256x128xi32>
    %add3A_3466 = arith.addi %broadcast_in_dim3A_3433, %add3A_3465 : vector<256x128xi32>
    %select_n3A_3467 = arith.select %lt3A_3463, %add3A_3466, %broadcast_in_dim3A_3433 : vector<256x128xi1>, vector<256x128xi32>
    %reshape3A_3468 = vector.shape_cast %select_n3A_3467 : vector<256x128xi32> to vector<256x128x1xi32>
    %gather3A_3469 = vector.shape_cast %reshape3A_3468 : vector<256x128x1xi32> to vector<256x128xi32>
    %gather3A_3470 = tpu.dynamic_gather %select_n3A_3423[%gather3A_3469] in [1] : vector<256x128xf32>, vector<256x128xi32> -> vector<256x128xf32>
    %lt3A_3471 = arith.constant 0 : i32
    %lt3A_3472 = vector.broadcast %lt3A_3471 : i32 to vector<256x128xi32>
    %lt3A_3473 = arith.cmpi slt, %broadcast_in_dim3A_3433, %lt3A_3472 : vector<256x128xi32>
    %add3A_3474 = arith.constant 128 : i32
    %add3A_3475 = vector.broadcast %add3A_3474 : i32 to vector<256x128xi32>
    %add3A_3476 = arith.addi %broadcast_in_dim3A_3433, %add3A_3475 : vector<256x128xi32>
    %select_n3A_3477 = arith.select %lt3A_3473, %add3A_3476, %broadcast_in_dim3A_3433 : vector<256x128xi1>, vector<256x128xi32>
    %reshape3A_3478 = vector.shape_cast %select_n3A_3477 : vector<256x128xi32> to vector<256x128x1xi32>
    %gather3A_3479 = vector.shape_cast %reshape3A_3478 : vector<256x128x1xi32> to vector<256x128xi32>
    %gather3A_3480 = tpu.dynamic_gather %select_n3A_3428[%gather3A_3479] in [1] : vector<256x128xf32>, vector<256x128xi32> -> vector<256x128xf32>
    %min3A_3481 = arith.minimumf %select_n3A_3423, %gather3A_3470 : vector<256x128xf32>
    %max3A_3482 = arith.maximumf %select_n3A_3423, %gather3A_3470 : vector<256x128xf32>
    %broadcast_in_dim3A_3483 = vector.shape_cast %eq3A_3448 : vector<1x128xi1> to vector<1x128xi1>
    %broadcast_in_dim3A_3484 = vector.broadcast %broadcast_in_dim3A_3483 : vector<1x128xi1> to vector<256x128xi1>
    %select_n3A_3485 = arith.select %broadcast_in_dim3A_3484, %min3A_3481, %max3A_3482 : vector<256x128xi1>, vector<256x128xf32>
    %min3A_3486 = arith.minimumf %select_n3A_3428, %gather3A_3480 : vector<256x128xf32>
    %max3A_3487 = arith.maximumf %select_n3A_3428, %gather3A_3480 : vector<256x128xf32>
    %broadcast_in_dim3A_3488 = vector.shape_cast %eq3A_3460 : vector<1x128xi1> to vector<1x128xi1>
    %broadcast_in_dim3A_3489 = vector.broadcast %broadcast_in_dim3A_3488 : vector<1x128xi1> to vector<256x128xi1>
    %select_n3A_3490 = arith.select %broadcast_in_dim3A_3489, %min3A_3486, %max3A_3487 : vector<256x128xi1>, vector<256x128xf32>
    %xor3A_3491 = arith.constant 2 : i32
    %xor3A_3492 = vector.broadcast %xor3A_3491 : i32 to vector<1x128xi32>
    %xor3A_3493 = arith.xori %iota3A_802, %xor3A_3492 : vector<1x128xi32>
    %broadcast_in_dim3A_3494 = vector.shape_cast %xor3A_3493 : vector<1x128xi32> to vector<1x128xi32>
    %broadcast_in_dim3A_3495 = vector.broadcast %broadcast_in_dim3A_3494 : vector<1x128xi32> to vector<256x128xi32>
    %and3A_3496 = arith.constant 2 : i32
    %and3A_3497 = vector.broadcast %and3A_3496 : i32 to vector<1x128xi32>
    %and3A_3498 = arith.andi %iota3A_802, %and3A_3497 : vector<1x128xi32>
    %eq3A_3499 = arith.constant 0 : i32
    %eq3A_3500 = vector.broadcast %eq3A_3499 : i32 to vector<1x128xi32>
    %eq3A_3501 = arith.cmpi eq, %and3A_3498, %eq3A_3500 : vector<1x128xi32>
    %and3A_3502 = arith.constant 16 : i32
    %and3A_3503 = vector.broadcast %and3A_3502 : i32 to vector<1x128xi32>
    %and3A_3504 = arith.andi %iota3A_802, %and3A_3503 : vector<1x128xi32>
    %eq3A_3505 = arith.constant 0 : i32
    %eq3A_3506 = vector.broadcast %eq3A_3505 : i32 to vector<1x128xi32>
    %eq3A_3507 = arith.cmpi eq, %and3A_3504, %eq3A_3506 : vector<1x128xi32>
    %eq3A_3508 = arith.xori %eq3A_3501, %eq3A_3507 : vector<1x128xi1>
    %eq3A_3509 = arith.constant dense<true> : vector<1x128xi1>
    %eq3A_3510 = arith.xori %eq3A_3508, %eq3A_3509 : vector<1x128xi1>
    %add3A_3511 = arith.constant 128 : i32
    %add3A_3512 = vector.broadcast %add3A_3511 : i32 to vector<1x128xi32>
    %add3A_3513 = arith.addi %iota3A_802, %add3A_3512 : vector<1x128xi32>
    %and3A_3514 = arith.constant 16 : i32
    %and3A_3515 = vector.broadcast %and3A_3514 : i32 to vector<1x128xi32>
    %and3A_3516 = arith.andi %add3A_3513, %and3A_3515 : vector<1x128xi32>
    %eq3A_3517 = arith.constant 0 : i32
    %eq3A_3518 = vector.broadcast %eq3A_3517 : i32 to vector<1x128xi32>
    %eq3A_3519 = arith.cmpi eq, %and3A_3516, %eq3A_3518 : vector<1x128xi32>
    %eq3A_3520 = arith.xori %eq3A_3501, %eq3A_3519 : vector<1x128xi1>
    %eq3A_3521 = arith.constant dense<true> : vector<1x128xi1>
    %eq3A_3522 = arith.xori %eq3A_3520, %eq3A_3521 : vector<1x128xi1>
    %lt3A_3523 = arith.constant 0 : i32
    %lt3A_3524 = vector.broadcast %lt3A_3523 : i32 to vector<256x128xi32>
    %lt3A_3525 = arith.cmpi slt, %broadcast_in_dim3A_3495, %lt3A_3524 : vector<256x128xi32>
    %add3A_3526 = arith.constant 128 : i32
    %add3A_3527 = vector.broadcast %add3A_3526 : i32 to vector<256x128xi32>
    %add3A_3528 = arith.addi %broadcast_in_dim3A_3495, %add3A_3527 : vector<256x128xi32>
    %select_n3A_3529 = arith.select %lt3A_3525, %add3A_3528, %broadcast_in_dim3A_3495 : vector<256x128xi1>, vector<256x128xi32>
    %reshape3A_3530 = vector.shape_cast %select_n3A_3529 : vector<256x128xi32> to vector<256x128x1xi32>
    %gather3A_3531 = vector.shape_cast %reshape3A_3530 : vector<256x128x1xi32> to vector<256x128xi32>
    %gather3A_3532 = tpu.dynamic_gather %select_n3A_3485[%gather3A_3531] in [1] : vector<256x128xf32>, vector<256x128xi32> -> vector<256x128xf32>
    %lt3A_3533 = arith.constant 0 : i32
    %lt3A_3534 = vector.broadcast %lt3A_3533 : i32 to vector<256x128xi32>
    %lt3A_3535 = arith.cmpi slt, %broadcast_in_dim3A_3495, %lt3A_3534 : vector<256x128xi32>
    %add3A_3536 = arith.constant 128 : i32
    %add3A_3537 = vector.broadcast %add3A_3536 : i32 to vector<256x128xi32>
    %add3A_3538 = arith.addi %broadcast_in_dim3A_3495, %add3A_3537 : vector<256x128xi32>
    %select_n3A_3539 = arith.select %lt3A_3535, %add3A_3538, %broadcast_in_dim3A_3495 : vector<256x128xi1>, vector<256x128xi32>
    %reshape3A_3540 = vector.shape_cast %select_n3A_3539 : vector<256x128xi32> to vector<256x128x1xi32>
    %gather3A_3541 = vector.shape_cast %reshape3A_3540 : vector<256x128x1xi32> to vector<256x128xi32>
    %gather3A_3542 = tpu.dynamic_gather %select_n3A_3490[%gather3A_3541] in [1] : vector<256x128xf32>, vector<256x128xi32> -> vector<256x128xf32>
    %min3A_3543 = arith.minimumf %select_n3A_3485, %gather3A_3532 : vector<256x128xf32>
    %max3A_3544 = arith.maximumf %select_n3A_3485, %gather3A_3532 : vector<256x128xf32>
    %broadcast_in_dim3A_3545 = vector.shape_cast %eq3A_3510 : vector<1x128xi1> to vector<1x128xi1>
    %broadcast_in_dim3A_3546 = vector.broadcast %broadcast_in_dim3A_3545 : vector<1x128xi1> to vector<256x128xi1>
    %select_n3A_3547 = arith.select %broadcast_in_dim3A_3546, %min3A_3543, %max3A_3544 : vector<256x128xi1>, vector<256x128xf32>
    %min3A_3548 = arith.minimumf %select_n3A_3490, %gather3A_3542 : vector<256x128xf32>
    %max3A_3549 = arith.maximumf %select_n3A_3490, %gather3A_3542 : vector<256x128xf32>
    %broadcast_in_dim3A_3550 = vector.shape_cast %eq3A_3522 : vector<1x128xi1> to vector<1x128xi1>
    %broadcast_in_dim3A_3551 = vector.broadcast %broadcast_in_dim3A_3550 : vector<1x128xi1> to vector<256x128xi1>
    %select_n3A_3552 = arith.select %broadcast_in_dim3A_3551, %min3A_3548, %max3A_3549 : vector<256x128xi1>, vector<256x128xf32>
    %xor3A_3553 = arith.constant 1 : i32
    %xor3A_3554 = vector.broadcast %xor3A_3553 : i32 to vector<1x128xi32>
    %xor3A_3555 = arith.xori %iota3A_802, %xor3A_3554 : vector<1x128xi32>
    %broadcast_in_dim3A_3556 = vector.shape_cast %xor3A_3555 : vector<1x128xi32> to vector<1x128xi32>
    %broadcast_in_dim3A_3557 = vector.broadcast %broadcast_in_dim3A_3556 : vector<1x128xi32> to vector<256x128xi32>
    %and3A_3558 = arith.constant 1 : i32
    %and3A_3559 = vector.broadcast %and3A_3558 : i32 to vector<1x128xi32>
    %and3A_3560 = arith.andi %iota3A_802, %and3A_3559 : vector<1x128xi32>
    %eq3A_3561 = arith.constant 0 : i32
    %eq3A_3562 = vector.broadcast %eq3A_3561 : i32 to vector<1x128xi32>
    %eq3A_3563 = arith.cmpi eq, %and3A_3560, %eq3A_3562 : vector<1x128xi32>
    %and3A_3564 = arith.constant 16 : i32
    %and3A_3565 = vector.broadcast %and3A_3564 : i32 to vector<1x128xi32>
    %and3A_3566 = arith.andi %iota3A_802, %and3A_3565 : vector<1x128xi32>
    %eq3A_3567 = arith.constant 0 : i32
    %eq3A_3568 = vector.broadcast %eq3A_3567 : i32 to vector<1x128xi32>
    %eq3A_3569 = arith.cmpi eq, %and3A_3566, %eq3A_3568 : vector<1x128xi32>
    %eq3A_3570 = arith.xori %eq3A_3563, %eq3A_3569 : vector<1x128xi1>
    %eq3A_3571 = arith.constant dense<true> : vector<1x128xi1>
    %eq3A_3572 = arith.xori %eq3A_3570, %eq3A_3571 : vector<1x128xi1>
    %add3A_3573 = arith.constant 128 : i32
    %add3A_3574 = vector.broadcast %add3A_3573 : i32 to vector<1x128xi32>
    %add3A_3575 = arith.addi %iota3A_802, %add3A_3574 : vector<1x128xi32>
    %and3A_3576 = arith.constant 16 : i32
    %and3A_3577 = vector.broadcast %and3A_3576 : i32 to vector<1x128xi32>
    %and3A_3578 = arith.andi %add3A_3575, %and3A_3577 : vector<1x128xi32>
    %eq3A_3579 = arith.constant 0 : i32
    %eq3A_3580 = vector.broadcast %eq3A_3579 : i32 to vector<1x128xi32>
    %eq3A_3581 = arith.cmpi eq, %and3A_3578, %eq3A_3580 : vector<1x128xi32>
    %eq3A_3582 = arith.xori %eq3A_3563, %eq3A_3581 : vector<1x128xi1>
    %eq3A_3583 = arith.constant dense<true> : vector<1x128xi1>
    %eq3A_3584 = arith.xori %eq3A_3582, %eq3A_3583 : vector<1x128xi1>
    %lt3A_3585 = arith.constant 0 : i32
    %lt3A_3586 = vector.broadcast %lt3A_3585 : i32 to vector<256x128xi32>
    %lt3A_3587 = arith.cmpi slt, %broadcast_in_dim3A_3557, %lt3A_3586 : vector<256x128xi32>
    %add3A_3588 = arith.constant 128 : i32
    %add3A_3589 = vector.broadcast %add3A_3588 : i32 to vector<256x128xi32>
    %add3A_3590 = arith.addi %broadcast_in_dim3A_3557, %add3A_3589 : vector<256x128xi32>
    %select_n3A_3591 = arith.select %lt3A_3587, %add3A_3590, %broadcast_in_dim3A_3557 : vector<256x128xi1>, vector<256x128xi32>
    %reshape3A_3592 = vector.shape_cast %select_n3A_3591 : vector<256x128xi32> to vector<256x128x1xi32>
    %gather3A_3593 = vector.shape_cast %reshape3A_3592 : vector<256x128x1xi32> to vector<256x128xi32>
    %gather3A_3594 = tpu.dynamic_gather %select_n3A_3547[%gather3A_3593] in [1] : vector<256x128xf32>, vector<256x128xi32> -> vector<256x128xf32>
    %lt3A_3595 = arith.constant 0 : i32
    %lt3A_3596 = vector.broadcast %lt3A_3595 : i32 to vector<256x128xi32>
    %lt3A_3597 = arith.cmpi slt, %broadcast_in_dim3A_3557, %lt3A_3596 : vector<256x128xi32>
    %add3A_3598 = arith.constant 128 : i32
    %add3A_3599 = vector.broadcast %add3A_3598 : i32 to vector<256x128xi32>
    %add3A_3600 = arith.addi %broadcast_in_dim3A_3557, %add3A_3599 : vector<256x128xi32>
    %select_n3A_3601 = arith.select %lt3A_3597, %add3A_3600, %broadcast_in_dim3A_3557 : vector<256x128xi1>, vector<256x128xi32>
    %reshape3A_3602 = vector.shape_cast %select_n3A_3601 : vector<256x128xi32> to vector<256x128x1xi32>
    %gather3A_3603 = vector.shape_cast %reshape3A_3602 : vector<256x128x1xi32> to vector<256x128xi32>
    %gather3A_3604 = tpu.dynamic_gather %select_n3A_3552[%gather3A_3603] in [1] : vector<256x128xf32>, vector<256x128xi32> -> vector<256x128xf32>
    %min3A_3605 = arith.minimumf %select_n3A_3547, %gather3A_3594 : vector<256x128xf32>
    %max3A_3606 = arith.maximumf %select_n3A_3547, %gather3A_3594 : vector<256x128xf32>
    %broadcast_in_dim3A_3607 = vector.shape_cast %eq3A_3572 : vector<1x128xi1> to vector<1x128xi1>
    %broadcast_in_dim3A_3608 = vector.broadcast %broadcast_in_dim3A_3607 : vector<1x128xi1> to vector<256x128xi1>
    %select_n3A_3609 = arith.select %broadcast_in_dim3A_3608, %min3A_3605, %max3A_3606 : vector<256x128xi1>, vector<256x128xf32>
    %min3A_3610 = arith.minimumf %select_n3A_3552, %gather3A_3604 : vector<256x128xf32>
    %max3A_3611 = arith.maximumf %select_n3A_3552, %gather3A_3604 : vector<256x128xf32>
    %broadcast_in_dim3A_3612 = vector.shape_cast %eq3A_3584 : vector<1x128xi1> to vector<1x128xi1>
    %broadcast_in_dim3A_3613 = vector.broadcast %broadcast_in_dim3A_3612 : vector<1x128xi1> to vector<256x128xi1>
    %select_n3A_3614 = arith.select %broadcast_in_dim3A_3613, %min3A_3610, %max3A_3611 : vector<256x128xi1>, vector<256x128xf32>
    %xor3A_3615 = arith.constant 16 : i32
    %xor3A_3616 = vector.broadcast %xor3A_3615 : i32 to vector<1x128xi32>
    %xor3A_3617 = arith.xori %iota3A_802, %xor3A_3616 : vector<1x128xi32>
    %broadcast_in_dim3A_3618 = vector.shape_cast %xor3A_3617 : vector<1x128xi32> to vector<1x128xi32>
    %broadcast_in_dim3A_3619 = vector.broadcast %broadcast_in_dim3A_3618 : vector<1x128xi32> to vector<256x128xi32>
    %and3A_3620 = arith.constant 16 : i32
    %and3A_3621 = vector.broadcast %and3A_3620 : i32 to vector<1x128xi32>
    %and3A_3622 = arith.andi %iota3A_802, %and3A_3621 : vector<1x128xi32>
    %eq3A_3623 = arith.constant 0 : i32
    %eq3A_3624 = vector.broadcast %eq3A_3623 : i32 to vector<1x128xi32>
    %eq3A_3625 = arith.cmpi eq, %and3A_3622, %eq3A_3624 : vector<1x128xi32>
    %and3A_3626 = arith.constant 32 : i32
    %and3A_3627 = vector.broadcast %and3A_3626 : i32 to vector<1x128xi32>
    %and3A_3628 = arith.andi %iota3A_802, %and3A_3627 : vector<1x128xi32>
    %eq3A_3629 = arith.constant 0 : i32
    %eq3A_3630 = vector.broadcast %eq3A_3629 : i32 to vector<1x128xi32>
    %eq3A_3631 = arith.cmpi eq, %and3A_3628, %eq3A_3630 : vector<1x128xi32>
    %eq3A_3632 = arith.xori %eq3A_3625, %eq3A_3631 : vector<1x128xi1>
    %eq3A_3633 = arith.constant dense<true> : vector<1x128xi1>
    %eq3A_3634 = arith.xori %eq3A_3632, %eq3A_3633 : vector<1x128xi1>
    %add3A_3635 = arith.constant 128 : i32
    %add3A_3636 = vector.broadcast %add3A_3635 : i32 to vector<1x128xi32>
    %add3A_3637 = arith.addi %iota3A_802, %add3A_3636 : vector<1x128xi32>
    %and3A_3638 = arith.constant 32 : i32
    %and3A_3639 = vector.broadcast %and3A_3638 : i32 to vector<1x128xi32>
    %and3A_3640 = arith.andi %add3A_3637, %and3A_3639 : vector<1x128xi32>
    %eq3A_3641 = arith.constant 0 : i32
    %eq3A_3642 = vector.broadcast %eq3A_3641 : i32 to vector<1x128xi32>
    %eq3A_3643 = arith.cmpi eq, %and3A_3640, %eq3A_3642 : vector<1x128xi32>
    %eq3A_3644 = arith.xori %eq3A_3625, %eq3A_3643 : vector<1x128xi1>
    %eq3A_3645 = arith.constant dense<true> : vector<1x128xi1>
    %eq3A_3646 = arith.xori %eq3A_3644, %eq3A_3645 : vector<1x128xi1>
    %lt3A_3647 = arith.constant 0 : i32
    %lt3A_3648 = vector.broadcast %lt3A_3647 : i32 to vector<256x128xi32>
    %lt3A_3649 = arith.cmpi slt, %broadcast_in_dim3A_3619, %lt3A_3648 : vector<256x128xi32>
    %add3A_3650 = arith.constant 128 : i32
    %add3A_3651 = vector.broadcast %add3A_3650 : i32 to vector<256x128xi32>
    %add3A_3652 = arith.addi %broadcast_in_dim3A_3619, %add3A_3651 : vector<256x128xi32>
    %select_n3A_3653 = arith.select %lt3A_3649, %add3A_3652, %broadcast_in_dim3A_3619 : vector<256x128xi1>, vector<256x128xi32>
    %reshape3A_3654 = vector.shape_cast %select_n3A_3653 : vector<256x128xi32> to vector<256x128x1xi32>
    %gather3A_3655 = vector.shape_cast %reshape3A_3654 : vector<256x128x1xi32> to vector<256x128xi32>
    %gather3A_3656 = tpu.dynamic_gather %select_n3A_3609[%gather3A_3655] in [1] : vector<256x128xf32>, vector<256x128xi32> -> vector<256x128xf32>
    %lt3A_3657 = arith.constant 0 : i32
    %lt3A_3658 = vector.broadcast %lt3A_3657 : i32 to vector<256x128xi32>
    %lt3A_3659 = arith.cmpi slt, %broadcast_in_dim3A_3619, %lt3A_3658 : vector<256x128xi32>
    %add3A_3660 = arith.constant 128 : i32
    %add3A_3661 = vector.broadcast %add3A_3660 : i32 to vector<256x128xi32>
    %add3A_3662 = arith.addi %broadcast_in_dim3A_3619, %add3A_3661 : vector<256x128xi32>
    %select_n3A_3663 = arith.select %lt3A_3659, %add3A_3662, %broadcast_in_dim3A_3619 : vector<256x128xi1>, vector<256x128xi32>
    %reshape3A_3664 = vector.shape_cast %select_n3A_3663 : vector<256x128xi32> to vector<256x128x1xi32>
    %gather3A_3665 = vector.shape_cast %reshape3A_3664 : vector<256x128x1xi32> to vector<256x128xi32>
    %gather3A_3666 = tpu.dynamic_gather %select_n3A_3614[%gather3A_3665] in [1] : vector<256x128xf32>, vector<256x128xi32> -> vector<256x128xf32>
    %min3A_3667 = arith.minimumf %select_n3A_3609, %gather3A_3656 : vector<256x128xf32>
    %max3A_3668 = arith.maximumf %select_n3A_3609, %gather3A_3656 : vector<256x128xf32>
    %broadcast_in_dim3A_3669 = vector.shape_cast %eq3A_3634 : vector<1x128xi1> to vector<1x128xi1>
    %broadcast_in_dim3A_3670 = vector.broadcast %broadcast_in_dim3A_3669 : vector<1x128xi1> to vector<256x128xi1>
    %select_n3A_3671 = arith.select %broadcast_in_dim3A_3670, %min3A_3667, %max3A_3668 : vector<256x128xi1>, vector<256x128xf32>
    %min3A_3672 = arith.minimumf %select_n3A_3614, %gather3A_3666 : vector<256x128xf32>
    %max3A_3673 = arith.maximumf %select_n3A_3614, %gather3A_3666 : vector<256x128xf32>
    %broadcast_in_dim3A_3674 = vector.shape_cast %eq3A_3646 : vector<1x128xi1> to vector<1x128xi1>
    %broadcast_in_dim3A_3675 = vector.broadcast %broadcast_in_dim3A_3674 : vector<1x128xi1> to vector<256x128xi1>
    %select_n3A_3676 = arith.select %broadcast_in_dim3A_3675, %min3A_3672, %max3A_3673 : vector<256x128xi1>, vector<256x128xf32>
    %xor3A_3677 = arith.constant 8 : i32
    %xor3A_3678 = vector.broadcast %xor3A_3677 : i32 to vector<1x128xi32>
    %xor3A_3679 = arith.xori %iota3A_802, %xor3A_3678 : vector<1x128xi32>
    %broadcast_in_dim3A_3680 = vector.shape_cast %xor3A_3679 : vector<1x128xi32> to vector<1x128xi32>
    %broadcast_in_dim3A_3681 = vector.broadcast %broadcast_in_dim3A_3680 : vector<1x128xi32> to vector<256x128xi32>
    %and3A_3682 = arith.constant 8 : i32
    %and3A_3683 = vector.broadcast %and3A_3682 : i32 to vector<1x128xi32>
    %and3A_3684 = arith.andi %iota3A_802, %and3A_3683 : vector<1x128xi32>
    %eq3A_3685 = arith.constant 0 : i32
    %eq3A_3686 = vector.broadcast %eq3A_3685 : i32 to vector<1x128xi32>
    %eq3A_3687 = arith.cmpi eq, %and3A_3684, %eq3A_3686 : vector<1x128xi32>
    %and3A_3688 = arith.constant 32 : i32
    %and3A_3689 = vector.broadcast %and3A_3688 : i32 to vector<1x128xi32>
    %and3A_3690 = arith.andi %iota3A_802, %and3A_3689 : vector<1x128xi32>
    %eq3A_3691 = arith.constant 0 : i32
    %eq3A_3692 = vector.broadcast %eq3A_3691 : i32 to vector<1x128xi32>
    %eq3A_3693 = arith.cmpi eq, %and3A_3690, %eq3A_3692 : vector<1x128xi32>
    %eq3A_3694 = arith.xori %eq3A_3687, %eq3A_3693 : vector<1x128xi1>
    %eq3A_3695 = arith.constant dense<true> : vector<1x128xi1>
    %eq3A_3696 = arith.xori %eq3A_3694, %eq3A_3695 : vector<1x128xi1>
    %add3A_3697 = arith.constant 128 : i32
    %add3A_3698 = vector.broadcast %add3A_3697 : i32 to vector<1x128xi32>
    %add3A_3699 = arith.addi %iota3A_802, %add3A_3698 : vector<1x128xi32>
    %and3A_3700 = arith.constant 32 : i32
    %and3A_3701 = vector.broadcast %and3A_3700 : i32 to vector<1x128xi32>
    %and3A_3702 = arith.andi %add3A_3699, %and3A_3701 : vector<1x128xi32>
    %eq3A_3703 = arith.constant 0 : i32
    %eq3A_3704 = vector.broadcast %eq3A_3703 : i32 to vector<1x128xi32>
    %eq3A_3705 = arith.cmpi eq, %and3A_3702, %eq3A_3704 : vector<1x128xi32>
    %eq3A_3706 = arith.xori %eq3A_3687, %eq3A_3705 : vector<1x128xi1>
    %eq3A_3707 = arith.constant dense<true> : vector<1x128xi1>
    %eq3A_3708 = arith.xori %eq3A_3706, %eq3A_3707 : vector<1x128xi1>
    %lt3A_3709 = arith.constant 0 : i32
    %lt3A_3710 = vector.broadcast %lt3A_3709 : i32 to vector<256x128xi32>
    %lt3A_3711 = arith.cmpi slt, %broadcast_in_dim3A_3681, %lt3A_3710 : vector<256x128xi32>
    %add3A_3712 = arith.constant 128 : i32
    %add3A_3713 = vector.broadcast %add3A_3712 : i32 to vector<256x128xi32>
    %add3A_3714 = arith.addi %broadcast_in_dim3A_3681, %add3A_3713 : vector<256x128xi32>
    %select_n3A_3715 = arith.select %lt3A_3711, %add3A_3714, %broadcast_in_dim3A_3681 : vector<256x128xi1>, vector<256x128xi32>
    %reshape3A_3716 = vector.shape_cast %select_n3A_3715 : vector<256x128xi32> to vector<256x128x1xi32>
    %gather3A_3717 = vector.shape_cast %reshape3A_3716 : vector<256x128x1xi32> to vector<256x128xi32>
    %gather3A_3718 = tpu.dynamic_gather %select_n3A_3671[%gather3A_3717] in [1] : vector<256x128xf32>, vector<256x128xi32> -> vector<256x128xf32>
    %lt3A_3719 = arith.constant 0 : i32
    %lt3A_3720 = vector.broadcast %lt3A_3719 : i32 to vector<256x128xi32>
    %lt3A_3721 = arith.cmpi slt, %broadcast_in_dim3A_3681, %lt3A_3720 : vector<256x128xi32>
    %add3A_3722 = arith.constant 128 : i32
    %add3A_3723 = vector.broadcast %add3A_3722 : i32 to vector<256x128xi32>
    %add3A_3724 = arith.addi %broadcast_in_dim3A_3681, %add3A_3723 : vector<256x128xi32>
    %select_n3A_3725 = arith.select %lt3A_3721, %add3A_3724, %broadcast_in_dim3A_3681 : vector<256x128xi1>, vector<256x128xi32>
    %reshape3A_3726 = vector.shape_cast %select_n3A_3725 : vector<256x128xi32> to vector<256x128x1xi32>
    %gather3A_3727 = vector.shape_cast %reshape3A_3726 : vector<256x128x1xi32> to vector<256x128xi32>
    %gather3A_3728 = tpu.dynamic_gather %select_n3A_3676[%gather3A_3727] in [1] : vector<256x128xf32>, vector<256x128xi32> -> vector<256x128xf32>
    %min3A_3729 = arith.minimumf %select_n3A_3671, %gather3A_3718 : vector<256x128xf32>
    %max3A_3730 = arith.maximumf %select_n3A_3671, %gather3A_3718 : vector<256x128xf32>
    %broadcast_in_dim3A_3731 = vector.shape_cast %eq3A_3696 : vector<1x128xi1> to vector<1x128xi1>
    %broadcast_in_dim3A_3732 = vector.broadcast %broadcast_in_dim3A_3731 : vector<1x128xi1> to vector<256x128xi1>
    %select_n3A_3733 = arith.select %broadcast_in_dim3A_3732, %min3A_3729, %max3A_3730 : vector<256x128xi1>, vector<256x128xf32>
    %min3A_3734 = arith.minimumf %select_n3A_3676, %gather3A_3728 : vector<256x128xf32>
    %max3A_3735 = arith.maximumf %select_n3A_3676, %gather3A_3728 : vector<256x128xf32>
    %broadcast_in_dim3A_3736 = vector.shape_cast %eq3A_3708 : vector<1x128xi1> to vector<1x128xi1>
    %broadcast_in_dim3A_3737 = vector.broadcast %broadcast_in_dim3A_3736 : vector<1x128xi1> to vector<256x128xi1>
    %select_n3A_3738 = arith.select %broadcast_in_dim3A_3737, %min3A_3734, %max3A_3735 : vector<256x128xi1>, vector<256x128xf32>
    %xor3A_3739 = arith.constant 4 : i32
    %xor3A_3740 = vector.broadcast %xor3A_3739 : i32 to vector<1x128xi32>
    %xor3A_3741 = arith.xori %iota3A_802, %xor3A_3740 : vector<1x128xi32>
    %broadcast_in_dim3A_3742 = vector.shape_cast %xor3A_3741 : vector<1x128xi32> to vector<1x128xi32>
    %broadcast_in_dim3A_3743 = vector.broadcast %broadcast_in_dim3A_3742 : vector<1x128xi32> to vector<256x128xi32>
    %and3A_3744 = arith.constant 4 : i32
    %and3A_3745 = vector.broadcast %and3A_3744 : i32 to vector<1x128xi32>
    %and3A_3746 = arith.andi %iota3A_802, %and3A_3745 : vector<1x128xi32>
    %eq3A_3747 = arith.constant 0 : i32
    %eq3A_3748 = vector.broadcast %eq3A_3747 : i32 to vector<1x128xi32>
    %eq3A_3749 = arith.cmpi eq, %and3A_3746, %eq3A_3748 : vector<1x128xi32>
    %and3A_3750 = arith.constant 32 : i32
    %and3A_3751 = vector.broadcast %and3A_3750 : i32 to vector<1x128xi32>
    %and3A_3752 = arith.andi %iota3A_802, %and3A_3751 : vector<1x128xi32>
    %eq3A_3753 = arith.constant 0 : i32
    %eq3A_3754 = vector.broadcast %eq3A_3753 : i32 to vector<1x128xi32>
    %eq3A_3755 = arith.cmpi eq, %and3A_3752, %eq3A_3754 : vector<1x128xi32>
    %eq3A_3756 = arith.xori %eq3A_3749, %eq3A_3755 : vector<1x128xi1>
    %eq3A_3757 = arith.constant dense<true> : vector<1x128xi1>
    %eq3A_3758 = arith.xori %eq3A_3756, %eq3A_3757 : vector<1x128xi1>
    %add3A_3759 = arith.constant 128 : i32
    %add3A_3760 = vector.broadcast %add3A_3759 : i32 to vector<1x128xi32>
    %add3A_3761 = arith.addi %iota3A_802, %add3A_3760 : vector<1x128xi32>
    %and3A_3762 = arith.constant 32 : i32
    %and3A_3763 = vector.broadcast %and3A_3762 : i32 to vector<1x128xi32>
    %and3A_3764 = arith.andi %add3A_3761, %and3A_3763 : vector<1x128xi32>
    %eq3A_3765 = arith.constant 0 : i32
    %eq3A_3766 = vector.broadcast %eq3A_3765 : i32 to vector<1x128xi32>
    %eq3A_3767 = arith.cmpi eq, %and3A_3764, %eq3A_3766 : vector<1x128xi32>
    %eq3A_3768 = arith.xori %eq3A_3749, %eq3A_3767 : vector<1x128xi1>
    %eq3A_3769 = arith.constant dense<true> : vector<1x128xi1>
    %eq3A_3770 = arith.xori %eq3A_3768, %eq3A_3769 : vector<1x128xi1>
    %lt3A_3771 = arith.constant 0 : i32
    %lt3A_3772 = vector.broadcast %lt3A_3771 : i32 to vector<256x128xi32>
    %lt3A_3773 = arith.cmpi slt, %broadcast_in_dim3A_3743, %lt3A_3772 : vector<256x128xi32>
    %add3A_3774 = arith.constant 128 : i32
    %add3A_3775 = vector.broadcast %add3A_3774 : i32 to vector<256x128xi32>
    %add3A_3776 = arith.addi %broadcast_in_dim3A_3743, %add3A_3775 : vector<256x128xi32>
    %select_n3A_3777 = arith.select %lt3A_3773, %add3A_3776, %broadcast_in_dim3A_3743 : vector<256x128xi1>, vector<256x128xi32>
    %reshape3A_3778 = vector.shape_cast %select_n3A_3777 : vector<256x128xi32> to vector<256x128x1xi32>
    %gather3A_3779 = vector.shape_cast %reshape3A_3778 : vector<256x128x1xi32> to vector<256x128xi32>
    %gather3A_3780 = tpu.dynamic_gather %select_n3A_3733[%gather3A_3779] in [1] : vector<256x128xf32>, vector<256x128xi32> -> vector<256x128xf32>
    %lt3A_3781 = arith.constant 0 : i32
    %lt3A_3782 = vector.broadcast %lt3A_3781 : i32 to vector<256x128xi32>
    %lt3A_3783 = arith.cmpi slt, %broadcast_in_dim3A_3743, %lt3A_3782 : vector<256x128xi32>
    %add3A_3784 = arith.constant 128 : i32
    %add3A_3785 = vector.broadcast %add3A_3784 : i32 to vector<256x128xi32>
    %add3A_3786 = arith.addi %broadcast_in_dim3A_3743, %add3A_3785 : vector<256x128xi32>
    %select_n3A_3787 = arith.select %lt3A_3783, %add3A_3786, %broadcast_in_dim3A_3743 : vector<256x128xi1>, vector<256x128xi32>
    %reshape3A_3788 = vector.shape_cast %select_n3A_3787 : vector<256x128xi32> to vector<256x128x1xi32>
    %gather3A_3789 = vector.shape_cast %reshape3A_3788 : vector<256x128x1xi32> to vector<256x128xi32>
    %gather3A_3790 = tpu.dynamic_gather %select_n3A_3738[%gather3A_3789] in [1] : vector<256x128xf32>, vector<256x128xi32> -> vector<256x128xf32>
    %min3A_3791 = arith.minimumf %select_n3A_3733, %gather3A_3780 : vector<256x128xf32>
    %max3A_3792 = arith.maximumf %select_n3A_3733, %gather3A_3780 : vector<256x128xf32>
    %broadcast_in_dim3A_3793 = vector.shape_cast %eq3A_3758 : vector<1x128xi1> to vector<1x128xi1>
    %broadcast_in_dim3A_3794 = vector.broadcast %broadcast_in_dim3A_3793 : vector<1x128xi1> to vector<256x128xi1>
    %select_n3A_3795 = arith.select %broadcast_in_dim3A_3794, %min3A_3791, %max3A_3792 : vector<256x128xi1>, vector<256x128xf32>
    %min3A_3796 = arith.minimumf %select_n3A_3738, %gather3A_3790 : vector<256x128xf32>
    %max3A_3797 = arith.maximumf %select_n3A_3738, %gather3A_3790 : vector<256x128xf32>
    %broadcast_in_dim3A_3798 = vector.shape_cast %eq3A_3770 : vector<1x128xi1> to vector<1x128xi1>
    %broadcast_in_dim3A_3799 = vector.broadcast %broadcast_in_dim3A_3798 : vector<1x128xi1> to vector<256x128xi1>
    %select_n3A_3800 = arith.select %broadcast_in_dim3A_3799, %min3A_3796, %max3A_3797 : vector<256x128xi1>, vector<256x128xf32>
    %xor3A_3801 = arith.constant 2 : i32
    %xor3A_3802 = vector.broadcast %xor3A_3801 : i32 to vector<1x128xi32>
    %xor3A_3803 = arith.xori %iota3A_802, %xor3A_3802 : vector<1x128xi32>
    %broadcast_in_dim3A_3804 = vector.shape_cast %xor3A_3803 : vector<1x128xi32> to vector<1x128xi32>
    %broadcast_in_dim3A_3805 = vector.broadcast %broadcast_in_dim3A_3804 : vector<1x128xi32> to vector<256x128xi32>
    %and3A_3806 = arith.constant 2 : i32
    %and3A_3807 = vector.broadcast %and3A_3806 : i32 to vector<1x128xi32>
    %and3A_3808 = arith.andi %iota3A_802, %and3A_3807 : vector<1x128xi32>
    %eq3A_3809 = arith.constant 0 : i32
    %eq3A_3810 = vector.broadcast %eq3A_3809 : i32 to vector<1x128xi32>
    %eq3A_3811 = arith.cmpi eq, %and3A_3808, %eq3A_3810 : vector<1x128xi32>
    %and3A_3812 = arith.constant 32 : i32
    %and3A_3813 = vector.broadcast %and3A_3812 : i32 to vector<1x128xi32>
    %and3A_3814 = arith.andi %iota3A_802, %and3A_3813 : vector<1x128xi32>
    %eq3A_3815 = arith.constant 0 : i32
    %eq3A_3816 = vector.broadcast %eq3A_3815 : i32 to vector<1x128xi32>
    %eq3A_3817 = arith.cmpi eq, %and3A_3814, %eq3A_3816 : vector<1x128xi32>
    %eq3A_3818 = arith.xori %eq3A_3811, %eq3A_3817 : vector<1x128xi1>
    %eq3A_3819 = arith.constant dense<true> : vector<1x128xi1>
    %eq3A_3820 = arith.xori %eq3A_3818, %eq3A_3819 : vector<1x128xi1>
    %add3A_3821 = arith.constant 128 : i32
    %add3A_3822 = vector.broadcast %add3A_3821 : i32 to vector<1x128xi32>
    %add3A_3823 = arith.addi %iota3A_802, %add3A_3822 : vector<1x128xi32>
    %and3A_3824 = arith.constant 32 : i32
    %and3A_3825 = vector.broadcast %and3A_3824 : i32 to vector<1x128xi32>
    %and3A_3826 = arith.andi %add3A_3823, %and3A_3825 : vector<1x128xi32>
    %eq3A_3827 = arith.constant 0 : i32
    %eq3A_3828 = vector.broadcast %eq3A_3827 : i32 to vector<1x128xi32>
    %eq3A_3829 = arith.cmpi eq, %and3A_3826, %eq3A_3828 : vector<1x128xi32>
    %eq3A_3830 = arith.xori %eq3A_3811, %eq3A_3829 : vector<1x128xi1>
    %eq3A_3831 = arith.constant dense<true> : vector<1x128xi1>
    %eq3A_3832 = arith.xori %eq3A_3830, %eq3A_3831 : vector<1x128xi1>
    %lt3A_3833 = arith.constant 0 : i32
    %lt3A_3834 = vector.broadcast %lt3A_3833 : i32 to vector<256x128xi32>
    %lt3A_3835 = arith.cmpi slt, %broadcast_in_dim3A_3805, %lt3A_3834 : vector<256x128xi32>
    %add3A_3836 = arith.constant 128 : i32
    %add3A_3837 = vector.broadcast %add3A_3836 : i32 to vector<256x128xi32>
    %add3A_3838 = arith.addi %broadcast_in_dim3A_3805, %add3A_3837 : vector<256x128xi32>
    %select_n3A_3839 = arith.select %lt3A_3835, %add3A_3838, %broadcast_in_dim3A_3805 : vector<256x128xi1>, vector<256x128xi32>
    %reshape3A_3840 = vector.shape_cast %select_n3A_3839 : vector<256x128xi32> to vector<256x128x1xi32>
    %gather3A_3841 = vector.shape_cast %reshape3A_3840 : vector<256x128x1xi32> to vector<256x128xi32>
    %gather3A_3842 = tpu.dynamic_gather %select_n3A_3795[%gather3A_3841] in [1] : vector<256x128xf32>, vector<256x128xi32> -> vector<256x128xf32>
    %lt3A_3843 = arith.constant 0 : i32
    %lt3A_3844 = vector.broadcast %lt3A_3843 : i32 to vector<256x128xi32>
    %lt3A_3845 = arith.cmpi slt, %broadcast_in_dim3A_3805, %lt3A_3844 : vector<256x128xi32>
    %add3A_3846 = arith.constant 128 : i32
    %add3A_3847 = vector.broadcast %add3A_3846 : i32 to vector<256x128xi32>
    %add3A_3848 = arith.addi %broadcast_in_dim3A_3805, %add3A_3847 : vector<256x128xi32>
    %select_n3A_3849 = arith.select %lt3A_3845, %add3A_3848, %broadcast_in_dim3A_3805 : vector<256x128xi1>, vector<256x128xi32>
    %reshape3A_3850 = vector.shape_cast %select_n3A_3849 : vector<256x128xi32> to vector<256x128x1xi32>
    %gather3A_3851 = vector.shape_cast %reshape3A_3850 : vector<256x128x1xi32> to vector<256x128xi32>
    %gather3A_3852 = tpu.dynamic_gather %select_n3A_3800[%gather3A_3851] in [1] : vector<256x128xf32>, vector<256x128xi32> -> vector<256x128xf32>
    %min3A_3853 = arith.minimumf %select_n3A_3795, %gather3A_3842 : vector<256x128xf32>
    %max3A_3854 = arith.maximumf %select_n3A_3795, %gather3A_3842 : vector<256x128xf32>
    %broadcast_in_dim3A_3855 = vector.shape_cast %eq3A_3820 : vector<1x128xi1> to vector<1x128xi1>
    %broadcast_in_dim3A_3856 = vector.broadcast %broadcast_in_dim3A_3855 : vector<1x128xi1> to vector<256x128xi1>
    %select_n3A_3857 = arith.select %broadcast_in_dim3A_3856, %min3A_3853, %max3A_3854 : vector<256x128xi1>, vector<256x128xf32>
    %min3A_3858 = arith.minimumf %select_n3A_3800, %gather3A_3852 : vector<256x128xf32>
    %max3A_3859 = arith.maximumf %select_n3A_3800, %gather3A_3852 : vector<256x128xf32>
    %broadcast_in_dim3A_3860 = vector.shape_cast %eq3A_3832 : vector<1x128xi1> to vector<1x128xi1>
    %broadcast_in_dim3A_3861 = vector.broadcast %broadcast_in_dim3A_3860 : vector<1x128xi1> to vector<256x128xi1>
    %select_n3A_3862 = arith.select %broadcast_in_dim3A_3861, %min3A_3858, %max3A_3859 : vector<256x128xi1>, vector<256x128xf32>
    %xor3A_3863 = arith.constant 1 : i32
    %xor3A_3864 = vector.broadcast %xor3A_3863 : i32 to vector<1x128xi32>
    %xor3A_3865 = arith.xori %iota3A_802, %xor3A_3864 : vector<1x128xi32>
    %broadcast_in_dim3A_3866 = vector.shape_cast %xor3A_3865 : vector<1x128xi32> to vector<1x128xi32>
    %broadcast_in_dim3A_3867 = vector.broadcast %broadcast_in_dim3A_3866 : vector<1x128xi32> to vector<256x128xi32>
    %and3A_3868 = arith.constant 1 : i32
    %and3A_3869 = vector.broadcast %and3A_3868 : i32 to vector<1x128xi32>
    %and3A_3870 = arith.andi %iota3A_802, %and3A_3869 : vector<1x128xi32>
    %eq3A_3871 = arith.constant 0 : i32
    %eq3A_3872 = vector.broadcast %eq3A_3871 : i32 to vector<1x128xi32>
    %eq3A_3873 = arith.cmpi eq, %and3A_3870, %eq3A_3872 : vector<1x128xi32>
    %and3A_3874 = arith.constant 32 : i32
    %and3A_3875 = vector.broadcast %and3A_3874 : i32 to vector<1x128xi32>
    %and3A_3876 = arith.andi %iota3A_802, %and3A_3875 : vector<1x128xi32>
    %eq3A_3877 = arith.constant 0 : i32
    %eq3A_3878 = vector.broadcast %eq3A_3877 : i32 to vector<1x128xi32>
    %eq3A_3879 = arith.cmpi eq, %and3A_3876, %eq3A_3878 : vector<1x128xi32>
    %eq3A_3880 = arith.xori %eq3A_3873, %eq3A_3879 : vector<1x128xi1>
    %eq3A_3881 = arith.constant dense<true> : vector<1x128xi1>
    %eq3A_3882 = arith.xori %eq3A_3880, %eq3A_3881 : vector<1x128xi1>
    %add3A_3883 = arith.constant 128 : i32
    %add3A_3884 = vector.broadcast %add3A_3883 : i32 to vector<1x128xi32>
    %add3A_3885 = arith.addi %iota3A_802, %add3A_3884 : vector<1x128xi32>
    %and3A_3886 = arith.constant 32 : i32
    %and3A_3887 = vector.broadcast %and3A_3886 : i32 to vector<1x128xi32>
    %and3A_3888 = arith.andi %add3A_3885, %and3A_3887 : vector<1x128xi32>
    %eq3A_3889 = arith.constant 0 : i32
    %eq3A_3890 = vector.broadcast %eq3A_3889 : i32 to vector<1x128xi32>
    %eq3A_3891 = arith.cmpi eq, %and3A_3888, %eq3A_3890 : vector<1x128xi32>
    %eq3A_3892 = arith.xori %eq3A_3873, %eq3A_3891 : vector<1x128xi1>
    %eq3A_3893 = arith.constant dense<true> : vector<1x128xi1>
    %eq3A_3894 = arith.xori %eq3A_3892, %eq3A_3893 : vector<1x128xi1>
    %lt3A_3895 = arith.constant 0 : i32
    %lt3A_3896 = vector.broadcast %lt3A_3895 : i32 to vector<256x128xi32>
    %lt3A_3897 = arith.cmpi slt, %broadcast_in_dim3A_3867, %lt3A_3896 : vector<256x128xi32>
    %add3A_3898 = arith.constant 128 : i32
    %add3A_3899 = vector.broadcast %add3A_3898 : i32 to vector<256x128xi32>
    %add3A_3900 = arith.addi %broadcast_in_dim3A_3867, %add3A_3899 : vector<256x128xi32>
    %select_n3A_3901 = arith.select %lt3A_3897, %add3A_3900, %broadcast_in_dim3A_3867 : vector<256x128xi1>, vector<256x128xi32>
    %reshape3A_3902 = vector.shape_cast %select_n3A_3901 : vector<256x128xi32> to vector<256x128x1xi32>
    %gather3A_3903 = vector.shape_cast %reshape3A_3902 : vector<256x128x1xi32> to vector<256x128xi32>
    %gather3A_3904 = tpu.dynamic_gather %select_n3A_3857[%gather3A_3903] in [1] : vector<256x128xf32>, vector<256x128xi32> -> vector<256x128xf32>
    %lt3A_3905 = arith.constant 0 : i32
    %lt3A_3906 = vector.broadcast %lt3A_3905 : i32 to vector<256x128xi32>
    %lt3A_3907 = arith.cmpi slt, %broadcast_in_dim3A_3867, %lt3A_3906 : vector<256x128xi32>
    %add3A_3908 = arith.constant 128 : i32
    %add3A_3909 = vector.broadcast %add3A_3908 : i32 to vector<256x128xi32>
    %add3A_3910 = arith.addi %broadcast_in_dim3A_3867, %add3A_3909 : vector<256x128xi32>
    %select_n3A_3911 = arith.select %lt3A_3907, %add3A_3910, %broadcast_in_dim3A_3867 : vector<256x128xi1>, vector<256x128xi32>
    %reshape3A_3912 = vector.shape_cast %select_n3A_3911 : vector<256x128xi32> to vector<256x128x1xi32>
    %gather3A_3913 = vector.shape_cast %reshape3A_3912 : vector<256x128x1xi32> to vector<256x128xi32>
    %gather3A_3914 = tpu.dynamic_gather %select_n3A_3862[%gather3A_3913] in [1] : vector<256x128xf32>, vector<256x128xi32> -> vector<256x128xf32>
    %min3A_3915 = arith.minimumf %select_n3A_3857, %gather3A_3904 : vector<256x128xf32>
    %max3A_3916 = arith.maximumf %select_n3A_3857, %gather3A_3904 : vector<256x128xf32>
    %broadcast_in_dim3A_3917 = vector.shape_cast %eq3A_3882 : vector<1x128xi1> to vector<1x128xi1>
    %broadcast_in_dim3A_3918 = vector.broadcast %broadcast_in_dim3A_3917 : vector<1x128xi1> to vector<256x128xi1>
    %select_n3A_3919 = arith.select %broadcast_in_dim3A_3918, %min3A_3915, %max3A_3916 : vector<256x128xi1>, vector<256x128xf32>
    %min3A_3920 = arith.minimumf %select_n3A_3862, %gather3A_3914 : vector<256x128xf32>
    %max3A_3921 = arith.maximumf %select_n3A_3862, %gather3A_3914 : vector<256x128xf32>
    %broadcast_in_dim3A_3922 = vector.shape_cast %eq3A_3894 : vector<1x128xi1> to vector<1x128xi1>
    %broadcast_in_dim3A_3923 = vector.broadcast %broadcast_in_dim3A_3922 : vector<1x128xi1> to vector<256x128xi1>
    %select_n3A_3924 = arith.select %broadcast_in_dim3A_3923, %min3A_3920, %max3A_3921 : vector<256x128xi1>, vector<256x128xf32>
    %xor3A_3925 = arith.constant 32 : i32
    %xor3A_3926 = vector.broadcast %xor3A_3925 : i32 to vector<1x128xi32>
    %xor3A_3927 = arith.xori %iota3A_802, %xor3A_3926 : vector<1x128xi32>
    %broadcast_in_dim3A_3928 = vector.shape_cast %xor3A_3927 : vector<1x128xi32> to vector<1x128xi32>
    %broadcast_in_dim3A_3929 = vector.broadcast %broadcast_in_dim3A_3928 : vector<1x128xi32> to vector<256x128xi32>
    %and3A_3930 = arith.constant 32 : i32
    %and3A_3931 = vector.broadcast %and3A_3930 : i32 to vector<1x128xi32>
    %and3A_3932 = arith.andi %iota3A_802, %and3A_3931 : vector<1x128xi32>
    %eq3A_3933 = arith.constant 0 : i32
    %eq3A_3934 = vector.broadcast %eq3A_3933 : i32 to vector<1x128xi32>
    %eq3A_3935 = arith.cmpi eq, %and3A_3932, %eq3A_3934 : vector<1x128xi32>
    %and3A_3936 = arith.constant 64 : i32
    %and3A_3937 = vector.broadcast %and3A_3936 : i32 to vector<1x128xi32>
    %and3A_3938 = arith.andi %iota3A_802, %and3A_3937 : vector<1x128xi32>
    %eq3A_3939 = arith.constant 0 : i32
    %eq3A_3940 = vector.broadcast %eq3A_3939 : i32 to vector<1x128xi32>
    %eq3A_3941 = arith.cmpi eq, %and3A_3938, %eq3A_3940 : vector<1x128xi32>
    %eq3A_3942 = arith.xori %eq3A_3935, %eq3A_3941 : vector<1x128xi1>
    %eq3A_3943 = arith.constant dense<true> : vector<1x128xi1>
    %eq3A_3944 = arith.xori %eq3A_3942, %eq3A_3943 : vector<1x128xi1>
    %add3A_3945 = arith.constant 128 : i32
    %add3A_3946 = vector.broadcast %add3A_3945 : i32 to vector<1x128xi32>
    %add3A_3947 = arith.addi %iota3A_802, %add3A_3946 : vector<1x128xi32>
    %and3A_3948 = arith.constant 64 : i32
    %and3A_3949 = vector.broadcast %and3A_3948 : i32 to vector<1x128xi32>
    %and3A_3950 = arith.andi %add3A_3947, %and3A_3949 : vector<1x128xi32>
    %eq3A_3951 = arith.constant 0 : i32
    %eq3A_3952 = vector.broadcast %eq3A_3951 : i32 to vector<1x128xi32>
    %eq3A_3953 = arith.cmpi eq, %and3A_3950, %eq3A_3952 : vector<1x128xi32>
    %eq3A_3954 = arith.xori %eq3A_3935, %eq3A_3953 : vector<1x128xi1>
    %eq3A_3955 = arith.constant dense<true> : vector<1x128xi1>
    %eq3A_3956 = arith.xori %eq3A_3954, %eq3A_3955 : vector<1x128xi1>
    %lt3A_3957 = arith.constant 0 : i32
    %lt3A_3958 = vector.broadcast %lt3A_3957 : i32 to vector<256x128xi32>
    %lt3A_3959 = arith.cmpi slt, %broadcast_in_dim3A_3929, %lt3A_3958 : vector<256x128xi32>
    %add3A_3960 = arith.constant 128 : i32
    %add3A_3961 = vector.broadcast %add3A_3960 : i32 to vector<256x128xi32>
    %add3A_3962 = arith.addi %broadcast_in_dim3A_3929, %add3A_3961 : vector<256x128xi32>
    %select_n3A_3963 = arith.select %lt3A_3959, %add3A_3962, %broadcast_in_dim3A_3929 : vector<256x128xi1>, vector<256x128xi32>
    %reshape3A_3964 = vector.shape_cast %select_n3A_3963 : vector<256x128xi32> to vector<256x128x1xi32>
    %gather3A_3965 = vector.shape_cast %reshape3A_3964 : vector<256x128x1xi32> to vector<256x128xi32>
    %gather3A_3966 = tpu.dynamic_gather %select_n3A_3919[%gather3A_3965] in [1] : vector<256x128xf32>, vector<256x128xi32> -> vector<256x128xf32>
    %lt3A_3967 = arith.constant 0 : i32
    %lt3A_3968 = vector.broadcast %lt3A_3967 : i32 to vector<256x128xi32>
    %lt3A_3969 = arith.cmpi slt, %broadcast_in_dim3A_3929, %lt3A_3968 : vector<256x128xi32>
    %add3A_3970 = arith.constant 128 : i32
    %add3A_3971 = vector.broadcast %add3A_3970 : i32 to vector<256x128xi32>
    %add3A_3972 = arith.addi %broadcast_in_dim3A_3929, %add3A_3971 : vector<256x128xi32>
    %select_n3A_3973 = arith.select %lt3A_3969, %add3A_3972, %broadcast_in_dim3A_3929 : vector<256x128xi1>, vector<256x128xi32>
    %reshape3A_3974 = vector.shape_cast %select_n3A_3973 : vector<256x128xi32> to vector<256x128x1xi32>
    %gather3A_3975 = vector.shape_cast %reshape3A_3974 : vector<256x128x1xi32> to vector<256x128xi32>
    %gather3A_3976 = tpu.dynamic_gather %select_n3A_3924[%gather3A_3975] in [1] : vector<256x128xf32>, vector<256x128xi32> -> vector<256x128xf32>
    %min3A_3977 = arith.minimumf %select_n3A_3919, %gather3A_3966 : vector<256x128xf32>
    %max3A_3978 = arith.maximumf %select_n3A_3919, %gather3A_3966 : vector<256x128xf32>
    %broadcast_in_dim3A_3979 = vector.shape_cast %eq3A_3944 : vector<1x128xi1> to vector<1x128xi1>
    %broadcast_in_dim3A_3980 = vector.broadcast %broadcast_in_dim3A_3979 : vector<1x128xi1> to vector<256x128xi1>
    %select_n3A_3981 = arith.select %broadcast_in_dim3A_3980, %min3A_3977, %max3A_3978 : vector<256x128xi1>, vector<256x128xf32>
    %min3A_3982 = arith.minimumf %select_n3A_3924, %gather3A_3976 : vector<256x128xf32>
    %max3A_3983 = arith.maximumf %select_n3A_3924, %gather3A_3976 : vector<256x128xf32>
    %broadcast_in_dim3A_3984 = vector.shape_cast %eq3A_3956 : vector<1x128xi1> to vector<1x128xi1>
    %broadcast_in_dim3A_3985 = vector.broadcast %broadcast_in_dim3A_3984 : vector<1x128xi1> to vector<256x128xi1>
    %select_n3A_3986 = arith.select %broadcast_in_dim3A_3985, %min3A_3982, %max3A_3983 : vector<256x128xi1>, vector<256x128xf32>
    %xor3A_3987 = arith.constant 16 : i32
    %xor3A_3988 = vector.broadcast %xor3A_3987 : i32 to vector<1x128xi32>
    %xor3A_3989 = arith.xori %iota3A_802, %xor3A_3988 : vector<1x128xi32>
    %broadcast_in_dim3A_3990 = vector.shape_cast %xor3A_3989 : vector<1x128xi32> to vector<1x128xi32>
    %broadcast_in_dim3A_3991 = vector.broadcast %broadcast_in_dim3A_3990 : vector<1x128xi32> to vector<256x128xi32>
    %and3A_3992 = arith.constant 16 : i32
    %and3A_3993 = vector.broadcast %and3A_3992 : i32 to vector<1x128xi32>
    %and3A_3994 = arith.andi %iota3A_802, %and3A_3993 : vector<1x128xi32>
    %eq3A_3995 = arith.constant 0 : i32
    %eq3A_3996 = vector.broadcast %eq3A_3995 : i32 to vector<1x128xi32>
    %eq3A_3997 = arith.cmpi eq, %and3A_3994, %eq3A_3996 : vector<1x128xi32>
    %and3A_3998 = arith.constant 64 : i32
    %and3A_3999 = vector.broadcast %and3A_3998 : i32 to vector<1x128xi32>
    %and3A_4000 = arith.andi %iota3A_802, %and3A_3999 : vector<1x128xi32>
    %eq3A_4001 = arith.constant 0 : i32
    %eq3A_4002 = vector.broadcast %eq3A_4001 : i32 to vector<1x128xi32>
    %eq3A_4003 = arith.cmpi eq, %and3A_4000, %eq3A_4002 : vector<1x128xi32>
    %eq3A_4004 = arith.xori %eq3A_3997, %eq3A_4003 : vector<1x128xi1>
    %eq3A_4005 = arith.constant dense<true> : vector<1x128xi1>
    %eq3A_4006 = arith.xori %eq3A_4004, %eq3A_4005 : vector<1x128xi1>
    %add3A_4007 = arith.constant 128 : i32
    %add3A_4008 = vector.broadcast %add3A_4007 : i32 to vector<1x128xi32>
    %add3A_4009 = arith.addi %iota3A_802, %add3A_4008 : vector<1x128xi32>
    %and3A_4010 = arith.constant 64 : i32
    %and3A_4011 = vector.broadcast %and3A_4010 : i32 to vector<1x128xi32>
    %and3A_4012 = arith.andi %add3A_4009, %and3A_4011 : vector<1x128xi32>
    %eq3A_4013 = arith.constant 0 : i32
    %eq3A_4014 = vector.broadcast %eq3A_4013 : i32 to vector<1x128xi32>
    %eq3A_4015 = arith.cmpi eq, %and3A_4012, %eq3A_4014 : vector<1x128xi32>
    %eq3A_4016 = arith.xori %eq3A_3997, %eq3A_4015 : vector<1x128xi1>
    %eq3A_4017 = arith.constant dense<true> : vector<1x128xi1>
    %eq3A_4018 = arith.xori %eq3A_4016, %eq3A_4017 : vector<1x128xi1>
    %lt3A_4019 = arith.constant 0 : i32
    %lt3A_4020 = vector.broadcast %lt3A_4019 : i32 to vector<256x128xi32>
    %lt3A_4021 = arith.cmpi slt, %broadcast_in_dim3A_3991, %lt3A_4020 : vector<256x128xi32>
    %add3A_4022 = arith.constant 128 : i32
    %add3A_4023 = vector.broadcast %add3A_4022 : i32 to vector<256x128xi32>
    %add3A_4024 = arith.addi %broadcast_in_dim3A_3991, %add3A_4023 : vector<256x128xi32>
    %select_n3A_4025 = arith.select %lt3A_4021, %add3A_4024, %broadcast_in_dim3A_3991 : vector<256x128xi1>, vector<256x128xi32>
    %reshape3A_4026 = vector.shape_cast %select_n3A_4025 : vector<256x128xi32> to vector<256x128x1xi32>
    %gather3A_4027 = vector.shape_cast %reshape3A_4026 : vector<256x128x1xi32> to vector<256x128xi32>
    %gather3A_4028 = tpu.dynamic_gather %select_n3A_3981[%gather3A_4027] in [1] : vector<256x128xf32>, vector<256x128xi32> -> vector<256x128xf32>
    %lt3A_4029 = arith.constant 0 : i32
    %lt3A_4030 = vector.broadcast %lt3A_4029 : i32 to vector<256x128xi32>
    %lt3A_4031 = arith.cmpi slt, %broadcast_in_dim3A_3991, %lt3A_4030 : vector<256x128xi32>
    %add3A_4032 = arith.constant 128 : i32
    %add3A_4033 = vector.broadcast %add3A_4032 : i32 to vector<256x128xi32>
    %add3A_4034 = arith.addi %broadcast_in_dim3A_3991, %add3A_4033 : vector<256x128xi32>
    %select_n3A_4035 = arith.select %lt3A_4031, %add3A_4034, %broadcast_in_dim3A_3991 : vector<256x128xi1>, vector<256x128xi32>
    %reshape3A_4036 = vector.shape_cast %select_n3A_4035 : vector<256x128xi32> to vector<256x128x1xi32>
    %gather3A_4037 = vector.shape_cast %reshape3A_4036 : vector<256x128x1xi32> to vector<256x128xi32>
    %gather3A_4038 = tpu.dynamic_gather %select_n3A_3986[%gather3A_4037] in [1] : vector<256x128xf32>, vector<256x128xi32> -> vector<256x128xf32>
    %min3A_4039 = arith.minimumf %select_n3A_3981, %gather3A_4028 : vector<256x128xf32>
    %max3A_4040 = arith.maximumf %select_n3A_3981, %gather3A_4028 : vector<256x128xf32>
    %broadcast_in_dim3A_4041 = vector.shape_cast %eq3A_4006 : vector<1x128xi1> to vector<1x128xi1>
    %broadcast_in_dim3A_4042 = vector.broadcast %broadcast_in_dim3A_4041 : vector<1x128xi1> to vector<256x128xi1>
    %select_n3A_4043 = arith.select %broadcast_in_dim3A_4042, %min3A_4039, %max3A_4040 : vector<256x128xi1>, vector<256x128xf32>
    %min3A_4044 = arith.minimumf %select_n3A_3986, %gather3A_4038 : vector<256x128xf32>
    %max3A_4045 = arith.maximumf %select_n3A_3986, %gather3A_4038 : vector<256x128xf32>
    %broadcast_in_dim3A_4046 = vector.shape_cast %eq3A_4018 : vector<1x128xi1> to vector<1x128xi1>
    %broadcast_in_dim3A_4047 = vector.broadcast %broadcast_in_dim3A_4046 : vector<1x128xi1> to vector<256x128xi1>
    %select_n3A_4048 = arith.select %broadcast_in_dim3A_4047, %min3A_4044, %max3A_4045 : vector<256x128xi1>, vector<256x128xf32>
    %xor3A_4049 = arith.constant 8 : i32
    %xor3A_4050 = vector.broadcast %xor3A_4049 : i32 to vector<1x128xi32>
    %xor3A_4051 = arith.xori %iota3A_802, %xor3A_4050 : vector<1x128xi32>
    %broadcast_in_dim3A_4052 = vector.shape_cast %xor3A_4051 : vector<1x128xi32> to vector<1x128xi32>
    %broadcast_in_dim3A_4053 = vector.broadcast %broadcast_in_dim3A_4052 : vector<1x128xi32> to vector<256x128xi32>
    %and3A_4054 = arith.constant 8 : i32
    %and3A_4055 = vector.broadcast %and3A_4054 : i32 to vector<1x128xi32>
    %and3A_4056 = arith.andi %iota3A_802, %and3A_4055 : vector<1x128xi32>
    %eq3A_4057 = arith.constant 0 : i32
    %eq3A_4058 = vector.broadcast %eq3A_4057 : i32 to vector<1x128xi32>
    %eq3A_4059 = arith.cmpi eq, %and3A_4056, %eq3A_4058 : vector<1x128xi32>
    %and3A_4060 = arith.constant 64 : i32
    %and3A_4061 = vector.broadcast %and3A_4060 : i32 to vector<1x128xi32>
    %and3A_4062 = arith.andi %iota3A_802, %and3A_4061 : vector<1x128xi32>
    %eq3A_4063 = arith.constant 0 : i32
    %eq3A_4064 = vector.broadcast %eq3A_4063 : i32 to vector<1x128xi32>
    %eq3A_4065 = arith.cmpi eq, %and3A_4062, %eq3A_4064 : vector<1x128xi32>
    %eq3A_4066 = arith.xori %eq3A_4059, %eq3A_4065 : vector<1x128xi1>
    %eq3A_4067 = arith.constant dense<true> : vector<1x128xi1>
    %eq3A_4068 = arith.xori %eq3A_4066, %eq3A_4067 : vector<1x128xi1>
    %add3A_4069 = arith.constant 128 : i32
    %add3A_4070 = vector.broadcast %add3A_4069 : i32 to vector<1x128xi32>
    %add3A_4071 = arith.addi %iota3A_802, %add3A_4070 : vector<1x128xi32>
    %and3A_4072 = arith.constant 64 : i32
    %and3A_4073 = vector.broadcast %and3A_4072 : i32 to vector<1x128xi32>
    %and3A_4074 = arith.andi %add3A_4071, %and3A_4073 : vector<1x128xi32>
    %eq3A_4075 = arith.constant 0 : i32
    %eq3A_4076 = vector.broadcast %eq3A_4075 : i32 to vector<1x128xi32>
    %eq3A_4077 = arith.cmpi eq, %and3A_4074, %eq3A_4076 : vector<1x128xi32>
    %eq3A_4078 = arith.xori %eq3A_4059, %eq3A_4077 : vector<1x128xi1>
    %eq3A_4079 = arith.constant dense<true> : vector<1x128xi1>
    %eq3A_4080 = arith.xori %eq3A_4078, %eq3A_4079 : vector<1x128xi1>
    %lt3A_4081 = arith.constant 0 : i32
    %lt3A_4082 = vector.broadcast %lt3A_4081 : i32 to vector<256x128xi32>
    %lt3A_4083 = arith.cmpi slt, %broadcast_in_dim3A_4053, %lt3A_4082 : vector<256x128xi32>
    %add3A_4084 = arith.constant 128 : i32
    %add3A_4085 = vector.broadcast %add3A_4084 : i32 to vector<256x128xi32>
    %add3A_4086 = arith.addi %broadcast_in_dim3A_4053, %add3A_4085 : vector<256x128xi32>
    %select_n3A_4087 = arith.select %lt3A_4083, %add3A_4086, %broadcast_in_dim3A_4053 : vector<256x128xi1>, vector<256x128xi32>
    %reshape3A_4088 = vector.shape_cast %select_n3A_4087 : vector<256x128xi32> to vector<256x128x1xi32>
    %gather3A_4089 = vector.shape_cast %reshape3A_4088 : vector<256x128x1xi32> to vector<256x128xi32>
    %gather3A_4090 = tpu.dynamic_gather %select_n3A_4043[%gather3A_4089] in [1] : vector<256x128xf32>, vector<256x128xi32> -> vector<256x128xf32>
    %lt3A_4091 = arith.constant 0 : i32
    %lt3A_4092 = vector.broadcast %lt3A_4091 : i32 to vector<256x128xi32>
    %lt3A_4093 = arith.cmpi slt, %broadcast_in_dim3A_4053, %lt3A_4092 : vector<256x128xi32>
    %add3A_4094 = arith.constant 128 : i32
    %add3A_4095 = vector.broadcast %add3A_4094 : i32 to vector<256x128xi32>
    %add3A_4096 = arith.addi %broadcast_in_dim3A_4053, %add3A_4095 : vector<256x128xi32>
    %select_n3A_4097 = arith.select %lt3A_4093, %add3A_4096, %broadcast_in_dim3A_4053 : vector<256x128xi1>, vector<256x128xi32>
    %reshape3A_4098 = vector.shape_cast %select_n3A_4097 : vector<256x128xi32> to vector<256x128x1xi32>
    %gather3A_4099 = vector.shape_cast %reshape3A_4098 : vector<256x128x1xi32> to vector<256x128xi32>
    %gather3A_4100 = tpu.dynamic_gather %select_n3A_4048[%gather3A_4099] in [1] : vector<256x128xf32>, vector<256x128xi32> -> vector<256x128xf32>
    %min3A_4101 = arith.minimumf %select_n3A_4043, %gather3A_4090 : vector<256x128xf32>
    %max3A_4102 = arith.maximumf %select_n3A_4043, %gather3A_4090 : vector<256x128xf32>
    %broadcast_in_dim3A_4103 = vector.shape_cast %eq3A_4068 : vector<1x128xi1> to vector<1x128xi1>
    %broadcast_in_dim3A_4104 = vector.broadcast %broadcast_in_dim3A_4103 : vector<1x128xi1> to vector<256x128xi1>
    %select_n3A_4105 = arith.select %broadcast_in_dim3A_4104, %min3A_4101, %max3A_4102 : vector<256x128xi1>, vector<256x128xf32>
    %min3A_4106 = arith.minimumf %select_n3A_4048, %gather3A_4100 : vector<256x128xf32>
    %max3A_4107 = arith.maximumf %select_n3A_4048, %gather3A_4100 : vector<256x128xf32>
    %broadcast_in_dim3A_4108 = vector.shape_cast %eq3A_4080 : vector<1x128xi1> to vector<1x128xi1>
    %broadcast_in_dim3A_4109 = vector.broadcast %broadcast_in_dim3A_4108 : vector<1x128xi1> to vector<256x128xi1>
    %select_n3A_4110 = arith.select %broadcast_in_dim3A_4109, %min3A_4106, %max3A_4107 : vector<256x128xi1>, vector<256x128xf32>
    %xor3A_4111 = arith.constant 4 : i32
    %xor3A_4112 = vector.broadcast %xor3A_4111 : i32 to vector<1x128xi32>
    %xor3A_4113 = arith.xori %iota3A_802, %xor3A_4112 : vector<1x128xi32>
    %broadcast_in_dim3A_4114 = vector.shape_cast %xor3A_4113 : vector<1x128xi32> to vector<1x128xi32>
    %broadcast_in_dim3A_4115 = vector.broadcast %broadcast_in_dim3A_4114 : vector<1x128xi32> to vector<256x128xi32>
    %and3A_4116 = arith.constant 4 : i32
    %and3A_4117 = vector.broadcast %and3A_4116 : i32 to vector<1x128xi32>
    %and3A_4118 = arith.andi %iota3A_802, %and3A_4117 : vector<1x128xi32>
    %eq3A_4119 = arith.constant 0 : i32
    %eq3A_4120 = vector.broadcast %eq3A_4119 : i32 to vector<1x128xi32>
    %eq3A_4121 = arith.cmpi eq, %and3A_4118, %eq3A_4120 : vector<1x128xi32>
    %and3A_4122 = arith.constant 64 : i32
    %and3A_4123 = vector.broadcast %and3A_4122 : i32 to vector<1x128xi32>
    %and3A_4124 = arith.andi %iota3A_802, %and3A_4123 : vector<1x128xi32>
    %eq3A_4125 = arith.constant 0 : i32
    %eq3A_4126 = vector.broadcast %eq3A_4125 : i32 to vector<1x128xi32>
    %eq3A_4127 = arith.cmpi eq, %and3A_4124, %eq3A_4126 : vector<1x128xi32>
    %eq3A_4128 = arith.xori %eq3A_4121, %eq3A_4127 : vector<1x128xi1>
    %eq3A_4129 = arith.constant dense<true> : vector<1x128xi1>
    %eq3A_4130 = arith.xori %eq3A_4128, %eq3A_4129 : vector<1x128xi1>
    %add3A_4131 = arith.constant 128 : i32
    %add3A_4132 = vector.broadcast %add3A_4131 : i32 to vector<1x128xi32>
    %add3A_4133 = arith.addi %iota3A_802, %add3A_4132 : vector<1x128xi32>
    %and3A_4134 = arith.constant 64 : i32
    %and3A_4135 = vector.broadcast %and3A_4134 : i32 to vector<1x128xi32>
    %and3A_4136 = arith.andi %add3A_4133, %and3A_4135 : vector<1x128xi32>
    %eq3A_4137 = arith.constant 0 : i32
    %eq3A_4138 = vector.broadcast %eq3A_4137 : i32 to vector<1x128xi32>
    %eq3A_4139 = arith.cmpi eq, %and3A_4136, %eq3A_4138 : vector<1x128xi32>
    %eq3A_4140 = arith.xori %eq3A_4121, %eq3A_4139 : vector<1x128xi1>
    %eq3A_4141 = arith.constant dense<true> : vector<1x128xi1>
    %eq3A_4142 = arith.xori %eq3A_4140, %eq3A_4141 : vector<1x128xi1>
    %lt3A_4143 = arith.constant 0 : i32
    %lt3A_4144 = vector.broadcast %lt3A_4143 : i32 to vector<256x128xi32>
    %lt3A_4145 = arith.cmpi slt, %broadcast_in_dim3A_4115, %lt3A_4144 : vector<256x128xi32>
    %add3A_4146 = arith.constant 128 : i32
    %add3A_4147 = vector.broadcast %add3A_4146 : i32 to vector<256x128xi32>
    %add3A_4148 = arith.addi %broadcast_in_dim3A_4115, %add3A_4147 : vector<256x128xi32>
    %select_n3A_4149 = arith.select %lt3A_4145, %add3A_4148, %broadcast_in_dim3A_4115 : vector<256x128xi1>, vector<256x128xi32>
    %reshape3A_4150 = vector.shape_cast %select_n3A_4149 : vector<256x128xi32> to vector<256x128x1xi32>
    %gather3A_4151 = vector.shape_cast %reshape3A_4150 : vector<256x128x1xi32> to vector<256x128xi32>
    %gather3A_4152 = tpu.dynamic_gather %select_n3A_4105[%gather3A_4151] in [1] : vector<256x128xf32>, vector<256x128xi32> -> vector<256x128xf32>
    %lt3A_4153 = arith.constant 0 : i32
    %lt3A_4154 = vector.broadcast %lt3A_4153 : i32 to vector<256x128xi32>
    %lt3A_4155 = arith.cmpi slt, %broadcast_in_dim3A_4115, %lt3A_4154 : vector<256x128xi32>
    %add3A_4156 = arith.constant 128 : i32
    %add3A_4157 = vector.broadcast %add3A_4156 : i32 to vector<256x128xi32>
    %add3A_4158 = arith.addi %broadcast_in_dim3A_4115, %add3A_4157 : vector<256x128xi32>
    %select_n3A_4159 = arith.select %lt3A_4155, %add3A_4158, %broadcast_in_dim3A_4115 : vector<256x128xi1>, vector<256x128xi32>
    %reshape3A_4160 = vector.shape_cast %select_n3A_4159 : vector<256x128xi32> to vector<256x128x1xi32>
    %gather3A_4161 = vector.shape_cast %reshape3A_4160 : vector<256x128x1xi32> to vector<256x128xi32>
    %gather3A_4162 = tpu.dynamic_gather %select_n3A_4110[%gather3A_4161] in [1] : vector<256x128xf32>, vector<256x128xi32> -> vector<256x128xf32>
    %min3A_4163 = arith.minimumf %select_n3A_4105, %gather3A_4152 : vector<256x128xf32>
    %max3A_4164 = arith.maximumf %select_n3A_4105, %gather3A_4152 : vector<256x128xf32>
    %broadcast_in_dim3A_4165 = vector.shape_cast %eq3A_4130 : vector<1x128xi1> to vector<1x128xi1>
    %broadcast_in_dim3A_4166 = vector.broadcast %broadcast_in_dim3A_4165 : vector<1x128xi1> to vector<256x128xi1>
    %select_n3A_4167 = arith.select %broadcast_in_dim3A_4166, %min3A_4163, %max3A_4164 : vector<256x128xi1>, vector<256x128xf32>
    %min3A_4168 = arith.minimumf %select_n3A_4110, %gather3A_4162 : vector<256x128xf32>
    %max3A_4169 = arith.maximumf %select_n3A_4110, %gather3A_4162 : vector<256x128xf32>
    %broadcast_in_dim3A_4170 = vector.shape_cast %eq3A_4142 : vector<1x128xi1> to vector<1x128xi1>
    %broadcast_in_dim3A_4171 = vector.broadcast %broadcast_in_dim3A_4170 : vector<1x128xi1> to vector<256x128xi1>
    %select_n3A_4172 = arith.select %broadcast_in_dim3A_4171, %min3A_4168, %max3A_4169 : vector<256x128xi1>, vector<256x128xf32>
    %xor3A_4173 = arith.constant 2 : i32
    %xor3A_4174 = vector.broadcast %xor3A_4173 : i32 to vector<1x128xi32>
    %xor3A_4175 = arith.xori %iota3A_802, %xor3A_4174 : vector<1x128xi32>
    %broadcast_in_dim3A_4176 = vector.shape_cast %xor3A_4175 : vector<1x128xi32> to vector<1x128xi32>
    %broadcast_in_dim3A_4177 = vector.broadcast %broadcast_in_dim3A_4176 : vector<1x128xi32> to vector<256x128xi32>
    %and3A_4178 = arith.constant 2 : i32
    %and3A_4179 = vector.broadcast %and3A_4178 : i32 to vector<1x128xi32>
    %and3A_4180 = arith.andi %iota3A_802, %and3A_4179 : vector<1x128xi32>
    %eq3A_4181 = arith.constant 0 : i32
    %eq3A_4182 = vector.broadcast %eq3A_4181 : i32 to vector<1x128xi32>
    %eq3A_4183 = arith.cmpi eq, %and3A_4180, %eq3A_4182 : vector<1x128xi32>
    %and3A_4184 = arith.constant 64 : i32
    %and3A_4185 = vector.broadcast %and3A_4184 : i32 to vector<1x128xi32>
    %and3A_4186 = arith.andi %iota3A_802, %and3A_4185 : vector<1x128xi32>
    %eq3A_4187 = arith.constant 0 : i32
    %eq3A_4188 = vector.broadcast %eq3A_4187 : i32 to vector<1x128xi32>
    %eq3A_4189 = arith.cmpi eq, %and3A_4186, %eq3A_4188 : vector<1x128xi32>
    %eq3A_4190 = arith.xori %eq3A_4183, %eq3A_4189 : vector<1x128xi1>
    %eq3A_4191 = arith.constant dense<true> : vector<1x128xi1>
    %eq3A_4192 = arith.xori %eq3A_4190, %eq3A_4191 : vector<1x128xi1>
    %add3A_4193 = arith.constant 128 : i32
    %add3A_4194 = vector.broadcast %add3A_4193 : i32 to vector<1x128xi32>
    %add3A_4195 = arith.addi %iota3A_802, %add3A_4194 : vector<1x128xi32>
    %and3A_4196 = arith.constant 64 : i32
    %and3A_4197 = vector.broadcast %and3A_4196 : i32 to vector<1x128xi32>
    %and3A_4198 = arith.andi %add3A_4195, %and3A_4197 : vector<1x128xi32>
    %eq3A_4199 = arith.constant 0 : i32
    %eq3A_4200 = vector.broadcast %eq3A_4199 : i32 to vector<1x128xi32>
    %eq3A_4201 = arith.cmpi eq, %and3A_4198, %eq3A_4200 : vector<1x128xi32>
    %eq3A_4202 = arith.xori %eq3A_4183, %eq3A_4201 : vector<1x128xi1>
    %eq3A_4203 = arith.constant dense<true> : vector<1x128xi1>
    %eq3A_4204 = arith.xori %eq3A_4202, %eq3A_4203 : vector<1x128xi1>
    %lt3A_4205 = arith.constant 0 : i32
    %lt3A_4206 = vector.broadcast %lt3A_4205 : i32 to vector<256x128xi32>
    %lt3A_4207 = arith.cmpi slt, %broadcast_in_dim3A_4177, %lt3A_4206 : vector<256x128xi32>
    %add3A_4208 = arith.constant 128 : i32
    %add3A_4209 = vector.broadcast %add3A_4208 : i32 to vector<256x128xi32>
    %add3A_4210 = arith.addi %broadcast_in_dim3A_4177, %add3A_4209 : vector<256x128xi32>
    %select_n3A_4211 = arith.select %lt3A_4207, %add3A_4210, %broadcast_in_dim3A_4177 : vector<256x128xi1>, vector<256x128xi32>
    %reshape3A_4212 = vector.shape_cast %select_n3A_4211 : vector<256x128xi32> to vector<256x128x1xi32>
    %gather3A_4213 = vector.shape_cast %reshape3A_4212 : vector<256x128x1xi32> to vector<256x128xi32>
    %gather3A_4214 = tpu.dynamic_gather %select_n3A_4167[%gather3A_4213] in [1] : vector<256x128xf32>, vector<256x128xi32> -> vector<256x128xf32>
    %lt3A_4215 = arith.constant 0 : i32
    %lt3A_4216 = vector.broadcast %lt3A_4215 : i32 to vector<256x128xi32>
    %lt3A_4217 = arith.cmpi slt, %broadcast_in_dim3A_4177, %lt3A_4216 : vector<256x128xi32>
    %add3A_4218 = arith.constant 128 : i32
    %add3A_4219 = vector.broadcast %add3A_4218 : i32 to vector<256x128xi32>
    %add3A_4220 = arith.addi %broadcast_in_dim3A_4177, %add3A_4219 : vector<256x128xi32>
    %select_n3A_4221 = arith.select %lt3A_4217, %add3A_4220, %broadcast_in_dim3A_4177 : vector<256x128xi1>, vector<256x128xi32>
    %reshape3A_4222 = vector.shape_cast %select_n3A_4221 : vector<256x128xi32> to vector<256x128x1xi32>
    %gather3A_4223 = vector.shape_cast %reshape3A_4222 : vector<256x128x1xi32> to vector<256x128xi32>
    %gather3A_4224 = tpu.dynamic_gather %select_n3A_4172[%gather3A_4223] in [1] : vector<256x128xf32>, vector<256x128xi32> -> vector<256x128xf32>
    %min3A_4225 = arith.minimumf %select_n3A_4167, %gather3A_4214 : vector<256x128xf32>
    %max3A_4226 = arith.maximumf %select_n3A_4167, %gather3A_4214 : vector<256x128xf32>
    %broadcast_in_dim3A_4227 = vector.shape_cast %eq3A_4192 : vector<1x128xi1> to vector<1x128xi1>
    %broadcast_in_dim3A_4228 = vector.broadcast %broadcast_in_dim3A_4227 : vector<1x128xi1> to vector<256x128xi1>
    %select_n3A_4229 = arith.select %broadcast_in_dim3A_4228, %min3A_4225, %max3A_4226 : vector<256x128xi1>, vector<256x128xf32>
    %min3A_4230 = arith.minimumf %select_n3A_4172, %gather3A_4224 : vector<256x128xf32>
    %max3A_4231 = arith.maximumf %select_n3A_4172, %gather3A_4224 : vector<256x128xf32>
    %broadcast_in_dim3A_4232 = vector.shape_cast %eq3A_4204 : vector<1x128xi1> to vector<1x128xi1>
    %broadcast_in_dim3A_4233 = vector.broadcast %broadcast_in_dim3A_4232 : vector<1x128xi1> to vector<256x128xi1>
    %select_n3A_4234 = arith.select %broadcast_in_dim3A_4233, %min3A_4230, %max3A_4231 : vector<256x128xi1>, vector<256x128xf32>
    %xor3A_4235 = arith.constant 1 : i32
    %xor3A_4236 = vector.broadcast %xor3A_4235 : i32 to vector<1x128xi32>
    %xor3A_4237 = arith.xori %iota3A_802, %xor3A_4236 : vector<1x128xi32>
    %broadcast_in_dim3A_4238 = vector.shape_cast %xor3A_4237 : vector<1x128xi32> to vector<1x128xi32>
    %broadcast_in_dim3A_4239 = vector.broadcast %broadcast_in_dim3A_4238 : vector<1x128xi32> to vector<256x128xi32>
    %and3A_4240 = arith.constant 1 : i32
    %and3A_4241 = vector.broadcast %and3A_4240 : i32 to vector<1x128xi32>
    %and3A_4242 = arith.andi %iota3A_802, %and3A_4241 : vector<1x128xi32>
    %eq3A_4243 = arith.constant 0 : i32
    %eq3A_4244 = vector.broadcast %eq3A_4243 : i32 to vector<1x128xi32>
    %eq3A_4245 = arith.cmpi eq, %and3A_4242, %eq3A_4244 : vector<1x128xi32>
    %and3A_4246 = arith.constant 64 : i32
    %and3A_4247 = vector.broadcast %and3A_4246 : i32 to vector<1x128xi32>
    %and3A_4248 = arith.andi %iota3A_802, %and3A_4247 : vector<1x128xi32>
    %eq3A_4249 = arith.constant 0 : i32
    %eq3A_4250 = vector.broadcast %eq3A_4249 : i32 to vector<1x128xi32>
    %eq3A_4251 = arith.cmpi eq, %and3A_4248, %eq3A_4250 : vector<1x128xi32>
    %eq3A_4252 = arith.xori %eq3A_4245, %eq3A_4251 : vector<1x128xi1>
    %eq3A_4253 = arith.constant dense<true> : vector<1x128xi1>
    %eq3A_4254 = arith.xori %eq3A_4252, %eq3A_4253 : vector<1x128xi1>
    %add3A_4255 = arith.constant 128 : i32
    %add3A_4256 = vector.broadcast %add3A_4255 : i32 to vector<1x128xi32>
    %add3A_4257 = arith.addi %iota3A_802, %add3A_4256 : vector<1x128xi32>
    %and3A_4258 = arith.constant 64 : i32
    %and3A_4259 = vector.broadcast %and3A_4258 : i32 to vector<1x128xi32>
    %and3A_4260 = arith.andi %add3A_4257, %and3A_4259 : vector<1x128xi32>
    %eq3A_4261 = arith.constant 0 : i32
    %eq3A_4262 = vector.broadcast %eq3A_4261 : i32 to vector<1x128xi32>
    %eq3A_4263 = arith.cmpi eq, %and3A_4260, %eq3A_4262 : vector<1x128xi32>
    %eq3A_4264 = arith.xori %eq3A_4245, %eq3A_4263 : vector<1x128xi1>
    %eq3A_4265 = arith.constant dense<true> : vector<1x128xi1>
    %eq3A_4266 = arith.xori %eq3A_4264, %eq3A_4265 : vector<1x128xi1>
    %lt3A_4267 = arith.constant 0 : i32
    %lt3A_4268 = vector.broadcast %lt3A_4267 : i32 to vector<256x128xi32>
    %lt3A_4269 = arith.cmpi slt, %broadcast_in_dim3A_4239, %lt3A_4268 : vector<256x128xi32>
    %add3A_4270 = arith.constant 128 : i32
    %add3A_4271 = vector.broadcast %add3A_4270 : i32 to vector<256x128xi32>
    %add3A_4272 = arith.addi %broadcast_in_dim3A_4239, %add3A_4271 : vector<256x128xi32>
    %select_n3A_4273 = arith.select %lt3A_4269, %add3A_4272, %broadcast_in_dim3A_4239 : vector<256x128xi1>, vector<256x128xi32>
    %reshape3A_4274 = vector.shape_cast %select_n3A_4273 : vector<256x128xi32> to vector<256x128x1xi32>
    %gather3A_4275 = vector.shape_cast %reshape3A_4274 : vector<256x128x1xi32> to vector<256x128xi32>
    %gather3A_4276 = tpu.dynamic_gather %select_n3A_4229[%gather3A_4275] in [1] : vector<256x128xf32>, vector<256x128xi32> -> vector<256x128xf32>
    %lt3A_4277 = arith.constant 0 : i32
    %lt3A_4278 = vector.broadcast %lt3A_4277 : i32 to vector<256x128xi32>
    %lt3A_4279 = arith.cmpi slt, %broadcast_in_dim3A_4239, %lt3A_4278 : vector<256x128xi32>
    %add3A_4280 = arith.constant 128 : i32
    %add3A_4281 = vector.broadcast %add3A_4280 : i32 to vector<256x128xi32>
    %add3A_4282 = arith.addi %broadcast_in_dim3A_4239, %add3A_4281 : vector<256x128xi32>
    %select_n3A_4283 = arith.select %lt3A_4279, %add3A_4282, %broadcast_in_dim3A_4239 : vector<256x128xi1>, vector<256x128xi32>
    %reshape3A_4284 = vector.shape_cast %select_n3A_4283 : vector<256x128xi32> to vector<256x128x1xi32>
    %gather3A_4285 = vector.shape_cast %reshape3A_4284 : vector<256x128x1xi32> to vector<256x128xi32>
    %gather3A_4286 = tpu.dynamic_gather %select_n3A_4234[%gather3A_4285] in [1] : vector<256x128xf32>, vector<256x128xi32> -> vector<256x128xf32>
    %min3A_4287 = arith.minimumf %select_n3A_4229, %gather3A_4276 : vector<256x128xf32>
    %max3A_4288 = arith.maximumf %select_n3A_4229, %gather3A_4276 : vector<256x128xf32>
    %broadcast_in_dim3A_4289 = vector.shape_cast %eq3A_4254 : vector<1x128xi1> to vector<1x128xi1>
    %broadcast_in_dim3A_4290 = vector.broadcast %broadcast_in_dim3A_4289 : vector<1x128xi1> to vector<256x128xi1>
    %select_n3A_4291 = arith.select %broadcast_in_dim3A_4290, %min3A_4287, %max3A_4288 : vector<256x128xi1>, vector<256x128xf32>
    %min3A_4292 = arith.minimumf %select_n3A_4234, %gather3A_4286 : vector<256x128xf32>
    %max3A_4293 = arith.maximumf %select_n3A_4234, %gather3A_4286 : vector<256x128xf32>
    %broadcast_in_dim3A_4294 = vector.shape_cast %eq3A_4266 : vector<1x128xi1> to vector<1x128xi1>
    %broadcast_in_dim3A_4295 = vector.broadcast %broadcast_in_dim3A_4294 : vector<1x128xi1> to vector<256x128xi1>
    %select_n3A_4296 = arith.select %broadcast_in_dim3A_4295, %min3A_4292, %max3A_4293 : vector<256x128xi1>, vector<256x128xf32>
    %roll3A_4297 = arith.constant 64 : i32
    %roll3A_4298 = tpu.dynamic_rotate %select_n3A_4291 by %roll3A_4297 dim 1 : vector<256x128xf32>, i32 -> vector<256x128xf32>
    %roll3A_4299 = arith.constant 64 : i32
    %roll3A_4300 = tpu.dynamic_rotate %select_n3A_4296 by %roll3A_4299 dim 1 : vector<256x128xf32>, i32 -> vector<256x128xf32>
    %and3A_4301 = arith.constant 64 : i32
    %and3A_4302 = vector.broadcast %and3A_4301 : i32 to vector<1x128xi32>
    %and3A_4303 = arith.andi %iota3A_802, %and3A_4302 : vector<1x128xi32>
    %eq3A_4304 = arith.constant 0 : i32
    %eq3A_4305 = vector.broadcast %eq3A_4304 : i32 to vector<1x128xi32>
    %eq3A_4306 = arith.cmpi eq, %and3A_4303, %eq3A_4305 : vector<1x128xi32>
    %and3A_4307 = arith.constant 128 : i32
    %and3A_4308 = vector.broadcast %and3A_4307 : i32 to vector<1x128xi32>
    %and3A_4309 = arith.andi %iota3A_802, %and3A_4308 : vector<1x128xi32>
    %eq3A_4310 = arith.constant 0 : i32
    %eq3A_4311 = vector.broadcast %eq3A_4310 : i32 to vector<1x128xi32>
    %eq3A_4312 = arith.cmpi eq, %and3A_4309, %eq3A_4311 : vector<1x128xi32>
    %eq3A_4313 = arith.xori %eq3A_4306, %eq3A_4312 : vector<1x128xi1>
    %eq3A_4314 = arith.constant dense<true> : vector<1x128xi1>
    %eq3A_4315 = arith.xori %eq3A_4313, %eq3A_4314 : vector<1x128xi1>
    %and3A_4316 = arith.constant 64 : i32
    %and3A_4317 = vector.broadcast %and3A_4316 : i32 to vector<1x128xi32>
    %and3A_4318 = arith.andi %iota3A_802, %and3A_4317 : vector<1x128xi32>
    %eq3A_4319 = arith.constant 0 : i32
    %eq3A_4320 = vector.broadcast %eq3A_4319 : i32 to vector<1x128xi32>
    %eq3A_4321 = arith.cmpi eq, %and3A_4318, %eq3A_4320 : vector<1x128xi32>
    %add3A_4322 = arith.constant 128 : i32
    %add3A_4323 = vector.broadcast %add3A_4322 : i32 to vector<1x128xi32>
    %add3A_4324 = arith.addi %iota3A_802, %add3A_4323 : vector<1x128xi32>
    %and3A_4325 = arith.constant 128 : i32
    %and3A_4326 = vector.broadcast %and3A_4325 : i32 to vector<1x128xi32>
    %and3A_4327 = arith.andi %add3A_4324, %and3A_4326 : vector<1x128xi32>
    %eq3A_4328 = arith.constant 0 : i32
    %eq3A_4329 = vector.broadcast %eq3A_4328 : i32 to vector<1x128xi32>
    %eq3A_4330 = arith.cmpi eq, %and3A_4327, %eq3A_4329 : vector<1x128xi32>
    %eq3A_4331 = arith.xori %eq3A_4321, %eq3A_4330 : vector<1x128xi1>
    %eq3A_4332 = arith.constant dense<true> : vector<1x128xi1>
    %eq3A_4333 = arith.xori %eq3A_4331, %eq3A_4332 : vector<1x128xi1>
    %min3A_4334 = arith.minimumf %select_n3A_4291, %roll3A_4298 : vector<256x128xf32>
    %max3A_4335 = arith.maximumf %select_n3A_4291, %roll3A_4298 : vector<256x128xf32>
    %broadcast_in_dim3A_4336 = vector.shape_cast %eq3A_4315 : vector<1x128xi1> to vector<1x128xi1>
    %broadcast_in_dim3A_4337 = vector.broadcast %broadcast_in_dim3A_4336 : vector<1x128xi1> to vector<256x128xi1>
    %select_n3A_4338 = arith.select %broadcast_in_dim3A_4337, %min3A_4334, %max3A_4335 : vector<256x128xi1>, vector<256x128xf32>
    %min3A_4339 = arith.minimumf %select_n3A_4296, %roll3A_4300 : vector<256x128xf32>
    %max3A_4340 = arith.maximumf %select_n3A_4296, %roll3A_4300 : vector<256x128xf32>
    %broadcast_in_dim3A_4341 = vector.shape_cast %eq3A_4333 : vector<1x128xi1> to vector<1x128xi1>
    %broadcast_in_dim3A_4342 = vector.broadcast %broadcast_in_dim3A_4341 : vector<1x128xi1> to vector<256x128xi1>
    %select_n3A_4343 = arith.select %broadcast_in_dim3A_4342, %min3A_4339, %max3A_4340 : vector<256x128xi1>, vector<256x128xf32>
    %xor3A_4344 = arith.constant 32 : i32
    %xor3A_4345 = vector.broadcast %xor3A_4344 : i32 to vector<1x128xi32>
    %xor3A_4346 = arith.xori %iota3A_802, %xor3A_4345 : vector<1x128xi32>
    %broadcast_in_dim3A_4347 = vector.shape_cast %xor3A_4346 : vector<1x128xi32> to vector<1x128xi32>
    %broadcast_in_dim3A_4348 = vector.broadcast %broadcast_in_dim3A_4347 : vector<1x128xi32> to vector<256x128xi32>
    %and3A_4349 = arith.constant 32 : i32
    %and3A_4350 = vector.broadcast %and3A_4349 : i32 to vector<1x128xi32>
    %and3A_4351 = arith.andi %iota3A_802, %and3A_4350 : vector<1x128xi32>
    %eq3A_4352 = arith.constant 0 : i32
    %eq3A_4353 = vector.broadcast %eq3A_4352 : i32 to vector<1x128xi32>
    %eq3A_4354 = arith.cmpi eq, %and3A_4351, %eq3A_4353 : vector<1x128xi32>
    %and3A_4355 = arith.constant 128 : i32
    %and3A_4356 = vector.broadcast %and3A_4355 : i32 to vector<1x128xi32>
    %and3A_4357 = arith.andi %iota3A_802, %and3A_4356 : vector<1x128xi32>
    %eq3A_4358 = arith.constant 0 : i32
    %eq3A_4359 = vector.broadcast %eq3A_4358 : i32 to vector<1x128xi32>
    %eq3A_4360 = arith.cmpi eq, %and3A_4357, %eq3A_4359 : vector<1x128xi32>
    %eq3A_4361 = arith.xori %eq3A_4354, %eq3A_4360 : vector<1x128xi1>
    %eq3A_4362 = arith.constant dense<true> : vector<1x128xi1>
    %eq3A_4363 = arith.xori %eq3A_4361, %eq3A_4362 : vector<1x128xi1>
    %add3A_4364 = arith.constant 128 : i32
    %add3A_4365 = vector.broadcast %add3A_4364 : i32 to vector<1x128xi32>
    %add3A_4366 = arith.addi %iota3A_802, %add3A_4365 : vector<1x128xi32>
    %and3A_4367 = arith.constant 128 : i32
    %and3A_4368 = vector.broadcast %and3A_4367 : i32 to vector<1x128xi32>
    %and3A_4369 = arith.andi %add3A_4366, %and3A_4368 : vector<1x128xi32>
    %eq3A_4370 = arith.constant 0 : i32
    %eq3A_4371 = vector.broadcast %eq3A_4370 : i32 to vector<1x128xi32>
    %eq3A_4372 = arith.cmpi eq, %and3A_4369, %eq3A_4371 : vector<1x128xi32>
    %eq3A_4373 = arith.xori %eq3A_4354, %eq3A_4372 : vector<1x128xi1>
    %eq3A_4374 = arith.constant dense<true> : vector<1x128xi1>
    %eq3A_4375 = arith.xori %eq3A_4373, %eq3A_4374 : vector<1x128xi1>
    %lt3A_4376 = arith.constant 0 : i32
    %lt3A_4377 = vector.broadcast %lt3A_4376 : i32 to vector<256x128xi32>
    %lt3A_4378 = arith.cmpi slt, %broadcast_in_dim3A_4348, %lt3A_4377 : vector<256x128xi32>
    %add3A_4379 = arith.constant 128 : i32
    %add3A_4380 = vector.broadcast %add3A_4379 : i32 to vector<256x128xi32>
    %add3A_4381 = arith.addi %broadcast_in_dim3A_4348, %add3A_4380 : vector<256x128xi32>
    %select_n3A_4382 = arith.select %lt3A_4378, %add3A_4381, %broadcast_in_dim3A_4348 : vector<256x128xi1>, vector<256x128xi32>
    %reshape3A_4383 = vector.shape_cast %select_n3A_4382 : vector<256x128xi32> to vector<256x128x1xi32>
    %gather3A_4384 = vector.shape_cast %reshape3A_4383 : vector<256x128x1xi32> to vector<256x128xi32>
    %gather3A_4385 = tpu.dynamic_gather %select_n3A_4338[%gather3A_4384] in [1] : vector<256x128xf32>, vector<256x128xi32> -> vector<256x128xf32>
    %lt3A_4386 = arith.constant 0 : i32
    %lt3A_4387 = vector.broadcast %lt3A_4386 : i32 to vector<256x128xi32>
    %lt3A_4388 = arith.cmpi slt, %broadcast_in_dim3A_4348, %lt3A_4387 : vector<256x128xi32>
    %add3A_4389 = arith.constant 128 : i32
    %add3A_4390 = vector.broadcast %add3A_4389 : i32 to vector<256x128xi32>
    %add3A_4391 = arith.addi %broadcast_in_dim3A_4348, %add3A_4390 : vector<256x128xi32>
    %select_n3A_4392 = arith.select %lt3A_4388, %add3A_4391, %broadcast_in_dim3A_4348 : vector<256x128xi1>, vector<256x128xi32>
    %reshape3A_4393 = vector.shape_cast %select_n3A_4392 : vector<256x128xi32> to vector<256x128x1xi32>
    %gather3A_4394 = vector.shape_cast %reshape3A_4393 : vector<256x128x1xi32> to vector<256x128xi32>
    %gather3A_4395 = tpu.dynamic_gather %select_n3A_4343[%gather3A_4394] in [1] : vector<256x128xf32>, vector<256x128xi32> -> vector<256x128xf32>
    %min3A_4396 = arith.minimumf %select_n3A_4338, %gather3A_4385 : vector<256x128xf32>
    %max3A_4397 = arith.maximumf %select_n3A_4338, %gather3A_4385 : vector<256x128xf32>
    %broadcast_in_dim3A_4398 = vector.shape_cast %eq3A_4363 : vector<1x128xi1> to vector<1x128xi1>
    %broadcast_in_dim3A_4399 = vector.broadcast %broadcast_in_dim3A_4398 : vector<1x128xi1> to vector<256x128xi1>
    %select_n3A_4400 = arith.select %broadcast_in_dim3A_4399, %min3A_4396, %max3A_4397 : vector<256x128xi1>, vector<256x128xf32>
    %min3A_4401 = arith.minimumf %select_n3A_4343, %gather3A_4395 : vector<256x128xf32>
    %max3A_4402 = arith.maximumf %select_n3A_4343, %gather3A_4395 : vector<256x128xf32>
    %broadcast_in_dim3A_4403 = vector.shape_cast %eq3A_4375 : vector<1x128xi1> to vector<1x128xi1>
    %broadcast_in_dim3A_4404 = vector.broadcast %broadcast_in_dim3A_4403 : vector<1x128xi1> to vector<256x128xi1>
    %select_n3A_4405 = arith.select %broadcast_in_dim3A_4404, %min3A_4401, %max3A_4402 : vector<256x128xi1>, vector<256x128xf32>
    %xor3A_4406 = arith.constant 16 : i32
    %xor3A_4407 = vector.broadcast %xor3A_4406 : i32 to vector<1x128xi32>
    %xor3A_4408 = arith.xori %iota3A_802, %xor3A_4407 : vector<1x128xi32>
    %broadcast_in_dim3A_4409 = vector.shape_cast %xor3A_4408 : vector<1x128xi32> to vector<1x128xi32>
    %broadcast_in_dim3A_4410 = vector.broadcast %broadcast_in_dim3A_4409 : vector<1x128xi32> to vector<256x128xi32>
    %and3A_4411 = arith.constant 16 : i32
    %and3A_4412 = vector.broadcast %and3A_4411 : i32 to vector<1x128xi32>
    %and3A_4413 = arith.andi %iota3A_802, %and3A_4412 : vector<1x128xi32>
    %eq3A_4414 = arith.constant 0 : i32
    %eq3A_4415 = vector.broadcast %eq3A_4414 : i32 to vector<1x128xi32>
    %eq3A_4416 = arith.cmpi eq, %and3A_4413, %eq3A_4415 : vector<1x128xi32>
    %and3A_4417 = arith.constant 128 : i32
    %and3A_4418 = vector.broadcast %and3A_4417 : i32 to vector<1x128xi32>
    %and3A_4419 = arith.andi %iota3A_802, %and3A_4418 : vector<1x128xi32>
    %eq3A_4420 = arith.constant 0 : i32
    %eq3A_4421 = vector.broadcast %eq3A_4420 : i32 to vector<1x128xi32>
    %eq3A_4422 = arith.cmpi eq, %and3A_4419, %eq3A_4421 : vector<1x128xi32>
    %eq3A_4423 = arith.xori %eq3A_4416, %eq3A_4422 : vector<1x128xi1>
    %eq3A_4424 = arith.constant dense<true> : vector<1x128xi1>
    %eq3A_4425 = arith.xori %eq3A_4423, %eq3A_4424 : vector<1x128xi1>
    %add3A_4426 = arith.constant 128 : i32
    %add3A_4427 = vector.broadcast %add3A_4426 : i32 to vector<1x128xi32>
    %add3A_4428 = arith.addi %iota3A_802, %add3A_4427 : vector<1x128xi32>
    %and3A_4429 = arith.constant 128 : i32
    %and3A_4430 = vector.broadcast %and3A_4429 : i32 to vector<1x128xi32>
    %and3A_4431 = arith.andi %add3A_4428, %and3A_4430 : vector<1x128xi32>
    %eq3A_4432 = arith.constant 0 : i32
    %eq3A_4433 = vector.broadcast %eq3A_4432 : i32 to vector<1x128xi32>
    %eq3A_4434 = arith.cmpi eq, %and3A_4431, %eq3A_4433 : vector<1x128xi32>
    %eq3A_4435 = arith.xori %eq3A_4416, %eq3A_4434 : vector<1x128xi1>
    %eq3A_4436 = arith.constant dense<true> : vector<1x128xi1>
    %eq3A_4437 = arith.xori %eq3A_4435, %eq3A_4436 : vector<1x128xi1>
    %lt3A_4438 = arith.constant 0 : i32
    %lt3A_4439 = vector.broadcast %lt3A_4438 : i32 to vector<256x128xi32>
    %lt3A_4440 = arith.cmpi slt, %broadcast_in_dim3A_4410, %lt3A_4439 : vector<256x128xi32>
    %add3A_4441 = arith.constant 128 : i32
    %add3A_4442 = vector.broadcast %add3A_4441 : i32 to vector<256x128xi32>
    %add3A_4443 = arith.addi %broadcast_in_dim3A_4410, %add3A_4442 : vector<256x128xi32>
    %select_n3A_4444 = arith.select %lt3A_4440, %add3A_4443, %broadcast_in_dim3A_4410 : vector<256x128xi1>, vector<256x128xi32>
    %reshape3A_4445 = vector.shape_cast %select_n3A_4444 : vector<256x128xi32> to vector<256x128x1xi32>
    %gather3A_4446 = vector.shape_cast %reshape3A_4445 : vector<256x128x1xi32> to vector<256x128xi32>
    %gather3A_4447 = tpu.dynamic_gather %select_n3A_4400[%gather3A_4446] in [1] : vector<256x128xf32>, vector<256x128xi32> -> vector<256x128xf32>
    %lt3A_4448 = arith.constant 0 : i32
    %lt3A_4449 = vector.broadcast %lt3A_4448 : i32 to vector<256x128xi32>
    %lt3A_4450 = arith.cmpi slt, %broadcast_in_dim3A_4410, %lt3A_4449 : vector<256x128xi32>
    %add3A_4451 = arith.constant 128 : i32
    %add3A_4452 = vector.broadcast %add3A_4451 : i32 to vector<256x128xi32>
    %add3A_4453 = arith.addi %broadcast_in_dim3A_4410, %add3A_4452 : vector<256x128xi32>
    %select_n3A_4454 = arith.select %lt3A_4450, %add3A_4453, %broadcast_in_dim3A_4410 : vector<256x128xi1>, vector<256x128xi32>
    %reshape3A_4455 = vector.shape_cast %select_n3A_4454 : vector<256x128xi32> to vector<256x128x1xi32>
    %gather3A_4456 = vector.shape_cast %reshape3A_4455 : vector<256x128x1xi32> to vector<256x128xi32>
    %gather3A_4457 = tpu.dynamic_gather %select_n3A_4405[%gather3A_4456] in [1] : vector<256x128xf32>, vector<256x128xi32> -> vector<256x128xf32>
    %min3A_4458 = arith.minimumf %select_n3A_4400, %gather3A_4447 : vector<256x128xf32>
    %max3A_4459 = arith.maximumf %select_n3A_4400, %gather3A_4447 : vector<256x128xf32>
    %broadcast_in_dim3A_4460 = vector.shape_cast %eq3A_4425 : vector<1x128xi1> to vector<1x128xi1>
    %broadcast_in_dim3A_4461 = vector.broadcast %broadcast_in_dim3A_4460 : vector<1x128xi1> to vector<256x128xi1>
    %select_n3A_4462 = arith.select %broadcast_in_dim3A_4461, %min3A_4458, %max3A_4459 : vector<256x128xi1>, vector<256x128xf32>
    %min3A_4463 = arith.minimumf %select_n3A_4405, %gather3A_4457 : vector<256x128xf32>
    %max3A_4464 = arith.maximumf %select_n3A_4405, %gather3A_4457 : vector<256x128xf32>
    %broadcast_in_dim3A_4465 = vector.shape_cast %eq3A_4437 : vector<1x128xi1> to vector<1x128xi1>
    %broadcast_in_dim3A_4466 = vector.broadcast %broadcast_in_dim3A_4465 : vector<1x128xi1> to vector<256x128xi1>
    %select_n3A_4467 = arith.select %broadcast_in_dim3A_4466, %min3A_4463, %max3A_4464 : vector<256x128xi1>, vector<256x128xf32>
    %xor3A_4468 = arith.constant 8 : i32
    %xor3A_4469 = vector.broadcast %xor3A_4468 : i32 to vector<1x128xi32>
    %xor3A_4470 = arith.xori %iota3A_802, %xor3A_4469 : vector<1x128xi32>
    %broadcast_in_dim3A_4471 = vector.shape_cast %xor3A_4470 : vector<1x128xi32> to vector<1x128xi32>
    %broadcast_in_dim3A_4472 = vector.broadcast %broadcast_in_dim3A_4471 : vector<1x128xi32> to vector<256x128xi32>
    %and3A_4473 = arith.constant 8 : i32
    %and3A_4474 = vector.broadcast %and3A_4473 : i32 to vector<1x128xi32>
    %and3A_4475 = arith.andi %iota3A_802, %and3A_4474 : vector<1x128xi32>
    %eq3A_4476 = arith.constant 0 : i32
    %eq3A_4477 = vector.broadcast %eq3A_4476 : i32 to vector<1x128xi32>
    %eq3A_4478 = arith.cmpi eq, %and3A_4475, %eq3A_4477 : vector<1x128xi32>
    %and3A_4479 = arith.constant 128 : i32
    %and3A_4480 = vector.broadcast %and3A_4479 : i32 to vector<1x128xi32>
    %and3A_4481 = arith.andi %iota3A_802, %and3A_4480 : vector<1x128xi32>
    %eq3A_4482 = arith.constant 0 : i32
    %eq3A_4483 = vector.broadcast %eq3A_4482 : i32 to vector<1x128xi32>
    %eq3A_4484 = arith.cmpi eq, %and3A_4481, %eq3A_4483 : vector<1x128xi32>
    %eq3A_4485 = arith.xori %eq3A_4478, %eq3A_4484 : vector<1x128xi1>
    %eq3A_4486 = arith.constant dense<true> : vector<1x128xi1>
    %eq3A_4487 = arith.xori %eq3A_4485, %eq3A_4486 : vector<1x128xi1>
    %add3A_4488 = arith.constant 128 : i32
    %add3A_4489 = vector.broadcast %add3A_4488 : i32 to vector<1x128xi32>
    %add3A_4490 = arith.addi %iota3A_802, %add3A_4489 : vector<1x128xi32>
    %and3A_4491 = arith.constant 128 : i32
    %and3A_4492 = vector.broadcast %and3A_4491 : i32 to vector<1x128xi32>
    %and3A_4493 = arith.andi %add3A_4490, %and3A_4492 : vector<1x128xi32>
    %eq3A_4494 = arith.constant 0 : i32
    %eq3A_4495 = vector.broadcast %eq3A_4494 : i32 to vector<1x128xi32>
    %eq3A_4496 = arith.cmpi eq, %and3A_4493, %eq3A_4495 : vector<1x128xi32>
    %eq3A_4497 = arith.xori %eq3A_4478, %eq3A_4496 : vector<1x128xi1>
    %eq3A_4498 = arith.constant dense<true> : vector<1x128xi1>
    %eq3A_4499 = arith.xori %eq3A_4497, %eq3A_4498 : vector<1x128xi1>
    %lt3A_4500 = arith.constant 0 : i32
    %lt3A_4501 = vector.broadcast %lt3A_4500 : i32 to vector<256x128xi32>
    %lt3A_4502 = arith.cmpi slt, %broadcast_in_dim3A_4472, %lt3A_4501 : vector<256x128xi32>
    %add3A_4503 = arith.constant 128 : i32
    %add3A_4504 = vector.broadcast %add3A_4503 : i32 to vector<256x128xi32>
    %add3A_4505 = arith.addi %broadcast_in_dim3A_4472, %add3A_4504 : vector<256x128xi32>
    %select_n3A_4506 = arith.select %lt3A_4502, %add3A_4505, %broadcast_in_dim3A_4472 : vector<256x128xi1>, vector<256x128xi32>
    %reshape3A_4507 = vector.shape_cast %select_n3A_4506 : vector<256x128xi32> to vector<256x128x1xi32>
    %gather3A_4508 = vector.shape_cast %reshape3A_4507 : vector<256x128x1xi32> to vector<256x128xi32>
    %gather3A_4509 = tpu.dynamic_gather %select_n3A_4462[%gather3A_4508] in [1] : vector<256x128xf32>, vector<256x128xi32> -> vector<256x128xf32>
    %lt3A_4510 = arith.constant 0 : i32
    %lt3A_4511 = vector.broadcast %lt3A_4510 : i32 to vector<256x128xi32>
    %lt3A_4512 = arith.cmpi slt, %broadcast_in_dim3A_4472, %lt3A_4511 : vector<256x128xi32>
    %add3A_4513 = arith.constant 128 : i32
    %add3A_4514 = vector.broadcast %add3A_4513 : i32 to vector<256x128xi32>
    %add3A_4515 = arith.addi %broadcast_in_dim3A_4472, %add3A_4514 : vector<256x128xi32>
    %select_n3A_4516 = arith.select %lt3A_4512, %add3A_4515, %broadcast_in_dim3A_4472 : vector<256x128xi1>, vector<256x128xi32>
    %reshape3A_4517 = vector.shape_cast %select_n3A_4516 : vector<256x128xi32> to vector<256x128x1xi32>
    %gather3A_4518 = vector.shape_cast %reshape3A_4517 : vector<256x128x1xi32> to vector<256x128xi32>
    %gather3A_4519 = tpu.dynamic_gather %select_n3A_4467[%gather3A_4518] in [1] : vector<256x128xf32>, vector<256x128xi32> -> vector<256x128xf32>
    %min3A_4520 = arith.minimumf %select_n3A_4462, %gather3A_4509 : vector<256x128xf32>
    %max3A_4521 = arith.maximumf %select_n3A_4462, %gather3A_4509 : vector<256x128xf32>
    %broadcast_in_dim3A_4522 = vector.shape_cast %eq3A_4487 : vector<1x128xi1> to vector<1x128xi1>
    %broadcast_in_dim3A_4523 = vector.broadcast %broadcast_in_dim3A_4522 : vector<1x128xi1> to vector<256x128xi1>
    %select_n3A_4524 = arith.select %broadcast_in_dim3A_4523, %min3A_4520, %max3A_4521 : vector<256x128xi1>, vector<256x128xf32>
    %min3A_4525 = arith.minimumf %select_n3A_4467, %gather3A_4519 : vector<256x128xf32>
    %max3A_4526 = arith.maximumf %select_n3A_4467, %gather3A_4519 : vector<256x128xf32>
    %broadcast_in_dim3A_4527 = vector.shape_cast %eq3A_4499 : vector<1x128xi1> to vector<1x128xi1>
    %broadcast_in_dim3A_4528 = vector.broadcast %broadcast_in_dim3A_4527 : vector<1x128xi1> to vector<256x128xi1>
    %select_n3A_4529 = arith.select %broadcast_in_dim3A_4528, %min3A_4525, %max3A_4526 : vector<256x128xi1>, vector<256x128xf32>
    %xor3A_4530 = arith.constant 4 : i32
    %xor3A_4531 = vector.broadcast %xor3A_4530 : i32 to vector<1x128xi32>
    %xor3A_4532 = arith.xori %iota3A_802, %xor3A_4531 : vector<1x128xi32>
    %broadcast_in_dim3A_4533 = vector.shape_cast %xor3A_4532 : vector<1x128xi32> to vector<1x128xi32>
    %broadcast_in_dim3A_4534 = vector.broadcast %broadcast_in_dim3A_4533 : vector<1x128xi32> to vector<256x128xi32>
    %and3A_4535 = arith.constant 4 : i32
    %and3A_4536 = vector.broadcast %and3A_4535 : i32 to vector<1x128xi32>
    %and3A_4537 = arith.andi %iota3A_802, %and3A_4536 : vector<1x128xi32>
    %eq3A_4538 = arith.constant 0 : i32
    %eq3A_4539 = vector.broadcast %eq3A_4538 : i32 to vector<1x128xi32>
    %eq3A_4540 = arith.cmpi eq, %and3A_4537, %eq3A_4539 : vector<1x128xi32>
    %and3A_4541 = arith.constant 128 : i32
    %and3A_4542 = vector.broadcast %and3A_4541 : i32 to vector<1x128xi32>
    %and3A_4543 = arith.andi %iota3A_802, %and3A_4542 : vector<1x128xi32>
    %eq3A_4544 = arith.constant 0 : i32
    %eq3A_4545 = vector.broadcast %eq3A_4544 : i32 to vector<1x128xi32>
    %eq3A_4546 = arith.cmpi eq, %and3A_4543, %eq3A_4545 : vector<1x128xi32>
    %eq3A_4547 = arith.xori %eq3A_4540, %eq3A_4546 : vector<1x128xi1>
    %eq3A_4548 = arith.constant dense<true> : vector<1x128xi1>
    %eq3A_4549 = arith.xori %eq3A_4547, %eq3A_4548 : vector<1x128xi1>
    %add3A_4550 = arith.constant 128 : i32
    %add3A_4551 = vector.broadcast %add3A_4550 : i32 to vector<1x128xi32>
    %add3A_4552 = arith.addi %iota3A_802, %add3A_4551 : vector<1x128xi32>
    %and3A_4553 = arith.constant 128 : i32
    %and3A_4554 = vector.broadcast %and3A_4553 : i32 to vector<1x128xi32>
    %and3A_4555 = arith.andi %add3A_4552, %and3A_4554 : vector<1x128xi32>
    %eq3A_4556 = arith.constant 0 : i32
    %eq3A_4557 = vector.broadcast %eq3A_4556 : i32 to vector<1x128xi32>
    %eq3A_4558 = arith.cmpi eq, %and3A_4555, %eq3A_4557 : vector<1x128xi32>
    %eq3A_4559 = arith.xori %eq3A_4540, %eq3A_4558 : vector<1x128xi1>
    %eq3A_4560 = arith.constant dense<true> : vector<1x128xi1>
    %eq3A_4561 = arith.xori %eq3A_4559, %eq3A_4560 : vector<1x128xi1>
    %lt3A_4562 = arith.constant 0 : i32
    %lt3A_4563 = vector.broadcast %lt3A_4562 : i32 to vector<256x128xi32>
    %lt3A_4564 = arith.cmpi slt, %broadcast_in_dim3A_4534, %lt3A_4563 : vector<256x128xi32>
    %add3A_4565 = arith.constant 128 : i32
    %add3A_4566 = vector.broadcast %add3A_4565 : i32 to vector<256x128xi32>
    %add3A_4567 = arith.addi %broadcast_in_dim3A_4534, %add3A_4566 : vector<256x128xi32>
    %select_n3A_4568 = arith.select %lt3A_4564, %add3A_4567, %broadcast_in_dim3A_4534 : vector<256x128xi1>, vector<256x128xi32>
    %reshape3A_4569 = vector.shape_cast %select_n3A_4568 : vector<256x128xi32> to vector<256x128x1xi32>
    %gather3A_4570 = vector.shape_cast %reshape3A_4569 : vector<256x128x1xi32> to vector<256x128xi32>
    %gather3A_4571 = tpu.dynamic_gather %select_n3A_4524[%gather3A_4570] in [1] : vector<256x128xf32>, vector<256x128xi32> -> vector<256x128xf32>
    %lt3A_4572 = arith.constant 0 : i32
    %lt3A_4573 = vector.broadcast %lt3A_4572 : i32 to vector<256x128xi32>
    %lt3A_4574 = arith.cmpi slt, %broadcast_in_dim3A_4534, %lt3A_4573 : vector<256x128xi32>
    %add3A_4575 = arith.constant 128 : i32
    %add3A_4576 = vector.broadcast %add3A_4575 : i32 to vector<256x128xi32>
    %add3A_4577 = arith.addi %broadcast_in_dim3A_4534, %add3A_4576 : vector<256x128xi32>
    %select_n3A_4578 = arith.select %lt3A_4574, %add3A_4577, %broadcast_in_dim3A_4534 : vector<256x128xi1>, vector<256x128xi32>
    %reshape3A_4579 = vector.shape_cast %select_n3A_4578 : vector<256x128xi32> to vector<256x128x1xi32>
    %gather3A_4580 = vector.shape_cast %reshape3A_4579 : vector<256x128x1xi32> to vector<256x128xi32>
    %gather3A_4581 = tpu.dynamic_gather %select_n3A_4529[%gather3A_4580] in [1] : vector<256x128xf32>, vector<256x128xi32> -> vector<256x128xf32>
    %min3A_4582 = arith.minimumf %select_n3A_4524, %gather3A_4571 : vector<256x128xf32>
    %max3A_4583 = arith.maximumf %select_n3A_4524, %gather3A_4571 : vector<256x128xf32>
    %broadcast_in_dim3A_4584 = vector.shape_cast %eq3A_4549 : vector<1x128xi1> to vector<1x128xi1>
    %broadcast_in_dim3A_4585 = vector.broadcast %broadcast_in_dim3A_4584 : vector<1x128xi1> to vector<256x128xi1>
    %select_n3A_4586 = arith.select %broadcast_in_dim3A_4585, %min3A_4582, %max3A_4583 : vector<256x128xi1>, vector<256x128xf32>
    %min3A_4587 = arith.minimumf %select_n3A_4529, %gather3A_4581 : vector<256x128xf32>
    %max3A_4588 = arith.maximumf %select_n3A_4529, %gather3A_4581 : vector<256x128xf32>
    %broadcast_in_dim3A_4589 = vector.shape_cast %eq3A_4561 : vector<1x128xi1> to vector<1x128xi1>
    %broadcast_in_dim3A_4590 = vector.broadcast %broadcast_in_dim3A_4589 : vector<1x128xi1> to vector<256x128xi1>
    %select_n3A_4591 = arith.select %broadcast_in_dim3A_4590, %min3A_4587, %max3A_4588 : vector<256x128xi1>, vector<256x128xf32>
    %xor3A_4592 = arith.constant 2 : i32
    %xor3A_4593 = vector.broadcast %xor3A_4592 : i32 to vector<1x128xi32>
    %xor3A_4594 = arith.xori %iota3A_802, %xor3A_4593 : vector<1x128xi32>
    %broadcast_in_dim3A_4595 = vector.shape_cast %xor3A_4594 : vector<1x128xi32> to vector<1x128xi32>
    %broadcast_in_dim3A_4596 = vector.broadcast %broadcast_in_dim3A_4595 : vector<1x128xi32> to vector<256x128xi32>
    %and3A_4597 = arith.constant 2 : i32
    %and3A_4598 = vector.broadcast %and3A_4597 : i32 to vector<1x128xi32>
    %and3A_4599 = arith.andi %iota3A_802, %and3A_4598 : vector<1x128xi32>
    %eq3A_4600 = arith.constant 0 : i32
    %eq3A_4601 = vector.broadcast %eq3A_4600 : i32 to vector<1x128xi32>
    %eq3A_4602 = arith.cmpi eq, %and3A_4599, %eq3A_4601 : vector<1x128xi32>
    %and3A_4603 = arith.constant 128 : i32
    %and3A_4604 = vector.broadcast %and3A_4603 : i32 to vector<1x128xi32>
    %and3A_4605 = arith.andi %iota3A_802, %and3A_4604 : vector<1x128xi32>
    %eq3A_4606 = arith.constant 0 : i32
    %eq3A_4607 = vector.broadcast %eq3A_4606 : i32 to vector<1x128xi32>
    %eq3A_4608 = arith.cmpi eq, %and3A_4605, %eq3A_4607 : vector<1x128xi32>
    %eq3A_4609 = arith.xori %eq3A_4602, %eq3A_4608 : vector<1x128xi1>
    %eq3A_4610 = arith.constant dense<true> : vector<1x128xi1>
    %eq3A_4611 = arith.xori %eq3A_4609, %eq3A_4610 : vector<1x128xi1>
    %add3A_4612 = arith.constant 128 : i32
    %add3A_4613 = vector.broadcast %add3A_4612 : i32 to vector<1x128xi32>
    %add3A_4614 = arith.addi %iota3A_802, %add3A_4613 : vector<1x128xi32>
    %and3A_4615 = arith.constant 128 : i32
    %and3A_4616 = vector.broadcast %and3A_4615 : i32 to vector<1x128xi32>
    %and3A_4617 = arith.andi %add3A_4614, %and3A_4616 : vector<1x128xi32>
    %eq3A_4618 = arith.constant 0 : i32
    %eq3A_4619 = vector.broadcast %eq3A_4618 : i32 to vector<1x128xi32>
    %eq3A_4620 = arith.cmpi eq, %and3A_4617, %eq3A_4619 : vector<1x128xi32>
    %eq3A_4621 = arith.xori %eq3A_4602, %eq3A_4620 : vector<1x128xi1>
    %eq3A_4622 = arith.constant dense<true> : vector<1x128xi1>
    %eq3A_4623 = arith.xori %eq3A_4621, %eq3A_4622 : vector<1x128xi1>
    %lt3A_4624 = arith.constant 0 : i32
    %lt3A_4625 = vector.broadcast %lt3A_4624 : i32 to vector<256x128xi32>
    %lt3A_4626 = arith.cmpi slt, %broadcast_in_dim3A_4596, %lt3A_4625 : vector<256x128xi32>
    %add3A_4627 = arith.constant 128 : i32
    %add3A_4628 = vector.broadcast %add3A_4627 : i32 to vector<256x128xi32>
    %add3A_4629 = arith.addi %broadcast_in_dim3A_4596, %add3A_4628 : vector<256x128xi32>
    %select_n3A_4630 = arith.select %lt3A_4626, %add3A_4629, %broadcast_in_dim3A_4596 : vector<256x128xi1>, vector<256x128xi32>
    %reshape3A_4631 = vector.shape_cast %select_n3A_4630 : vector<256x128xi32> to vector<256x128x1xi32>
    %gather3A_4632 = vector.shape_cast %reshape3A_4631 : vector<256x128x1xi32> to vector<256x128xi32>
    %gather3A_4633 = tpu.dynamic_gather %select_n3A_4586[%gather3A_4632] in [1] : vector<256x128xf32>, vector<256x128xi32> -> vector<256x128xf32>
    %lt3A_4634 = arith.constant 0 : i32
    %lt3A_4635 = vector.broadcast %lt3A_4634 : i32 to vector<256x128xi32>
    %lt3A_4636 = arith.cmpi slt, %broadcast_in_dim3A_4596, %lt3A_4635 : vector<256x128xi32>
    %add3A_4637 = arith.constant 128 : i32
    %add3A_4638 = vector.broadcast %add3A_4637 : i32 to vector<256x128xi32>
    %add3A_4639 = arith.addi %broadcast_in_dim3A_4596, %add3A_4638 : vector<256x128xi32>
    %select_n3A_4640 = arith.select %lt3A_4636, %add3A_4639, %broadcast_in_dim3A_4596 : vector<256x128xi1>, vector<256x128xi32>
    %reshape3A_4641 = vector.shape_cast %select_n3A_4640 : vector<256x128xi32> to vector<256x128x1xi32>
    %gather3A_4642 = vector.shape_cast %reshape3A_4641 : vector<256x128x1xi32> to vector<256x128xi32>
    %gather3A_4643 = tpu.dynamic_gather %select_n3A_4591[%gather3A_4642] in [1] : vector<256x128xf32>, vector<256x128xi32> -> vector<256x128xf32>
    %min3A_4644 = arith.minimumf %select_n3A_4586, %gather3A_4633 : vector<256x128xf32>
    %max3A_4645 = arith.maximumf %select_n3A_4586, %gather3A_4633 : vector<256x128xf32>
    %broadcast_in_dim3A_4646 = vector.shape_cast %eq3A_4611 : vector<1x128xi1> to vector<1x128xi1>
    %broadcast_in_dim3A_4647 = vector.broadcast %broadcast_in_dim3A_4646 : vector<1x128xi1> to vector<256x128xi1>
    %select_n3A_4648 = arith.select %broadcast_in_dim3A_4647, %min3A_4644, %max3A_4645 : vector<256x128xi1>, vector<256x128xf32>
    %min3A_4649 = arith.minimumf %select_n3A_4591, %gather3A_4643 : vector<256x128xf32>
    %max3A_4650 = arith.maximumf %select_n3A_4591, %gather3A_4643 : vector<256x128xf32>
    %broadcast_in_dim3A_4651 = vector.shape_cast %eq3A_4623 : vector<1x128xi1> to vector<1x128xi1>
    %broadcast_in_dim3A_4652 = vector.broadcast %broadcast_in_dim3A_4651 : vector<1x128xi1> to vector<256x128xi1>
    %select_n3A_4653 = arith.select %broadcast_in_dim3A_4652, %min3A_4649, %max3A_4650 : vector<256x128xi1>, vector<256x128xf32>
    %xor3A_4654 = arith.constant 1 : i32
    %xor3A_4655 = vector.broadcast %xor3A_4654 : i32 to vector<1x128xi32>
    %xor3A_4656 = arith.xori %iota3A_802, %xor3A_4655 : vector<1x128xi32>
    %broadcast_in_dim3A_4657 = vector.shape_cast %xor3A_4656 : vector<1x128xi32> to vector<1x128xi32>
    %broadcast_in_dim3A_4658 = vector.broadcast %broadcast_in_dim3A_4657 : vector<1x128xi32> to vector<256x128xi32>
    %and3A_4659 = arith.constant 1 : i32
    %and3A_4660 = vector.broadcast %and3A_4659 : i32 to vector<1x128xi32>
    %and3A_4661 = arith.andi %iota3A_802, %and3A_4660 : vector<1x128xi32>
    %eq3A_4662 = arith.constant 0 : i32
    %eq3A_4663 = vector.broadcast %eq3A_4662 : i32 to vector<1x128xi32>
    %eq3A_4664 = arith.cmpi eq, %and3A_4661, %eq3A_4663 : vector<1x128xi32>
    %and3A_4665 = arith.constant 128 : i32
    %and3A_4666 = vector.broadcast %and3A_4665 : i32 to vector<1x128xi32>
    %and3A_4667 = arith.andi %iota3A_802, %and3A_4666 : vector<1x128xi32>
    %eq3A_4668 = arith.constant 0 : i32
    %eq3A_4669 = vector.broadcast %eq3A_4668 : i32 to vector<1x128xi32>
    %eq3A_4670 = arith.cmpi eq, %and3A_4667, %eq3A_4669 : vector<1x128xi32>
    %eq3A_4671 = arith.xori %eq3A_4664, %eq3A_4670 : vector<1x128xi1>
    %eq3A_4672 = arith.constant dense<true> : vector<1x128xi1>
    %eq3A_4673 = arith.xori %eq3A_4671, %eq3A_4672 : vector<1x128xi1>
    %add3A_4674 = arith.constant 128 : i32
    %add3A_4675 = vector.broadcast %add3A_4674 : i32 to vector<1x128xi32>
    %add3A_4676 = arith.addi %iota3A_802, %add3A_4675 : vector<1x128xi32>
    %and3A_4677 = arith.constant 128 : i32
    %and3A_4678 = vector.broadcast %and3A_4677 : i32 to vector<1x128xi32>
    %and3A_4679 = arith.andi %add3A_4676, %and3A_4678 : vector<1x128xi32>
    %eq3A_4680 = arith.constant 0 : i32
    %eq3A_4681 = vector.broadcast %eq3A_4680 : i32 to vector<1x128xi32>
    %eq3A_4682 = arith.cmpi eq, %and3A_4679, %eq3A_4681 : vector<1x128xi32>
    %eq3A_4683 = arith.xori %eq3A_4664, %eq3A_4682 : vector<1x128xi1>
    %eq3A_4684 = arith.constant dense<true> : vector<1x128xi1>
    %eq3A_4685 = arith.xori %eq3A_4683, %eq3A_4684 : vector<1x128xi1>
    %lt3A_4686 = arith.constant 0 : i32
    %lt3A_4687 = vector.broadcast %lt3A_4686 : i32 to vector<256x128xi32>
    %lt3A_4688 = arith.cmpi slt, %broadcast_in_dim3A_4658, %lt3A_4687 : vector<256x128xi32>
    %add3A_4689 = arith.constant 128 : i32
    %add3A_4690 = vector.broadcast %add3A_4689 : i32 to vector<256x128xi32>
    %add3A_4691 = arith.addi %broadcast_in_dim3A_4658, %add3A_4690 : vector<256x128xi32>
    %select_n3A_4692 = arith.select %lt3A_4688, %add3A_4691, %broadcast_in_dim3A_4658 : vector<256x128xi1>, vector<256x128xi32>
    %reshape3A_4693 = vector.shape_cast %select_n3A_4692 : vector<256x128xi32> to vector<256x128x1xi32>
    %gather3A_4694 = vector.shape_cast %reshape3A_4693 : vector<256x128x1xi32> to vector<256x128xi32>
    %gather3A_4695 = tpu.dynamic_gather %select_n3A_4648[%gather3A_4694] in [1] : vector<256x128xf32>, vector<256x128xi32> -> vector<256x128xf32>
    %lt3A_4696 = arith.constant 0 : i32
    %lt3A_4697 = vector.broadcast %lt3A_4696 : i32 to vector<256x128xi32>
    %lt3A_4698 = arith.cmpi slt, %broadcast_in_dim3A_4658, %lt3A_4697 : vector<256x128xi32>
    %add3A_4699 = arith.constant 128 : i32
    %add3A_4700 = vector.broadcast %add3A_4699 : i32 to vector<256x128xi32>
    %add3A_4701 = arith.addi %broadcast_in_dim3A_4658, %add3A_4700 : vector<256x128xi32>
    %select_n3A_4702 = arith.select %lt3A_4698, %add3A_4701, %broadcast_in_dim3A_4658 : vector<256x128xi1>, vector<256x128xi32>
    %reshape3A_4703 = vector.shape_cast %select_n3A_4702 : vector<256x128xi32> to vector<256x128x1xi32>
    %gather3A_4704 = vector.shape_cast %reshape3A_4703 : vector<256x128x1xi32> to vector<256x128xi32>
    %gather3A_4705 = tpu.dynamic_gather %select_n3A_4653[%gather3A_4704] in [1] : vector<256x128xf32>, vector<256x128xi32> -> vector<256x128xf32>
    %min3A_4706 = arith.minimumf %select_n3A_4648, %gather3A_4695 : vector<256x128xf32>
    %max3A_4707 = arith.maximumf %select_n3A_4648, %gather3A_4695 : vector<256x128xf32>
    %broadcast_in_dim3A_4708 = vector.shape_cast %eq3A_4673 : vector<1x128xi1> to vector<1x128xi1>
    %broadcast_in_dim3A_4709 = vector.broadcast %broadcast_in_dim3A_4708 : vector<1x128xi1> to vector<256x128xi1>
    %select_n3A_4710 = arith.select %broadcast_in_dim3A_4709, %min3A_4706, %max3A_4707 : vector<256x128xi1>, vector<256x128xf32>
    %min3A_4711 = arith.minimumf %select_n3A_4653, %gather3A_4705 : vector<256x128xf32>
    %max3A_4712 = arith.maximumf %select_n3A_4653, %gather3A_4705 : vector<256x128xf32>
    %broadcast_in_dim3A_4713 = vector.shape_cast %eq3A_4685 : vector<1x128xi1> to vector<1x128xi1>
    %broadcast_in_dim3A_4714 = vector.broadcast %broadcast_in_dim3A_4713 : vector<1x128xi1> to vector<256x128xi1>
    %select_n3A_4715 = arith.select %broadcast_in_dim3A_4714, %min3A_4711, %max3A_4712 : vector<256x128xi1>, vector<256x128xf32>
    %min3A_4716 = arith.minimumf %select_n3A_4710, %select_n3A_4715 : vector<256x128xf32>
    %max3A_4717 = arith.maximumf %select_n3A_4710, %select_n3A_4715 : vector<256x128xf32>
    %roll3A_4718 = arith.constant 64 : i32
    %roll3A_4719 = tpu.dynamic_rotate %min3A_4716 by %roll3A_4718 dim 1 : vector<256x128xf32>, i32 -> vector<256x128xf32>
    %roll3A_4720 = arith.constant 64 : i32
    %roll3A_4721 = tpu.dynamic_rotate %max3A_4717 by %roll3A_4720 dim 1 : vector<256x128xf32>, i32 -> vector<256x128xf32>
    %and3A_4722 = arith.constant 64 : i32
    %and3A_4723 = vector.broadcast %and3A_4722 : i32 to vector<1x128xi32>
    %and3A_4724 = arith.andi %iota3A_802, %and3A_4723 : vector<1x128xi32>
    %eq3A_4725 = arith.constant 0 : i32
    %eq3A_4726 = vector.broadcast %eq3A_4725 : i32 to vector<1x128xi32>
    %eq3A_4727 = arith.cmpi eq, %and3A_4724, %eq3A_4726 : vector<1x128xi32>
    %and3A_4728 = arith.constant 256 : i32
    %and3A_4729 = vector.broadcast %and3A_4728 : i32 to vector<1x128xi32>
    %and3A_4730 = arith.andi %iota3A_802, %and3A_4729 : vector<1x128xi32>
    %eq3A_4731 = arith.constant 0 : i32
    %eq3A_4732 = vector.broadcast %eq3A_4731 : i32 to vector<1x128xi32>
    %eq3A_4733 = arith.cmpi eq, %and3A_4730, %eq3A_4732 : vector<1x128xi32>
    %eq3A_4734 = arith.xori %eq3A_4727, %eq3A_4733 : vector<1x128xi1>
    %eq3A_4735 = arith.constant dense<true> : vector<1x128xi1>
    %eq3A_4736 = arith.xori %eq3A_4734, %eq3A_4735 : vector<1x128xi1>
    %and3A_4737 = arith.constant 64 : i32
    %and3A_4738 = vector.broadcast %and3A_4737 : i32 to vector<1x128xi32>
    %and3A_4739 = arith.andi %iota3A_802, %and3A_4738 : vector<1x128xi32>
    %eq3A_4740 = arith.constant 0 : i32
    %eq3A_4741 = vector.broadcast %eq3A_4740 : i32 to vector<1x128xi32>
    %eq3A_4742 = arith.cmpi eq, %and3A_4739, %eq3A_4741 : vector<1x128xi32>
    %add3A_4743 = arith.constant 128 : i32
    %add3A_4744 = vector.broadcast %add3A_4743 : i32 to vector<1x128xi32>
    %add3A_4745 = arith.addi %iota3A_802, %add3A_4744 : vector<1x128xi32>
    %and3A_4746 = arith.constant 256 : i32
    %and3A_4747 = vector.broadcast %and3A_4746 : i32 to vector<1x128xi32>
    %and3A_4748 = arith.andi %add3A_4745, %and3A_4747 : vector<1x128xi32>
    %eq3A_4749 = arith.constant 0 : i32
    %eq3A_4750 = vector.broadcast %eq3A_4749 : i32 to vector<1x128xi32>
    %eq3A_4751 = arith.cmpi eq, %and3A_4748, %eq3A_4750 : vector<1x128xi32>
    %eq3A_4752 = arith.xori %eq3A_4742, %eq3A_4751 : vector<1x128xi1>
    %eq3A_4753 = arith.constant dense<true> : vector<1x128xi1>
    %eq3A_4754 = arith.xori %eq3A_4752, %eq3A_4753 : vector<1x128xi1>
    %min3A_4755 = arith.minimumf %min3A_4716, %roll3A_4719 : vector<256x128xf32>
    %max3A_4756 = arith.maximumf %min3A_4716, %roll3A_4719 : vector<256x128xf32>
    %broadcast_in_dim3A_4757 = vector.shape_cast %eq3A_4736 : vector<1x128xi1> to vector<1x128xi1>
    %broadcast_in_dim3A_4758 = vector.broadcast %broadcast_in_dim3A_4757 : vector<1x128xi1> to vector<256x128xi1>
    %select_n3A_4759 = arith.select %broadcast_in_dim3A_4758, %min3A_4755, %max3A_4756 : vector<256x128xi1>, vector<256x128xf32>
    %min3A_4760 = arith.minimumf %max3A_4717, %roll3A_4721 : vector<256x128xf32>
    %max3A_4761 = arith.maximumf %max3A_4717, %roll3A_4721 : vector<256x128xf32>
    %broadcast_in_dim3A_4762 = vector.shape_cast %eq3A_4754 : vector<1x128xi1> to vector<1x128xi1>
    %broadcast_in_dim3A_4763 = vector.broadcast %broadcast_in_dim3A_4762 : vector<1x128xi1> to vector<256x128xi1>
    %select_n3A_4764 = arith.select %broadcast_in_dim3A_4763, %min3A_4760, %max3A_4761 : vector<256x128xi1>, vector<256x128xf32>
    %xor3A_4765 = arith.constant 32 : i32
    %xor3A_4766 = vector.broadcast %xor3A_4765 : i32 to vector<1x128xi32>
    %xor3A_4767 = arith.xori %iota3A_802, %xor3A_4766 : vector<1x128xi32>
    %broadcast_in_dim3A_4768 = vector.shape_cast %xor3A_4767 : vector<1x128xi32> to vector<1x128xi32>
    %broadcast_in_dim3A_4769 = vector.broadcast %broadcast_in_dim3A_4768 : vector<1x128xi32> to vector<256x128xi32>
    %and3A_4770 = arith.constant 32 : i32
    %and3A_4771 = vector.broadcast %and3A_4770 : i32 to vector<1x128xi32>
    %and3A_4772 = arith.andi %iota3A_802, %and3A_4771 : vector<1x128xi32>
    %eq3A_4773 = arith.constant 0 : i32
    %eq3A_4774 = vector.broadcast %eq3A_4773 : i32 to vector<1x128xi32>
    %eq3A_4775 = arith.cmpi eq, %and3A_4772, %eq3A_4774 : vector<1x128xi32>
    %and3A_4776 = arith.constant 256 : i32
    %and3A_4777 = vector.broadcast %and3A_4776 : i32 to vector<1x128xi32>
    %and3A_4778 = arith.andi %iota3A_802, %and3A_4777 : vector<1x128xi32>
    %eq3A_4779 = arith.constant 0 : i32
    %eq3A_4780 = vector.broadcast %eq3A_4779 : i32 to vector<1x128xi32>
    %eq3A_4781 = arith.cmpi eq, %and3A_4778, %eq3A_4780 : vector<1x128xi32>
    %eq3A_4782 = arith.xori %eq3A_4775, %eq3A_4781 : vector<1x128xi1>
    %eq3A_4783 = arith.constant dense<true> : vector<1x128xi1>
    %eq3A_4784 = arith.xori %eq3A_4782, %eq3A_4783 : vector<1x128xi1>
    %add3A_4785 = arith.constant 128 : i32
    %add3A_4786 = vector.broadcast %add3A_4785 : i32 to vector<1x128xi32>
    %add3A_4787 = arith.addi %iota3A_802, %add3A_4786 : vector<1x128xi32>
    %and3A_4788 = arith.constant 256 : i32
    %and3A_4789 = vector.broadcast %and3A_4788 : i32 to vector<1x128xi32>
    %and3A_4790 = arith.andi %add3A_4787, %and3A_4789 : vector<1x128xi32>
    %eq3A_4791 = arith.constant 0 : i32
    %eq3A_4792 = vector.broadcast %eq3A_4791 : i32 to vector<1x128xi32>
    %eq3A_4793 = arith.cmpi eq, %and3A_4790, %eq3A_4792 : vector<1x128xi32>
    %eq3A_4794 = arith.xori %eq3A_4775, %eq3A_4793 : vector<1x128xi1>
    %eq3A_4795 = arith.constant dense<true> : vector<1x128xi1>
    %eq3A_4796 = arith.xori %eq3A_4794, %eq3A_4795 : vector<1x128xi1>
    %lt3A_4797 = arith.constant 0 : i32
    %lt3A_4798 = vector.broadcast %lt3A_4797 : i32 to vector<256x128xi32>
    %lt3A_4799 = arith.cmpi slt, %broadcast_in_dim3A_4769, %lt3A_4798 : vector<256x128xi32>
    %add3A_4800 = arith.constant 128 : i32
    %add3A_4801 = vector.broadcast %add3A_4800 : i32 to vector<256x128xi32>
    %add3A_4802 = arith.addi %broadcast_in_dim3A_4769, %add3A_4801 : vector<256x128xi32>
    %select_n3A_4803 = arith.select %lt3A_4799, %add3A_4802, %broadcast_in_dim3A_4769 : vector<256x128xi1>, vector<256x128xi32>
    %reshape3A_4804 = vector.shape_cast %select_n3A_4803 : vector<256x128xi32> to vector<256x128x1xi32>
    %gather3A_4805 = vector.shape_cast %reshape3A_4804 : vector<256x128x1xi32> to vector<256x128xi32>
    %gather3A_4806 = tpu.dynamic_gather %select_n3A_4759[%gather3A_4805] in [1] : vector<256x128xf32>, vector<256x128xi32> -> vector<256x128xf32>
    %lt3A_4807 = arith.constant 0 : i32
    %lt3A_4808 = vector.broadcast %lt3A_4807 : i32 to vector<256x128xi32>
    %lt3A_4809 = arith.cmpi slt, %broadcast_in_dim3A_4769, %lt3A_4808 : vector<256x128xi32>
    %add3A_4810 = arith.constant 128 : i32
    %add3A_4811 = vector.broadcast %add3A_4810 : i32 to vector<256x128xi32>
    %add3A_4812 = arith.addi %broadcast_in_dim3A_4769, %add3A_4811 : vector<256x128xi32>
    %select_n3A_4813 = arith.select %lt3A_4809, %add3A_4812, %broadcast_in_dim3A_4769 : vector<256x128xi1>, vector<256x128xi32>
    %reshape3A_4814 = vector.shape_cast %select_n3A_4813 : vector<256x128xi32> to vector<256x128x1xi32>
    %gather3A_4815 = vector.shape_cast %reshape3A_4814 : vector<256x128x1xi32> to vector<256x128xi32>
    %gather3A_4816 = tpu.dynamic_gather %select_n3A_4764[%gather3A_4815] in [1] : vector<256x128xf32>, vector<256x128xi32> -> vector<256x128xf32>
    %min3A_4817 = arith.minimumf %select_n3A_4759, %gather3A_4806 : vector<256x128xf32>
    %max3A_4818 = arith.maximumf %select_n3A_4759, %gather3A_4806 : vector<256x128xf32>
    %broadcast_in_dim3A_4819 = vector.shape_cast %eq3A_4784 : vector<1x128xi1> to vector<1x128xi1>
    %broadcast_in_dim3A_4820 = vector.broadcast %broadcast_in_dim3A_4819 : vector<1x128xi1> to vector<256x128xi1>
    %select_n3A_4821 = arith.select %broadcast_in_dim3A_4820, %min3A_4817, %max3A_4818 : vector<256x128xi1>, vector<256x128xf32>
    %min3A_4822 = arith.minimumf %select_n3A_4764, %gather3A_4816 : vector<256x128xf32>
    %max3A_4823 = arith.maximumf %select_n3A_4764, %gather3A_4816 : vector<256x128xf32>
    %broadcast_in_dim3A_4824 = vector.shape_cast %eq3A_4796 : vector<1x128xi1> to vector<1x128xi1>
    %broadcast_in_dim3A_4825 = vector.broadcast %broadcast_in_dim3A_4824 : vector<1x128xi1> to vector<256x128xi1>
    %select_n3A_4826 = arith.select %broadcast_in_dim3A_4825, %min3A_4822, %max3A_4823 : vector<256x128xi1>, vector<256x128xf32>
    %xor3A_4827 = arith.constant 16 : i32
    %xor3A_4828 = vector.broadcast %xor3A_4827 : i32 to vector<1x128xi32>
    %xor3A_4829 = arith.xori %iota3A_802, %xor3A_4828 : vector<1x128xi32>
    %broadcast_in_dim3A_4830 = vector.shape_cast %xor3A_4829 : vector<1x128xi32> to vector<1x128xi32>
    %broadcast_in_dim3A_4831 = vector.broadcast %broadcast_in_dim3A_4830 : vector<1x128xi32> to vector<256x128xi32>
    %and3A_4832 = arith.constant 16 : i32
    %and3A_4833 = vector.broadcast %and3A_4832 : i32 to vector<1x128xi32>
    %and3A_4834 = arith.andi %iota3A_802, %and3A_4833 : vector<1x128xi32>
    %eq3A_4835 = arith.constant 0 : i32
    %eq3A_4836 = vector.broadcast %eq3A_4835 : i32 to vector<1x128xi32>
    %eq3A_4837 = arith.cmpi eq, %and3A_4834, %eq3A_4836 : vector<1x128xi32>
    %and3A_4838 = arith.constant 256 : i32
    %and3A_4839 = vector.broadcast %and3A_4838 : i32 to vector<1x128xi32>
    %and3A_4840 = arith.andi %iota3A_802, %and3A_4839 : vector<1x128xi32>
    %eq3A_4841 = arith.constant 0 : i32
    %eq3A_4842 = vector.broadcast %eq3A_4841 : i32 to vector<1x128xi32>
    %eq3A_4843 = arith.cmpi eq, %and3A_4840, %eq3A_4842 : vector<1x128xi32>
    %eq3A_4844 = arith.xori %eq3A_4837, %eq3A_4843 : vector<1x128xi1>
    %eq3A_4845 = arith.constant dense<true> : vector<1x128xi1>
    %eq3A_4846 = arith.xori %eq3A_4844, %eq3A_4845 : vector<1x128xi1>
    %add3A_4847 = arith.constant 128 : i32
    %add3A_4848 = vector.broadcast %add3A_4847 : i32 to vector<1x128xi32>
    %add3A_4849 = arith.addi %iota3A_802, %add3A_4848 : vector<1x128xi32>
    %and3A_4850 = arith.constant 256 : i32
    %and3A_4851 = vector.broadcast %and3A_4850 : i32 to vector<1x128xi32>
    %and3A_4852 = arith.andi %add3A_4849, %and3A_4851 : vector<1x128xi32>
    %eq3A_4853 = arith.constant 0 : i32
    %eq3A_4854 = vector.broadcast %eq3A_4853 : i32 to vector<1x128xi32>
    %eq3A_4855 = arith.cmpi eq, %and3A_4852, %eq3A_4854 : vector<1x128xi32>
    %eq3A_4856 = arith.xori %eq3A_4837, %eq3A_4855 : vector<1x128xi1>
    %eq3A_4857 = arith.constant dense<true> : vector<1x128xi1>
    %eq3A_4858 = arith.xori %eq3A_4856, %eq3A_4857 : vector<1x128xi1>
    %lt3A_4859 = arith.constant 0 : i32
    %lt3A_4860 = vector.broadcast %lt3A_4859 : i32 to vector<256x128xi32>
    %lt3A_4861 = arith.cmpi slt, %broadcast_in_dim3A_4831, %lt3A_4860 : vector<256x128xi32>
    %add3A_4862 = arith.constant 128 : i32
    %add3A_4863 = vector.broadcast %add3A_4862 : i32 to vector<256x128xi32>
    %add3A_4864 = arith.addi %broadcast_in_dim3A_4831, %add3A_4863 : vector<256x128xi32>
    %select_n3A_4865 = arith.select %lt3A_4861, %add3A_4864, %broadcast_in_dim3A_4831 : vector<256x128xi1>, vector<256x128xi32>
    %reshape3A_4866 = vector.shape_cast %select_n3A_4865 : vector<256x128xi32> to vector<256x128x1xi32>
    %gather3A_4867 = vector.shape_cast %reshape3A_4866 : vector<256x128x1xi32> to vector<256x128xi32>
    %gather3A_4868 = tpu.dynamic_gather %select_n3A_4821[%gather3A_4867] in [1] : vector<256x128xf32>, vector<256x128xi32> -> vector<256x128xf32>
    %lt3A_4869 = arith.constant 0 : i32
    %lt3A_4870 = vector.broadcast %lt3A_4869 : i32 to vector<256x128xi32>
    %lt3A_4871 = arith.cmpi slt, %broadcast_in_dim3A_4831, %lt3A_4870 : vector<256x128xi32>
    %add3A_4872 = arith.constant 128 : i32
    %add3A_4873 = vector.broadcast %add3A_4872 : i32 to vector<256x128xi32>
    %add3A_4874 = arith.addi %broadcast_in_dim3A_4831, %add3A_4873 : vector<256x128xi32>
    %select_n3A_4875 = arith.select %lt3A_4871, %add3A_4874, %broadcast_in_dim3A_4831 : vector<256x128xi1>, vector<256x128xi32>
    %reshape3A_4876 = vector.shape_cast %select_n3A_4875 : vector<256x128xi32> to vector<256x128x1xi32>
    %gather3A_4877 = vector.shape_cast %reshape3A_4876 : vector<256x128x1xi32> to vector<256x128xi32>
    %gather3A_4878 = tpu.dynamic_gather %select_n3A_4826[%gather3A_4877] in [1] : vector<256x128xf32>, vector<256x128xi32> -> vector<256x128xf32>
    %min3A_4879 = arith.minimumf %select_n3A_4821, %gather3A_4868 : vector<256x128xf32>
    %max3A_4880 = arith.maximumf %select_n3A_4821, %gather3A_4868 : vector<256x128xf32>
    %broadcast_in_dim3A_4881 = vector.shape_cast %eq3A_4846 : vector<1x128xi1> to vector<1x128xi1>
    %broadcast_in_dim3A_4882 = vector.broadcast %broadcast_in_dim3A_4881 : vector<1x128xi1> to vector<256x128xi1>
    %select_n3A_4883 = arith.select %broadcast_in_dim3A_4882, %min3A_4879, %max3A_4880 : vector<256x128xi1>, vector<256x128xf32>
    %min3A_4884 = arith.minimumf %select_n3A_4826, %gather3A_4878 : vector<256x128xf32>
    %max3A_4885 = arith.maximumf %select_n3A_4826, %gather3A_4878 : vector<256x128xf32>
    %broadcast_in_dim3A_4886 = vector.shape_cast %eq3A_4858 : vector<1x128xi1> to vector<1x128xi1>
    %broadcast_in_dim3A_4887 = vector.broadcast %broadcast_in_dim3A_4886 : vector<1x128xi1> to vector<256x128xi1>
    %select_n3A_4888 = arith.select %broadcast_in_dim3A_4887, %min3A_4884, %max3A_4885 : vector<256x128xi1>, vector<256x128xf32>
    %xor3A_4889 = arith.constant 8 : i32
    %xor3A_4890 = vector.broadcast %xor3A_4889 : i32 to vector<1x128xi32>
    %xor3A_4891 = arith.xori %iota3A_802, %xor3A_4890 : vector<1x128xi32>
    %broadcast_in_dim3A_4892 = vector.shape_cast %xor3A_4891 : vector<1x128xi32> to vector<1x128xi32>
    %broadcast_in_dim3A_4893 = vector.broadcast %broadcast_in_dim3A_4892 : vector<1x128xi32> to vector<256x128xi32>
    %and3A_4894 = arith.constant 8 : i32
    %and3A_4895 = vector.broadcast %and3A_4894 : i32 to vector<1x128xi32>
    %and3A_4896 = arith.andi %iota3A_802, %and3A_4895 : vector<1x128xi32>
    %eq3A_4897 = arith.constant 0 : i32
    %eq3A_4898 = vector.broadcast %eq3A_4897 : i32 to vector<1x128xi32>
    %eq3A_4899 = arith.cmpi eq, %and3A_4896, %eq3A_4898 : vector<1x128xi32>
    %and3A_4900 = arith.constant 256 : i32
    %and3A_4901 = vector.broadcast %and3A_4900 : i32 to vector<1x128xi32>
    %and3A_4902 = arith.andi %iota3A_802, %and3A_4901 : vector<1x128xi32>
    %eq3A_4903 = arith.constant 0 : i32
    %eq3A_4904 = vector.broadcast %eq3A_4903 : i32 to vector<1x128xi32>
    %eq3A_4905 = arith.cmpi eq, %and3A_4902, %eq3A_4904 : vector<1x128xi32>
    %eq3A_4906 = arith.xori %eq3A_4899, %eq3A_4905 : vector<1x128xi1>
    %eq3A_4907 = arith.constant dense<true> : vector<1x128xi1>
    %eq3A_4908 = arith.xori %eq3A_4906, %eq3A_4907 : vector<1x128xi1>
    %add3A_4909 = arith.constant 128 : i32
    %add3A_4910 = vector.broadcast %add3A_4909 : i32 to vector<1x128xi32>
    %add3A_4911 = arith.addi %iota3A_802, %add3A_4910 : vector<1x128xi32>
    %and3A_4912 = arith.constant 256 : i32
    %and3A_4913 = vector.broadcast %and3A_4912 : i32 to vector<1x128xi32>
    %and3A_4914 = arith.andi %add3A_4911, %and3A_4913 : vector<1x128xi32>
    %eq3A_4915 = arith.constant 0 : i32
    %eq3A_4916 = vector.broadcast %eq3A_4915 : i32 to vector<1x128xi32>
    %eq3A_4917 = arith.cmpi eq, %and3A_4914, %eq3A_4916 : vector<1x128xi32>
    %eq3A_4918 = arith.xori %eq3A_4899, %eq3A_4917 : vector<1x128xi1>
    %eq3A_4919 = arith.constant dense<true> : vector<1x128xi1>
    %eq3A_4920 = arith.xori %eq3A_4918, %eq3A_4919 : vector<1x128xi1>
    %lt3A_4921 = arith.constant 0 : i32
    %lt3A_4922 = vector.broadcast %lt3A_4921 : i32 to vector<256x128xi32>
    %lt3A_4923 = arith.cmpi slt, %broadcast_in_dim3A_4893, %lt3A_4922 : vector<256x128xi32>
    %add3A_4924 = arith.constant 128 : i32
    %add3A_4925 = vector.broadcast %add3A_4924 : i32 to vector<256x128xi32>
    %add3A_4926 = arith.addi %broadcast_in_dim3A_4893, %add3A_4925 : vector<256x128xi32>
    %select_n3A_4927 = arith.select %lt3A_4923, %add3A_4926, %broadcast_in_dim3A_4893 : vector<256x128xi1>, vector<256x128xi32>
    %reshape3A_4928 = vector.shape_cast %select_n3A_4927 : vector<256x128xi32> to vector<256x128x1xi32>
    %gather3A_4929 = vector.shape_cast %reshape3A_4928 : vector<256x128x1xi32> to vector<256x128xi32>
    %gather3A_4930 = tpu.dynamic_gather %select_n3A_4883[%gather3A_4929] in [1] : vector<256x128xf32>, vector<256x128xi32> -> vector<256x128xf32>
    %lt3A_4931 = arith.constant 0 : i32
    %lt3A_4932 = vector.broadcast %lt3A_4931 : i32 to vector<256x128xi32>
    %lt3A_4933 = arith.cmpi slt, %broadcast_in_dim3A_4893, %lt3A_4932 : vector<256x128xi32>
    %add3A_4934 = arith.constant 128 : i32
    %add3A_4935 = vector.broadcast %add3A_4934 : i32 to vector<256x128xi32>
    %add3A_4936 = arith.addi %broadcast_in_dim3A_4893, %add3A_4935 : vector<256x128xi32>
    %select_n3A_4937 = arith.select %lt3A_4933, %add3A_4936, %broadcast_in_dim3A_4893 : vector<256x128xi1>, vector<256x128xi32>
    %reshape3A_4938 = vector.shape_cast %select_n3A_4937 : vector<256x128xi32> to vector<256x128x1xi32>
    %gather3A_4939 = vector.shape_cast %reshape3A_4938 : vector<256x128x1xi32> to vector<256x128xi32>
    %gather3A_4940 = tpu.dynamic_gather %select_n3A_4888[%gather3A_4939] in [1] : vector<256x128xf32>, vector<256x128xi32> -> vector<256x128xf32>
    %min3A_4941 = arith.minimumf %select_n3A_4883, %gather3A_4930 : vector<256x128xf32>
    %max3A_4942 = arith.maximumf %select_n3A_4883, %gather3A_4930 : vector<256x128xf32>
    %broadcast_in_dim3A_4943 = vector.shape_cast %eq3A_4908 : vector<1x128xi1> to vector<1x128xi1>
    %broadcast_in_dim3A_4944 = vector.broadcast %broadcast_in_dim3A_4943 : vector<1x128xi1> to vector<256x128xi1>
    %select_n3A_4945 = arith.select %broadcast_in_dim3A_4944, %min3A_4941, %max3A_4942 : vector<256x128xi1>, vector<256x128xf32>
    %min3A_4946 = arith.minimumf %select_n3A_4888, %gather3A_4940 : vector<256x128xf32>
    %max3A_4947 = arith.maximumf %select_n3A_4888, %gather3A_4940 : vector<256x128xf32>
    %broadcast_in_dim3A_4948 = vector.shape_cast %eq3A_4920 : vector<1x128xi1> to vector<1x128xi1>
    %broadcast_in_dim3A_4949 = vector.broadcast %broadcast_in_dim3A_4948 : vector<1x128xi1> to vector<256x128xi1>
    %select_n3A_4950 = arith.select %broadcast_in_dim3A_4949, %min3A_4946, %max3A_4947 : vector<256x128xi1>, vector<256x128xf32>
    %xor3A_4951 = arith.constant 4 : i32
    %xor3A_4952 = vector.broadcast %xor3A_4951 : i32 to vector<1x128xi32>
    %xor3A_4953 = arith.xori %iota3A_802, %xor3A_4952 : vector<1x128xi32>
    %broadcast_in_dim3A_4954 = vector.shape_cast %xor3A_4953 : vector<1x128xi32> to vector<1x128xi32>
    %broadcast_in_dim3A_4955 = vector.broadcast %broadcast_in_dim3A_4954 : vector<1x128xi32> to vector<256x128xi32>
    %and3A_4956 = arith.constant 4 : i32
    %and3A_4957 = vector.broadcast %and3A_4956 : i32 to vector<1x128xi32>
    %and3A_4958 = arith.andi %iota3A_802, %and3A_4957 : vector<1x128xi32>
    %eq3A_4959 = arith.constant 0 : i32
    %eq3A_4960 = vector.broadcast %eq3A_4959 : i32 to vector<1x128xi32>
    %eq3A_4961 = arith.cmpi eq, %and3A_4958, %eq3A_4960 : vector<1x128xi32>
    %and3A_4962 = arith.constant 256 : i32
    %and3A_4963 = vector.broadcast %and3A_4962 : i32 to vector<1x128xi32>
    %and3A_4964 = arith.andi %iota3A_802, %and3A_4963 : vector<1x128xi32>
    %eq3A_4965 = arith.constant 0 : i32
    %eq3A_4966 = vector.broadcast %eq3A_4965 : i32 to vector<1x128xi32>
    %eq3A_4967 = arith.cmpi eq, %and3A_4964, %eq3A_4966 : vector<1x128xi32>
    %eq3A_4968 = arith.xori %eq3A_4961, %eq3A_4967 : vector<1x128xi1>
    %eq3A_4969 = arith.constant dense<true> : vector<1x128xi1>
    %eq3A_4970 = arith.xori %eq3A_4968, %eq3A_4969 : vector<1x128xi1>
    %add3A_4971 = arith.constant 128 : i32
    %add3A_4972 = vector.broadcast %add3A_4971 : i32 to vector<1x128xi32>
    %add3A_4973 = arith.addi %iota3A_802, %add3A_4972 : vector<1x128xi32>
    %and3A_4974 = arith.constant 256 : i32
    %and3A_4975 = vector.broadcast %and3A_4974 : i32 to vector<1x128xi32>
    %and3A_4976 = arith.andi %add3A_4973, %and3A_4975 : vector<1x128xi32>
    %eq3A_4977 = arith.constant 0 : i32
    %eq3A_4978 = vector.broadcast %eq3A_4977 : i32 to vector<1x128xi32>
    %eq3A_4979 = arith.cmpi eq, %and3A_4976, %eq3A_4978 : vector<1x128xi32>
    %eq3A_4980 = arith.xori %eq3A_4961, %eq3A_4979 : vector<1x128xi1>
    %eq3A_4981 = arith.constant dense<true> : vector<1x128xi1>
    %eq3A_4982 = arith.xori %eq3A_4980, %eq3A_4981 : vector<1x128xi1>
    %lt3A_4983 = arith.constant 0 : i32
    %lt3A_4984 = vector.broadcast %lt3A_4983 : i32 to vector<256x128xi32>
    %lt3A_4985 = arith.cmpi slt, %broadcast_in_dim3A_4955, %lt3A_4984 : vector<256x128xi32>
    %add3A_4986 = arith.constant 128 : i32
    %add3A_4987 = vector.broadcast %add3A_4986 : i32 to vector<256x128xi32>
    %add3A_4988 = arith.addi %broadcast_in_dim3A_4955, %add3A_4987 : vector<256x128xi32>
    %select_n3A_4989 = arith.select %lt3A_4985, %add3A_4988, %broadcast_in_dim3A_4955 : vector<256x128xi1>, vector<256x128xi32>
    %reshape3A_4990 = vector.shape_cast %select_n3A_4989 : vector<256x128xi32> to vector<256x128x1xi32>
    %gather3A_4991 = vector.shape_cast %reshape3A_4990 : vector<256x128x1xi32> to vector<256x128xi32>
    %gather3A_4992 = tpu.dynamic_gather %select_n3A_4945[%gather3A_4991] in [1] : vector<256x128xf32>, vector<256x128xi32> -> vector<256x128xf32>
    %lt3A_4993 = arith.constant 0 : i32
    %lt3A_4994 = vector.broadcast %lt3A_4993 : i32 to vector<256x128xi32>
    %lt3A_4995 = arith.cmpi slt, %broadcast_in_dim3A_4955, %lt3A_4994 : vector<256x128xi32>
    %add3A_4996 = arith.constant 128 : i32
    %add3A_4997 = vector.broadcast %add3A_4996 : i32 to vector<256x128xi32>
    %add3A_4998 = arith.addi %broadcast_in_dim3A_4955, %add3A_4997 : vector<256x128xi32>
    %select_n3A_4999 = arith.select %lt3A_4995, %add3A_4998, %broadcast_in_dim3A_4955 : vector<256x128xi1>, vector<256x128xi32>
    %reshape3A_5000 = vector.shape_cast %select_n3A_4999 : vector<256x128xi32> to vector<256x128x1xi32>
    %gather3A_5001 = vector.shape_cast %reshape3A_5000 : vector<256x128x1xi32> to vector<256x128xi32>
    %gather3A_5002 = tpu.dynamic_gather %select_n3A_4950[%gather3A_5001] in [1] : vector<256x128xf32>, vector<256x128xi32> -> vector<256x128xf32>
    %min3A_5003 = arith.minimumf %select_n3A_4945, %gather3A_4992 : vector<256x128xf32>
    %max3A_5004 = arith.maximumf %select_n3A_4945, %gather3A_4992 : vector<256x128xf32>
    %broadcast_in_dim3A_5005 = vector.shape_cast %eq3A_4970 : vector<1x128xi1> to vector<1x128xi1>
    %broadcast_in_dim3A_5006 = vector.broadcast %broadcast_in_dim3A_5005 : vector<1x128xi1> to vector<256x128xi1>
    %select_n3A_5007 = arith.select %broadcast_in_dim3A_5006, %min3A_5003, %max3A_5004 : vector<256x128xi1>, vector<256x128xf32>
    %min3A_5008 = arith.minimumf %select_n3A_4950, %gather3A_5002 : vector<256x128xf32>
    %max3A_5009 = arith.maximumf %select_n3A_4950, %gather3A_5002 : vector<256x128xf32>
    %broadcast_in_dim3A_5010 = vector.shape_cast %eq3A_4982 : vector<1x128xi1> to vector<1x128xi1>
    %broadcast_in_dim3A_5011 = vector.broadcast %broadcast_in_dim3A_5010 : vector<1x128xi1> to vector<256x128xi1>
    %select_n3A_5012 = arith.select %broadcast_in_dim3A_5011, %min3A_5008, %max3A_5009 : vector<256x128xi1>, vector<256x128xf32>
    %xor3A_5013 = arith.constant 2 : i32
    %xor3A_5014 = vector.broadcast %xor3A_5013 : i32 to vector<1x128xi32>
    %xor3A_5015 = arith.xori %iota3A_802, %xor3A_5014 : vector<1x128xi32>
    %broadcast_in_dim3A_5016 = vector.shape_cast %xor3A_5015 : vector<1x128xi32> to vector<1x128xi32>
    %broadcast_in_dim3A_5017 = vector.broadcast %broadcast_in_dim3A_5016 : vector<1x128xi32> to vector<256x128xi32>
    %and3A_5018 = arith.constant 2 : i32
    %and3A_5019 = vector.broadcast %and3A_5018 : i32 to vector<1x128xi32>
    %and3A_5020 = arith.andi %iota3A_802, %and3A_5019 : vector<1x128xi32>
    %eq3A_5021 = arith.constant 0 : i32
    %eq3A_5022 = vector.broadcast %eq3A_5021 : i32 to vector<1x128xi32>
    %eq3A_5023 = arith.cmpi eq, %and3A_5020, %eq3A_5022 : vector<1x128xi32>
    %and3A_5024 = arith.constant 256 : i32
    %and3A_5025 = vector.broadcast %and3A_5024 : i32 to vector<1x128xi32>
    %and3A_5026 = arith.andi %iota3A_802, %and3A_5025 : vector<1x128xi32>
    %eq3A_5027 = arith.constant 0 : i32
    %eq3A_5028 = vector.broadcast %eq3A_5027 : i32 to vector<1x128xi32>
    %eq3A_5029 = arith.cmpi eq, %and3A_5026, %eq3A_5028 : vector<1x128xi32>
    %eq3A_5030 = arith.xori %eq3A_5023, %eq3A_5029 : vector<1x128xi1>
    %eq3A_5031 = arith.constant dense<true> : vector<1x128xi1>
    %eq3A_5032 = arith.xori %eq3A_5030, %eq3A_5031 : vector<1x128xi1>
    %add3A_5033 = arith.constant 128 : i32
    %add3A_5034 = vector.broadcast %add3A_5033 : i32 to vector<1x128xi32>
    %add3A_5035 = arith.addi %iota3A_802, %add3A_5034 : vector<1x128xi32>
    %and3A_5036 = arith.constant 256 : i32
    %and3A_5037 = vector.broadcast %and3A_5036 : i32 to vector<1x128xi32>
    %and3A_5038 = arith.andi %add3A_5035, %and3A_5037 : vector<1x128xi32>
    %eq3A_5039 = arith.constant 0 : i32
    %eq3A_5040 = vector.broadcast %eq3A_5039 : i32 to vector<1x128xi32>
    %eq3A_5041 = arith.cmpi eq, %and3A_5038, %eq3A_5040 : vector<1x128xi32>
    %eq3A_5042 = arith.xori %eq3A_5023, %eq3A_5041 : vector<1x128xi1>
    %eq3A_5043 = arith.constant dense<true> : vector<1x128xi1>
    %eq3A_5044 = arith.xori %eq3A_5042, %eq3A_5043 : vector<1x128xi1>
    %lt3A_5045 = arith.constant 0 : i32
    %lt3A_5046 = vector.broadcast %lt3A_5045 : i32 to vector<256x128xi32>
    %lt3A_5047 = arith.cmpi slt, %broadcast_in_dim3A_5017, %lt3A_5046 : vector<256x128xi32>
    %add3A_5048 = arith.constant 128 : i32
    %add3A_5049 = vector.broadcast %add3A_5048 : i32 to vector<256x128xi32>
    %add3A_5050 = arith.addi %broadcast_in_dim3A_5017, %add3A_5049 : vector<256x128xi32>
    %select_n3A_5051 = arith.select %lt3A_5047, %add3A_5050, %broadcast_in_dim3A_5017 : vector<256x128xi1>, vector<256x128xi32>
    %reshape3A_5052 = vector.shape_cast %select_n3A_5051 : vector<256x128xi32> to vector<256x128x1xi32>
    %gather3A_5053 = vector.shape_cast %reshape3A_5052 : vector<256x128x1xi32> to vector<256x128xi32>
    %gather3A_5054 = tpu.dynamic_gather %select_n3A_5007[%gather3A_5053] in [1] : vector<256x128xf32>, vector<256x128xi32> -> vector<256x128xf32>
    %lt3A_5055 = arith.constant 0 : i32
    %lt3A_5056 = vector.broadcast %lt3A_5055 : i32 to vector<256x128xi32>
    %lt3A_5057 = arith.cmpi slt, %broadcast_in_dim3A_5017, %lt3A_5056 : vector<256x128xi32>
    %add3A_5058 = arith.constant 128 : i32
    %add3A_5059 = vector.broadcast %add3A_5058 : i32 to vector<256x128xi32>
    %add3A_5060 = arith.addi %broadcast_in_dim3A_5017, %add3A_5059 : vector<256x128xi32>
    %select_n3A_5061 = arith.select %lt3A_5057, %add3A_5060, %broadcast_in_dim3A_5017 : vector<256x128xi1>, vector<256x128xi32>
    %reshape3A_5062 = vector.shape_cast %select_n3A_5061 : vector<256x128xi32> to vector<256x128x1xi32>
    %gather3A_5063 = vector.shape_cast %reshape3A_5062 : vector<256x128x1xi32> to vector<256x128xi32>
    %gather3A_5064 = tpu.dynamic_gather %select_n3A_5012[%gather3A_5063] in [1] : vector<256x128xf32>, vector<256x128xi32> -> vector<256x128xf32>
    %min3A_5065 = arith.minimumf %select_n3A_5007, %gather3A_5054 : vector<256x128xf32>
    %max3A_5066 = arith.maximumf %select_n3A_5007, %gather3A_5054 : vector<256x128xf32>
    %broadcast_in_dim3A_5067 = vector.shape_cast %eq3A_5032 : vector<1x128xi1> to vector<1x128xi1>
    %broadcast_in_dim3A_5068 = vector.broadcast %broadcast_in_dim3A_5067 : vector<1x128xi1> to vector<256x128xi1>
    %select_n3A_5069 = arith.select %broadcast_in_dim3A_5068, %min3A_5065, %max3A_5066 : vector<256x128xi1>, vector<256x128xf32>
    %min3A_5070 = arith.minimumf %select_n3A_5012, %gather3A_5064 : vector<256x128xf32>
    %max3A_5071 = arith.maximumf %select_n3A_5012, %gather3A_5064 : vector<256x128xf32>
    %broadcast_in_dim3A_5072 = vector.shape_cast %eq3A_5044 : vector<1x128xi1> to vector<1x128xi1>
    %broadcast_in_dim3A_5073 = vector.broadcast %broadcast_in_dim3A_5072 : vector<1x128xi1> to vector<256x128xi1>
    %select_n3A_5074 = arith.select %broadcast_in_dim3A_5073, %min3A_5070, %max3A_5071 : vector<256x128xi1>, vector<256x128xf32>
    %xor3A_5075 = arith.constant 1 : i32
    %xor3A_5076 = vector.broadcast %xor3A_5075 : i32 to vector<1x128xi32>
    %xor3A_5077 = arith.xori %iota3A_802, %xor3A_5076 : vector<1x128xi32>
    %broadcast_in_dim3A_5078 = vector.shape_cast %xor3A_5077 : vector<1x128xi32> to vector<1x128xi32>
    %broadcast_in_dim3A_5079 = vector.broadcast %broadcast_in_dim3A_5078 : vector<1x128xi32> to vector<256x128xi32>
    %and3A_5080 = arith.constant 1 : i32
    %and3A_5081 = vector.broadcast %and3A_5080 : i32 to vector<1x128xi32>
    %and3A_5082 = arith.andi %iota3A_802, %and3A_5081 : vector<1x128xi32>
    %eq3A_5083 = arith.constant 0 : i32
    %eq3A_5084 = vector.broadcast %eq3A_5083 : i32 to vector<1x128xi32>
    %eq3A_5085 = arith.cmpi eq, %and3A_5082, %eq3A_5084 : vector<1x128xi32>
    %and3A_5086 = arith.constant 256 : i32
    %and3A_5087 = vector.broadcast %and3A_5086 : i32 to vector<1x128xi32>
    %and3A_5088 = arith.andi %iota3A_802, %and3A_5087 : vector<1x128xi32>
    %eq3A_5089 = arith.constant 0 : i32
    %eq3A_5090 = vector.broadcast %eq3A_5089 : i32 to vector<1x128xi32>
    %eq3A_5091 = arith.cmpi eq, %and3A_5088, %eq3A_5090 : vector<1x128xi32>
    %eq3A_5092 = arith.xori %eq3A_5085, %eq3A_5091 : vector<1x128xi1>
    %eq3A_5093 = arith.constant dense<true> : vector<1x128xi1>
    %eq3A_5094 = arith.xori %eq3A_5092, %eq3A_5093 : vector<1x128xi1>
    %add3A_5095 = arith.constant 128 : i32
    %add3A_5096 = vector.broadcast %add3A_5095 : i32 to vector<1x128xi32>
    %add3A_5097 = arith.addi %iota3A_802, %add3A_5096 : vector<1x128xi32>
    %and3A_5098 = arith.constant 256 : i32
    %and3A_5099 = vector.broadcast %and3A_5098 : i32 to vector<1x128xi32>
    %and3A_5100 = arith.andi %add3A_5097, %and3A_5099 : vector<1x128xi32>
    %eq3A_5101 = arith.constant 0 : i32
    %eq3A_5102 = vector.broadcast %eq3A_5101 : i32 to vector<1x128xi32>
    %eq3A_5103 = arith.cmpi eq, %and3A_5100, %eq3A_5102 : vector<1x128xi32>
    %eq3A_5104 = arith.xori %eq3A_5085, %eq3A_5103 : vector<1x128xi1>
    %eq3A_5105 = arith.constant dense<true> : vector<1x128xi1>
    %eq3A_5106 = arith.xori %eq3A_5104, %eq3A_5105 : vector<1x128xi1>
    %lt3A_5107 = arith.constant 0 : i32
    %lt3A_5108 = vector.broadcast %lt3A_5107 : i32 to vector<256x128xi32>
    %lt3A_5109 = arith.cmpi slt, %broadcast_in_dim3A_5079, %lt3A_5108 : vector<256x128xi32>
    %add3A_5110 = arith.constant 128 : i32
    %add3A_5111 = vector.broadcast %add3A_5110 : i32 to vector<256x128xi32>
    %add3A_5112 = arith.addi %broadcast_in_dim3A_5079, %add3A_5111 : vector<256x128xi32>
    %select_n3A_5113 = arith.select %lt3A_5109, %add3A_5112, %broadcast_in_dim3A_5079 : vector<256x128xi1>, vector<256x128xi32>
    %reshape3A_5114 = vector.shape_cast %select_n3A_5113 : vector<256x128xi32> to vector<256x128x1xi32>
    %gather3A_5115 = vector.shape_cast %reshape3A_5114 : vector<256x128x1xi32> to vector<256x128xi32>
    %gather3A_5116 = tpu.dynamic_gather %select_n3A_5069[%gather3A_5115] in [1] : vector<256x128xf32>, vector<256x128xi32> -> vector<256x128xf32>
    %lt3A_5117 = arith.constant 0 : i32
    %lt3A_5118 = vector.broadcast %lt3A_5117 : i32 to vector<256x128xi32>
    %lt3A_5119 = arith.cmpi slt, %broadcast_in_dim3A_5079, %lt3A_5118 : vector<256x128xi32>
    %add3A_5120 = arith.constant 128 : i32
    %add3A_5121 = vector.broadcast %add3A_5120 : i32 to vector<256x128xi32>
    %add3A_5122 = arith.addi %broadcast_in_dim3A_5079, %add3A_5121 : vector<256x128xi32>
    %select_n3A_5123 = arith.select %lt3A_5119, %add3A_5122, %broadcast_in_dim3A_5079 : vector<256x128xi1>, vector<256x128xi32>
    %reshape3A_5124 = vector.shape_cast %select_n3A_5123 : vector<256x128xi32> to vector<256x128x1xi32>
    %gather3A_5125 = vector.shape_cast %reshape3A_5124 : vector<256x128x1xi32> to vector<256x128xi32>
    %gather3A_5126 = tpu.dynamic_gather %select_n3A_5074[%gather3A_5125] in [1] : vector<256x128xf32>, vector<256x128xi32> -> vector<256x128xf32>
    %min3A_5127 = arith.minimumf %select_n3A_5069, %gather3A_5116 : vector<256x128xf32>
    %max3A_5128 = arith.maximumf %select_n3A_5069, %gather3A_5116 : vector<256x128xf32>
    %broadcast_in_dim3A_5129 = vector.shape_cast %eq3A_5094 : vector<1x128xi1> to vector<1x128xi1>
    %broadcast_in_dim3A_5130 = vector.broadcast %broadcast_in_dim3A_5129 : vector<1x128xi1> to vector<256x128xi1>
    %select_n3A_5131 = arith.select %broadcast_in_dim3A_5130, %min3A_5127, %max3A_5128 : vector<256x128xi1>, vector<256x128xf32>
    %min3A_5132 = arith.minimumf %select_n3A_5074, %gather3A_5126 : vector<256x128xf32>
    %max3A_5133 = arith.maximumf %select_n3A_5074, %gather3A_5126 : vector<256x128xf32>
    %broadcast_in_dim3A_5134 = vector.shape_cast %eq3A_5106 : vector<1x128xi1> to vector<1x128xi1>
    %broadcast_in_dim3A_5135 = vector.broadcast %broadcast_in_dim3A_5134 : vector<1x128xi1> to vector<256x128xi1>
    %select_n3A_5136 = arith.select %broadcast_in_dim3A_5135, %min3A_5132, %max3A_5133 : vector<256x128xi1>, vector<256x128xf32>
    %slice3A_5137 = vector.extract_strided_slice %select_n3A_5136 {offsets = [0, 0], sizes = [256, 64], strides = [1, 1]} : vector<256x128xf32> to vector<256x64xf32>
    %concatenate3A_5138 = tpu.concatenate %select_n3A_5131, %slice3A_5137 in 1 : vector<256x128xf32>, vector<256x64xf32> -> vector<256x192xf32>
    %swap3A_5139 = arith.constant 256 : index
    %swap3A_5140 = arith.constant 0 : index
    %swap3A_5141 = vector.load %arg11[%swap3A_5139, %swap3A_5140] : memref<512x192xf32, #tpu.memory_space<vmem>>, vector<256x192xf32>
    tpu.vector_store %arg11[%swap3A_5139, %swap3A_5140], %concatenate3A_5138 {strides = array<i32>} : memref<512x192xf32, #tpu.memory_space<vmem>>, vector<256x192xf32>,
    %get3A_5142 = arith.constant 0 : index
    %get3A_5143 = arith.constant 0 : index
    %get3A_5144 = vector.load %arg8[%get3A_5142, %get3A_5143] : memref<192x576xf32, #tpu.memory_space<vmem>>, vector<192x576xf32>
    %convert_element_type3A_5145 = arith.truncf %get3A_5144 : vector<192x576xf32> to vector<192x576xbf16>
    %get3A_5146 = arith.constant 0 : index
    %get3A_5147 = arith.constant 0 : index
    %get3A_5148 = vector.load %arg9[%get3A_5146, %get3A_5147] : memref<3x576xf32, #tpu.memory_space<vmem>>, vector<3x576xf32>
    %convert_element_type3A_5149 = arith.truncf %get3A_5148 : vector<3x576xf32> to vector<3x576xbf16>
    %convert_element_type3A_5150 = arith.truncf %concatenate3A_5138 : vector<256x192xf32> to vector<256x192xbf16>
    %convert_element_type3A_5151 = arith.extf %convert_element_type3A_5150 : vector<256x192xbf16> to vector<256x192xf32>
    %sub3A_5152 = arith.subf %concatenate3A_5138, %convert_element_type3A_5151 : vector<256x192xf32>
    %convert_element_type3A_5153 = arith.truncf %sub3A_5152 : vector<256x192xf32> to vector<256x192xbf16>
    %dot_general3A_5154 = arith.constant dense<0.000000e+00> : vector<256x576xf32>
    %dot_general3A_5155 = tpu.matmul %convert_element_type3A_5150, %convert_element_type3A_5145, %dot_general3A_5154 {dimension_numbers = #tpu.dot_dimension_numbers<[1], [0], [0], [1], [0, 0, 1, 1], [], []>, transpose_lhs_hint = false} : vector<256x192xbf16>, vector<192x576xbf16>, vector<256x576xf32> -> vector<256x576xf32>
    %dot_general3A_5156 = arith.constant dense<0.000000e+00> : vector<256x576xf32>
    %dot_general3A_5157 = tpu.matmul %convert_element_type3A_5153, %convert_element_type3A_5145, %dot_general3A_5156 {dimension_numbers = #tpu.dot_dimension_numbers<[1], [0], [0], [1], [0, 0, 1, 1], [], []>, transpose_lhs_hint = false} : vector<256x192xbf16>, vector<192x576xbf16>, vector<256x576xf32> -> vector<256x576xf32>
    %add3A_5158 = arith.addf %dot_general3A_5155, %dot_general3A_5157 : vector<256x576xf32>
    %get3A_5159 = arith.constant 256 : index
    %get3A_5160 = arith.constant 0 : index
    %get3A_5161 = vector.load %arg1[%get3A_5159, %get3A_5160] : memref<512x3xf32, #tpu.memory_space<vmem>>, vector<256x3xf32>
    %convert_element_type3A_5162 = arith.truncf %get3A_5161 : vector<256x3xf32> to vector<256x3xbf16>
    %convert_element_type3A_5163 = arith.extf %convert_element_type3A_5162 : vector<256x3xbf16> to vector<256x3xf32>
    %sub3A_5164 = arith.subf %get3A_5161, %convert_element_type3A_5163 : vector<256x3xf32>
    %convert_element_type3A_5165 = arith.truncf %sub3A_5164 : vector<256x3xf32> to vector<256x3xbf16>
    %dot_general3A_5166 = arith.constant dense<0.000000e+00> : vector<256x576xf32>
    %dot_general3A_5167 = tpu.matmul %convert_element_type3A_5162, %convert_element_type3A_5149, %dot_general3A_5166 {dimension_numbers = #tpu.dot_dimension_numbers<[1], [0], [0], [1], [0, 0, 1, 1], [], []>, transpose_lhs_hint = false} : vector<256x3xbf16>, vector<3x576xbf16>, vector<256x576xf32> -> vector<256x576xf32>
    %dot_general3A_5168 = arith.constant dense<0.000000e+00> : vector<256x576xf32>
    %dot_general3A_5169 = tpu.matmul %convert_element_type3A_5165, %convert_element_type3A_5149, %dot_general3A_5168 {dimension_numbers = #tpu.dot_dimension_numbers<[1], [0], [0], [1], [0, 0, 1, 1], [], []>, transpose_lhs_hint = false} : vector<256x3xbf16>, vector<3x576xbf16>, vector<256x576xf32> -> vector<256x576xf32>
    %add3A_5170 = arith.addf %dot_general3A_5167, %dot_general3A_5169 : vector<256x576xf32>
    %get3A_5171 = arith.constant 256 : index
    %get3A_5172 = arith.constant 0 : index
    %get3A_5173 = vector.load %arg2[%get3A_5171, %get3A_5172] : memref<512x3xf32, #tpu.memory_space<vmem>>, vector<256x3xf32>
    %convert_element_type3A_5174 = arith.truncf %get3A_5173 : vector<256x3xf32> to vector<256x3xbf16>
    %convert_element_type3A_5175 = arith.extf %convert_element_type3A_5174 : vector<256x3xbf16> to vector<256x3xf32>
    %sub3A_5176 = arith.subf %get3A_5173, %convert_element_type3A_5175 : vector<256x3xf32>
    %convert_element_type3A_5177 = arith.truncf %sub3A_5176 : vector<256x3xf32> to vector<256x3xbf16>
    %dot_general3A_5178 = arith.constant dense<0.000000e+00> : vector<256x576xf32>
    %dot_general3A_5179 = tpu.matmul %convert_element_type3A_5174, %convert_element_type3A_5149, %dot_general3A_5178 {dimension_numbers = #tpu.dot_dimension_numbers<[1], [0], [0], [1], [0, 0, 1, 1], [], []>, transpose_lhs_hint = false} : vector<256x3xbf16>, vector<3x576xbf16>, vector<256x576xf32> -> vector<256x576xf32>
    %dot_general3A_5180 = arith.constant dense<0.000000e+00> : vector<256x576xf32>
    %dot_general3A_5181 = tpu.matmul %convert_element_type3A_5177, %convert_element_type3A_5149, %dot_general3A_5180 {dimension_numbers = #tpu.dot_dimension_numbers<[1], [0], [0], [1], [0, 0, 1, 1], [], []>, transpose_lhs_hint = false} : vector<256x3xbf16>, vector<3x576xbf16>, vector<256x576xf32> -> vector<256x576xf32>
    %add3A_5182 = arith.addf %dot_general3A_5179, %dot_general3A_5181 : vector<256x576xf32>
    %mul3A_5183 = arith.mulf %add3A_5182, %add3A_5158 : vector<256x576xf32>
    %add3A_5184 = arith.addf %add3A_5170, %mul3A_5183 : vector<256x576xf32>
    %swap3A_5185 = arith.constant 256 : index
    %swap3A_5186 = arith.constant 0 : index
    %swap3A_5187 = vector.load %arg10[%swap3A_5185, %swap3A_5186] : memref<512x576xf32, #tpu.memory_space<vmem>>, vector<256x576xf32>
    tpu.vector_store %arg10[%swap3A_5185, %swap3A_5186], %add3A_5184 {strides = array<i32>} : memref<512x576xf32, #tpu.memory_space<vmem>>, vector<256x576xf32>,
    return
  }
  func.func @transform_0(%arg0: i32) -> (i32, i32) {
    %c0_i32 = arith.constant 0 : i32
    %c0_i32_0 = arith.constant 0 : i32
    return %arg0, %c0_i32 : i32, i32
  }
  func.func @transform_1(%arg0: i32) -> (i32, i32) {
    %c0_i32 = arith.constant 0 : i32
    %c0_i32_0 = arith.constant 0 : i32
    return %arg0, %c0_i32 : i32, i32
  }
  func.func @transform_2(%arg0: i32) -> (i32, i32) {
    %c0_i32 = arith.constant 0 : i32
    %c0_i32_0 = arith.constant 0 : i32
    return %arg0, %c0_i32 : i32, i32
  }
  func.func @transform_3(%arg0: i32) -> (i32, i32) {
    %c0_i32 = arith.constant 0 : i32
    %c0_i32_0 = arith.constant 0 : i32
    return %c0_i32, %arg0 : i32, i32
  }
  func.func @transform_4(%arg0: i32) -> (i32, i32) {
    %c0_i32 = arith.constant 0 : i32
    %c0_i32_0 = arith.constant 0 : i32
    return %c0_i32, %arg0 : i32, i32
  }
  func.func @transform_5(%arg0: i32) -> (i32, i32) {
    %c0_i32 = arith.constant 0 : i32
    %c0_i32_0 = arith.constant 0 : i32
    %c0_i32_1 = arith.constant 0 : i32
    return %c0_i32, %c0_i32_0 : i32, i32
  }
  func.func @transform_6(%arg0: i32) -> (i32, i32) {
    %c0_i32 = arith.constant 0 : i32
    %c0_i32_0 = arith.constant 0 : i32
    %c0_i32_1 = arith.constant 0 : i32
    return %c0_i32, %c0_i32_0 : i32, i32
  }
  func.func @transform_7(%arg0: i32) -> (i32, i32) {
    %c0_i32 = arith.constant 0 : i32
    %c0_i32_0 = arith.constant 0 : i32
    %c0_i32_1 = arith.constant 0 : i32
    return %c0_i32, %c0_i32_0 : i32, i32
  }
  func.func @transform_8(%arg0: i32) -> (i32, i32) {
    %c0_i32 = arith.constant 0 : i32
    %c0_i32_0 = arith.constant 0 : i32
    %c0_i32_1 = arith.constant 0 : i32
    return %c0_i32, %c0_i32_0 : i32, i32
  }
  func.func @transform_9(%arg0: i32) -> (i32, i32) {
    %c0_i32 = arith.constant 0 : i32
    %c0_i32_0 = arith.constant 0 : i32
    return %arg0, %c0_i32 : i32, i32
  }
  func.func @transform_10(%arg0: i32) -> (i32, i32) {
    %c0_i32 = arith.constant 0 : i32
    %c0_i32_0 = arith.constant 0 : i32
    return %arg0, %c0_i32 : i32, i32
  }
  func.func @transform_11(%arg0: i32) -> (i32, i32) {
    %c0_i32 = arith.constant 0 : i32
    %c0_i32_0 = arith.constant 0 : i32
    return %arg0, %c0_i32 : i32, i32
  }
}

</mosaic_0001>

<sc_bundles>
// kernel: sparse-core-data-format-call.cloned.1.call-start
scs
called_computation_lowered:
.L_overlay_start_0:
0x0: {  	s2 =	sld [smem:$0x3FD9]  }
0x1: {  	s3 =	sld [smem:$0x3FFE];
	_ =	sdelay $0x1  }
0x2: {  	s1 =	srdreg.scid  }
0x3: {  	s0 =	sand.u32 $0x1, s1  }
0x4: {  	s15 =	sshll.u32 s0, $0xA;
	s2 =	sadd.s32 s3, s2  }
0x5: {  	s2 =	sadd.s32 s2, s15  }
0x6: {  	[smem:$0x3FC4] =	sst s2  }
0x7: {  	_ = 	snop  }
0x8: {  	s2 =	sld [smem:$0x3FD0];
	_ =	sdelay $0x2  }
0x9: {  	s16 =	simm.s32 $0xA;
	s4 =	simm.s32 $0x10  }
0xa: {  	[smem:s4], [sflag:s16] =	dma.local [hbm:s2], $0x1  }
0xb: {  	_ =	swait.eq [sflag:s16], $0x1  }
0xc: {  	[sflag:s16] =	ssyncset.done $0x0  }
0xd: {  	[sflag:s16] =	ssyncadd.s32 $0xFFFFFFFF  }
0xe: {  	s17 =	sld [smem:$0x10];
	(tm) =	ssettm $0x1  }
0xf: {  	s18 =	sld [smem:$0x3FFB];
	_ =	sdelay $0x3  }
0x10: {  	_ =	strace s18  }
0x11: {  	s3 =	sld [smem:$0x3FFC];
	_ =	sdelay $0x3  }
0x12: {  	_ =	strace s3  }
0x13: {  	s3 =	sld [smem:$0x3FFD];
	_ =	sdelay $0x3  }
0x14: {  	_ =	strace s3  }
0x15: {  	_ =	strace $0x8FFFFFFF  }
0x16: {  	s19 =	sld [smem:$0x3FDB];
	_ =	sdelay $0x1  }
0x17: {  	s20 =	simm.s32 $_scs_section_size  }
0x18: {  	s5 =	simm.s32 $_size__tile_overlayer_lowered;
	s6 =	simm.s32 $_tile_overlayer_lowered  }
0x19: {  	s23 =	simm.s32 $0x1BFF;
	s22 =	sshll.u32 s6, $0x1;
	s3 =	sadd.s32 s20, s19  }
0x1a: {  	s7 =	simm.s32 $0x0;
	s21 =	sshll.u32 s5, $0x1;
	s5 =	sadd.s32 s22, s3  }
0x1b: {  	[timem:s7], [sflag:s23] =	dma.local [hbm:s5], s21  }
0x1c: {  	_ =	swait.ge [sflag:s23], s21  }
0x1d: {  	s4 =	ssub.s32 $0x0, s21;
	[sflag:s23] =	ssyncset.done $0x0  }
0x1e: {  	[sflag:s23] =	ssyncadd.s32 s4;
	_ =	sdelay $0x1  }
0x1f: {  	s24 =	simm.s32 $0x1B8B  }
0x20: {  	_ =	swait.ge [sflag:s24], $0x1  }
0x21: {  	[sflag:s24] =	ssyncset.done $0x0  }
0x22: {  	s26 =	simm.s32 $0x1B8E;
	s25 =	sld [smem:$0x3FFE];
	[sflag:s24] =	ssyncadd.s32 $0xFFFFFFFF  }
0x23: {  	s27 =	simm.s32 $execute0_lowered;
	[smem:$0x3FD2] =	sst s26  }
0x24: {  	s5 =	sshll.u32 s27, $0x1;
	_ =	strace $0x80000046;
	[dreg:$0x1] =	wrdreg $0xFFFFFFFF  }
0x25: {  	s28 =	simm.s32 $_size_execute0_lowered;
	s3 =	sadd.s32 s3, s5;
	[dreg:$0x0] =	wrdreg $0x0  }
0x26: {  	s5 =	sshll.u32 s28, $0x1;
	[dreg:$0x2] =	wrdreg s3  }
0x27: {  	[dreg:$0x3] =	wrdreg s5  }
0x28: {  	[dreg:$0x4] =	wrdreg $0xC0  }
0x29: {  	_ =	task [dreg:s7], $0x5FFFF  }
0x2a: {  	[dreg:$0x1] =	wrdreg $0xFFFFFFFF  }
0x2b: {  	[dreg:$0x0] =	wrdreg $0x60  }
0x2c: {  	[dreg:$0x2] =	wrdreg s25  }
0x2d: {  	[dreg:$0x3] =	wrdreg s17  }
0x2e: {  	[dreg:$0x4] =	wrdreg $0x9  }
0x2f: {  	_ =	task.clear_ibuf [dreg:s7], $0x5FFFF;
	_ =	strace $0x90000046  }
0x30: {  	s29 =	simm.s32 $0x9;
	_ =	strace $0x80000048  }
0x31: {  	_ =	swait.ge [sflag:s29], $0x1  }
0x32: {  	[sflag:s29] =	ssyncadd.s32 $0xFFFFFFFF  }
0x33: {  	_ =	strace $0x90000048  }
0x34: {  	_ =	sfence  }
0x35: {  	s30 =	sld [smem:$0x0];
	_ =	sdelay $0x2  }
0x36: {  	s31 =	sshll.u32 s1, $0xD;
	s1 =	sshrl.u32 s1, $0x2  }
0x37: {  	s3 =	sand.u32 $0x4000, s31;
	s1 =	sadd.s32 s1, s30  }
0x38: {  	s0 =	sor.u32 s3, s0;
	s1 =	sshll.u32 s1, $0x11  }
0x39: {  	s0 =	sor.u32 s1, s0  }
0x3a: {  	s0 =	sadd.s32 $0x8F2B, s0  }
0x3b: {  	[sflag:s0] =	ssyncadd.remote.s32 $0x1  }
0x3c: {  	_ =	sfence.sel $0xFFFF  }
0x3d: {  	[dreg:$0x0] =	wrdreg $0xFFFFFFFF;
	(pc) =	sbr.abs _section_cstart, $3  }
0x3e: {  	[dreg:$0x1] =	wrdreg $0xFFFFFFFF  }
0x3f: {  	_ =	task.clear_ibuf [dreg:s7], $0x2FFFF;
	_ =	strace $0x9FFFFFFF  }
0x40: {  	(tm) =	ssettm $0x7FFFFFFF  }
0x41: {  	_ =	shalt  }
tec
execute0_lowered:
.L_overlay_start_1:
0x0: {  	(tag) =	ssettag $0x1  }
0x1: {  	s0 =	srdreg.scid  }
0x2: {  	s1 =	sshll.u32 s0, $0x4  }
0x3: {  	s6 =	rddreg [dreg:$0x0];
	s0 =	stileid.u32;
	s1 =	sand.u32 $0x10, s1  }
0x4: {  	s3 =	rddreg [dreg:$0x1];
	s1 =	sor.u32 s0, s1  }
0x5: {  	s5 =	simm.s32 $0x1;
	s31 =	simm.s32 $0x2;
	s2 =	sshll.u32 s1, $0x7  }
0x6: {  	s14 =	simm.s32 $0x0;
	s8 =	simm.s32 $0x80000;
	s4 =	ssub.s32 $0x10000, s2  }
0x7: {  	s9 =	simm.s32 $0x0;
	s15 =	simm.s32 $0x0;
	s30 =	sand.u32 $0xF80, s4  }
0x8: {  	s16 =	simm.s32 $0x0;
	s11 =	simm.s32 $0x0;
	p0 =	sne.s32 s30, $0x0  }
.Ltmp0:
0x9: {  	s7 =	sshrl.u32 s4, $0xC;
	s5 =	simm.s32 @!p0 $0x0;
	(pc) =	sbr.rel .LBB1_1-.Ltmp0, $4  }
0xa: {  	s12 =	simm.s32 $0x0;
	s1 =	rddreg [dreg:$0x2];
	s5 =	sadd.s32 s5, s7  }
0xb: {  	_ =	strace $0x80000047;
	s4 =	simm.s32 $0x1;
	s5 =	smul.u32 $0x9, s5  }
0xc: {  	s13 =	simm.s32 $0x0;
	s6 =	sadd.s32 $0x1E00, s6;
	[sflag:s4] =	ssyncpa.u1 $0x0  }
0xd: {  	s10 =	smov.u32 s2;
	[sflag:s31] =	ssyncpa.u1 $0x0;
	s7 =	sadd.s32 $0x1, s5  }
.LBB1_4:
0xe: {  	_ =	sdelay $0x3  }
0xf: {  	[tilespmem:v0+s19+$0xFFFFFFD0 ss:$0x1] =	vst.idx.msk $0xffff, v6  }
0x10: {  	s20 =	sshll.u32 s16, $0x10;
	v56 =	vld.idx.msk [tilespmem:v1+s18+$0x0 ss:$0x1], $0xffff;
	[tilespmem:v0+s19+$0xFFFFFFE0 ss:$0x1] =	vst.idx.msk $0xffff, v5  }
0x11: {  	s21 =	sshll.u32 s14, $0x3;
	v57 =	vld.idx.msk [tilespmem:v1+s18+$0xFFFFFF90 ss:$0x1], $0xffff;
	[tilespmem:v0+s19+$0xFFFFFFF0 ss:$0x1] =	vst.idx.msk $0xffff, v4;
	s20 =	sand.u32 $0xFFF80000, s20  }
0x12: {  	v58 =	vld.idx.msk [tilespmem:v1+s18+$0xFFFFFFA0 ss:$0x1], $0xffff;
	[tilespmem:v0+s19+$0x0 ss:$0x1] =	vst.idx.msk $0xffff, v2;
	s20 =	sadd.s32 s20, s21  }
0x13: {  	v59 =	vld.idx.msk [tilespmem:v1+s18+$0xFFFFFFB0 ss:$0x1], $0xffff;
	[tilespmem:v0+s19+$0x10 ss:$0x1] =	vst.idx.msk $0xffff, v3;
	s20 =	sshrl.u32 s20, $0x10  }
0x14: {  	v60 =	vld.idx.msk [tilespmem:v1+s18+$0xFFFFFFC0 ss:$0x1], $0xffff;
	[tilespmem:v0+s19+$0x20 ss:$0x1] =	vst.idx.msk $0xffff, v7;
	s22 =	smul.u32 $0xAAAB, s20  }
0x15: {  	v61 =	vld.idx.msk [tilespmem:v1+s18+$0xFFFFFFD0 ss:$0x1], $0xffff;
	[tilespmem:v0+s18+$0x30 ss:$0x1] =	vst.idx.msk $0xffff, v56  }
0x16: {  	s27 =	sshll.u32 s16, $0x7;
	v62 =	vld.idx.msk [tilespmem:v1+s18+$0xFFFFFFE0 ss:$0x1], $0xffff;
	[tilespmem:v0+s18+$0xFFFFFFC0 ss:$0x1] =	vst.idx.msk $0xffff, v57;
	s28 =	sshrl.u32 s22, $0x17  }
0x17: {  	s29 =	sand.u32 $0x78, s14;
	v63 =	vld.idx.msk [tilespmem:v1+s18+$0xFFFFFFF0 ss:$0x1], $0xffff;
	s16 =	sand.u32 $0x380, s27;
	[tilespmem:v0+s18+$0xFFFFFFD0 ss:$0x1] =	vst.idx.msk $0xffff, v58;
	s19 =	smul.u32 $0xC0, s28  }
0x18: {  	s15 =	smul.u32 $0x180000, s15;
	s30 =	sand.u32 $0xFC00, s21;
	s16 =	sor.u32 s16, s29;
	[tilespmem:v0+s18+$0xFFFFFFE0 ss:$0x1] =	vst.idx.msk $0xffff, v59  }
0x19: {  	s31 =	sand.u32 $0x7, s14;
	s16 =	sor.u32 s30, s16;
	[tilespmem:v0+s18+$0xFFFFFFF0 ss:$0x1] =	vst.idx.msk $0xffff, v60;
	s19 =	ssub.s32 s20, s19  }
0x1a: {  	s15 =	sadd.s32 s3, s15;
	s16 =	sshrl.u32 s16, $0x3;
	[tilespmem:v0+s18+$0x0 ss:$0x1] =	vst.idx.msk $0xffff, v61;
	s19 =	sand.u32 $0xFFFF, s19  }
0x1b: {  	s14 =	sshll.u32 s31, $0x12;
	[tilespmem:v0+s18+$0x10 ss:$0x1] =	vst.idx.msk $0xffff, v62;
	s15 =	sadd.s32 s16, s15;
	s19 =	sshll.u32 s19, $0xD  }
0x1c: {  	s14 =	sor.u32 $0x400, s14;
	[tilespmem:v0+s18+$0x20 ss:$0x1] =	vst.idx.msk $0xffff, v63;
	s15 =	sadd.s32 s19, s15  }
0x1d: {  	[hbm4b:s15+s14] =	stream.strided.scatter [tilespmem:s17], [sflag:$0x2], $0x2000, s8, s14, $0x38;
	[tilespmem:$0x8000] =	vst v63  }
.LBB1_5:
0x1e: {  	s17 =	sadd.s32 $0x1000, s10  }
0x1f: {  	s14 =	simm.s32 $0x1;
	p1 =	sgt.s32 s17, $0xFFFF  }
0x20: {  	s14 =	simm.s32 @!p1 $0x0  }
0x21: {  	s18 =	sadd.s32 s14, s11  }
0x22: {  	s20 =	smov.u32 s12;
	s14 =	sadd.s32 $0x40, s12;
	p2 =	sgt.s32 s18, $0x2  }
0x23: {  	s20 =	smov.u32 @p2 s14  }
0x24: {  	p0 =	slt.u32 s13, $0x2;
	s17 =	smov.u32 @p1 s2;
	p1 =	sgt.s32 s20, $0xBF  }
0x25: {  	s19 =	simm.s32 @!p0 $0x2;
	s20 =	simm.s32 @p1 $0x0;
	p1 =	sne.s32 s13, s7  }
.Ltmp1:
0x26: {  	_ =	swait.ge @!p0 [sflag:s19], $0x2000;
	(pc) =	sbr.rel @!p1 .LBB1_6-.Ltmp1, $4  }
0x27: {  	s15 =	smov.u32 s11;
	[sflag:s19] =	ssyncset.done @!p0 $0x0  }
0x28: {  	s16 =	smov.u32 s12;
	s9 =	sadd.s32 $0x2000, s9;
	[sflag:s19] =	ssyncadd.s32 @!p0 $0xFFFFE000  }
0x29: {  	s18 =	simm.s32 @p2 $0x0;
	s14 =	smov.u32 s10;
	s10 =	smov.u32 s17  }
0x2a: {  	s11 =	smov.u32 s18;
	s13 =	sadd.s32 $0x1, s13;
	s12 =	smov.u32 s20  }
.LBB1_1:
0x2b: {  	p0 =	sge.u32 s13, s5  }
0x2c: {  	s17 =	sshll.u32 @!p0 s11, $0x7  }
0x2d: {  	s18 =	sand.u32 @!p0 $0x78, s10;
	s19 =	sshll.u32 @!p0 s10, $0x2;
	s17 =	sand.u32 @!p0 $0x180, s17  }
0x2e: {  	s31 =	sadd.s32 $0xFFFFFFFF, s13;
	s19 =	sand.u32 @!p0 $0xFE00, s19;
	s17 =	sor.u32 @!p0 s17, s18  }
0x2f: {  	s18 =	sshll.u32 @!p0 s12, $0xF;
	s17 =	sor.u32 @!p0 s19, s17;
	s19 =	sshrl.u32 @!p0 s10, $0x1  }
0x30: {  	s20 =	sxor.u32 @!p0 $0xFFFFFFFF, s13;
	s18 =	sadd.s32 @!p0 s6, s18;
	s19 =	sand.u32 @!p0 $0x6000, s19  }
0x31: {  	s20 =	sshll.u32 @!p0 s20, $0xD;
	s18 =	sadd.s32 @!p0 s19, s18;
	s19 =	sand.u32 @!p0 $0x7, s10  }
0x32: {  	s20 =	sand.u32 @!p0 $0x2000, s20;
	s17 =	sshrl.u32 @!p0 s17, $0x3;
	s19 =	sshll.u32 @!p0 s19, $0x12  }
0x33: {  	s17 =	sadd.s32 @!p0 s17, s18;
	s18 =	sor.u32 @!p0 $0x80, s19;
	s19 =	simm.s32 @!p0 $0x40000  }
0x34: {  	[tilespmem:s20], [sflag:$0x1] =	stream.strided.gather @!p0 [hbm4b:s17+s18], $0x2000, s19, s18, $0x38;
	[tilespmem:$0x8000] =	vst v63  }
0x35: {  	p0 =	sge.u32 s31, s5  }
.Ltmp2:
0x36: {  	_ = 	snop;
	(pc) =	sbr.rel @p0 .LBB1_5-.Ltmp2, $1  }
0x37: {  	_ =	sdelay $0x3  }
0x38: {  	s17 =	sand.u32 $0x2000, s9  }
0x39: {  	s18 =	sor.u32 $0x70, s17  }
0x3a: {  	v1 =	vmov s18;
	_ =	sdelay $0x1  }
0x3b: {  	_ =	swait.ge [sflag:s4], $0x2000  }
0x3c: {  	[sflag:s4] =	ssyncset.done $0x0  }
0x3d: {  	s19 =	simm.s32 $0x0;
	[sflag:s4] =	ssyncadd.s32 $0xFFFFE000  }
0x3e: {  	s17 =	sor.u32 $0x4040, s17;
	v7 =	vld.idx.msk [tilespmem:v1+s19+$0x0 ss:$0x1], $0xffff  }
0x3f: {  	v0 =	vmov s17;
	v8 =	vld.idx.msk [tilespmem:v1+s19+$0xFFFFFF90 ss:$0x1], $0xffff  }
0x40: {  	v6 =	vld.idx.msk [tilespmem:v1+s19+$0xFFFFFFA0 ss:$0x1], $0xffff  }
0x41: {  	v5 =	vld.idx.msk [tilespmem:v1+s19+$0xFFFFFFB0 ss:$0x1], $0xffff  }
0x42: {  	v4 =	vld.idx.msk [tilespmem:v1+s19+$0xFFFFFFC0 ss:$0x1], $0xffff  }
0x43: {  	s31 =	sshll.u32 s13, $0xD;
	v2 =	vld.idx.msk [tilespmem:v1+s19+$0xFFFFFFD0 ss:$0x1], $0xffff  }
0x44: {  	s17 =	sand.u32 $0x2000, s31;
	v3 =	vld.idx.msk [tilespmem:v1+s19+$0xFFFFFFE0 ss:$0x1], $0xffff;
	[tilespmem:v0+s19+$0x30 ss:$0x1] =	vst.idx.msk $0xffff, v7  }
0x45: {  	s20 =	simm.s32 $0x400;
	s18 =	simm.s32 $0x80;
	s17 =	sor.u32 $0x4000, s17;
	[tilespmem:v0+s19+$0xFFFFFFC0 ss:$0x1] =	vst.idx.msk $0xffff, v8;
	v7 =	vld.idx.msk [tilespmem:v1+s19+$0xFFFFFFF0 ss:$0x1], $0xffff  }
.LBB1_3:
0x46: {  	p0 =	sne.s32 s20, $0x7E00;
	v8 =	vld.idx.msk [tilespmem:v1+s18+$0x0 ss:$0x1], $0xffff;
	[tilespmem:v0+s19+$0xFFFFFFD0 ss:$0x1] =	vst.idx.msk $0xffff, v6  }
0x47: {  	v9 =	vld.idx.msk [tilespmem:v1+s18+$0xFFFFFF90 ss:$0x1], $0xffff;
	[tilespmem:v0+s19+$0xFFFFFFE0 ss:$0x1] =	vst.idx.msk $0xffff, v5  }
0x48: {  	v6 =	vld.idx.msk [tilespmem:v1+s18+$0xFFFFFFA0 ss:$0x1], $0xffff;
	[tilespmem:v0+s19+$0xFFFFFFF0 ss:$0x1] =	vst.idx.msk $0xffff, v4  }
.Ltmp3:
0x49: {  	v5 =	vld.idx.msk [tilespmem:v1+s18+$0xFFFFFFB0 ss:$0x1], $0xffff;
	[tilespmem:v0+s19+$0x0 ss:$0x1] =	vst.idx.msk $0xffff, v2;
	(pc) =	sbr.rel @p0 .LBB1_3-.Ltmp3, $4  }
0x4a: {  	v4 =	vld.idx.msk [tilespmem:v1+s18+$0xFFFFFFC0 ss:$0x1], $0xffff;
	[tilespmem:v0+s19+$0x10 ss:$0x1] =	vst.idx.msk $0xffff, v3  }
0x4b: {  	v2 =	vld.idx.msk [tilespmem:v1+s18+$0xFFFFFFD0 ss:$0x1], $0xffff;
	[tilespmem:v0+s19+$0x20 ss:$0x1] =	vst.idx.msk $0xffff, v7;
	s19 =	smov.u32 s18  }
0x4c: {  	v3 =	vld.idx.msk [tilespmem:v1+s19+$0xFFFFFFE0 ss:$0x1], $0xffff;
	[tilespmem:v0+s19+$0x30 ss:$0x1] =	vst.idx.msk $0xffff, v8  }
0x4d: {  	s18 =	sshra.s32 s20, $0x2;
	s20 =	sadd.s32 $0x200, s20;
	[tilespmem:v0+s19+$0xFFFFFFC0 ss:$0x1] =	vst.idx.msk $0xffff, v9;
	v7 =	vld.idx.msk [tilespmem:v1+s19+$0xFFFFFFF0 ss:$0x1], $0xffff  }
.Ltmp4:
0x4e: {  	_ = 	snop;
	(pc) =	sbr.rel .LBB1_4-.Ltmp4, $1  }
0x4f: {  	_ =	sdelay $0x3  }
.LBB1_6:
0x50: {  	_ =	sfence.sel $0x180000  }
0x51: {  	s2 =	simm.s32 $0x1;
	[bflag:$0x0] =	sbarrier.arrive $0xFFFF  }
0x52: {  	s31 =	simm.s32 $0x2;
	[sflag:s2] =	ssyncpa.u1 $0x1  }
0x53: {  	[sflag:s31] =	ssyncpa.u1 $0x1  }
0x54: {  	p0 =	sne.s32 s0, $0x0;
	_ =	strace $0x90000047  }
0x55: {  	s0 =	sadd.s32 @!p0 $0x100000, s1;
	[bflag:$0x2] =	sbarrier.arrive $0xFFFF  }
0x56: {  	[sflag:s0] =	ssyncadd.tile.s32 @!p0 $0x1;
	_ =	shalt  }
.Lfunc_end1:
_tile_overlayer_lowered:
.L_overlay_start_2:
0x57: {  	(tag) =	ssettag $0x2  }
0x58: {  	s0 =	rddreg [dreg:$0x0];
	s2 =	stileid.u32  }
0x59: {  	s1 =	rddreg [dreg:$0x1];
	p0 =	sne.s32 s2, $0x0  }
0x5a: {  	s3 =	rddreg [dreg:$0x2];
	[bflag:$0x3] =	sbarrier.arrive $0xFFFF;
	s2 =	simm.s32 @!p0 $0x1C01  }
0x5b: {  	[timem:s3], [sflag:s2] =	dma.local @!p0 [hbm:s0], s1  }
0x5c: {  	s0 =	simm.s32 @!p0 $0x1  }
0x5d: {  	_ =	swait.ge @!p0 [sflag:s0], s1  }
0x5e: {  	s1 =	ssub.s32 @!p0 $0x0, s1;
	[sflag:s0] =	ssyncset.done @!p0 $0x0  }
0x5f: {  	[sflag:s0] =	ssyncadd.s32 @!p0 s1  }
0x60: {  	[bflag:$0x3] =	sbarrier.arrive $0xFFFF  }
0x61: {  	_ =	shalt  }

</sc_bundles>
